<compile_context>
chip_gen: v7x
topology: tpu7x:2x2x1
jax: 0.10.2.dev20260603
libtpu: 0.0.44.dev20260713+nightly
codegen_flags: <defaults>
</compile_context>

<pallas_src>
import functools

import jax
import jax.numpy as jnp
from jax import lax
from jax.experimental import pallas as pl
from jax.experimental.pallas import tpu as pltpu
from jax.experimental.pallas import tpu_sc as plsc

N_ENT = 50000
NUM_POS_REL = 8
BODY_LEN = 3
B = 64
E = 200000
THR = 1e-20

L = 16
NW = 32
C1 = 10000
C2 = 4000
ATTP = 64

_mesh = plsc.VectorSubcoreMesh(core_axis_name="c", subcore_axis_name="s")


def _wid():
    return lax.axis_index("s") * 2 + lax.axis_index("c")


@functools.partial(
    pl.kernel,
    out_type=(
        jax.ShapeDtypeStruct((NUM_POS_REL * E,), jnp.int32),
        jax.ShapeDtypeStruct((NUM_POS_REL * E,), jnp.float32),
    ),
    mesh=_mesh,
    compiler_params=pltpu.CompilerParams(needs_layout_passes=False),
    scratch_types=[
        pltpu.VMEM((B,), jnp.int32),
        pltpu.VMEM((B,), jnp.int32),
        pltpu.VMEM((B,), jnp.int32),
        pltpu.VMEM((B + 2 * L,), jnp.int32),
        pltpu.VMEM((C1,), jnp.int32),
        pltpu.VMEM((C1,), jnp.int32),
        pltpu.VMEM((C1,), jnp.float32),
        pltpu.VMEM((C1,), jnp.int32),
        pltpu.VMEM((C1,), jnp.float32),
        pltpu.VMEM((L,), jnp.int32),
    ],
)
def _mask_pack(ei_hbm, ev_hbm, qh_hbm, qr_hbm, tt_hbm, pk_out, mv_out,
               qh_v, qr_v, tt_v, keyb, srcb, dstb, valb, pkob, mvob, hitb):
    w = _wid()
    rel = w // 4
    quarter = w % 4
    epw = E // 4
    ebase = quarter * epw
    pltpu.sync_copy(qh_hbm, qh_v)
    pltpu.sync_copy(qr_hbm, qr_v)
    pltpu.sync_copy(tt_hbm, tt_v)

    for g in range((B + 2 * L) // L):
        keyb[pl.ds(g * L, L)] = jnp.full((L,), -1, jnp.int32)

    def build(g, cnt):
        qh = qh_v[pl.ds(g * L, L)]
        qr = qr_v[pl.ds(g * L, L)]
        tt = tt_v[pl.ds(g * L, L)]
        valid = qr == rel
        key = jnp.bitwise_or(qh, lax.shift_left(tt, 16))
        vi = valid.astype(jnp.int32)
        pos = cnt + lax.cumsum(vi, axis=0) - 1
        plsc.store_scatter(keyb, [pos], key, mask=valid)
        return cnt + jnp.sum(vi)

    nq = lax.fori_loop(0, B // L, build, jnp.int32(0))

    def chunk(c, _):
        off = ebase + c * C1
        pltpu.sync_copy(ei_hbm.at[pl.ds(rel * 2 * E + off, C1)], srcb)
        pltpu.sync_copy(ei_hbm.at[pl.ds(rel * 2 * E + E + off, C1)], dstb)
        pltpu.sync_copy(ev_hbm.at[pl.ds(rel * E + off, C1)], valb)

        def grp(g, _):
            sl = pl.ds(g * L, L)
            s = srcb[sl]
            d = dstb[sl]
            v = valb[sl]
            pk = jnp.bitwise_or(s, lax.shift_left(d, 16))

            hitb[...] = jnp.zeros((L,), jnp.int32)

            def keyloop(j, _):
                kj = plsc.load_gather(keyb, [jnp.full((L,), j, jnp.int32)])
                hitb[...] = hitb[...] | (pk == kj).astype(jnp.int32)
                return 0

            lax.fori_loop(0, nq, keyloop, 0)
            pkob[sl] = pk
            mvob[sl] = jnp.where(hitb[...] != 0, jnp.float32(0.0), v)
            return 0

        lax.fori_loop(0, C1 // L, grp, 0)
        pltpu.sync_copy(pkob, pk_out.at[pl.ds(rel * E + off, C1)])
        pltpu.sync_copy(mvob, mv_out.at[pl.ds(rel * E + off, C1)])
        return 0

    lax.fori_loop(0, epw // C1, chunk, 0)


@functools.partial(
    pl.kernel,
    out_type=(
        jax.ShapeDtypeStruct((B * L,), jnp.float32),
        jax.ShapeDtypeStruct((B * L,), jnp.int32),
    ),
    mesh=_mesh,
    compiler_params=pltpu.CompilerParams(needs_layout_passes=False),
    scratch_types=[
        pltpu.VMEM((N_ENT,), jnp.float32),
        pltpu.VMEM((N_ENT,), jnp.float32),
        pltpu.VMEM((C2,), jnp.int32),
        pltpu.VMEM((C2,), jnp.float32),
        pltpu.VMEM((C2,), jnp.int32),
        pltpu.VMEM((C2,), jnp.float32),
        pltpu.VMEM((B,), jnp.int32),
        pltpu.VMEM((B,), jnp.int32),
        pltpu.VMEM((ATTP,), jnp.float32),
        pltpu.VMEM((L,), jnp.float32),
        pltpu.VMEM((L,), jnp.int32),
        pltpu.VMEM((L,), jnp.float32),
        pltpu.VMEM((L,), jnp.int32),
        pltpu.VMEM((L,), jnp.int32),
        pltpu.SemaphoreType.DMA,
        pltpu.SemaphoreType.DMA,
    ],
)
def _propagate(pk_hbm, mv_hbm, qh_hbm, tt_hbm, att_hbm, pt_out, rk_out,
               mem_a, mem_b, pkA, vA, pkB, vB, qh_v, tt_v, att_v,
               st_p, st_r, svb, gtb, eqb, semA, semB):
    w = _wid()
    iota = lax.iota(jnp.int32, L)
    lane0 = iota == 0
    nz = N_ENT // L
    nch = E // C2
    ng = C2 // L
    pltpu.sync_copy(qh_hbm, qh_v)
    pltpu.sync_copy(tt_hbm, tt_v)

    def start(r, c, pkb, vb, sem):
        pltpu.async_copy(pk_hbm.at[pl.ds(r * E + c * C2, C2)], pkb, sem)
        pltpu.async_copy(mv_hbm.at[pl.ds(r * E + c * C2, C2)], vb, sem)

    def wait(pkb, vb, sem):
        pltpu.make_async_copy(pk_hbm.at[pl.ds(0, C2)], pkb, sem).wait()
        pltpu.make_async_copy(mv_hbm.at[pl.ds(0, C2)], vb, sem).wait()

    for p in range(2):
        b = w + NW * p
        pltpu.sync_copy(att_hbm.at[pl.ds(b * ATTP, ATTP)], att_v)
        bvec = jnp.full((L,), 0, jnp.int32) + b
        hb = plsc.load_gather(qh_v, [bvec])
        tb = plsc.load_gather(tt_v, [bvec])

        @plsc.parallel_loop(0, nz, unroll=8)
        def zero_a(i):
            mem_a[pl.ds(i * L, L)] = jnp.zeros((L,), jnp.float32)
        plsc.store_scatter(mem_a, [hb], jnp.ones((L,), jnp.float32), mask=lane0)

        bufs = (mem_a, mem_b)
        for step in range(BODY_LEN):
            src = bufs[step % 2]
            dst = bufs[1 - step % 2]

            @plsc.parallel_loop(0, nz, unroll=8)
            def zero_d(i):
                dst[pl.ds(i * L, L)] = jnp.zeros((L,), jnp.float32)

            def startg(g, pkb, vb, sem):
                pltpu.async_copy(pk_hbm.at[pl.ds(g * C2, C2)], pkb, sem)
                pltpu.async_copy(mv_hbm.at[pl.ds(g * C2, C2)], vb, sem)

            def process(g, pkb, vb):
                r = g // nch
                attF = plsc.load_gather(att_v, [jnp.full((L,), step * 17, jnp.int32) + r])
                attB = plsc.load_gather(att_v, [jnp.full((L,), step * 17 + 8, jnp.int32) + r])

                @plsc.parallel_loop(0, ng, unroll=8)
                def grp(q):
                    sl = pl.ds(q * L, L)
                    wv = pkb[sl]
                    vv = vb[sl]
                    sidx = jnp.bitwise_and(wv, jnp.int32(0xFFFF))
                    didx = lax.shift_right_logical(wv, 16)
                    xf = plsc.load_gather(src, [sidx])
                    plsc.addupdate_scatter(dst, [didx], xf * vv * (attF + attB))

            ncha = NUM_POS_REL * nch
            startg(0, pkA, vA, semA)

            def pair(i, _):
                startg(2 * i + 1, pkB, vB, semB)
                wait(pkA, vA, semA)
                process(2 * i, pkA, vA)

                @pl.when(i < ncha // 2 - 1)
                def _():
                    startg(2 * i + 2, pkA, vA, semA)

                wait(pkB, vB, semB)
                process(2 * i + 1, pkB, vB)
                return 0

            lax.fori_loop(0, ncha // 2, pair, 0)

            attS = plsc.load_gather(att_v, [jnp.full((L,), step * 17 + 16, jnp.int32)])

            @plsc.parallel_loop(0, nz, unroll=8)
            def selfadd(i):
                sl = pl.ds(i * L, L)
                dst[sl] = dst[sl] + src[sl] * attS

        fin = bufs[BODY_LEN % 2]
        mt = plsc.load_gather(fin, [tb])

        svb[...] = jnp.zeros((L,), jnp.float32)
        gtb[...] = jnp.zeros((L,), jnp.int32)
        eqb[...] = jnp.zeros((L,), jnp.int32)

        def red(i, _):
            m = fin[pl.ds(i * L, L)]
            idx = jnp.full((L,), 0, jnp.int32) + i * L + iota
            svb[...] = svb[...] + m
            gtb[...] = gtb[...] + (m > mt).astype(jnp.int32)
            eqb[...] = eqb[...] + ((m == mt) & (idx < tb)).astype(jnp.int32)
            return 0

        lax.fori_loop(0, nz, red, 0)
        total = jnp.sum(svb[...])
        rank = jnp.sum(gtb[...]) + jnp.sum(eqb[...])
        pv = jnp.maximum(jnp.float32(THR), mt / jnp.maximum(jnp.float32(THR), total))
        st_p[...] = pv
        st_r[...] = jnp.full((L,), 0, jnp.int32) + rank
        pltpu.sync_copy(st_p, pt_out.at[pl.ds(b * L, L)])
        pltpu.sync_copy(st_r, rk_out.at[pl.ds(b * L, L)])


def kernel(query, t, s, attention, edge_index, edge_val):
    del s
    qh = query[:, 0].astype(jnp.int32)
    qr = query[:, 1].astype(jnp.int32)
    tt = t.astype(jnp.int32)
    ei = edge_index.astype(jnp.int32).reshape(-1)
    ev = edge_val.astype(jnp.float32).reshape(-1)
    attp = jnp.zeros((B, ATTP), jnp.float32)
    attp = attp.at[:, : BODY_LEN * 17].set(
        attention.astype(jnp.float32).reshape(B, BODY_LEN * 17))
    pk, mv = _mask_pack(ei, ev, qh, qr, tt)
    pt, rk = _propagate(pk, mv, qh, tt, attp.reshape(-1))
    p = pt.reshape(B, L)[:, 0]
    ranks = rk.reshape(B, L)[:, 0]
    batch_loss = jnp.mean(-jnp.log(p))
    return batch_loss, ranks

# --- scband reference (transcript-rebuilt; emitter-appended) ---
"""Pipeline reference for scband-translator-31499290149149 (READ-ONLY COPY).

The authoritative reference and input builder live on the scoring server;
editing this copy changes nothing except your own understanding.
"""

import jax, jax.numpy as jnp
import numpy as np

N_ENT = 50000
NUM_POS_REL = 8
N_REL = 16
BODY_LEN = 3
B = 64
E = 200000
THR = 1e-20


def setup_inputs(seed: int = 0) -> dict:
    key = jax.random.key(seed)
    ks = jax.random.split(key, 6)
    query = jax.random.randint(ks[0], (B, 2), 0, NUM_POS_REL)
    t = jax.random.randint(ks[1], (B,), 0, N_ENT)
    s = jax.random.uniform(ks[2], (B,), dtype=jnp.float32)
    attention = jax.random.uniform(ks[3], (B, BODY_LEN, N_REL + 1), dtype=jnp.float32)
    edge_index = jax.random.randint(ks[4], (NUM_POS_REL, 2, E), 0, N_ENT)
    edge_val = jax.random.uniform(ks[5], (NUM_POS_REL, E), dtype=jnp.float32)
    return {"query": query, "t": t, "s": s, "attention": attention,
            "edge_index": edge_index, "edge_val": edge_val}


def reference(query, t, s, attention, edge_index, edge_val):
    thr = jnp.float32(THR)
    # Mask out the query fact (h, r, t) from each relation's adjacency (faithful to the
    # database-edit loop in forwardAllNLP, vectorized over batch).
    vals_list = []
    for r in range(NUM_POS_REL):
        src = edge_index[r, 0]
        dst = edge_index[r, 1]
        match = (query[:, 1][:, None] == r) & (query[:, 0][:, None] == src[None, :]) & (t[:, None] == dst[None, :])
        mask = jnp.any(match, axis=0)
        vals_list.append(jnp.where(mask, jnp.float32(0.0), edge_val[r]))
    # memories = one_hot(head)
    memories = jax.nn.one_hot(query[:, 0], N_ENT, dtype=jnp.float32)
    for step in range(BODY_LEN):
        added = jnp.zeros((B, N_ENT), dtype=jnp.float32)
        for r in range(NUM_POS_REL):
            src = edge_index[r, 0]
            dst = edge_index[r, 1]
            vals = vals_list[r]
            # memories @ A_r  (sparse mm): gather on src, scatter-add on dst
            contrib = memories[:, src] * vals[None, :]
            fwd = jnp.zeros((B, N_ENT), dtype=jnp.float32).at[:, dst].add(contrib)
            added = added + fwd * attention[:, step, r][:, None]
            # memories @ A_r^T: gather on dst, scatter-add on src
            contribT = memories[:, dst] * vals[None, :]
            bwd = jnp.zeros((B, N_ENT), dtype=jnp.float32).at[:, src].add(contribT)
            added = added + bwd * attention[:, step, r + NUM_POS_REL][:, None]
        added = added + memories * attention[:, step, -1][:, None]
        memories = added
    memories = memories / jnp.maximum(thr, jnp.sum(memories, axis=1, keepdims=True))
    targets = jax.nn.one_hot(t, N_ENT, dtype=jnp.float32)
    final_loss = -jnp.sum(targets * jnp.log(jnp.maximum(thr, memories)), axis=1)
    batch_loss = jnp.mean(final_loss)
    idxs = jnp.argsort(-memories, axis=1)
    ranks = jnp.argmax(idxs == t[:, None], axis=1)
    return (batch_loss, ranks)

if __name__ == "__main__":
    import jax
    _d = setup_inputs()
    print(jax.jit(kernel)(*tuple(_d.values())))

</pallas_src>

<mosaic_0001>
#map = affine_map<(d0, d1) -> (0)>
module attributes {stable_mosaic.version = 14 : i64} {
  func.func @_propagate(%arg0: i32, %arg1: i32, %arg2: memref<1600000xi32, #tpu.memory_space<hbm>>, %arg3: memref<1600000xf32, #tpu.memory_space<hbm>>, %arg4: memref<64xi32, #tpu.memory_space<hbm>>, %arg5: memref<64xi32, #tpu.memory_space<hbm>>, %arg6: memref<4096xf32, #tpu.memory_space<hbm>>, %arg7: memref<1024xf32, #tpu.memory_space<hbm>>, %arg8: memref<1024xi32, #tpu.memory_space<hbm>>, %arg9: memref<50000xf32, #tpu.memory_space<vmem>>, %arg10: memref<50000xf32, #tpu.memory_space<vmem>>, %arg11: memref<4000xi32, #tpu.memory_space<vmem>>, %arg12: memref<4000xf32, #tpu.memory_space<vmem>>, %arg13: memref<4000xi32, #tpu.memory_space<vmem>>, %arg14: memref<4000xf32, #tpu.memory_space<vmem>>, %arg15: memref<64xi32, #tpu.memory_space<vmem>>, %arg16: memref<64xi32, #tpu.memory_space<vmem>>, %arg17: memref<64xf32, #tpu.memory_space<vmem>>, %arg18: memref<16xf32, #tpu.memory_space<vmem>>, %arg19: memref<16xi32, #tpu.memory_space<vmem>>, %arg20: memref<16xf32, #tpu.memory_space<vmem>>, %arg21: memref<16xi32, #tpu.memory_space<vmem>>, %arg22: memref<16xi32, #tpu.memory_space<vmem>>, %arg23: memref<!tpu.dma_semaphore, #tpu.memory_space<semaphore_mem>>, %arg24: memref<!tpu.dma_semaphore, #tpu.memory_space<semaphore_mem>>) attributes {dimension_semantics = [#tpu.dimension_semantics<core_parallel>, #tpu.dimension_semantics<subcore_parallel>], iteration_bounds = array<i64: 2, 16>, scalar_prefetch = 0 : i64, scratch_operands = 16 : i64, tpu.core_type = #tpu.core_type<sc_vector_subcore>, window_params = [{transform_indices = #map}, {transform_indices = #map}, {transform_indices = #map}, {transform_indices = #map}, {transform_indices = #map}, {transform_indices = #map}, {transform_indices = #map}]} {
    %mul3A = arith.constant 2 : i32
    %mul3A_0 = arith.muli %arg1, %mul3A : i32
    %add3A = arith.addi %mul3A_0, %arg0 : i32
    %iota3A = tpu.iota {dimensions = array<i32: 0>} : vector<16xi32>
    %eq3A = arith.constant 0 : i32
    %eq3A_1 = vector.broadcast %eq3A : i32 to vector<16xi32>
    %eq3A_2 = arith.cmpi eq, %iota3A, %eq3A_1 : vector<16xi32>
    "tpu.region"() ({
      %run_scoped3A = tpu.sem_alloc : memref<!tpu.dma_semaphore, #tpu.memory_space<semaphore_mem>>
      tpu.enqueue_dma source(%arg4 : memref<64xi32, #tpu.memory_space<hbm>>) target(%arg15 : memref<64xi32, #tpu.memory_space<vmem>>) target_semaphore(%run_scoped3A : memref<!tpu.dma_semaphore, #tpu.memory_space<semaphore_mem>>)
      tpu.wait_dma2 semaphore(%run_scoped3A : memref<!tpu.dma_semaphore, #tpu.memory_space<semaphore_mem>>) src(%arg4 : memref<64xi32, #tpu.memory_space<hbm>>) dst(%arg15 : memref<64xi32, #tpu.memory_space<vmem>>)
      tpu.yield
    }) : () -> ()
    "tpu.region"() ({
      %run_scoped3A = tpu.sem_alloc : memref<!tpu.dma_semaphore, #tpu.memory_space<semaphore_mem>>
      tpu.enqueue_dma source(%arg5 : memref<64xi32, #tpu.memory_space<hbm>>) target(%arg16 : memref<64xi32, #tpu.memory_space<vmem>>) target_semaphore(%run_scoped3A : memref<!tpu.dma_semaphore, #tpu.memory_space<semaphore_mem>>)
      tpu.wait_dma2 semaphore(%run_scoped3A : memref<!tpu.dma_semaphore, #tpu.memory_space<semaphore_mem>>) src(%arg5 : memref<64xi32, #tpu.memory_space<hbm>>) dst(%arg16 : memref<64xi32, #tpu.memory_space<vmem>>)
      tpu.yield
    }) : () -> ()
    %add3A_3 = arith.constant 0 : i32
    %add3A_4 = arith.addi %add3A, %add3A_3 : i32
    %mul3A_5 = arith.constant 64 : i32
    %mul3A_6 = arith.muli %add3A_4, %mul3A_5 : i32
    "tpu.region"() ({
      %run_scoped3A = tpu.sem_alloc : memref<!tpu.dma_semaphore, #tpu.memory_space<semaphore_mem>>
      %dma_start3A_283 = tpu.memref_slice %arg6[%mul3A_6] : memref<4096xf32, #tpu.memory_space<hbm>> -> memref<64xf32, #tpu.memory_space<hbm>>
      %dma_start3A_284 = tpu.memref_slice %arg6[%mul3A_6] : memref<4096xf32, #tpu.memory_space<hbm>> -> memref<64xf32, #tpu.memory_space<hbm>>
      tpu.enqueue_dma source(%dma_start3A_284 : memref<64xf32, #tpu.memory_space<hbm>>) target(%arg17 : memref<64xf32, #tpu.memory_space<vmem>>) target_semaphore(%run_scoped3A : memref<!tpu.dma_semaphore, #tpu.memory_space<semaphore_mem>>)
      %dma_wait3A = tpu.memref_slice %arg6[%mul3A_6] : memref<4096xf32, #tpu.memory_space<hbm>> -> memref<64xf32, #tpu.memory_space<hbm>>
      %dma_wait3A_285 = tpu.memref_slice %arg6[%mul3A_6] : memref<4096xf32, #tpu.memory_space<hbm>> -> memref<64xf32, #tpu.memory_space<hbm>>
      tpu.wait_dma2 semaphore(%run_scoped3A : memref<!tpu.dma_semaphore, #tpu.memory_space<semaphore_mem>>) src(%dma_wait3A_285 : memref<64xf32, #tpu.memory_space<hbm>>) dst(%arg17 : memref<64xf32, #tpu.memory_space<vmem>>)
      tpu.yield
    }) : () -> ()
    %broadcast_in_dim3A = arith.constant 0 : i32
    %broadcast_in_dim3A_7 = vector.broadcast %broadcast_in_dim3A : i32 to vector<16xi32>
    %add3A_8 = vector.broadcast %add3A_4 : i32 to vector<16xi32>
    %add3A_9 = arith.addi %broadcast_in_dim3A_7, %add3A_8 : vector<16xi32>
    %gather3A = tpu.vector_load_idx %arg15[%add3A_9] : memref<64xi32, #tpu.memory_space<vmem>>[vector<16xi32>], vector<16xi32>,
    %gather3A_10 = tpu.vector_load_idx %arg16[%add3A_9] : memref<64xi32, #tpu.memory_space<vmem>>[vector<16xi32>], vector<16xi32>,
    %parallel_loop3A = arith.constant 0 : i32
    %parallel_loop3A_11 = arith.constant 3125 : i32
    %parallel_loop3A_12 = arith.constant 1 : i32
    scf.for %parallel_loop3A_283 = %parallel_loop3A to %parallel_loop3A_11 step %parallel_loop3A_12  : i32 {
      %parallel_loop3A_284 = arith.constant 0.000000e+00 : f32
      %parallel_loop3A_285 = vector.broadcast %parallel_loop3A_284 : f32 to vector<16xf32>
      %parallel_loop3A_286 = arith.constant 16 : i32
      %parallel_loop3A_287 = arith.muli %parallel_loop3A_283, %parallel_loop3A_286 : i32
      %parallel_loop3A_288 = arith.index_cast %parallel_loop3A_287 : i32 to index
      %parallel_loop3A_289 = tpu.vector_load %arg9[%parallel_loop3A_288] {strides = array<i32>} : memref<50000xf32, #tpu.memory_space<vmem>>, vector<16xf32>,
      tpu.vector_store %arg9[%parallel_loop3A_288], %parallel_loop3A_285 {strides = array<i32>} : memref<50000xf32, #tpu.memory_space<vmem>>, vector<16xf32>,
    } {sc.loop_unroll_factor = 8 : i64, sc.parallel_access}
    %broadcast_in_dim3A_13 = arith.constant 1.000000e+00 : f32
    %broadcast_in_dim3A_14 = vector.broadcast %broadcast_in_dim3A_13 : f32 to vector<16xf32>
    tpu.vector_store_idx %arg9[%gather3A], %broadcast_in_dim3A_14 masked %eq3A_2 : memref<50000xf32, #tpu.memory_space<vmem>>[vector<16xi32>], vector<16xf32>, vector<16xi1>
    %parallel_loop3A_15 = arith.constant 0 : i32
    %parallel_loop3A_16 = arith.constant 3125 : i32
    %parallel_loop3A_17 = arith.constant 1 : i32
    scf.for %parallel_loop3A_283 = %parallel_loop3A_15 to %parallel_loop3A_16 step %parallel_loop3A_17  : i32 {
      %parallel_loop3A_284 = arith.constant 0.000000e+00 : f32
      %parallel_loop3A_285 = vector.broadcast %parallel_loop3A_284 : f32 to vector<16xf32>
      %parallel_loop3A_286 = arith.constant 16 : i32
      %parallel_loop3A_287 = arith.muli %parallel_loop3A_283, %parallel_loop3A_286 : i32
      %parallel_loop3A_288 = arith.index_cast %parallel_loop3A_287 : i32 to index
      %parallel_loop3A_289 = tpu.vector_load %arg10[%parallel_loop3A_288] {strides = array<i32>} : memref<50000xf32, #tpu.memory_space<vmem>>, vector<16xf32>,
      tpu.vector_store %arg10[%parallel_loop3A_288], %parallel_loop3A_285 {strides = array<i32>} : memref<50000xf32, #tpu.memory_space<vmem>>, vector<16xf32>,
    } {sc.loop_unroll_factor = 8 : i64, sc.parallel_access}
    %dma_start3A = arith.constant 0 : i32
    %dma_start3A_18 = tpu.memref_slice %arg2[%dma_start3A] : memref<1600000xi32, #tpu.memory_space<hbm>> -> memref<4000xi32, #tpu.memory_space<hbm>>
    %dma_start3A_19 = arith.constant 0 : i32
    %dma_start3A_20 = tpu.memref_slice %arg2[%dma_start3A_19] : memref<1600000xi32, #tpu.memory_space<hbm>> -> memref<4000xi32, #tpu.memory_space<hbm>>
    tpu.enqueue_dma source(%dma_start3A_20 : memref<4000xi32, #tpu.memory_space<hbm>>) target(%arg11 : memref<4000xi32, #tpu.memory_space<vmem>>) target_semaphore(%arg23 : memref<!tpu.dma_semaphore, #tpu.memory_space<semaphore_mem>>)
    %dma_start3A_21 = arith.constant 0 : i32
    %dma_start3A_22 = tpu.memref_slice %arg3[%dma_start3A_21] : memref<1600000xf32, #tpu.memory_space<hbm>> -> memref<4000xf32, #tpu.memory_space<hbm>>
    %dma_start3A_23 = arith.constant 0 : i32
    %dma_start3A_24 = tpu.memref_slice %arg3[%dma_start3A_23] : memref<1600000xf32, #tpu.memory_space<hbm>> -> memref<4000xf32, #tpu.memory_space<hbm>>
    tpu.enqueue_dma source(%dma_start3A_24 : memref<4000xf32, #tpu.memory_space<hbm>>) target(%arg12 : memref<4000xf32, #tpu.memory_space<vmem>>) target_semaphore(%arg23 : memref<!tpu.dma_semaphore, #tpu.memory_space<semaphore_mem>>)
    %scan3A = arith.constant 0 : i32
    %scan3A_25 = arith.constant 0 : i32
    %scan3A_26 = arith.constant 200 : i32
    %scan3A_27 = arith.addi %scan3A_25, %scan3A_26 : i32
    %scan3A_28 = arith.constant 1 : i32
    %scan3A_29 = scf.for %scan3A_283 = %scan3A_25 to %scan3A_27 step %scan3A_28 iter_args(%scan3A_284 = %scan3A) -> (i32)  : i32 {
      %mul3A_285 = arith.constant 2 : i32
      %mul3A_286 = arith.muli %mul3A_285, %scan3A_283 : i32
      %add3A_287 = arith.constant 1 : i32
      %add3A_288 = arith.addi %mul3A_286, %add3A_287 : i32
      %mul3A_289 = arith.constant 4000 : i32
      %mul3A_290 = arith.muli %add3A_288, %mul3A_289 : i32
      %dma_start3A_291 = tpu.memref_slice %arg2[%mul3A_290] : memref<1600000xi32, #tpu.memory_space<hbm>> -> memref<4000xi32, #tpu.memory_space<hbm>>
      %dma_start3A_292 = tpu.memref_slice %arg2[%mul3A_290] : memref<1600000xi32, #tpu.memory_space<hbm>> -> memref<4000xi32, #tpu.memory_space<hbm>>
      tpu.enqueue_dma source(%dma_start3A_292 : memref<4000xi32, #tpu.memory_space<hbm>>) target(%arg13 : memref<4000xi32, #tpu.memory_space<vmem>>) target_semaphore(%arg24 : memref<!tpu.dma_semaphore, #tpu.memory_space<semaphore_mem>>)
      %mul3A_293 = arith.constant 4000 : i32
      %mul3A_294 = arith.muli %add3A_288, %mul3A_293 : i32
      %dma_start3A_295 = tpu.memref_slice %arg3[%mul3A_294] : memref<1600000xf32, #tpu.memory_space<hbm>> -> memref<4000xf32, #tpu.memory_space<hbm>>
      %dma_start3A_296 = tpu.memref_slice %arg3[%mul3A_294] : memref<1600000xf32, #tpu.memory_space<hbm>> -> memref<4000xf32, #tpu.memory_space<hbm>>
      tpu.enqueue_dma source(%dma_start3A_296 : memref<4000xf32, #tpu.memory_space<hbm>>) target(%arg14 : memref<4000xf32, #tpu.memory_space<vmem>>) target_semaphore(%arg24 : memref<!tpu.dma_semaphore, #tpu.memory_space<semaphore_mem>>)
      %dma_wait3A = arith.constant 0 : i32
      %dma_wait3A_297 = tpu.memref_slice %arg2[%dma_wait3A] : memref<1600000xi32, #tpu.memory_space<hbm>> -> memref<4000xi32, #tpu.memory_space<hbm>>
      %dma_wait3A_298 = arith.constant 0 : i32
      %dma_wait3A_299 = tpu.memref_slice %arg2[%dma_wait3A_298] : memref<1600000xi32, #tpu.memory_space<hbm>> -> memref<4000xi32, #tpu.memory_space<hbm>>
      tpu.wait_dma2 semaphore(%arg23 : memref<!tpu.dma_semaphore, #tpu.memory_space<semaphore_mem>>) src(%dma_wait3A_299 : memref<4000xi32, #tpu.memory_space<hbm>>) dst(%arg11 : memref<4000xi32, #tpu.memory_space<vmem>>)
      %dma_wait3A_300 = arith.constant 0 : i32
      %dma_wait3A_301 = tpu.memref_slice %arg3[%dma_wait3A_300] : memref<1600000xf32, #tpu.memory_space<hbm>> -> memref<4000xf32, #tpu.memory_space<hbm>>
      %dma_wait3A_302 = arith.constant 0 : i32
      %dma_wait3A_303 = tpu.memref_slice %arg3[%dma_wait3A_302] : memref<1600000xf32, #tpu.memory_space<hbm>> -> memref<4000xf32, #tpu.memory_space<hbm>>
      tpu.wait_dma2 semaphore(%arg23 : memref<!tpu.dma_semaphore, #tpu.memory_space<semaphore_mem>>) src(%dma_wait3A_303 : memref<4000xf32, #tpu.memory_space<hbm>>) dst(%arg12 : memref<4000xf32, #tpu.memory_space<vmem>>)
      %mul3A_304 = arith.constant 2 : i32
      %mul3A_305 = arith.muli %mul3A_304, %scan3A_283 : i32
      %jit3A = arith.constant 50 : i32
      %div3A_306 = arith.divsi %mul3A_305, %jit3A : i32
      %sign3A = arith.constant 0 : i32
      %sign3A_307 = arith.cmpi sgt, %mul3A_305, %sign3A : i32
      %sign3A_308 = arith.extui %sign3A_307 : i1 to i32
      %sign3A_309 = arith.constant 0 : i32
      %sign3A_310 = arith.cmpi slt, %mul3A_305, %sign3A_309 : i32
      %sign3A_311 = arith.extui %sign3A_310 : i1 to i32
      %sign3A_312 = arith.subi %sign3A_308, %sign3A_311 : i32
      %sign3A_313 = arith.constant 0 : i32
      %sign3A_314 = arith.cmpi sgt, %jit3A, %sign3A_313 : i32
      %sign3A_315 = arith.extui %sign3A_314 : i1 to i32
      %sign3A_316 = arith.constant 0 : i32
      %sign3A_317 = arith.cmpi slt, %jit3A, %sign3A_316 : i32
      %sign3A_318 = arith.extui %sign3A_317 : i1 to i32
      %sign3A_319 = arith.subi %sign3A_315, %sign3A_318 : i32
      %ne3A = arith.cmpi ne, %sign3A_312, %sign3A_319 : i32
      %rem3A = arith.remsi %mul3A_305, %jit3A : i32
      %ne3A_320 = arith.constant 0 : i32
      %ne3A_321 = arith.cmpi ne, %rem3A, %ne3A_320 : i32
      %and3A = arith.andi %ne3A, %ne3A_321 : i1
      %sub3A = arith.constant 1 : i32
      %sub3A_322 = arith.subi %div3A_306, %sub3A : i32
      %select_n3A = arith.select %and3A, %sub3A_322, %div3A_306 : i32
      %broadcast_in_dim3A_323 = arith.constant 0 : i32
      %broadcast_in_dim3A_324 = vector.broadcast %broadcast_in_dim3A_323 : i32 to vector<16xi32>
      %add3A_325 = vector.broadcast %select_n3A : i32 to vector<16xi32>
      %add3A_326 = arith.addi %broadcast_in_dim3A_324, %add3A_325 : vector<16xi32>
      %gather3A_327 = tpu.vector_load_idx %arg17[%add3A_326] : memref<64xf32, #tpu.memory_space<vmem>>[vector<16xi32>], vector<16xf32>,
      %broadcast_in_dim3A_328 = arith.constant 8 : i32
      %broadcast_in_dim3A_329 = vector.broadcast %broadcast_in_dim3A_328 : i32 to vector<16xi32>
      %add3A_330 = vector.broadcast %select_n3A : i32 to vector<16xi32>
      %add3A_331 = arith.addi %broadcast_in_dim3A_329, %add3A_330 : vector<16xi32>
      %gather3A_332 = tpu.vector_load_idx %arg17[%add3A_331] : memref<64xf32, #tpu.memory_space<vmem>>[vector<16xi32>], vector<16xf32>,
      %parallel_loop3A_333 = arith.constant 0 : i32
      %parallel_loop3A_334 = arith.constant 250 : i32
      %parallel_loop3A_335 = arith.constant 1 : i32
      scf.for %parallel_loop3A_388 = %parallel_loop3A_333 to %parallel_loop3A_334 step %parallel_loop3A_335  : i32 {
        %parallel_loop3A_389 = arith.constant 16 : i32
        %parallel_loop3A_390 = arith.muli %parallel_loop3A_388, %parallel_loop3A_389 : i32
        %parallel_loop3A_391 = arith.index_cast %parallel_loop3A_390 : i32 to index
        %parallel_loop3A_392 = tpu.vector_load %arg11[%parallel_loop3A_391] {strides = array<i32>} : memref<4000xi32, #tpu.memory_space<vmem>>, vector<16xi32>,
        %parallel_loop3A_393 = arith.index_cast %parallel_loop3A_390 : i32 to index
        %parallel_loop3A_394 = tpu.vector_load %arg12[%parallel_loop3A_393] {strides = array<i32>} : memref<4000xf32, #tpu.memory_space<vmem>>, vector<16xf32>,
        %parallel_loop3A_395 = arith.constant 65535 : i32
        %parallel_loop3A_396 = vector.broadcast %parallel_loop3A_395 : i32 to vector<16xi32>
        %parallel_loop3A_397 = arith.andi %parallel_loop3A_392, %parallel_loop3A_396 : vector<16xi32>
        %parallel_loop3A_398 = arith.constant 16 : i32
        %parallel_loop3A_399 = vector.broadcast %parallel_loop3A_398 : i32 to vector<16xi32>
        %parallel_loop3A_400 = arith.shrui %parallel_loop3A_392, %parallel_loop3A_399 : vector<16xi32>
        %parallel_loop3A_401 = tpu.vector_load_idx %arg9[%parallel_loop3A_397] : memref<50000xf32, #tpu.memory_space<vmem>>[vector<16xi32>], vector<16xf32>,
        %parallel_loop3A_402 = arith.mulf %parallel_loop3A_401, %parallel_loop3A_394 : vector<16xf32>
        %parallel_loop3A_403 = arith.addf %gather3A_327, %gather3A_332 : vector<16xf32>
        %parallel_loop3A_404 = arith.mulf %parallel_loop3A_402, %parallel_loop3A_403 : vector<16xf32>
        tpu.vector_store_idx %arg10[%parallel_loop3A_400], %parallel_loop3A_404 {add = true} : memref<50000xf32, #tpu.memory_space<vmem>>[vector<16xi32>], vector<16xf32>,
      } {sc.loop_unroll_factor = 8 : i64, sc.parallel_access}
      %lt3A = arith.constant 199 : i32
      %lt3A_336 = arith.cmpi slt, %scan3A_283, %lt3A : i32
      %convert_element_type3A = arith.extui %lt3A_336 : i1 to i32
      %cond3A = arith.constant 0 : i32
      %cond3A_337 = arith.cmpi ne, %convert_element_type3A, %cond3A : i32
      scf.if %cond3A_337 {
        %mul3A_388 = arith.constant 2 : i32
        %mul3A_389 = arith.muli %mul3A_388, %scan3A_283 : i32
        %add3A_390 = arith.constant 2 : i32
        %add3A_391 = arith.addi %mul3A_389, %add3A_390 : i32
        %mul3A_392 = arith.constant 4000 : i32
        %mul3A_393 = arith.muli %add3A_391, %mul3A_392 : i32
        %dma_start3A_394 = tpu.memref_slice %arg2[%mul3A_393] : memref<1600000xi32, #tpu.memory_space<hbm>> -> memref<4000xi32, #tpu.memory_space<hbm>>
        %dma_start3A_395 = tpu.memref_slice %arg2[%mul3A_393] : memref<1600000xi32, #tpu.memory_space<hbm>> -> memref<4000xi32, #tpu.memory_space<hbm>>
        tpu.enqueue_dma source(%dma_start3A_395 : memref<4000xi32, #tpu.memory_space<hbm>>) target(%arg11 : memref<4000xi32, #tpu.memory_space<vmem>>) target_semaphore(%arg23 : memref<!tpu.dma_semaphore, #tpu.memory_space<semaphore_mem>>)
        %mul3A_396 = arith.constant 4000 : i32
        %mul3A_397 = arith.muli %add3A_391, %mul3A_396 : i32
        %dma_start3A_398 = tpu.memref_slice %arg3[%mul3A_397] : memref<1600000xf32, #tpu.memory_space<hbm>> -> memref<4000xf32, #tpu.memory_space<hbm>>
        %dma_start3A_399 = tpu.memref_slice %arg3[%mul3A_397] : memref<1600000xf32, #tpu.memory_space<hbm>> -> memref<4000xf32, #tpu.memory_space<hbm>>
        tpu.enqueue_dma source(%dma_start3A_399 : memref<4000xf32, #tpu.memory_space<hbm>>) target(%arg12 : memref<4000xf32, #tpu.memory_space<vmem>>) target_semaphore(%arg23 : memref<!tpu.dma_semaphore, #tpu.memory_space<semaphore_mem>>)
      } else {
      }
      %dma_wait3A_338 = arith.constant 0 : i32
      %dma_wait3A_339 = tpu.memref_slice %arg2[%dma_wait3A_338] : memref<1600000xi32, #tpu.memory_space<hbm>> -> memref<4000xi32, #tpu.memory_space<hbm>>
      %dma_wait3A_340 = arith.constant 0 : i32
      %dma_wait3A_341 = tpu.memref_slice %arg2[%dma_wait3A_340] : memref<1600000xi32, #tpu.memory_space<hbm>> -> memref<4000xi32, #tpu.memory_space<hbm>>
      tpu.wait_dma2 semaphore(%arg24 : memref<!tpu.dma_semaphore, #tpu.memory_space<semaphore_mem>>) src(%dma_wait3A_341 : memref<4000xi32, #tpu.memory_space<hbm>>) dst(%arg13 : memref<4000xi32, #tpu.memory_space<vmem>>)
      %dma_wait3A_342 = arith.constant 0 : i32
      %dma_wait3A_343 = tpu.memref_slice %arg3[%dma_wait3A_342] : memref<1600000xf32, #tpu.memory_space<hbm>> -> memref<4000xf32, #tpu.memory_space<hbm>>
      %dma_wait3A_344 = arith.constant 0 : i32
      %dma_wait3A_345 = tpu.memref_slice %arg3[%dma_wait3A_344] : memref<1600000xf32, #tpu.memory_space<hbm>> -> memref<4000xf32, #tpu.memory_space<hbm>>
      tpu.wait_dma2 semaphore(%arg24 : memref<!tpu.dma_semaphore, #tpu.memory_space<semaphore_mem>>) src(%dma_wait3A_345 : memref<4000xf32, #tpu.memory_space<hbm>>) dst(%arg14 : memref<4000xf32, #tpu.memory_space<vmem>>)
      %mul3A_346 = arith.constant 2 : i32
      %mul3A_347 = arith.muli %mul3A_346, %scan3A_283 : i32
      %add3A_348 = arith.constant 1 : i32
      %add3A_349 = arith.addi %mul3A_347, %add3A_348 : i32
      %jit3A_350 = arith.constant 50 : i32
      %div3A_351 = arith.divsi %add3A_349, %jit3A_350 : i32
      %sign3A_352 = arith.constant 0 : i32
      %sign3A_353 = arith.cmpi sgt, %add3A_349, %sign3A_352 : i32
      %sign3A_354 = arith.extui %sign3A_353 : i1 to i32
      %sign3A_355 = arith.constant 0 : i32
      %sign3A_356 = arith.cmpi slt, %add3A_349, %sign3A_355 : i32
      %sign3A_357 = arith.extui %sign3A_356 : i1 to i32
      %sign3A_358 = arith.subi %sign3A_354, %sign3A_357 : i32
      %sign3A_359 = arith.constant 0 : i32
      %sign3A_360 = arith.cmpi sgt, %jit3A_350, %sign3A_359 : i32
      %sign3A_361 = arith.extui %sign3A_360 : i1 to i32
      %sign3A_362 = arith.constant 0 : i32
      %sign3A_363 = arith.cmpi slt, %jit3A_350, %sign3A_362 : i32
      %sign3A_364 = arith.extui %sign3A_363 : i1 to i32
      %sign3A_365 = arith.subi %sign3A_361, %sign3A_364 : i32
      %ne3A_366 = arith.cmpi ne, %sign3A_358, %sign3A_365 : i32
      %rem3A_367 = arith.remsi %add3A_349, %jit3A_350 : i32
      %ne3A_368 = arith.constant 0 : i32
      %ne3A_369 = arith.cmpi ne, %rem3A_367, %ne3A_368 : i32
      %and3A_370 = arith.andi %ne3A_366, %ne3A_369 : i1
      %sub3A_371 = arith.constant 1 : i32
      %sub3A_372 = arith.subi %div3A_351, %sub3A_371 : i32
      %select_n3A_373 = arith.select %and3A_370, %sub3A_372, %div3A_351 : i32
      %broadcast_in_dim3A_374 = arith.constant 0 : i32
      %broadcast_in_dim3A_375 = vector.broadcast %broadcast_in_dim3A_374 : i32 to vector<16xi32>
      %add3A_376 = vector.broadcast %select_n3A_373 : i32 to vector<16xi32>
      %add3A_377 = arith.addi %broadcast_in_dim3A_375, %add3A_376 : vector<16xi32>
      %gather3A_378 = tpu.vector_load_idx %arg17[%add3A_377] : memref<64xf32, #tpu.memory_space<vmem>>[vector<16xi32>], vector<16xf32>,
      %broadcast_in_dim3A_379 = arith.constant 8 : i32
      %broadcast_in_dim3A_380 = vector.broadcast %broadcast_in_dim3A_379 : i32 to vector<16xi32>
      %add3A_381 = vector.broadcast %select_n3A_373 : i32 to vector<16xi32>
      %add3A_382 = arith.addi %broadcast_in_dim3A_380, %add3A_381 : vector<16xi32>
      %gather3A_383 = tpu.vector_load_idx %arg17[%add3A_382] : memref<64xf32, #tpu.memory_space<vmem>>[vector<16xi32>], vector<16xf32>,
      %parallel_loop3A_384 = arith.constant 0 : i32
      %parallel_loop3A_385 = arith.constant 250 : i32
      %parallel_loop3A_386 = arith.constant 1 : i32
      scf.for %parallel_loop3A_388 = %parallel_loop3A_384 to %parallel_loop3A_385 step %parallel_loop3A_386  : i32 {
        %parallel_loop3A_389 = arith.constant 16 : i32
        %parallel_loop3A_390 = arith.muli %parallel_loop3A_388, %parallel_loop3A_389 : i32
        %parallel_loop3A_391 = arith.index_cast %parallel_loop3A_390 : i32 to index
        %parallel_loop3A_392 = tpu.vector_load %arg13[%parallel_loop3A_391] {strides = array<i32>} : memref<4000xi32, #tpu.memory_space<vmem>>, vector<16xi32>,
        %parallel_loop3A_393 = arith.index_cast %parallel_loop3A_390 : i32 to index
        %parallel_loop3A_394 = tpu.vector_load %arg14[%parallel_loop3A_393] {strides = array<i32>} : memref<4000xf32, #tpu.memory_space<vmem>>, vector<16xf32>,
        %parallel_loop3A_395 = arith.constant 65535 : i32
        %parallel_loop3A_396 = vector.broadcast %parallel_loop3A_395 : i32 to vector<16xi32>
        %parallel_loop3A_397 = arith.andi %parallel_loop3A_392, %parallel_loop3A_396 : vector<16xi32>
        %parallel_loop3A_398 = arith.constant 16 : i32
        %parallel_loop3A_399 = vector.broadcast %parallel_loop3A_398 : i32 to vector<16xi32>
        %parallel_loop3A_400 = arith.shrui %parallel_loop3A_392, %parallel_loop3A_399 : vector<16xi32>
        %parallel_loop3A_401 = tpu.vector_load_idx %arg9[%parallel_loop3A_397] : memref<50000xf32, #tpu.memory_space<vmem>>[vector<16xi32>], vector<16xf32>,
        %parallel_loop3A_402 = arith.mulf %parallel_loop3A_401, %parallel_loop3A_394 : vector<16xf32>
        %parallel_loop3A_403 = arith.addf %gather3A_378, %gather3A_383 : vector<16xf32>
        %parallel_loop3A_404 = arith.mulf %parallel_loop3A_402, %parallel_loop3A_403 : vector<16xf32>
        tpu.vector_store_idx %arg10[%parallel_loop3A_400], %parallel_loop3A_404 {add = true} : memref<50000xf32, #tpu.memory_space<vmem>>[vector<16xi32>], vector<16xf32>,
      } {sc.loop_unroll_factor = 8 : i64, sc.parallel_access}
      %scan3A_387 = arith.constant 0 : i32
      scf.yield %scan3A_387 : i32
    }
    %scan3A_30 = arith.constant 200 : i32
    %broadcast_in_dim3A_31 = arith.constant 16 : i32
    %broadcast_in_dim3A_32 = vector.broadcast %broadcast_in_dim3A_31 : i32 to vector<16xi32>
    %gather3A_33 = tpu.vector_load_idx %arg17[%broadcast_in_dim3A_32] : memref<64xf32, #tpu.memory_space<vmem>>[vector<16xi32>], vector<16xf32>,
    %parallel_loop3A_34 = arith.constant 0 : i32
    %parallel_loop3A_35 = arith.constant 3125 : i32
    %parallel_loop3A_36 = arith.constant 1 : i32
    scf.for %parallel_loop3A_283 = %parallel_loop3A_34 to %parallel_loop3A_35 step %parallel_loop3A_36  : i32 {
      %parallel_loop3A_284 = arith.constant 16 : i32
      %parallel_loop3A_285 = arith.muli %parallel_loop3A_283, %parallel_loop3A_284 : i32
      %parallel_loop3A_286 = arith.index_cast %parallel_loop3A_285 : i32 to index
      %parallel_loop3A_287 = tpu.vector_load %arg10[%parallel_loop3A_286] {strides = array<i32>} : memref<50000xf32, #tpu.memory_space<vmem>>, vector<16xf32>,
      %parallel_loop3A_288 = arith.index_cast %parallel_loop3A_285 : i32 to index
      %parallel_loop3A_289 = tpu.vector_load %arg9[%parallel_loop3A_288] {strides = array<i32>} : memref<50000xf32, #tpu.memory_space<vmem>>, vector<16xf32>,
      %parallel_loop3A_290 = arith.mulf %parallel_loop3A_289, %gather3A_33 : vector<16xf32>
      %parallel_loop3A_291 = arith.addf %parallel_loop3A_287, %parallel_loop3A_290 : vector<16xf32>
      %parallel_loop3A_292 = arith.index_cast %parallel_loop3A_285 : i32 to index
      %parallel_loop3A_293 = tpu.vector_load %arg10[%parallel_loop3A_292] {strides = array<i32>} : memref<50000xf32, #tpu.memory_space<vmem>>, vector<16xf32>,
      tpu.vector_store %arg10[%parallel_loop3A_292], %parallel_loop3A_291 {strides = array<i32>} : memref<50000xf32, #tpu.memory_space<vmem>>, vector<16xf32>,
    } {sc.loop_unroll_factor = 8 : i64, sc.parallel_access}
    %parallel_loop3A_37 = arith.constant 0 : i32
    %parallel_loop3A_38 = arith.constant 3125 : i32
    %parallel_loop3A_39 = arith.constant 1 : i32
    scf.for %parallel_loop3A_283 = %parallel_loop3A_37 to %parallel_loop3A_38 step %parallel_loop3A_39  : i32 {
      %parallel_loop3A_284 = arith.constant 0.000000e+00 : f32
      %parallel_loop3A_285 = vector.broadcast %parallel_loop3A_284 : f32 to vector<16xf32>
      %parallel_loop3A_286 = arith.constant 16 : i32
      %parallel_loop3A_287 = arith.muli %parallel_loop3A_283, %parallel_loop3A_286 : i32
      %parallel_loop3A_288 = arith.index_cast %parallel_loop3A_287 : i32 to index
      %parallel_loop3A_289 = tpu.vector_load %arg9[%parallel_loop3A_288] {strides = array<i32>} : memref<50000xf32, #tpu.memory_space<vmem>>, vector<16xf32>,
      tpu.vector_store %arg9[%parallel_loop3A_288], %parallel_loop3A_285 {strides = array<i32>} : memref<50000xf32, #tpu.memory_space<vmem>>, vector<16xf32>,
    } {sc.loop_unroll_factor = 8 : i64, sc.parallel_access}
    %dma_start3A_40 = arith.constant 0 : i32
    %dma_start3A_41 = tpu.memref_slice %arg2[%dma_start3A_40] : memref<1600000xi32, #tpu.memory_space<hbm>> -> memref<4000xi32, #tpu.memory_space<hbm>>
    %dma_start3A_42 = arith.constant 0 : i32
    %dma_start3A_43 = tpu.memref_slice %arg2[%dma_start3A_42] : memref<1600000xi32, #tpu.memory_space<hbm>> -> memref<4000xi32, #tpu.memory_space<hbm>>
    tpu.enqueue_dma source(%dma_start3A_43 : memref<4000xi32, #tpu.memory_space<hbm>>) target(%arg11 : memref<4000xi32, #tpu.memory_space<vmem>>) target_semaphore(%arg23 : memref<!tpu.dma_semaphore, #tpu.memory_space<semaphore_mem>>)
    %dma_start3A_44 = arith.constant 0 : i32
    %dma_start3A_45 = tpu.memref_slice %arg3[%dma_start3A_44] : memref<1600000xf32, #tpu.memory_space<hbm>> -> memref<4000xf32, #tpu.memory_space<hbm>>
    %dma_start3A_46 = arith.constant 0 : i32
    %dma_start3A_47 = tpu.memref_slice %arg3[%dma_start3A_46] : memref<1600000xf32, #tpu.memory_space<hbm>> -> memref<4000xf32, #tpu.memory_space<hbm>>
    tpu.enqueue_dma source(%dma_start3A_47 : memref<4000xf32, #tpu.memory_space<hbm>>) target(%arg12 : memref<4000xf32, #tpu.memory_space<vmem>>) target_semaphore(%arg23 : memref<!tpu.dma_semaphore, #tpu.memory_space<semaphore_mem>>)
    %scan3A_48 = arith.constant 0 : i32
    %scan3A_49 = arith.constant 0 : i32
    %scan3A_50 = arith.constant 200 : i32
    %scan3A_51 = arith.addi %scan3A_49, %scan3A_50 : i32
    %scan3A_52 = arith.constant 1 : i32
    %scan3A_53 = scf.for %scan3A_283 = %scan3A_49 to %scan3A_51 step %scan3A_52 iter_args(%scan3A_284 = %scan3A_48) -> (i32)  : i32 {
      %mul3A_285 = arith.constant 2 : i32
      %mul3A_286 = arith.muli %mul3A_285, %scan3A_283 : i32
      %add3A_287 = arith.constant 1 : i32
      %add3A_288 = arith.addi %mul3A_286, %add3A_287 : i32
      %mul3A_289 = arith.constant 4000 : i32
      %mul3A_290 = arith.muli %add3A_288, %mul3A_289 : i32
      %dma_start3A_291 = tpu.memref_slice %arg2[%mul3A_290] : memref<1600000xi32, #tpu.memory_space<hbm>> -> memref<4000xi32, #tpu.memory_space<hbm>>
      %dma_start3A_292 = tpu.memref_slice %arg2[%mul3A_290] : memref<1600000xi32, #tpu.memory_space<hbm>> -> memref<4000xi32, #tpu.memory_space<hbm>>
      tpu.enqueue_dma source(%dma_start3A_292 : memref<4000xi32, #tpu.memory_space<hbm>>) target(%arg13 : memref<4000xi32, #tpu.memory_space<vmem>>) target_semaphore(%arg24 : memref<!tpu.dma_semaphore, #tpu.memory_space<semaphore_mem>>)
      %mul3A_293 = arith.constant 4000 : i32
      %mul3A_294 = arith.muli %add3A_288, %mul3A_293 : i32
      %dma_start3A_295 = tpu.memref_slice %arg3[%mul3A_294] : memref<1600000xf32, #tpu.memory_space<hbm>> -> memref<4000xf32, #tpu.memory_space<hbm>>
      %dma_start3A_296 = tpu.memref_slice %arg3[%mul3A_294] : memref<1600000xf32, #tpu.memory_space<hbm>> -> memref<4000xf32, #tpu.memory_space<hbm>>
      tpu.enqueue_dma source(%dma_start3A_296 : memref<4000xf32, #tpu.memory_space<hbm>>) target(%arg14 : memref<4000xf32, #tpu.memory_space<vmem>>) target_semaphore(%arg24 : memref<!tpu.dma_semaphore, #tpu.memory_space<semaphore_mem>>)
      %dma_wait3A = arith.constant 0 : i32
      %dma_wait3A_297 = tpu.memref_slice %arg2[%dma_wait3A] : memref<1600000xi32, #tpu.memory_space<hbm>> -> memref<4000xi32, #tpu.memory_space<hbm>>
      %dma_wait3A_298 = arith.constant 0 : i32
      %dma_wait3A_299 = tpu.memref_slice %arg2[%dma_wait3A_298] : memref<1600000xi32, #tpu.memory_space<hbm>> -> memref<4000xi32, #tpu.memory_space<hbm>>
      tpu.wait_dma2 semaphore(%arg23 : memref<!tpu.dma_semaphore, #tpu.memory_space<semaphore_mem>>) src(%dma_wait3A_299 : memref<4000xi32, #tpu.memory_space<hbm>>) dst(%arg11 : memref<4000xi32, #tpu.memory_space<vmem>>)
      %dma_wait3A_300 = arith.constant 0 : i32
      %dma_wait3A_301 = tpu.memref_slice %arg3[%dma_wait3A_300] : memref<1600000xf32, #tpu.memory_space<hbm>> -> memref<4000xf32, #tpu.memory_space<hbm>>
      %dma_wait3A_302 = arith.constant 0 : i32
      %dma_wait3A_303 = tpu.memref_slice %arg3[%dma_wait3A_302] : memref<1600000xf32, #tpu.memory_space<hbm>> -> memref<4000xf32, #tpu.memory_space<hbm>>
      tpu.wait_dma2 semaphore(%arg23 : memref<!tpu.dma_semaphore, #tpu.memory_space<semaphore_mem>>) src(%dma_wait3A_303 : memref<4000xf32, #tpu.memory_space<hbm>>) dst(%arg12 : memref<4000xf32, #tpu.memory_space<vmem>>)
      %mul3A_304 = arith.constant 2 : i32
      %mul3A_305 = arith.muli %mul3A_304, %scan3A_283 : i32
      %jit3A = arith.constant 50 : i32
      %div3A_306 = arith.divsi %mul3A_305, %jit3A : i32
      %sign3A = arith.constant 0 : i32
      %sign3A_307 = arith.cmpi sgt, %mul3A_305, %sign3A : i32
      %sign3A_308 = arith.extui %sign3A_307 : i1 to i32
      %sign3A_309 = arith.constant 0 : i32
      %sign3A_310 = arith.cmpi slt, %mul3A_305, %sign3A_309 : i32
      %sign3A_311 = arith.extui %sign3A_310 : i1 to i32
      %sign3A_312 = arith.subi %sign3A_308, %sign3A_311 : i32
      %sign3A_313 = arith.constant 0 : i32
      %sign3A_314 = arith.cmpi sgt, %jit3A, %sign3A_313 : i32
      %sign3A_315 = arith.extui %sign3A_314 : i1 to i32
      %sign3A_316 = arith.constant 0 : i32
      %sign3A_317 = arith.cmpi slt, %jit3A, %sign3A_316 : i32
      %sign3A_318 = arith.extui %sign3A_317 : i1 to i32
      %sign3A_319 = arith.subi %sign3A_315, %sign3A_318 : i32
      %ne3A = arith.cmpi ne, %sign3A_312, %sign3A_319 : i32
      %rem3A = arith.remsi %mul3A_305, %jit3A : i32
      %ne3A_320 = arith.constant 0 : i32
      %ne3A_321 = arith.cmpi ne, %rem3A, %ne3A_320 : i32
      %and3A = arith.andi %ne3A, %ne3A_321 : i1
      %sub3A = arith.constant 1 : i32
      %sub3A_322 = arith.subi %div3A_306, %sub3A : i32
      %select_n3A = arith.select %and3A, %sub3A_322, %div3A_306 : i32
      %broadcast_in_dim3A_323 = arith.constant 17 : i32
      %broadcast_in_dim3A_324 = vector.broadcast %broadcast_in_dim3A_323 : i32 to vector<16xi32>
      %add3A_325 = vector.broadcast %select_n3A : i32 to vector<16xi32>
      %add3A_326 = arith.addi %broadcast_in_dim3A_324, %add3A_325 : vector<16xi32>
      %gather3A_327 = tpu.vector_load_idx %arg17[%add3A_326] : memref<64xf32, #tpu.memory_space<vmem>>[vector<16xi32>], vector<16xf32>,
      %broadcast_in_dim3A_328 = arith.constant 25 : i32
      %broadcast_in_dim3A_329 = vector.broadcast %broadcast_in_dim3A_328 : i32 to vector<16xi32>
      %add3A_330 = vector.broadcast %select_n3A : i32 to vector<16xi32>
      %add3A_331 = arith.addi %broadcast_in_dim3A_329, %add3A_330 : vector<16xi32>
      %gather3A_332 = tpu.vector_load_idx %arg17[%add3A_331] : memref<64xf32, #tpu.memory_space<vmem>>[vector<16xi32>], vector<16xf32>,
      %parallel_loop3A_333 = arith.constant 0 : i32
      %parallel_loop3A_334 = arith.constant 250 : i32
      %parallel_loop3A_335 = arith.constant 1 : i32
      scf.for %parallel_loop3A_388 = %parallel_loop3A_333 to %parallel_loop3A_334 step %parallel_loop3A_335  : i32 {
        %parallel_loop3A_389 = arith.constant 16 : i32
        %parallel_loop3A_390 = arith.muli %parallel_loop3A_388, %parallel_loop3A_389 : i32
        %parallel_loop3A_391 = arith.index_cast %parallel_loop3A_390 : i32 to index
        %parallel_loop3A_392 = tpu.vector_load %arg11[%parallel_loop3A_391] {strides = array<i32>} : memref<4000xi32, #tpu.memory_space<vmem>>, vector<16xi32>,
        %parallel_loop3A_393 = arith.index_cast %parallel_loop3A_390 : i32 to index
        %parallel_loop3A_394 = tpu.vector_load %arg12[%parallel_loop3A_393] {strides = array<i32>} : memref<4000xf32, #tpu.memory_space<vmem>>, vector<16xf32>,
        %parallel_loop3A_395 = arith.constant 65535 : i32
        %parallel_loop3A_396 = vector.broadcast %parallel_loop3A_395 : i32 to vector<16xi32>
        %parallel_loop3A_397 = arith.andi %parallel_loop3A_392, %parallel_loop3A_396 : vector<16xi32>
        %parallel_loop3A_398 = arith.constant 16 : i32
        %parallel_loop3A_399 = vector.broadcast %parallel_loop3A_398 : i32 to vector<16xi32>
        %parallel_loop3A_400 = arith.shrui %parallel_loop3A_392, %parallel_loop3A_399 : vector<16xi32>
        %parallel_loop3A_401 = tpu.vector_load_idx %arg10[%parallel_loop3A_397] : memref<50000xf32, #tpu.memory_space<vmem>>[vector<16xi32>], vector<16xf32>,
        %parallel_loop3A_402 = arith.mulf %parallel_loop3A_401, %parallel_loop3A_394 : vector<16xf32>
        %parallel_loop3A_403 = arith.addf %gather3A_327, %gather3A_332 : vector<16xf32>
        %parallel_loop3A_404 = arith.mulf %parallel_loop3A_402, %parallel_loop3A_403 : vector<16xf32>
        tpu.vector_store_idx %arg9[%parallel_loop3A_400], %parallel_loop3A_404 {add = true} : memref<50000xf32, #tpu.memory_space<vmem>>[vector<16xi32>], vector<16xf32>,
      } {sc.loop_unroll_factor = 8 : i64, sc.parallel_access}
      %lt3A = arith.constant 199 : i32
      %lt3A_336 = arith.cmpi slt, %scan3A_283, %lt3A : i32
      %convert_element_type3A = arith.extui %lt3A_336 : i1 to i32
      %cond3A = arith.constant 0 : i32
      %cond3A_337 = arith.cmpi ne, %convert_element_type3A, %cond3A : i32
      scf.if %cond3A_337 {
        %mul3A_388 = arith.constant 2 : i32
        %mul3A_389 = arith.muli %mul3A_388, %scan3A_283 : i32
        %add3A_390 = arith.constant 2 : i32
        %add3A_391 = arith.addi %mul3A_389, %add3A_390 : i32
        %mul3A_392 = arith.constant 4000 : i32
        %mul3A_393 = arith.muli %add3A_391, %mul3A_392 : i32
        %dma_start3A_394 = tpu.memref_slice %arg2[%mul3A_393] : memref<1600000xi32, #tpu.memory_space<hbm>> -> memref<4000xi32, #tpu.memory_space<hbm>>
        %dma_start3A_395 = tpu.memref_slice %arg2[%mul3A_393] : memref<1600000xi32, #tpu.memory_space<hbm>> -> memref<4000xi32, #tpu.memory_space<hbm>>
        tpu.enqueue_dma source(%dma_start3A_395 : memref<4000xi32, #tpu.memory_space<hbm>>) target(%arg11 : memref<4000xi32, #tpu.memory_space<vmem>>) target_semaphore(%arg23 : memref<!tpu.dma_semaphore, #tpu.memory_space<semaphore_mem>>)
        %mul3A_396 = arith.constant 4000 : i32
        %mul3A_397 = arith.muli %add3A_391, %mul3A_396 : i32
        %dma_start3A_398 = tpu.memref_slice %arg3[%mul3A_397] : memref<1600000xf32, #tpu.memory_space<hbm>> -> memref<4000xf32, #tpu.memory_space<hbm>>
        %dma_start3A_399 = tpu.memref_slice %arg3[%mul3A_397] : memref<1600000xf32, #tpu.memory_space<hbm>> -> memref<4000xf32, #tpu.memory_space<hbm>>
        tpu.enqueue_dma source(%dma_start3A_399 : memref<4000xf32, #tpu.memory_space<hbm>>) target(%arg12 : memref<4000xf32, #tpu.memory_space<vmem>>) target_semaphore(%arg23 : memref<!tpu.dma_semaphore, #tpu.memory_space<semaphore_mem>>)
      } else {
      }
      %dma_wait3A_338 = arith.constant 0 : i32
      %dma_wait3A_339 = tpu.memref_slice %arg2[%dma_wait3A_338] : memref<1600000xi32, #tpu.memory_space<hbm>> -> memref<4000xi32, #tpu.memory_space<hbm>>
      %dma_wait3A_340 = arith.constant 0 : i32
      %dma_wait3A_341 = tpu.memref_slice %arg2[%dma_wait3A_340] : memref<1600000xi32, #tpu.memory_space<hbm>> -> memref<4000xi32, #tpu.memory_space<hbm>>
      tpu.wait_dma2 semaphore(%arg24 : memref<!tpu.dma_semaphore, #tpu.memory_space<semaphore_mem>>) src(%dma_wait3A_341 : memref<4000xi32, #tpu.memory_space<hbm>>) dst(%arg13 : memref<4000xi32, #tpu.memory_space<vmem>>)
      %dma_wait3A_342 = arith.constant 0 : i32
      %dma_wait3A_343 = tpu.memref_slice %arg3[%dma_wait3A_342] : memref<1600000xf32, #tpu.memory_space<hbm>> -> memref<4000xf32, #tpu.memory_space<hbm>>
      %dma_wait3A_344 = arith.constant 0 : i32
      %dma_wait3A_345 = tpu.memref_slice %arg3[%dma_wait3A_344] : memref<1600000xf32, #tpu.memory_space<hbm>> -> memref<4000xf32, #tpu.memory_space<hbm>>
      tpu.wait_dma2 semaphore(%arg24 : memref<!tpu.dma_semaphore, #tpu.memory_space<semaphore_mem>>) src(%dma_wait3A_345 : memref<4000xf32, #tpu.memory_space<hbm>>) dst(%arg14 : memref<4000xf32, #tpu.memory_space<vmem>>)
      %mul3A_346 = arith.constant 2 : i32
      %mul3A_347 = arith.muli %mul3A_346, %scan3A_283 : i32
      %add3A_348 = arith.constant 1 : i32
      %add3A_349 = arith.addi %mul3A_347, %add3A_348 : i32
      %jit3A_350 = arith.constant 50 : i32
      %div3A_351 = arith.divsi %add3A_349, %jit3A_350 : i32
      %sign3A_352 = arith.constant 0 : i32
      %sign3A_353 = arith.cmpi sgt, %add3A_349, %sign3A_352 : i32
      %sign3A_354 = arith.extui %sign3A_353 : i1 to i32
      %sign3A_355 = arith.constant 0 : i32
      %sign3A_356 = arith.cmpi slt, %add3A_349, %sign3A_355 : i32
      %sign3A_357 = arith.extui %sign3A_356 : i1 to i32
      %sign3A_358 = arith.subi %sign3A_354, %sign3A_357 : i32
      %sign3A_359 = arith.constant 0 : i32
      %sign3A_360 = arith.cmpi sgt, %jit3A_350, %sign3A_359 : i32
      %sign3A_361 = arith.extui %sign3A_360 : i1 to i32
      %sign3A_362 = arith.constant 0 : i32
      %sign3A_363 = arith.cmpi slt, %jit3A_350, %sign3A_362 : i32
      %sign3A_364 = arith.extui %sign3A_363 : i1 to i32
      %sign3A_365 = arith.subi %sign3A_361, %sign3A_364 : i32
      %ne3A_366 = arith.cmpi ne, %sign3A_358, %sign3A_365 : i32
      %rem3A_367 = arith.remsi %add3A_349, %jit3A_350 : i32
      %ne3A_368 = arith.constant 0 : i32
      %ne3A_369 = arith.cmpi ne, %rem3A_367, %ne3A_368 : i32
      %and3A_370 = arith.andi %ne3A_366, %ne3A_369 : i1
      %sub3A_371 = arith.constant 1 : i32
      %sub3A_372 = arith.subi %div3A_351, %sub3A_371 : i32
      %select_n3A_373 = arith.select %and3A_370, %sub3A_372, %div3A_351 : i32
      %broadcast_in_dim3A_374 = arith.constant 17 : i32
      %broadcast_in_dim3A_375 = vector.broadcast %broadcast_in_dim3A_374 : i32 to vector<16xi32>
      %add3A_376 = vector.broadcast %select_n3A_373 : i32 to vector<16xi32>
      %add3A_377 = arith.addi %broadcast_in_dim3A_375, %add3A_376 : vector<16xi32>
      %gather3A_378 = tpu.vector_load_idx %arg17[%add3A_377] : memref<64xf32, #tpu.memory_space<vmem>>[vector<16xi32>], vector<16xf32>,
      %broadcast_in_dim3A_379 = arith.constant 25 : i32
      %broadcast_in_dim3A_380 = vector.broadcast %broadcast_in_dim3A_379 : i32 to vector<16xi32>
      %add3A_381 = vector.broadcast %select_n3A_373 : i32 to vector<16xi32>
      %add3A_382 = arith.addi %broadcast_in_dim3A_380, %add3A_381 : vector<16xi32>
      %gather3A_383 = tpu.vector_load_idx %arg17[%add3A_382] : memref<64xf32, #tpu.memory_space<vmem>>[vector<16xi32>], vector<16xf32>,
      %parallel_loop3A_384 = arith.constant 0 : i32
      %parallel_loop3A_385 = arith.constant 250 : i32
      %parallel_loop3A_386 = arith.constant 1 : i32
      scf.for %parallel_loop3A_388 = %parallel_loop3A_384 to %parallel_loop3A_385 step %parallel_loop3A_386  : i32 {
        %parallel_loop3A_389 = arith.constant 16 : i32
        %parallel_loop3A_390 = arith.muli %parallel_loop3A_388, %parallel_loop3A_389 : i32
        %parallel_loop3A_391 = arith.index_cast %parallel_loop3A_390 : i32 to index
        %parallel_loop3A_392 = tpu.vector_load %arg13[%parallel_loop3A_391] {strides = array<i32>} : memref<4000xi32, #tpu.memory_space<vmem>>, vector<16xi32>,
        %parallel_loop3A_393 = arith.index_cast %parallel_loop3A_390 : i32 to index
        %parallel_loop3A_394 = tpu.vector_load %arg14[%parallel_loop3A_393] {strides = array<i32>} : memref<4000xf32, #tpu.memory_space<vmem>>, vector<16xf32>,
        %parallel_loop3A_395 = arith.constant 65535 : i32
        %parallel_loop3A_396 = vector.broadcast %parallel_loop3A_395 : i32 to vector<16xi32>
        %parallel_loop3A_397 = arith.andi %parallel_loop3A_392, %parallel_loop3A_396 : vector<16xi32>
        %parallel_loop3A_398 = arith.constant 16 : i32
        %parallel_loop3A_399 = vector.broadcast %parallel_loop3A_398 : i32 to vector<16xi32>
        %parallel_loop3A_400 = arith.shrui %parallel_loop3A_392, %parallel_loop3A_399 : vector<16xi32>
        %parallel_loop3A_401 = tpu.vector_load_idx %arg10[%parallel_loop3A_397] : memref<50000xf32, #tpu.memory_space<vmem>>[vector<16xi32>], vector<16xf32>,
        %parallel_loop3A_402 = arith.mulf %parallel_loop3A_401, %parallel_loop3A_394 : vector<16xf32>
        %parallel_loop3A_403 = arith.addf %gather3A_378, %gather3A_383 : vector<16xf32>
        %parallel_loop3A_404 = arith.mulf %parallel_loop3A_402, %parallel_loop3A_403 : vector<16xf32>
        tpu.vector_store_idx %arg9[%parallel_loop3A_400], %parallel_loop3A_404 {add = true} : memref<50000xf32, #tpu.memory_space<vmem>>[vector<16xi32>], vector<16xf32>,
      } {sc.loop_unroll_factor = 8 : i64, sc.parallel_access}
      %scan3A_387 = arith.constant 0 : i32
      scf.yield %scan3A_387 : i32
    }
    %scan3A_54 = arith.constant 200 : i32
    %broadcast_in_dim3A_55 = arith.constant 33 : i32
    %broadcast_in_dim3A_56 = vector.broadcast %broadcast_in_dim3A_55 : i32 to vector<16xi32>
    %gather3A_57 = tpu.vector_load_idx %arg17[%broadcast_in_dim3A_56] : memref<64xf32, #tpu.memory_space<vmem>>[vector<16xi32>], vector<16xf32>,
    %parallel_loop3A_58 = arith.constant 0 : i32
    %parallel_loop3A_59 = arith.constant 3125 : i32
    %parallel_loop3A_60 = arith.constant 1 : i32
    scf.for %parallel_loop3A_283 = %parallel_loop3A_58 to %parallel_loop3A_59 step %parallel_loop3A_60  : i32 {
      %parallel_loop3A_284 = arith.constant 16 : i32
      %parallel_loop3A_285 = arith.muli %parallel_loop3A_283, %parallel_loop3A_284 : i32
      %parallel_loop3A_286 = arith.index_cast %parallel_loop3A_285 : i32 to index
      %parallel_loop3A_287 = tpu.vector_load %arg9[%parallel_loop3A_286] {strides = array<i32>} : memref<50000xf32, #tpu.memory_space<vmem>>, vector<16xf32>,
      %parallel_loop3A_288 = arith.index_cast %parallel_loop3A_285 : i32 to index
      %parallel_loop3A_289 = tpu.vector_load %arg10[%parallel_loop3A_288] {strides = array<i32>} : memref<50000xf32, #tpu.memory_space<vmem>>, vector<16xf32>,
      %parallel_loop3A_290 = arith.mulf %parallel_loop3A_289, %gather3A_57 : vector<16xf32>
      %parallel_loop3A_291 = arith.addf %parallel_loop3A_287, %parallel_loop3A_290 : vector<16xf32>
      %parallel_loop3A_292 = arith.index_cast %parallel_loop3A_285 : i32 to index
      %parallel_loop3A_293 = tpu.vector_load %arg9[%parallel_loop3A_292] {strides = array<i32>} : memref<50000xf32, #tpu.memory_space<vmem>>, vector<16xf32>,
      tpu.vector_store %arg9[%parallel_loop3A_292], %parallel_loop3A_291 {strides = array<i32>} : memref<50000xf32, #tpu.memory_space<vmem>>, vector<16xf32>,
    } {sc.loop_unroll_factor = 8 : i64, sc.parallel_access}
    %parallel_loop3A_61 = arith.constant 0 : i32
    %parallel_loop3A_62 = arith.constant 3125 : i32
    %parallel_loop3A_63 = arith.constant 1 : i32
    scf.for %parallel_loop3A_283 = %parallel_loop3A_61 to %parallel_loop3A_62 step %parallel_loop3A_63  : i32 {
      %parallel_loop3A_284 = arith.constant 0.000000e+00 : f32
      %parallel_loop3A_285 = vector.broadcast %parallel_loop3A_284 : f32 to vector<16xf32>
      %parallel_loop3A_286 = arith.constant 16 : i32
      %parallel_loop3A_287 = arith.muli %parallel_loop3A_283, %parallel_loop3A_286 : i32
      %parallel_loop3A_288 = arith.index_cast %parallel_loop3A_287 : i32 to index
      %parallel_loop3A_289 = tpu.vector_load %arg10[%parallel_loop3A_288] {strides = array<i32>} : memref<50000xf32, #tpu.memory_space<vmem>>, vector<16xf32>,
      tpu.vector_store %arg10[%parallel_loop3A_288], %parallel_loop3A_285 {strides = array<i32>} : memref<50000xf32, #tpu.memory_space<vmem>>, vector<16xf32>,
    } {sc.loop_unroll_factor = 8 : i64, sc.parallel_access}
    %dma_start3A_64 = arith.constant 0 : i32
    %dma_start3A_65 = tpu.memref_slice %arg2[%dma_start3A_64] : memref<1600000xi32, #tpu.memory_space<hbm>> -> memref<4000xi32, #tpu.memory_space<hbm>>
    %dma_start3A_66 = arith.constant 0 : i32
    %dma_start3A_67 = tpu.memref_slice %arg2[%dma_start3A_66] : memref<1600000xi32, #tpu.memory_space<hbm>> -> memref<4000xi32, #tpu.memory_space<hbm>>
    tpu.enqueue_dma source(%dma_start3A_67 : memref<4000xi32, #tpu.memory_space<hbm>>) target(%arg11 : memref<4000xi32, #tpu.memory_space<vmem>>) target_semaphore(%arg23 : memref<!tpu.dma_semaphore, #tpu.memory_space<semaphore_mem>>)
    %dma_start3A_68 = arith.constant 0 : i32
    %dma_start3A_69 = tpu.memref_slice %arg3[%dma_start3A_68] : memref<1600000xf32, #tpu.memory_space<hbm>> -> memref<4000xf32, #tpu.memory_space<hbm>>
    %dma_start3A_70 = arith.constant 0 : i32
    %dma_start3A_71 = tpu.memref_slice %arg3[%dma_start3A_70] : memref<1600000xf32, #tpu.memory_space<hbm>> -> memref<4000xf32, #tpu.memory_space<hbm>>
    tpu.enqueue_dma source(%dma_start3A_71 : memref<4000xf32, #tpu.memory_space<hbm>>) target(%arg12 : memref<4000xf32, #tpu.memory_space<vmem>>) target_semaphore(%arg23 : memref<!tpu.dma_semaphore, #tpu.memory_space<semaphore_mem>>)
    %scan3A_72 = arith.constant 0 : i32
    %scan3A_73 = arith.constant 0 : i32
    %scan3A_74 = arith.constant 200 : i32
    %scan3A_75 = arith.addi %scan3A_73, %scan3A_74 : i32
    %scan3A_76 = arith.constant 1 : i32
    %scan3A_77 = scf.for %scan3A_283 = %scan3A_73 to %scan3A_75 step %scan3A_76 iter_args(%scan3A_284 = %scan3A_72) -> (i32)  : i32 {
      %mul3A_285 = arith.constant 2 : i32
      %mul3A_286 = arith.muli %mul3A_285, %scan3A_283 : i32
      %add3A_287 = arith.constant 1 : i32
      %add3A_288 = arith.addi %mul3A_286, %add3A_287 : i32
      %mul3A_289 = arith.constant 4000 : i32
      %mul3A_290 = arith.muli %add3A_288, %mul3A_289 : i32
      %dma_start3A_291 = tpu.memref_slice %arg2[%mul3A_290] : memref<1600000xi32, #tpu.memory_space<hbm>> -> memref<4000xi32, #tpu.memory_space<hbm>>
      %dma_start3A_292 = tpu.memref_slice %arg2[%mul3A_290] : memref<1600000xi32, #tpu.memory_space<hbm>> -> memref<4000xi32, #tpu.memory_space<hbm>>
      tpu.enqueue_dma source(%dma_start3A_292 : memref<4000xi32, #tpu.memory_space<hbm>>) target(%arg13 : memref<4000xi32, #tpu.memory_space<vmem>>) target_semaphore(%arg24 : memref<!tpu.dma_semaphore, #tpu.memory_space<semaphore_mem>>)
      %mul3A_293 = arith.constant 4000 : i32
      %mul3A_294 = arith.muli %add3A_288, %mul3A_293 : i32
      %dma_start3A_295 = tpu.memref_slice %arg3[%mul3A_294] : memref<1600000xf32, #tpu.memory_space<hbm>> -> memref<4000xf32, #tpu.memory_space<hbm>>
      %dma_start3A_296 = tpu.memref_slice %arg3[%mul3A_294] : memref<1600000xf32, #tpu.memory_space<hbm>> -> memref<4000xf32, #tpu.memory_space<hbm>>
      tpu.enqueue_dma source(%dma_start3A_296 : memref<4000xf32, #tpu.memory_space<hbm>>) target(%arg14 : memref<4000xf32, #tpu.memory_space<vmem>>) target_semaphore(%arg24 : memref<!tpu.dma_semaphore, #tpu.memory_space<semaphore_mem>>)
      %dma_wait3A = arith.constant 0 : i32
      %dma_wait3A_297 = tpu.memref_slice %arg2[%dma_wait3A] : memref<1600000xi32, #tpu.memory_space<hbm>> -> memref<4000xi32, #tpu.memory_space<hbm>>
      %dma_wait3A_298 = arith.constant 0 : i32
      %dma_wait3A_299 = tpu.memref_slice %arg2[%dma_wait3A_298] : memref<1600000xi32, #tpu.memory_space<hbm>> -> memref<4000xi32, #tpu.memory_space<hbm>>
      tpu.wait_dma2 semaphore(%arg23 : memref<!tpu.dma_semaphore, #tpu.memory_space<semaphore_mem>>) src(%dma_wait3A_299 : memref<4000xi32, #tpu.memory_space<hbm>>) dst(%arg11 : memref<4000xi32, #tpu.memory_space<vmem>>)
      %dma_wait3A_300 = arith.constant 0 : i32
      %dma_wait3A_301 = tpu.memref_slice %arg3[%dma_wait3A_300] : memref<1600000xf32, #tpu.memory_space<hbm>> -> memref<4000xf32, #tpu.memory_space<hbm>>
      %dma_wait3A_302 = arith.constant 0 : i32
      %dma_wait3A_303 = tpu.memref_slice %arg3[%dma_wait3A_302] : memref<1600000xf32, #tpu.memory_space<hbm>> -> memref<4000xf32, #tpu.memory_space<hbm>>
      tpu.wait_dma2 semaphore(%arg23 : memref<!tpu.dma_semaphore, #tpu.memory_space<semaphore_mem>>) src(%dma_wait3A_303 : memref<4000xf32, #tpu.memory_space<hbm>>) dst(%arg12 : memref<4000xf32, #tpu.memory_space<vmem>>)
      %mul3A_304 = arith.constant 2 : i32
      %mul3A_305 = arith.muli %mul3A_304, %scan3A_283 : i32
      %jit3A = arith.constant 50 : i32
      %div3A_306 = arith.divsi %mul3A_305, %jit3A : i32
      %sign3A = arith.constant 0 : i32
      %sign3A_307 = arith.cmpi sgt, %mul3A_305, %sign3A : i32
      %sign3A_308 = arith.extui %sign3A_307 : i1 to i32
      %sign3A_309 = arith.constant 0 : i32
      %sign3A_310 = arith.cmpi slt, %mul3A_305, %sign3A_309 : i32
      %sign3A_311 = arith.extui %sign3A_310 : i1 to i32
      %sign3A_312 = arith.subi %sign3A_308, %sign3A_311 : i32
      %sign3A_313 = arith.constant 0 : i32
      %sign3A_314 = arith.cmpi sgt, %jit3A, %sign3A_313 : i32
      %sign3A_315 = arith.extui %sign3A_314 : i1 to i32
      %sign3A_316 = arith.constant 0 : i32
      %sign3A_317 = arith.cmpi slt, %jit3A, %sign3A_316 : i32
      %sign3A_318 = arith.extui %sign3A_317 : i1 to i32
      %sign3A_319 = arith.subi %sign3A_315, %sign3A_318 : i32
      %ne3A = arith.cmpi ne, %sign3A_312, %sign3A_319 : i32
      %rem3A = arith.remsi %mul3A_305, %jit3A : i32
      %ne3A_320 = arith.constant 0 : i32
      %ne3A_321 = arith.cmpi ne, %rem3A, %ne3A_320 : i32
      %and3A = arith.andi %ne3A, %ne3A_321 : i1
      %sub3A = arith.constant 1 : i32
      %sub3A_322 = arith.subi %div3A_306, %sub3A : i32
      %select_n3A = arith.select %and3A, %sub3A_322, %div3A_306 : i32
      %broadcast_in_dim3A_323 = arith.constant 34 : i32
      %broadcast_in_dim3A_324 = vector.broadcast %broadcast_in_dim3A_323 : i32 to vector<16xi32>
      %add3A_325 = vector.broadcast %select_n3A : i32 to vector<16xi32>
      %add3A_326 = arith.addi %broadcast_in_dim3A_324, %add3A_325 : vector<16xi32>
      %gather3A_327 = tpu.vector_load_idx %arg17[%add3A_326] : memref<64xf32, #tpu.memory_space<vmem>>[vector<16xi32>], vector<16xf32>,
      %broadcast_in_dim3A_328 = arith.constant 42 : i32
      %broadcast_in_dim3A_329 = vector.broadcast %broadcast_in_dim3A_328 : i32 to vector<16xi32>
      %add3A_330 = vector.broadcast %select_n3A : i32 to vector<16xi32>
      %add3A_331 = arith.addi %broadcast_in_dim3A_329, %add3A_330 : vector<16xi32>
      %gather3A_332 = tpu.vector_load_idx %arg17[%add3A_331] : memref<64xf32, #tpu.memory_space<vmem>>[vector<16xi32>], vector<16xf32>,
      %parallel_loop3A_333 = arith.constant 0 : i32
      %parallel_loop3A_334 = arith.constant 250 : i32
      %parallel_loop3A_335 = arith.constant 1 : i32
      scf.for %parallel_loop3A_388 = %parallel_loop3A_333 to %parallel_loop3A_334 step %parallel_loop3A_335  : i32 {
        %parallel_loop3A_389 = arith.constant 16 : i32
        %parallel_loop3A_390 = arith.muli %parallel_loop3A_388, %parallel_loop3A_389 : i32
        %parallel_loop3A_391 = arith.index_cast %parallel_loop3A_390 : i32 to index
        %parallel_loop3A_392 = tpu.vector_load %arg11[%parallel_loop3A_391] {strides = array<i32>} : memref<4000xi32, #tpu.memory_space<vmem>>, vector<16xi32>,
        %parallel_loop3A_393 = arith.index_cast %parallel_loop3A_390 : i32 to index
        %parallel_loop3A_394 = tpu.vector_load %arg12[%parallel_loop3A_393] {strides = array<i32>} : memref<4000xf32, #tpu.memory_space<vmem>>, vector<16xf32>,
        %parallel_loop3A_395 = arith.constant 65535 : i32
        %parallel_loop3A_396 = vector.broadcast %parallel_loop3A_395 : i32 to vector<16xi32>
        %parallel_loop3A_397 = arith.andi %parallel_loop3A_392, %parallel_loop3A_396 : vector<16xi32>
        %parallel_loop3A_398 = arith.constant 16 : i32
        %parallel_loop3A_399 = vector.broadcast %parallel_loop3A_398 : i32 to vector<16xi32>
        %parallel_loop3A_400 = arith.shrui %parallel_loop3A_392, %parallel_loop3A_399 : vector<16xi32>
        %parallel_loop3A_401 = tpu.vector_load_idx %arg9[%parallel_loop3A_397] : memref<50000xf32, #tpu.memory_space<vmem>>[vector<16xi32>], vector<16xf32>,
        %parallel_loop3A_402 = arith.mulf %parallel_loop3A_401, %parallel_loop3A_394 : vector<16xf32>
        %parallel_loop3A_403 = arith.addf %gather3A_327, %gather3A_332 : vector<16xf32>
        %parallel_loop3A_404 = arith.mulf %parallel_loop3A_402, %parallel_loop3A_403 : vector<16xf32>
        tpu.vector_store_idx %arg10[%parallel_loop3A_400], %parallel_loop3A_404 {add = true} : memref<50000xf32, #tpu.memory_space<vmem>>[vector<16xi32>], vector<16xf32>,
      } {sc.loop_unroll_factor = 8 : i64, sc.parallel_access}
      %lt3A = arith.constant 199 : i32
      %lt3A_336 = arith.cmpi slt, %scan3A_283, %lt3A : i32
      %convert_element_type3A = arith.extui %lt3A_336 : i1 to i32
      %cond3A = arith.constant 0 : i32
      %cond3A_337 = arith.cmpi ne, %convert_element_type3A, %cond3A : i32
      scf.if %cond3A_337 {
        %mul3A_388 = arith.constant 2 : i32
        %mul3A_389 = arith.muli %mul3A_388, %scan3A_283 : i32
        %add3A_390 = arith.constant 2 : i32
        %add3A_391 = arith.addi %mul3A_389, %add3A_390 : i32
        %mul3A_392 = arith.constant 4000 : i32
        %mul3A_393 = arith.muli %add3A_391, %mul3A_392 : i32
        %dma_start3A_394 = tpu.memref_slice %arg2[%mul3A_393] : memref<1600000xi32, #tpu.memory_space<hbm>> -> memref<4000xi32, #tpu.memory_space<hbm>>
        %dma_start3A_395 = tpu.memref_slice %arg2[%mul3A_393] : memref<1600000xi32, #tpu.memory_space<hbm>> -> memref<4000xi32, #tpu.memory_space<hbm>>
        tpu.enqueue_dma source(%dma_start3A_395 : memref<4000xi32, #tpu.memory_space<hbm>>) target(%arg11 : memref<4000xi32, #tpu.memory_space<vmem>>) target_semaphore(%arg23 : memref<!tpu.dma_semaphore, #tpu.memory_space<semaphore_mem>>)
        %mul3A_396 = arith.constant 4000 : i32
        %mul3A_397 = arith.muli %add3A_391, %mul3A_396 : i32
        %dma_start3A_398 = tpu.memref_slice %arg3[%mul3A_397] : memref<1600000xf32, #tpu.memory_space<hbm>> -> memref<4000xf32, #tpu.memory_space<hbm>>
        %dma_start3A_399 = tpu.memref_slice %arg3[%mul3A_397] : memref<1600000xf32, #tpu.memory_space<hbm>> -> memref<4000xf32, #tpu.memory_space<hbm>>
        tpu.enqueue_dma source(%dma_start3A_399 : memref<4000xf32, #tpu.memory_space<hbm>>) target(%arg12 : memref<4000xf32, #tpu.memory_space<vmem>>) target_semaphore(%arg23 : memref<!tpu.dma_semaphore, #tpu.memory_space<semaphore_mem>>)
      } else {
      }
      %dma_wait3A_338 = arith.constant 0 : i32
      %dma_wait3A_339 = tpu.memref_slice %arg2[%dma_wait3A_338] : memref<1600000xi32, #tpu.memory_space<hbm>> -> memref<4000xi32, #tpu.memory_space<hbm>>
      %dma_wait3A_340 = arith.constant 0 : i32
      %dma_wait3A_341 = tpu.memref_slice %arg2[%dma_wait3A_340] : memref<1600000xi32, #tpu.memory_space<hbm>> -> memref<4000xi32, #tpu.memory_space<hbm>>
      tpu.wait_dma2 semaphore(%arg24 : memref<!tpu.dma_semaphore, #tpu.memory_space<semaphore_mem>>) src(%dma_wait3A_341 : memref<4000xi32, #tpu.memory_space<hbm>>) dst(%arg13 : memref<4000xi32, #tpu.memory_space<vmem>>)
      %dma_wait3A_342 = arith.constant 0 : i32
      %dma_wait3A_343 = tpu.memref_slice %arg3[%dma_wait3A_342] : memref<1600000xf32, #tpu.memory_space<hbm>> -> memref<4000xf32, #tpu.memory_space<hbm>>
      %dma_wait3A_344 = arith.constant 0 : i32
      %dma_wait3A_345 = tpu.memref_slice %arg3[%dma_wait3A_344] : memref<1600000xf32, #tpu.memory_space<hbm>> -> memref<4000xf32, #tpu.memory_space<hbm>>
      tpu.wait_dma2 semaphore(%arg24 : memref<!tpu.dma_semaphore, #tpu.memory_space<semaphore_mem>>) src(%dma_wait3A_345 : memref<4000xf32, #tpu.memory_space<hbm>>) dst(%arg14 : memref<4000xf32, #tpu.memory_space<vmem>>)
      %mul3A_346 = arith.constant 2 : i32
      %mul3A_347 = arith.muli %mul3A_346, %scan3A_283 : i32
      %add3A_348 = arith.constant 1 : i32
      %add3A_349 = arith.addi %mul3A_347, %add3A_348 : i32
      %jit3A_350 = arith.constant 50 : i32
      %div3A_351 = arith.divsi %add3A_349, %jit3A_350 : i32
      %sign3A_352 = arith.constant 0 : i32
      %sign3A_353 = arith.cmpi sgt, %add3A_349, %sign3A_352 : i32
      %sign3A_354 = arith.extui %sign3A_353 : i1 to i32
      %sign3A_355 = arith.constant 0 : i32
      %sign3A_356 = arith.cmpi slt, %add3A_349, %sign3A_355 : i32
      %sign3A_357 = arith.extui %sign3A_356 : i1 to i32
      %sign3A_358 = arith.subi %sign3A_354, %sign3A_357 : i32
      %sign3A_359 = arith.constant 0 : i32
      %sign3A_360 = arith.cmpi sgt, %jit3A_350, %sign3A_359 : i32
      %sign3A_361 = arith.extui %sign3A_360 : i1 to i32
      %sign3A_362 = arith.constant 0 : i32
      %sign3A_363 = arith.cmpi slt, %jit3A_350, %sign3A_362 : i32
      %sign3A_364 = arith.extui %sign3A_363 : i1 to i32
      %sign3A_365 = arith.subi %sign3A_361, %sign3A_364 : i32
      %ne3A_366 = arith.cmpi ne, %sign3A_358, %sign3A_365 : i32
      %rem3A_367 = arith.remsi %add3A_349, %jit3A_350 : i32
      %ne3A_368 = arith.constant 0 : i32
      %ne3A_369 = arith.cmpi ne, %rem3A_367, %ne3A_368 : i32
      %and3A_370 = arith.andi %ne3A_366, %ne3A_369 : i1
      %sub3A_371 = arith.constant 1 : i32
      %sub3A_372 = arith.subi %div3A_351, %sub3A_371 : i32
      %select_n3A_373 = arith.select %and3A_370, %sub3A_372, %div3A_351 : i32
      %broadcast_in_dim3A_374 = arith.constant 34 : i32
      %broadcast_in_dim3A_375 = vector.broadcast %broadcast_in_dim3A_374 : i32 to vector<16xi32>
      %add3A_376 = vector.broadcast %select_n3A_373 : i32 to vector<16xi32>
      %add3A_377 = arith.addi %broadcast_in_dim3A_375, %add3A_376 : vector<16xi32>
      %gather3A_378 = tpu.vector_load_idx %arg17[%add3A_377] : memref<64xf32, #tpu.memory_space<vmem>>[vector<16xi32>], vector<16xf32>,
      %broadcast_in_dim3A_379 = arith.constant 42 : i32
      %broadcast_in_dim3A_380 = vector.broadcast %broadcast_in_dim3A_379 : i32 to vector<16xi32>
      %add3A_381 = vector.broadcast %select_n3A_373 : i32 to vector<16xi32>
      %add3A_382 = arith.addi %broadcast_in_dim3A_380, %add3A_381 : vector<16xi32>
      %gather3A_383 = tpu.vector_load_idx %arg17[%add3A_382] : memref<64xf32, #tpu.memory_space<vmem>>[vector<16xi32>], vector<16xf32>,
      %parallel_loop3A_384 = arith.constant 0 : i32
      %parallel_loop3A_385 = arith.constant 250 : i32
      %parallel_loop3A_386 = arith.constant 1 : i32
      scf.for %parallel_loop3A_388 = %parallel_loop3A_384 to %parallel_loop3A_385 step %parallel_loop3A_386  : i32 {
        %parallel_loop3A_389 = arith.constant 16 : i32
        %parallel_loop3A_390 = arith.muli %parallel_loop3A_388, %parallel_loop3A_389 : i32
        %parallel_loop3A_391 = arith.index_cast %parallel_loop3A_390 : i32 to index
        %parallel_loop3A_392 = tpu.vector_load %arg13[%parallel_loop3A_391] {strides = array<i32>} : memref<4000xi32, #tpu.memory_space<vmem>>, vector<16xi32>,
        %parallel_loop3A_393 = arith.index_cast %parallel_loop3A_390 : i32 to index
        %parallel_loop3A_394 = tpu.vector_load %arg14[%parallel_loop3A_393] {strides = array<i32>} : memref<4000xf32, #tpu.memory_space<vmem>>, vector<16xf32>,
        %parallel_loop3A_395 = arith.constant 65535 : i32
        %parallel_loop3A_396 = vector.broadcast %parallel_loop3A_395 : i32 to vector<16xi32>
        %parallel_loop3A_397 = arith.andi %parallel_loop3A_392, %parallel_loop3A_396 : vector<16xi32>
        %parallel_loop3A_398 = arith.constant 16 : i32
        %parallel_loop3A_399 = vector.broadcast %parallel_loop3A_398 : i32 to vector<16xi32>
        %parallel_loop3A_400 = arith.shrui %parallel_loop3A_392, %parallel_loop3A_399 : vector<16xi32>
        %parallel_loop3A_401 = tpu.vector_load_idx %arg9[%parallel_loop3A_397] : memref<50000xf32, #tpu.memory_space<vmem>>[vector<16xi32>], vector<16xf32>,
        %parallel_loop3A_402 = arith.mulf %parallel_loop3A_401, %parallel_loop3A_394 : vector<16xf32>
        %parallel_loop3A_403 = arith.addf %gather3A_378, %gather3A_383 : vector<16xf32>
        %parallel_loop3A_404 = arith.mulf %parallel_loop3A_402, %parallel_loop3A_403 : vector<16xf32>
        tpu.vector_store_idx %arg10[%parallel_loop3A_400], %parallel_loop3A_404 {add = true} : memref<50000xf32, #tpu.memory_space<vmem>>[vector<16xi32>], vector<16xf32>,
      } {sc.loop_unroll_factor = 8 : i64, sc.parallel_access}
      %scan3A_387 = arith.constant 0 : i32
      scf.yield %scan3A_387 : i32
    }
    %scan3A_78 = arith.constant 200 : i32
    %broadcast_in_dim3A_79 = arith.constant 50 : i32
    %broadcast_in_dim3A_80 = vector.broadcast %broadcast_in_dim3A_79 : i32 to vector<16xi32>
    %gather3A_81 = tpu.vector_load_idx %arg17[%broadcast_in_dim3A_80] : memref<64xf32, #tpu.memory_space<vmem>>[vector<16xi32>], vector<16xf32>,
    %parallel_loop3A_82 = arith.constant 0 : i32
    %parallel_loop3A_83 = arith.constant 3125 : i32
    %parallel_loop3A_84 = arith.constant 1 : i32
    scf.for %parallel_loop3A_283 = %parallel_loop3A_82 to %parallel_loop3A_83 step %parallel_loop3A_84  : i32 {
      %parallel_loop3A_284 = arith.constant 16 : i32
      %parallel_loop3A_285 = arith.muli %parallel_loop3A_283, %parallel_loop3A_284 : i32
      %parallel_loop3A_286 = arith.index_cast %parallel_loop3A_285 : i32 to index
      %parallel_loop3A_287 = tpu.vector_load %arg10[%parallel_loop3A_286] {strides = array<i32>} : memref<50000xf32, #tpu.memory_space<vmem>>, vector<16xf32>,
      %parallel_loop3A_288 = arith.index_cast %parallel_loop3A_285 : i32 to index
      %parallel_loop3A_289 = tpu.vector_load %arg9[%parallel_loop3A_288] {strides = array<i32>} : memref<50000xf32, #tpu.memory_space<vmem>>, vector<16xf32>,
      %parallel_loop3A_290 = arith.mulf %parallel_loop3A_289, %gather3A_81 : vector<16xf32>
      %parallel_loop3A_291 = arith.addf %parallel_loop3A_287, %parallel_loop3A_290 : vector<16xf32>
      %parallel_loop3A_292 = arith.index_cast %parallel_loop3A_285 : i32 to index
      %parallel_loop3A_293 = tpu.vector_load %arg10[%parallel_loop3A_292] {strides = array<i32>} : memref<50000xf32, #tpu.memory_space<vmem>>, vector<16xf32>,
      tpu.vector_store %arg10[%parallel_loop3A_292], %parallel_loop3A_291 {strides = array<i32>} : memref<50000xf32, #tpu.memory_space<vmem>>, vector<16xf32>,
    } {sc.loop_unroll_factor = 8 : i64, sc.parallel_access}
    %gather3A_85 = tpu.vector_load_idx %arg10[%gather3A_10] : memref<50000xf32, #tpu.memory_space<vmem>>[vector<16xi32>], vector<16xf32>,
    %broadcast_in_dim3A_86 = arith.constant 0.000000e+00 : f32
    %broadcast_in_dim3A_87 = vector.broadcast %broadcast_in_dim3A_86 : f32 to vector<16xf32>
    %swap3A = arith.constant 0 : index
    %swap3A_88 = tpu.vector_load %arg20[%swap3A] {strides = array<i32>} : memref<16xf32, #tpu.memory_space<vmem>>, vector<16xf32>,
    tpu.vector_store %arg20[%swap3A], %broadcast_in_dim3A_87 {strides = array<i32>} : memref<16xf32, #tpu.memory_space<vmem>>, vector<16xf32>,
    %broadcast_in_dim3A_89 = arith.constant 0 : i32
    %broadcast_in_dim3A_90 = vector.broadcast %broadcast_in_dim3A_89 : i32 to vector<16xi32>
    %swap3A_91 = arith.constant 0 : index
    %swap3A_92 = tpu.vector_load %arg21[%swap3A_91] {strides = array<i32>} : memref<16xi32, #tpu.memory_space<vmem>>, vector<16xi32>,
    tpu.vector_store %arg21[%swap3A_91], %broadcast_in_dim3A_90 {strides = array<i32>} : memref<16xi32, #tpu.memory_space<vmem>>, vector<16xi32>,
    %broadcast_in_dim3A_93 = arith.constant 0 : i32
    %broadcast_in_dim3A_94 = vector.broadcast %broadcast_in_dim3A_93 : i32 to vector<16xi32>
    %swap3A_95 = arith.constant 0 : index
    %swap3A_96 = tpu.vector_load %arg22[%swap3A_95] {strides = array<i32>} : memref<16xi32, #tpu.memory_space<vmem>>, vector<16xi32>,
    tpu.vector_store %arg22[%swap3A_95], %broadcast_in_dim3A_94 {strides = array<i32>} : memref<16xi32, #tpu.memory_space<vmem>>, vector<16xi32>,
    %scan3A_97 = arith.constant 0 : i32
    %scan3A_98 = arith.constant 0 : i32
    %scan3A_99 = arith.constant 3125 : i32
    %scan3A_100 = arith.addi %scan3A_98, %scan3A_99 : i32
    %scan3A_101 = arith.constant 1 : i32
    %scan3A_102 = scf.for %scan3A_283 = %scan3A_98 to %scan3A_100 step %scan3A_101 iter_args(%scan3A_284 = %scan3A_97) -> (i32)  : i32 {
      %mul3A_285 = arith.constant 16 : i32
      %mul3A_286 = arith.muli %scan3A_283, %mul3A_285 : i32
      %get3A_287 = arith.index_cast %mul3A_286 : i32 to index
      %get3A_288 = tpu.vector_load %arg10[%get3A_287] {strides = array<i32>} : memref<50000xf32, #tpu.memory_space<vmem>>, vector<16xf32>,
      %broadcast_in_dim3A_289 = arith.constant 0 : i32
      %broadcast_in_dim3A_290 = vector.broadcast %broadcast_in_dim3A_289 : i32 to vector<16xi32>
      %mul3A_291 = arith.constant 16 : i32
      %mul3A_292 = arith.muli %scan3A_283, %mul3A_291 : i32
      %add3A_293 = vector.broadcast %mul3A_292 : i32 to vector<16xi32>
      %add3A_294 = arith.addi %broadcast_in_dim3A_290, %add3A_293 : vector<16xi32>
      %add3A_295 = arith.addi %add3A_294, %iota3A : vector<16xi32>
      %get3A_296 = arith.constant 0 : index
      %get3A_297 = tpu.vector_load %arg20[%get3A_296] {strides = array<i32>} : memref<16xf32, #tpu.memory_space<vmem>>, vector<16xf32>,
      %add3A_298 = arith.addf %get3A_297, %get3A_288 : vector<16xf32>
      %swap3A_299 = arith.constant 0 : index
      %swap3A_300 = tpu.vector_load %arg20[%swap3A_299] {strides = array<i32>} : memref<16xf32, #tpu.memory_space<vmem>>, vector<16xf32>,
      tpu.vector_store %arg20[%swap3A_299], %add3A_298 {strides = array<i32>} : memref<16xf32, #tpu.memory_space<vmem>>, vector<16xf32>,
      %get3A_301 = arith.constant 0 : index
      %get3A_302 = tpu.vector_load %arg21[%get3A_301] {strides = array<i32>} : memref<16xi32, #tpu.memory_space<vmem>>, vector<16xi32>,
      %gt3A = arith.cmpf ogt, %get3A_288, %gather3A_85 : vector<16xf32>
      %convert_element_type3A = arith.extui %gt3A : vector<16xi1> to vector<16xi32>
      %add3A_303 = arith.addi %get3A_302, %convert_element_type3A : vector<16xi32>
      %swap3A_304 = arith.constant 0 : index
      %swap3A_305 = tpu.vector_load %arg21[%swap3A_304] {strides = array<i32>} : memref<16xi32, #tpu.memory_space<vmem>>, vector<16xi32>,
      tpu.vector_store %arg21[%swap3A_304], %add3A_303 {strides = array<i32>} : memref<16xi32, #tpu.memory_space<vmem>>, vector<16xi32>,
      %get3A_306 = arith.constant 0 : index
      %get3A_307 = tpu.vector_load %arg22[%get3A_306] {strides = array<i32>} : memref<16xi32, #tpu.memory_space<vmem>>, vector<16xi32>,
      %eq3A_308 = arith.cmpf oeq, %get3A_288, %gather3A_85 : vector<16xf32>
      %lt3A = arith.cmpi slt, %add3A_295, %gather3A_10 : vector<16xi32>
      %and3A = arith.andi %eq3A_308, %lt3A : vector<16xi1>
      %convert_element_type3A_309 = arith.extui %and3A : vector<16xi1> to vector<16xi32>
      %add3A_310 = arith.addi %get3A_307, %convert_element_type3A_309 : vector<16xi32>
      %swap3A_311 = arith.constant 0 : index
      %swap3A_312 = tpu.vector_load %arg22[%swap3A_311] {strides = array<i32>} : memref<16xi32, #tpu.memory_space<vmem>>, vector<16xi32>,
      tpu.vector_store %arg22[%swap3A_311], %add3A_310 {strides = array<i32>} : memref<16xi32, #tpu.memory_space<vmem>>, vector<16xi32>,
      %scan3A_313 = arith.constant 0 : i32
      scf.yield %scan3A_313 : i32
    }
    %scan3A_103 = arith.constant 3125 : i32
    %get3A = arith.constant 0 : index
    %get3A_104 = tpu.vector_load %arg20[%get3A] {strides = array<i32>} : memref<16xf32, #tpu.memory_space<vmem>>, vector<16xf32>,
    %reduce_sum3A = arith.constant true
    %reduce_sum3A_105 = vector.broadcast %reduce_sum3A : i1 to vector<16xi1>
    %reduce_sum3A_106 = tpu.scan <sum>, %get3A_104 masked %reduce_sum3A_105 : vector<16xf32>, vector<16xi1> -> vector<16xf32>
    %reduce_sum3A_107 = vector.extract %reduce_sum3A_106[15] : f32 from vector<16xf32>
    %get3A_108 = arith.constant 0 : index
    %get3A_109 = tpu.vector_load %arg21[%get3A_108] {strides = array<i32>} : memref<16xi32, #tpu.memory_space<vmem>>, vector<16xi32>,
    %reduce_sum3A_110 = arith.constant true
    %reduce_sum3A_111 = vector.broadcast %reduce_sum3A_110 : i1 to vector<16xi1>
    %reduce_sum3A_112 = tpu.scan <sum>, %get3A_109 masked %reduce_sum3A_111 : vector<16xi32>, vector<16xi1> -> vector<16xi32>
    %reduce_sum3A_113 = vector.extract %reduce_sum3A_112[15] : i32 from vector<16xi32>
    %get3A_114 = arith.constant 0 : index
    %get3A_115 = tpu.vector_load %arg22[%get3A_114] {strides = array<i32>} : memref<16xi32, #tpu.memory_space<vmem>>, vector<16xi32>,
    %reduce_sum3A_116 = arith.constant true
    %reduce_sum3A_117 = vector.broadcast %reduce_sum3A_116 : i1 to vector<16xi1>
    %reduce_sum3A_118 = tpu.scan <sum>, %get3A_115 masked %reduce_sum3A_117 : vector<16xi32>, vector<16xi1> -> vector<16xi32>
    %reduce_sum3A_119 = vector.extract %reduce_sum3A_118[15] : i32 from vector<16xi32>
    %add3A_120 = arith.addi %reduce_sum3A_113, %reduce_sum3A_119 : i32
    %max3A = arith.constant 9.99999968E-21 : f32
    %max3A_121 = arith.maximumf %max3A, %reduce_sum3A_107 : f32
    %div3A = vector.broadcast %max3A_121 : f32 to vector<16xf32>
    %div3A_122 = arith.divf %gather3A_85, %div3A : vector<16xf32>
    %max3A_123 = arith.constant 9.99999968E-21 : f32
    %max3A_124 = vector.broadcast %max3A_123 : f32 to vector<16xf32>
    %max3A_125 = arith.maximumf %max3A_124, %div3A_122 : vector<16xf32>
    %swap3A_126 = arith.constant 0 : index
    %swap3A_127 = tpu.vector_load %arg18[%swap3A_126] {strides = array<i32>} : memref<16xf32, #tpu.memory_space<vmem>>, vector<16xf32>,
    tpu.vector_store %arg18[%swap3A_126], %max3A_125 {strides = array<i32>} : memref<16xf32, #tpu.memory_space<vmem>>, vector<16xf32>,
    %broadcast_in_dim3A_128 = arith.constant 0 : i32
    %broadcast_in_dim3A_129 = vector.broadcast %broadcast_in_dim3A_128 : i32 to vector<16xi32>
    %add3A_130 = vector.broadcast %add3A_120 : i32 to vector<16xi32>
    %add3A_131 = arith.addi %broadcast_in_dim3A_129, %add3A_130 : vector<16xi32>
    %swap3A_132 = arith.constant 0 : index
    %swap3A_133 = tpu.vector_load %arg19[%swap3A_132] {strides = array<i32>} : memref<16xi32, #tpu.memory_space<vmem>>, vector<16xi32>,
    tpu.vector_store %arg19[%swap3A_132], %add3A_131 {strides = array<i32>} : memref<16xi32, #tpu.memory_space<vmem>>, vector<16xi32>,
    %mul3A_134 = arith.constant 16 : i32
    %mul3A_135 = arith.muli %add3A_4, %mul3A_134 : i32
    "tpu.region"() ({
      %run_scoped3A = tpu.sem_alloc : memref<!tpu.dma_semaphore, #tpu.memory_space<semaphore_mem>>
      %dma_start3A_283 = tpu.memref_slice %arg7[%mul3A_135] : memref<1024xf32, #tpu.memory_space<hbm>> -> memref<16xf32, #tpu.memory_space<hbm>>
      %dma_start3A_284 = tpu.memref_slice %arg7[%mul3A_135] : memref<1024xf32, #tpu.memory_space<hbm>> -> memref<16xf32, #tpu.memory_space<hbm>>
      tpu.enqueue_dma source(%arg18 : memref<16xf32, #tpu.memory_space<vmem>>) target(%dma_start3A_284 : memref<16xf32, #tpu.memory_space<hbm>>) target_semaphore(%run_scoped3A : memref<!tpu.dma_semaphore, #tpu.memory_space<semaphore_mem>>)
      %dma_wait3A = tpu.memref_slice %arg7[%mul3A_135] : memref<1024xf32, #tpu.memory_space<hbm>> -> memref<16xf32, #tpu.memory_space<hbm>>
      %dma_wait3A_285 = tpu.memref_slice %arg7[%mul3A_135] : memref<1024xf32, #tpu.memory_space<hbm>> -> memref<16xf32, #tpu.memory_space<hbm>>
      tpu.wait_dma2 semaphore(%run_scoped3A : memref<!tpu.dma_semaphore, #tpu.memory_space<semaphore_mem>>) src(%arg18 : memref<16xf32, #tpu.memory_space<vmem>>) dst(%dma_wait3A_285 : memref<16xf32, #tpu.memory_space<hbm>>)
      tpu.yield
    }) : () -> ()
    %mul3A_136 = arith.constant 16 : i32
    %mul3A_137 = arith.muli %add3A_4, %mul3A_136 : i32
    "tpu.region"() ({
      %run_scoped3A = tpu.sem_alloc : memref<!tpu.dma_semaphore, #tpu.memory_space<semaphore_mem>>
      %dma_start3A_283 = tpu.memref_slice %arg8[%mul3A_137] : memref<1024xi32, #tpu.memory_space<hbm>> -> memref<16xi32, #tpu.memory_space<hbm>>
      %dma_start3A_284 = tpu.memref_slice %arg8[%mul3A_137] : memref<1024xi32, #tpu.memory_space<hbm>> -> memref<16xi32, #tpu.memory_space<hbm>>
      tpu.enqueue_dma source(%arg19 : memref<16xi32, #tpu.memory_space<vmem>>) target(%dma_start3A_284 : memref<16xi32, #tpu.memory_space<hbm>>) target_semaphore(%run_scoped3A : memref<!tpu.dma_semaphore, #tpu.memory_space<semaphore_mem>>)
      %dma_wait3A = tpu.memref_slice %arg8[%mul3A_137] : memref<1024xi32, #tpu.memory_space<hbm>> -> memref<16xi32, #tpu.memory_space<hbm>>
      %dma_wait3A_285 = tpu.memref_slice %arg8[%mul3A_137] : memref<1024xi32, #tpu.memory_space<hbm>> -> memref<16xi32, #tpu.memory_space<hbm>>
      tpu.wait_dma2 semaphore(%run_scoped3A : memref<!tpu.dma_semaphore, #tpu.memory_space<semaphore_mem>>) src(%arg19 : memref<16xi32, #tpu.memory_space<vmem>>) dst(%dma_wait3A_285 : memref<16xi32, #tpu.memory_space<hbm>>)
      tpu.yield
    }) : () -> ()
    %add3A_138 = arith.constant 32 : i32
    %add3A_139 = arith.addi %add3A, %add3A_138 : i32
    %mul3A_140 = arith.constant 64 : i32
    %mul3A_141 = arith.muli %add3A_139, %mul3A_140 : i32
    "tpu.region"() ({
      %run_scoped3A = tpu.sem_alloc : memref<!tpu.dma_semaphore, #tpu.memory_space<semaphore_mem>>
      %dma_start3A_283 = tpu.memref_slice %arg6[%mul3A_141] : memref<4096xf32, #tpu.memory_space<hbm>> -> memref<64xf32, #tpu.memory_space<hbm>>
      %dma_start3A_284 = tpu.memref_slice %arg6[%mul3A_141] : memref<4096xf32, #tpu.memory_space<hbm>> -> memref<64xf32, #tpu.memory_space<hbm>>
      tpu.enqueue_dma source(%dma_start3A_284 : memref<64xf32, #tpu.memory_space<hbm>>) target(%arg17 : memref<64xf32, #tpu.memory_space<vmem>>) target_semaphore(%run_scoped3A : memref<!tpu.dma_semaphore, #tpu.memory_space<semaphore_mem>>)
      %dma_wait3A = tpu.memref_slice %arg6[%mul3A_141] : memref<4096xf32, #tpu.memory_space<hbm>> -> memref<64xf32, #tpu.memory_space<hbm>>
      %dma_wait3A_285 = tpu.memref_slice %arg6[%mul3A_141] : memref<4096xf32, #tpu.memory_space<hbm>> -> memref<64xf32, #tpu.memory_space<hbm>>
      tpu.wait_dma2 semaphore(%run_scoped3A : memref<!tpu.dma_semaphore, #tpu.memory_space<semaphore_mem>>) src(%dma_wait3A_285 : memref<64xf32, #tpu.memory_space<hbm>>) dst(%arg17 : memref<64xf32, #tpu.memory_space<vmem>>)
      tpu.yield
    }) : () -> ()
    %broadcast_in_dim3A_142 = arith.constant 0 : i32
    %broadcast_in_dim3A_143 = vector.broadcast %broadcast_in_dim3A_142 : i32 to vector<16xi32>
    %add3A_144 = vector.broadcast %add3A_139 : i32 to vector<16xi32>
    %add3A_145 = arith.addi %broadcast_in_dim3A_143, %add3A_144 : vector<16xi32>
    %gather3A_146 = tpu.vector_load_idx %arg15[%add3A_145] : memref<64xi32, #tpu.memory_space<vmem>>[vector<16xi32>], vector<16xi32>,
    %gather3A_147 = tpu.vector_load_idx %arg16[%add3A_145] : memref<64xi32, #tpu.memory_space<vmem>>[vector<16xi32>], vector<16xi32>,
    %parallel_loop3A_148 = arith.constant 0 : i32
    %parallel_loop3A_149 = arith.constant 3125 : i32
    %parallel_loop3A_150 = arith.constant 1 : i32
    scf.for %parallel_loop3A_283 = %parallel_loop3A_148 to %parallel_loop3A_149 step %parallel_loop3A_150  : i32 {
      %parallel_loop3A_284 = arith.constant 0.000000e+00 : f32
      %parallel_loop3A_285 = vector.broadcast %parallel_loop3A_284 : f32 to vector<16xf32>
      %parallel_loop3A_286 = arith.constant 16 : i32
      %parallel_loop3A_287 = arith.muli %parallel_loop3A_283, %parallel_loop3A_286 : i32
      %parallel_loop3A_288 = arith.index_cast %parallel_loop3A_287 : i32 to index
      %parallel_loop3A_289 = tpu.vector_load %arg9[%parallel_loop3A_288] {strides = array<i32>} : memref<50000xf32, #tpu.memory_space<vmem>>, vector<16xf32>,
      tpu.vector_store %arg9[%parallel_loop3A_288], %parallel_loop3A_285 {strides = array<i32>} : memref<50000xf32, #tpu.memory_space<vmem>>, vector<16xf32>,
    } {sc.loop_unroll_factor = 8 : i64, sc.parallel_access}
    %broadcast_in_dim3A_151 = arith.constant 1.000000e+00 : f32
    %broadcast_in_dim3A_152 = vector.broadcast %broadcast_in_dim3A_151 : f32 to vector<16xf32>
    tpu.vector_store_idx %arg9[%gather3A_146], %broadcast_in_dim3A_152 masked %eq3A_2 : memref<50000xf32, #tpu.memory_space<vmem>>[vector<16xi32>], vector<16xf32>, vector<16xi1>
    %parallel_loop3A_153 = arith.constant 0 : i32
    %parallel_loop3A_154 = arith.constant 3125 : i32
    %parallel_loop3A_155 = arith.constant 1 : i32
    scf.for %parallel_loop3A_283 = %parallel_loop3A_153 to %parallel_loop3A_154 step %parallel_loop3A_155  : i32 {
      %parallel_loop3A_284 = arith.constant 0.000000e+00 : f32
      %parallel_loop3A_285 = vector.broadcast %parallel_loop3A_284 : f32 to vector<16xf32>
      %parallel_loop3A_286 = arith.constant 16 : i32
      %parallel_loop3A_287 = arith.muli %parallel_loop3A_283, %parallel_loop3A_286 : i32
      %parallel_loop3A_288 = arith.index_cast %parallel_loop3A_287 : i32 to index
      %parallel_loop3A_289 = tpu.vector_load %arg10[%parallel_loop3A_288] {strides = array<i32>} : memref<50000xf32, #tpu.memory_space<vmem>>, vector<16xf32>,
      tpu.vector_store %arg10[%parallel_loop3A_288], %parallel_loop3A_285 {strides = array<i32>} : memref<50000xf32, #tpu.memory_space<vmem>>, vector<16xf32>,
    } {sc.loop_unroll_factor = 8 : i64, sc.parallel_access}
    %dma_start3A_156 = arith.constant 0 : i32
    %dma_start3A_157 = tpu.memref_slice %arg2[%dma_start3A_156] : memref<1600000xi32, #tpu.memory_space<hbm>> -> memref<4000xi32, #tpu.memory_space<hbm>>
    %dma_start3A_158 = arith.constant 0 : i32
    %dma_start3A_159 = tpu.memref_slice %arg2[%dma_start3A_158] : memref<1600000xi32, #tpu.memory_space<hbm>> -> memref<4000xi32, #tpu.memory_space<hbm>>
    tpu.enqueue_dma source(%dma_start3A_159 : memref<4000xi32, #tpu.memory_space<hbm>>) target(%arg11 : memref<4000xi32, #tpu.memory_space<vmem>>) target_semaphore(%arg23 : memref<!tpu.dma_semaphore, #tpu.memory_space<semaphore_mem>>)
    %dma_start3A_160 = arith.constant 0 : i32
    %dma_start3A_161 = tpu.memref_slice %arg3[%dma_start3A_160] : memref<1600000xf32, #tpu.memory_space<hbm>> -> memref<4000xf32, #tpu.memory_space<hbm>>
    %dma_start3A_162 = arith.constant 0 : i32
    %dma_start3A_163 = tpu.memref_slice %arg3[%dma_start3A_162] : memref<1600000xf32, #tpu.memory_space<hbm>> -> memref<4000xf32, #tpu.memory_space<hbm>>
    tpu.enqueue_dma source(%dma_start3A_163 : memref<4000xf32, #tpu.memory_space<hbm>>) target(%arg12 : memref<4000xf32, #tpu.memory_space<vmem>>) target_semaphore(%arg23 : memref<!tpu.dma_semaphore, #tpu.memory_space<semaphore_mem>>)
    %scan3A_164 = arith.constant 0 : i32
    %scan3A_165 = arith.constant 0 : i32
    %scan3A_166 = arith.constant 200 : i32
    %scan3A_167 = arith.addi %scan3A_165, %scan3A_166 : i32
    %scan3A_168 = arith.constant 1 : i32
    %scan3A_169 = scf.for %scan3A_283 = %scan3A_165 to %scan3A_167 step %scan3A_168 iter_args(%scan3A_284 = %scan3A_164) -> (i32)  : i32 {
      %mul3A_285 = arith.constant 2 : i32
      %mul3A_286 = arith.muli %mul3A_285, %scan3A_283 : i32
      %add3A_287 = arith.constant 1 : i32
      %add3A_288 = arith.addi %mul3A_286, %add3A_287 : i32
      %mul3A_289 = arith.constant 4000 : i32
      %mul3A_290 = arith.muli %add3A_288, %mul3A_289 : i32
      %dma_start3A_291 = tpu.memref_slice %arg2[%mul3A_290] : memref<1600000xi32, #tpu.memory_space<hbm>> -> memref<4000xi32, #tpu.memory_space<hbm>>
      %dma_start3A_292 = tpu.memref_slice %arg2[%mul3A_290] : memref<1600000xi32, #tpu.memory_space<hbm>> -> memref<4000xi32, #tpu.memory_space<hbm>>
      tpu.enqueue_dma source(%dma_start3A_292 : memref<4000xi32, #tpu.memory_space<hbm>>) target(%arg13 : memref<4000xi32, #tpu.memory_space<vmem>>) target_semaphore(%arg24 : memref<!tpu.dma_semaphore, #tpu.memory_space<semaphore_mem>>)
      %mul3A_293 = arith.constant 4000 : i32
      %mul3A_294 = arith.muli %add3A_288, %mul3A_293 : i32
      %dma_start3A_295 = tpu.memref_slice %arg3[%mul3A_294] : memref<1600000xf32, #tpu.memory_space<hbm>> -> memref<4000xf32, #tpu.memory_space<hbm>>
      %dma_start3A_296 = tpu.memref_slice %arg3[%mul3A_294] : memref<1600000xf32, #tpu.memory_space<hbm>> -> memref<4000xf32, #tpu.memory_space<hbm>>
      tpu.enqueue_dma source(%dma_start3A_296 : memref<4000xf32, #tpu.memory_space<hbm>>) target(%arg14 : memref<4000xf32, #tpu.memory_space<vmem>>) target_semaphore(%arg24 : memref<!tpu.dma_semaphore, #tpu.memory_space<semaphore_mem>>)
      %dma_wait3A = arith.constant 0 : i32
      %dma_wait3A_297 = tpu.memref_slice %arg2[%dma_wait3A] : memref<1600000xi32, #tpu.memory_space<hbm>> -> memref<4000xi32, #tpu.memory_space<hbm>>
      %dma_wait3A_298 = arith.constant 0 : i32
      %dma_wait3A_299 = tpu.memref_slice %arg2[%dma_wait3A_298] : memref<1600000xi32, #tpu.memory_space<hbm>> -> memref<4000xi32, #tpu.memory_space<hbm>>
      tpu.wait_dma2 semaphore(%arg23 : memref<!tpu.dma_semaphore, #tpu.memory_space<semaphore_mem>>) src(%dma_wait3A_299 : memref<4000xi32, #tpu.memory_space<hbm>>) dst(%arg11 : memref<4000xi32, #tpu.memory_space<vmem>>)
      %dma_wait3A_300 = arith.constant 0 : i32
      %dma_wait3A_301 = tpu.memref_slice %arg3[%dma_wait3A_300] : memref<1600000xf32, #tpu.memory_space<hbm>> -> memref<4000xf32, #tpu.memory_space<hbm>>
      %dma_wait3A_302 = arith.constant 0 : i32
      %dma_wait3A_303 = tpu.memref_slice %arg3[%dma_wait3A_302] : memref<1600000xf32, #tpu.memory_space<hbm>> -> memref<4000xf32, #tpu.memory_space<hbm>>
      tpu.wait_dma2 semaphore(%arg23 : memref<!tpu.dma_semaphore, #tpu.memory_space<semaphore_mem>>) src(%dma_wait3A_303 : memref<4000xf32, #tpu.memory_space<hbm>>) dst(%arg12 : memref<4000xf32, #tpu.memory_space<vmem>>)
      %mul3A_304 = arith.constant 2 : i32
      %mul3A_305 = arith.muli %mul3A_304, %scan3A_283 : i32
      %jit3A = arith.constant 50 : i32
      %div3A_306 = arith.divsi %mul3A_305, %jit3A : i32
      %sign3A = arith.constant 0 : i32
      %sign3A_307 = arith.cmpi sgt, %mul3A_305, %sign3A : i32
      %sign3A_308 = arith.extui %sign3A_307 : i1 to i32
      %sign3A_309 = arith.constant 0 : i32
      %sign3A_310 = arith.cmpi slt, %mul3A_305, %sign3A_309 : i32
      %sign3A_311 = arith.extui %sign3A_310 : i1 to i32
      %sign3A_312 = arith.subi %sign3A_308, %sign3A_311 : i32
      %sign3A_313 = arith.constant 0 : i32
      %sign3A_314 = arith.cmpi sgt, %jit3A, %sign3A_313 : i32
      %sign3A_315 = arith.extui %sign3A_314 : i1 to i32
      %sign3A_316 = arith.constant 0 : i32
      %sign3A_317 = arith.cmpi slt, %jit3A, %sign3A_316 : i32
      %sign3A_318 = arith.extui %sign3A_317 : i1 to i32
      %sign3A_319 = arith.subi %sign3A_315, %sign3A_318 : i32
      %ne3A = arith.cmpi ne, %sign3A_312, %sign3A_319 : i32
      %rem3A = arith.remsi %mul3A_305, %jit3A : i32
      %ne3A_320 = arith.constant 0 : i32
      %ne3A_321 = arith.cmpi ne, %rem3A, %ne3A_320 : i32
      %and3A = arith.andi %ne3A, %ne3A_321 : i1
      %sub3A = arith.constant 1 : i32
      %sub3A_322 = arith.subi %div3A_306, %sub3A : i32
      %select_n3A = arith.select %and3A, %sub3A_322, %div3A_306 : i32
      %broadcast_in_dim3A_323 = arith.constant 0 : i32
      %broadcast_in_dim3A_324 = vector.broadcast %broadcast_in_dim3A_323 : i32 to vector<16xi32>
      %add3A_325 = vector.broadcast %select_n3A : i32 to vector<16xi32>
      %add3A_326 = arith.addi %broadcast_in_dim3A_324, %add3A_325 : vector<16xi32>
      %gather3A_327 = tpu.vector_load_idx %arg17[%add3A_326] : memref<64xf32, #tpu.memory_space<vmem>>[vector<16xi32>], vector<16xf32>,
      %broadcast_in_dim3A_328 = arith.constant 8 : i32
      %broadcast_in_dim3A_329 = vector.broadcast %broadcast_in_dim3A_328 : i32 to vector<16xi32>
      %add3A_330 = vector.broadcast %select_n3A : i32 to vector<16xi32>
      %add3A_331 = arith.addi %broadcast_in_dim3A_329, %add3A_330 : vector<16xi32>
      %gather3A_332 = tpu.vector_load_idx %arg17[%add3A_331] : memref<64xf32, #tpu.memory_space<vmem>>[vector<16xi32>], vector<16xf32>,
      %parallel_loop3A_333 = arith.constant 0 : i32
      %parallel_loop3A_334 = arith.constant 250 : i32
      %parallel_loop3A_335 = arith.constant 1 : i32
      scf.for %parallel_loop3A_388 = %parallel_loop3A_333 to %parallel_loop3A_334 step %parallel_loop3A_335  : i32 {
        %parallel_loop3A_389 = arith.constant 16 : i32
        %parallel_loop3A_390 = arith.muli %parallel_loop3A_388, %parallel_loop3A_389 : i32
        %parallel_loop3A_391 = arith.index_cast %parallel_loop3A_390 : i32 to index
        %parallel_loop3A_392 = tpu.vector_load %arg11[%parallel_loop3A_391] {strides = array<i32>} : memref<4000xi32, #tpu.memory_space<vmem>>, vector<16xi32>,
        %parallel_loop3A_393 = arith.index_cast %parallel_loop3A_390 : i32 to index
        %parallel_loop3A_394 = tpu.vector_load %arg12[%parallel_loop3A_393] {strides = array<i32>} : memref<4000xf32, #tpu.memory_space<vmem>>, vector<16xf32>,
        %parallel_loop3A_395 = arith.constant 65535 : i32
        %parallel_loop3A_396 = vector.broadcast %parallel_loop3A_395 : i32 to vector<16xi32>
        %parallel_loop3A_397 = arith.andi %parallel_loop3A_392, %parallel_loop3A_396 : vector<16xi32>
        %parallel_loop3A_398 = arith.constant 16 : i32
        %parallel_loop3A_399 = vector.broadcast %parallel_loop3A_398 : i32 to vector<16xi32>
        %parallel_loop3A_400 = arith.shrui %parallel_loop3A_392, %parallel_loop3A_399 : vector<16xi32>
        %parallel_loop3A_401 = tpu.vector_load_idx %arg9[%parallel_loop3A_397] : memref<50000xf32, #tpu.memory_space<vmem>>[vector<16xi32>], vector<16xf32>,
        %parallel_loop3A_402 = arith.mulf %parallel_loop3A_401, %parallel_loop3A_394 : vector<16xf32>
        %parallel_loop3A_403 = arith.addf %gather3A_327, %gather3A_332 : vector<16xf32>
        %parallel_loop3A_404 = arith.mulf %parallel_loop3A_402, %parallel_loop3A_403 : vector<16xf32>
        tpu.vector_store_idx %arg10[%parallel_loop3A_400], %parallel_loop3A_404 {add = true} : memref<50000xf32, #tpu.memory_space<vmem>>[vector<16xi32>], vector<16xf32>,
      } {sc.loop_unroll_factor = 8 : i64, sc.parallel_access}
      %lt3A = arith.constant 199 : i32
      %lt3A_336 = arith.cmpi slt, %scan3A_283, %lt3A : i32
      %convert_element_type3A = arith.extui %lt3A_336 : i1 to i32
      %cond3A = arith.constant 0 : i32
      %cond3A_337 = arith.cmpi ne, %convert_element_type3A, %cond3A : i32
      scf.if %cond3A_337 {
        %mul3A_388 = arith.constant 2 : i32
        %mul3A_389 = arith.muli %mul3A_388, %scan3A_283 : i32
        %add3A_390 = arith.constant 2 : i32
        %add3A_391 = arith.addi %mul3A_389, %add3A_390 : i32
        %mul3A_392 = arith.constant 4000 : i32
        %mul3A_393 = arith.muli %add3A_391, %mul3A_392 : i32
        %dma_start3A_394 = tpu.memref_slice %arg2[%mul3A_393] : memref<1600000xi32, #tpu.memory_space<hbm>> -> memref<4000xi32, #tpu.memory_space<hbm>>
        %dma_start3A_395 = tpu.memref_slice %arg2[%mul3A_393] : memref<1600000xi32, #tpu.memory_space<hbm>> -> memref<4000xi32, #tpu.memory_space<hbm>>
        tpu.enqueue_dma source(%dma_start3A_395 : memref<4000xi32, #tpu.memory_space<hbm>>) target(%arg11 : memref<4000xi32, #tpu.memory_space<vmem>>) target_semaphore(%arg23 : memref<!tpu.dma_semaphore, #tpu.memory_space<semaphore_mem>>)
        %mul3A_396 = arith.constant 4000 : i32
        %mul3A_397 = arith.muli %add3A_391, %mul3A_396 : i32
        %dma_start3A_398 = tpu.memref_slice %arg3[%mul3A_397] : memref<1600000xf32, #tpu.memory_space<hbm>> -> memref<4000xf32, #tpu.memory_space<hbm>>
        %dma_start3A_399 = tpu.memref_slice %arg3[%mul3A_397] : memref<1600000xf32, #tpu.memory_space<hbm>> -> memref<4000xf32, #tpu.memory_space<hbm>>
        tpu.enqueue_dma source(%dma_start3A_399 : memref<4000xf32, #tpu.memory_space<hbm>>) target(%arg12 : memref<4000xf32, #tpu.memory_space<vmem>>) target_semaphore(%arg23 : memref<!tpu.dma_semaphore, #tpu.memory_space<semaphore_mem>>)
      } else {
      }
      %dma_wait3A_338 = arith.constant 0 : i32
      %dma_wait3A_339 = tpu.memref_slice %arg2[%dma_wait3A_338] : memref<1600000xi32, #tpu.memory_space<hbm>> -> memref<4000xi32, #tpu.memory_space<hbm>>
      %dma_wait3A_340 = arith.constant 0 : i32
      %dma_wait3A_341 = tpu.memref_slice %arg2[%dma_wait3A_340] : memref<1600000xi32, #tpu.memory_space<hbm>> -> memref<4000xi32, #tpu.memory_space<hbm>>
      tpu.wait_dma2 semaphore(%arg24 : memref<!tpu.dma_semaphore, #tpu.memory_space<semaphore_mem>>) src(%dma_wait3A_341 : memref<4000xi32, #tpu.memory_space<hbm>>) dst(%arg13 : memref<4000xi32, #tpu.memory_space<vmem>>)
      %dma_wait3A_342 = arith.constant 0 : i32
      %dma_wait3A_343 = tpu.memref_slice %arg3[%dma_wait3A_342] : memref<1600000xf32, #tpu.memory_space<hbm>> -> memref<4000xf32, #tpu.memory_space<hbm>>
      %dma_wait3A_344 = arith.constant 0 : i32
      %dma_wait3A_345 = tpu.memref_slice %arg3[%dma_wait3A_344] : memref<1600000xf32, #tpu.memory_space<hbm>> -> memref<4000xf32, #tpu.memory_space<hbm>>
      tpu.wait_dma2 semaphore(%arg24 : memref<!tpu.dma_semaphore, #tpu.memory_space<semaphore_mem>>) src(%dma_wait3A_345 : memref<4000xf32, #tpu.memory_space<hbm>>) dst(%arg14 : memref<4000xf32, #tpu.memory_space<vmem>>)
      %mul3A_346 = arith.constant 2 : i32
      %mul3A_347 = arith.muli %mul3A_346, %scan3A_283 : i32
      %add3A_348 = arith.constant 1 : i32
      %add3A_349 = arith.addi %mul3A_347, %add3A_348 : i32
      %jit3A_350 = arith.constant 50 : i32
      %div3A_351 = arith.divsi %add3A_349, %jit3A_350 : i32
      %sign3A_352 = arith.constant 0 : i32
      %sign3A_353 = arith.cmpi sgt, %add3A_349, %sign3A_352 : i32
      %sign3A_354 = arith.extui %sign3A_353 : i1 to i32
      %sign3A_355 = arith.constant 0 : i32
      %sign3A_356 = arith.cmpi slt, %add3A_349, %sign3A_355 : i32
      %sign3A_357 = arith.extui %sign3A_356 : i1 to i32
      %sign3A_358 = arith.subi %sign3A_354, %sign3A_357 : i32
      %sign3A_359 = arith.constant 0 : i32
      %sign3A_360 = arith.cmpi sgt, %jit3A_350, %sign3A_359 : i32
      %sign3A_361 = arith.extui %sign3A_360 : i1 to i32
      %sign3A_362 = arith.constant 0 : i32
      %sign3A_363 = arith.cmpi slt, %jit3A_350, %sign3A_362 : i32
      %sign3A_364 = arith.extui %sign3A_363 : i1 to i32
      %sign3A_365 = arith.subi %sign3A_361, %sign3A_364 : i32
      %ne3A_366 = arith.cmpi ne, %sign3A_358, %sign3A_365 : i32
      %rem3A_367 = arith.remsi %add3A_349, %jit3A_350 : i32
      %ne3A_368 = arith.constant 0 : i32
      %ne3A_369 = arith.cmpi ne, %rem3A_367, %ne3A_368 : i32
      %and3A_370 = arith.andi %ne3A_366, %ne3A_369 : i1
      %sub3A_371 = arith.constant 1 : i32
      %sub3A_372 = arith.subi %div3A_351, %sub3A_371 : i32
      %select_n3A_373 = arith.select %and3A_370, %sub3A_372, %div3A_351 : i32
      %broadcast_in_dim3A_374 = arith.constant 0 : i32
      %broadcast_in_dim3A_375 = vector.broadcast %broadcast_in_dim3A_374 : i32 to vector<16xi32>
      %add3A_376 = vector.broadcast %select_n3A_373 : i32 to vector<16xi32>
      %add3A_377 = arith.addi %broadcast_in_dim3A_375, %add3A_376 : vector<16xi32>
      %gather3A_378 = tpu.vector_load_idx %arg17[%add3A_377] : memref<64xf32, #tpu.memory_space<vmem>>[vector<16xi32>], vector<16xf32>,
      %broadcast_in_dim3A_379 = arith.constant 8 : i32
      %broadcast_in_dim3A_380 = vector.broadcast %broadcast_in_dim3A_379 : i32 to vector<16xi32>
      %add3A_381 = vector.broadcast %select_n3A_373 : i32 to vector<16xi32>
      %add3A_382 = arith.addi %broadcast_in_dim3A_380, %add3A_381 : vector<16xi32>
      %gather3A_383 = tpu.vector_load_idx %arg17[%add3A_382] : memref<64xf32, #tpu.memory_space<vmem>>[vector<16xi32>], vector<16xf32>,
      %parallel_loop3A_384 = arith.constant 0 : i32
      %parallel_loop3A_385 = arith.constant 250 : i32
      %parallel_loop3A_386 = arith.constant 1 : i32
      scf.for %parallel_loop3A_388 = %parallel_loop3A_384 to %parallel_loop3A_385 step %parallel_loop3A_386  : i32 {
        %parallel_loop3A_389 = arith.constant 16 : i32
        %parallel_loop3A_390 = arith.muli %parallel_loop3A_388, %parallel_loop3A_389 : i32
        %parallel_loop3A_391 = arith.index_cast %parallel_loop3A_390 : i32 to index
        %parallel_loop3A_392 = tpu.vector_load %arg13[%parallel_loop3A_391] {strides = array<i32>} : memref<4000xi32, #tpu.memory_space<vmem>>, vector<16xi32>,
        %parallel_loop3A_393 = arith.index_cast %parallel_loop3A_390 : i32 to index
        %parallel_loop3A_394 = tpu.vector_load %arg14[%parallel_loop3A_393] {strides = array<i32>} : memref<4000xf32, #tpu.memory_space<vmem>>, vector<16xf32>,
        %parallel_loop3A_395 = arith.constant 65535 : i32
        %parallel_loop3A_396 = vector.broadcast %parallel_loop3A_395 : i32 to vector<16xi32>
        %parallel_loop3A_397 = arith.andi %parallel_loop3A_392, %parallel_loop3A_396 : vector<16xi32>
        %parallel_loop3A_398 = arith.constant 16 : i32
        %parallel_loop3A_399 = vector.broadcast %parallel_loop3A_398 : i32 to vector<16xi32>
        %parallel_loop3A_400 = arith.shrui %parallel_loop3A_392, %parallel_loop3A_399 : vector<16xi32>
        %parallel_loop3A_401 = tpu.vector_load_idx %arg9[%parallel_loop3A_397] : memref<50000xf32, #tpu.memory_space<vmem>>[vector<16xi32>], vector<16xf32>,
        %parallel_loop3A_402 = arith.mulf %parallel_loop3A_401, %parallel_loop3A_394 : vector<16xf32>
        %parallel_loop3A_403 = arith.addf %gather3A_378, %gather3A_383 : vector<16xf32>
        %parallel_loop3A_404 = arith.mulf %parallel_loop3A_402, %parallel_loop3A_403 : vector<16xf32>
        tpu.vector_store_idx %arg10[%parallel_loop3A_400], %parallel_loop3A_404 {add = true} : memref<50000xf32, #tpu.memory_space<vmem>>[vector<16xi32>], vector<16xf32>,
      } {sc.loop_unroll_factor = 8 : i64, sc.parallel_access}
      %scan3A_387 = arith.constant 0 : i32
      scf.yield %scan3A_387 : i32
    }
    %scan3A_170 = arith.constant 200 : i32
    %broadcast_in_dim3A_171 = arith.constant 16 : i32
    %broadcast_in_dim3A_172 = vector.broadcast %broadcast_in_dim3A_171 : i32 to vector<16xi32>
    %gather3A_173 = tpu.vector_load_idx %arg17[%broadcast_in_dim3A_172] : memref<64xf32, #tpu.memory_space<vmem>>[vector<16xi32>], vector<16xf32>,
    %parallel_loop3A_174 = arith.constant 0 : i32
    %parallel_loop3A_175 = arith.constant 3125 : i32
    %parallel_loop3A_176 = arith.constant 1 : i32
    scf.for %parallel_loop3A_283 = %parallel_loop3A_174 to %parallel_loop3A_175 step %parallel_loop3A_176  : i32 {
      %parallel_loop3A_284 = arith.constant 16 : i32
      %parallel_loop3A_285 = arith.muli %parallel_loop3A_283, %parallel_loop3A_284 : i32
      %parallel_loop3A_286 = arith.index_cast %parallel_loop3A_285 : i32 to index
      %parallel_loop3A_287 = tpu.vector_load %arg10[%parallel_loop3A_286] {strides = array<i32>} : memref<50000xf32, #tpu.memory_space<vmem>>, vector<16xf32>,
      %parallel_loop3A_288 = arith.index_cast %parallel_loop3A_285 : i32 to index
      %parallel_loop3A_289 = tpu.vector_load %arg9[%parallel_loop3A_288] {strides = array<i32>} : memref<50000xf32, #tpu.memory_space<vmem>>, vector<16xf32>,
      %parallel_loop3A_290 = arith.mulf %parallel_loop3A_289, %gather3A_173 : vector<16xf32>
      %parallel_loop3A_291 = arith.addf %parallel_loop3A_287, %parallel_loop3A_290 : vector<16xf32>
      %parallel_loop3A_292 = arith.index_cast %parallel_loop3A_285 : i32 to index
      %parallel_loop3A_293 = tpu.vector_load %arg10[%parallel_loop3A_292] {strides = array<i32>} : memref<50000xf32, #tpu.memory_space<vmem>>, vector<16xf32>,
      tpu.vector_store %arg10[%parallel_loop3A_292], %parallel_loop3A_291 {strides = array<i32>} : memref<50000xf32, #tpu.memory_space<vmem>>, vector<16xf32>,
    } {sc.loop_unroll_factor = 8 : i64, sc.parallel_access}
    %parallel_loop3A_177 = arith.constant 0 : i32
    %parallel_loop3A_178 = arith.constant 3125 : i32
    %parallel_loop3A_179 = arith.constant 1 : i32
    scf.for %parallel_loop3A_283 = %parallel_loop3A_177 to %parallel_loop3A_178 step %parallel_loop3A_179  : i32 {
      %parallel_loop3A_284 = arith.constant 0.000000e+00 : f32
      %parallel_loop3A_285 = vector.broadcast %parallel_loop3A_284 : f32 to vector<16xf32>
      %parallel_loop3A_286 = arith.constant 16 : i32
      %parallel_loop3A_287 = arith.muli %parallel_loop3A_283, %parallel_loop3A_286 : i32
      %parallel_loop3A_288 = arith.index_cast %parallel_loop3A_287 : i32 to index
      %parallel_loop3A_289 = tpu.vector_load %arg9[%parallel_loop3A_288] {strides = array<i32>} : memref<50000xf32, #tpu.memory_space<vmem>>, vector<16xf32>,
      tpu.vector_store %arg9[%parallel_loop3A_288], %parallel_loop3A_285 {strides = array<i32>} : memref<50000xf32, #tpu.memory_space<vmem>>, vector<16xf32>,
    } {sc.loop_unroll_factor = 8 : i64, sc.parallel_access}
    %dma_start3A_180 = arith.constant 0 : i32
    %dma_start3A_181 = tpu.memref_slice %arg2[%dma_start3A_180] : memref<1600000xi32, #tpu.memory_space<hbm>> -> memref<4000xi32, #tpu.memory_space<hbm>>
    %dma_start3A_182 = arith.constant 0 : i32
    %dma_start3A_183 = tpu.memref_slice %arg2[%dma_start3A_182] : memref<1600000xi32, #tpu.memory_space<hbm>> -> memref<4000xi32, #tpu.memory_space<hbm>>
    tpu.enqueue_dma source(%dma_start3A_183 : memref<4000xi32, #tpu.memory_space<hbm>>) target(%arg11 : memref<4000xi32, #tpu.memory_space<vmem>>) target_semaphore(%arg23 : memref<!tpu.dma_semaphore, #tpu.memory_space<semaphore_mem>>)
    %dma_start3A_184 = arith.constant 0 : i32
    %dma_start3A_185 = tpu.memref_slice %arg3[%dma_start3A_184] : memref<1600000xf32, #tpu.memory_space<hbm>> -> memref<4000xf32, #tpu.memory_space<hbm>>
    %dma_start3A_186 = arith.constant 0 : i32
    %dma_start3A_187 = tpu.memref_slice %arg3[%dma_start3A_186] : memref<1600000xf32, #tpu.memory_space<hbm>> -> memref<4000xf32, #tpu.memory_space<hbm>>
    tpu.enqueue_dma source(%dma_start3A_187 : memref<4000xf32, #tpu.memory_space<hbm>>) target(%arg12 : memref<4000xf32, #tpu.memory_space<vmem>>) target_semaphore(%arg23 : memref<!tpu.dma_semaphore, #tpu.memory_space<semaphore_mem>>)
    %scan3A_188 = arith.constant 0 : i32
    %scan3A_189 = arith.constant 0 : i32
    %scan3A_190 = arith.constant 200 : i32
    %scan3A_191 = arith.addi %scan3A_189, %scan3A_190 : i32
    %scan3A_192 = arith.constant 1 : i32
    %scan3A_193 = scf.for %scan3A_283 = %scan3A_189 to %scan3A_191 step %scan3A_192 iter_args(%scan3A_284 = %scan3A_188) -> (i32)  : i32 {
      %mul3A_285 = arith.constant 2 : i32
      %mul3A_286 = arith.muli %mul3A_285, %scan3A_283 : i32
      %add3A_287 = arith.constant 1 : i32
      %add3A_288 = arith.addi %mul3A_286, %add3A_287 : i32
      %mul3A_289 = arith.constant 4000 : i32
      %mul3A_290 = arith.muli %add3A_288, %mul3A_289 : i32
      %dma_start3A_291 = tpu.memref_slice %arg2[%mul3A_290] : memref<1600000xi32, #tpu.memory_space<hbm>> -> memref<4000xi32, #tpu.memory_space<hbm>>
      %dma_start3A_292 = tpu.memref_slice %arg2[%mul3A_290] : memref<1600000xi32, #tpu.memory_space<hbm>> -> memref<4000xi32, #tpu.memory_space<hbm>>
      tpu.enqueue_dma source(%dma_start3A_292 : memref<4000xi32, #tpu.memory_space<hbm>>) target(%arg13 : memref<4000xi32, #tpu.memory_space<vmem>>) target_semaphore(%arg24 : memref<!tpu.dma_semaphore, #tpu.memory_space<semaphore_mem>>)
      %mul3A_293 = arith.constant 4000 : i32
      %mul3A_294 = arith.muli %add3A_288, %mul3A_293 : i32
      %dma_start3A_295 = tpu.memref_slice %arg3[%mul3A_294] : memref<1600000xf32, #tpu.memory_space<hbm>> -> memref<4000xf32, #tpu.memory_space<hbm>>
      %dma_start3A_296 = tpu.memref_slice %arg3[%mul3A_294] : memref<1600000xf32, #tpu.memory_space<hbm>> -> memref<4000xf32, #tpu.memory_space<hbm>>
      tpu.enqueue_dma source(%dma_start3A_296 : memref<4000xf32, #tpu.memory_space<hbm>>) target(%arg14 : memref<4000xf32, #tpu.memory_space<vmem>>) target_semaphore(%arg24 : memref<!tpu.dma_semaphore, #tpu.memory_space<semaphore_mem>>)
      %dma_wait3A = arith.constant 0 : i32
      %dma_wait3A_297 = tpu.memref_slice %arg2[%dma_wait3A] : memref<1600000xi32, #tpu.memory_space<hbm>> -> memref<4000xi32, #tpu.memory_space<hbm>>
      %dma_wait3A_298 = arith.constant 0 : i32
      %dma_wait3A_299 = tpu.memref_slice %arg2[%dma_wait3A_298] : memref<1600000xi32, #tpu.memory_space<hbm>> -> memref<4000xi32, #tpu.memory_space<hbm>>
      tpu.wait_dma2 semaphore(%arg23 : memref<!tpu.dma_semaphore, #tpu.memory_space<semaphore_mem>>) src(%dma_wait3A_299 : memref<4000xi32, #tpu.memory_space<hbm>>) dst(%arg11 : memref<4000xi32, #tpu.memory_space<vmem>>)
      %dma_wait3A_300 = arith.constant 0 : i32
      %dma_wait3A_301 = tpu.memref_slice %arg3[%dma_wait3A_300] : memref<1600000xf32, #tpu.memory_space<hbm>> -> memref<4000xf32, #tpu.memory_space<hbm>>
      %dma_wait3A_302 = arith.constant 0 : i32
      %dma_wait3A_303 = tpu.memref_slice %arg3[%dma_wait3A_302] : memref<1600000xf32, #tpu.memory_space<hbm>> -> memref<4000xf32, #tpu.memory_space<hbm>>
      tpu.wait_dma2 semaphore(%arg23 : memref<!tpu.dma_semaphore, #tpu.memory_space<semaphore_mem>>) src(%dma_wait3A_303 : memref<4000xf32, #tpu.memory_space<hbm>>) dst(%arg12 : memref<4000xf32, #tpu.memory_space<vmem>>)
      %mul3A_304 = arith.constant 2 : i32
      %mul3A_305 = arith.muli %mul3A_304, %scan3A_283 : i32
      %jit3A = arith.constant 50 : i32
      %div3A_306 = arith.divsi %mul3A_305, %jit3A : i32
      %sign3A = arith.constant 0 : i32
      %sign3A_307 = arith.cmpi sgt, %mul3A_305, %sign3A : i32
      %sign3A_308 = arith.extui %sign3A_307 : i1 to i32
      %sign3A_309 = arith.constant 0 : i32
      %sign3A_310 = arith.cmpi slt, %mul3A_305, %sign3A_309 : i32
      %sign3A_311 = arith.extui %sign3A_310 : i1 to i32
      %sign3A_312 = arith.subi %sign3A_308, %sign3A_311 : i32
      %sign3A_313 = arith.constant 0 : i32
      %sign3A_314 = arith.cmpi sgt, %jit3A, %sign3A_313 : i32
      %sign3A_315 = arith.extui %sign3A_314 : i1 to i32
      %sign3A_316 = arith.constant 0 : i32
      %sign3A_317 = arith.cmpi slt, %jit3A, %sign3A_316 : i32
      %sign3A_318 = arith.extui %sign3A_317 : i1 to i32
      %sign3A_319 = arith.subi %sign3A_315, %sign3A_318 : i32
      %ne3A = arith.cmpi ne, %sign3A_312, %sign3A_319 : i32
      %rem3A = arith.remsi %mul3A_305, %jit3A : i32
      %ne3A_320 = arith.constant 0 : i32
      %ne3A_321 = arith.cmpi ne, %rem3A, %ne3A_320 : i32
      %and3A = arith.andi %ne3A, %ne3A_321 : i1
      %sub3A = arith.constant 1 : i32
      %sub3A_322 = arith.subi %div3A_306, %sub3A : i32
      %select_n3A = arith.select %and3A, %sub3A_322, %div3A_306 : i32
      %broadcast_in_dim3A_323 = arith.constant 17 : i32
      %broadcast_in_dim3A_324 = vector.broadcast %broadcast_in_dim3A_323 : i32 to vector<16xi32>
      %add3A_325 = vector.broadcast %select_n3A : i32 to vector<16xi32>
      %add3A_326 = arith.addi %broadcast_in_dim3A_324, %add3A_325 : vector<16xi32>
      %gather3A_327 = tpu.vector_load_idx %arg17[%add3A_326] : memref<64xf32, #tpu.memory_space<vmem>>[vector<16xi32>], vector<16xf32>,
      %broadcast_in_dim3A_328 = arith.constant 25 : i32
      %broadcast_in_dim3A_329 = vector.broadcast %broadcast_in_dim3A_328 : i32 to vector<16xi32>
      %add3A_330 = vector.broadcast %select_n3A : i32 to vector<16xi32>
      %add3A_331 = arith.addi %broadcast_in_dim3A_329, %add3A_330 : vector<16xi32>
      %gather3A_332 = tpu.vector_load_idx %arg17[%add3A_331] : memref<64xf32, #tpu.memory_space<vmem>>[vector<16xi32>], vector<16xf32>,
      %parallel_loop3A_333 = arith.constant 0 : i32
      %parallel_loop3A_334 = arith.constant 250 : i32
      %parallel_loop3A_335 = arith.constant 1 : i32
      scf.for %parallel_loop3A_388 = %parallel_loop3A_333 to %parallel_loop3A_334 step %parallel_loop3A_335  : i32 {
        %parallel_loop3A_389 = arith.constant 16 : i32
        %parallel_loop3A_390 = arith.muli %parallel_loop3A_388, %parallel_loop3A_389 : i32
        %parallel_loop3A_391 = arith.index_cast %parallel_loop3A_390 : i32 to index
        %parallel_loop3A_392 = tpu.vector_load %arg11[%parallel_loop3A_391] {strides = array<i32>} : memref<4000xi32, #tpu.memory_space<vmem>>, vector<16xi32>,
        %parallel_loop3A_393 = arith.index_cast %parallel_loop3A_390 : i32 to index
        %parallel_loop3A_394 = tpu.vector_load %arg12[%parallel_loop3A_393] {strides = array<i32>} : memref<4000xf32, #tpu.memory_space<vmem>>, vector<16xf32>,
        %parallel_loop3A_395 = arith.constant 65535 : i32
        %parallel_loop3A_396 = vector.broadcast %parallel_loop3A_395 : i32 to vector<16xi32>
        %parallel_loop3A_397 = arith.andi %parallel_loop3A_392, %parallel_loop3A_396 : vector<16xi32>
        %parallel_loop3A_398 = arith.constant 16 : i32
        %parallel_loop3A_399 = vector.broadcast %parallel_loop3A_398 : i32 to vector<16xi32>
        %parallel_loop3A_400 = arith.shrui %parallel_loop3A_392, %parallel_loop3A_399 : vector<16xi32>
        %parallel_loop3A_401 = tpu.vector_load_idx %arg10[%parallel_loop3A_397] : memref<50000xf32, #tpu.memory_space<vmem>>[vector<16xi32>], vector<16xf32>,
        %parallel_loop3A_402 = arith.mulf %parallel_loop3A_401, %parallel_loop3A_394 : vector<16xf32>
        %parallel_loop3A_403 = arith.addf %gather3A_327, %gather3A_332 : vector<16xf32>
        %parallel_loop3A_404 = arith.mulf %parallel_loop3A_402, %parallel_loop3A_403 : vector<16xf32>
        tpu.vector_store_idx %arg9[%parallel_loop3A_400], %parallel_loop3A_404 {add = true} : memref<50000xf32, #tpu.memory_space<vmem>>[vector<16xi32>], vector<16xf32>,
      } {sc.loop_unroll_factor = 8 : i64, sc.parallel_access}
      %lt3A = arith.constant 199 : i32
      %lt3A_336 = arith.cmpi slt, %scan3A_283, %lt3A : i32
      %convert_element_type3A = arith.extui %lt3A_336 : i1 to i32
      %cond3A = arith.constant 0 : i32
      %cond3A_337 = arith.cmpi ne, %convert_element_type3A, %cond3A : i32
      scf.if %cond3A_337 {
        %mul3A_388 = arith.constant 2 : i32
        %mul3A_389 = arith.muli %mul3A_388, %scan3A_283 : i32
        %add3A_390 = arith.constant 2 : i32
        %add3A_391 = arith.addi %mul3A_389, %add3A_390 : i32
        %mul3A_392 = arith.constant 4000 : i32
        %mul3A_393 = arith.muli %add3A_391, %mul3A_392 : i32
        %dma_start3A_394 = tpu.memref_slice %arg2[%mul3A_393] : memref<1600000xi32, #tpu.memory_space<hbm>> -> memref<4000xi32, #tpu.memory_space<hbm>>
        %dma_start3A_395 = tpu.memref_slice %arg2[%mul3A_393] : memref<1600000xi32, #tpu.memory_space<hbm>> -> memref<4000xi32, #tpu.memory_space<hbm>>
        tpu.enqueue_dma source(%dma_start3A_395 : memref<4000xi32, #tpu.memory_space<hbm>>) target(%arg11 : memref<4000xi32, #tpu.memory_space<vmem>>) target_semaphore(%arg23 : memref<!tpu.dma_semaphore, #tpu.memory_space<semaphore_mem>>)
        %mul3A_396 = arith.constant 4000 : i32
        %mul3A_397 = arith.muli %add3A_391, %mul3A_396 : i32
        %dma_start3A_398 = tpu.memref_slice %arg3[%mul3A_397] : memref<1600000xf32, #tpu.memory_space<hbm>> -> memref<4000xf32, #tpu.memory_space<hbm>>
        %dma_start3A_399 = tpu.memref_slice %arg3[%mul3A_397] : memref<1600000xf32, #tpu.memory_space<hbm>> -> memref<4000xf32, #tpu.memory_space<hbm>>
        tpu.enqueue_dma source(%dma_start3A_399 : memref<4000xf32, #tpu.memory_space<hbm>>) target(%arg12 : memref<4000xf32, #tpu.memory_space<vmem>>) target_semaphore(%arg23 : memref<!tpu.dma_semaphore, #tpu.memory_space<semaphore_mem>>)
      } else {
      }
      %dma_wait3A_338 = arith.constant 0 : i32
      %dma_wait3A_339 = tpu.memref_slice %arg2[%dma_wait3A_338] : memref<1600000xi32, #tpu.memory_space<hbm>> -> memref<4000xi32, #tpu.memory_space<hbm>>
      %dma_wait3A_340 = arith.constant 0 : i32
      %dma_wait3A_341 = tpu.memref_slice %arg2[%dma_wait3A_340] : memref<1600000xi32, #tpu.memory_space<hbm>> -> memref<4000xi32, #tpu.memory_space<hbm>>
      tpu.wait_dma2 semaphore(%arg24 : memref<!tpu.dma_semaphore, #tpu.memory_space<semaphore_mem>>) src(%dma_wait3A_341 : memref<4000xi32, #tpu.memory_space<hbm>>) dst(%arg13 : memref<4000xi32, #tpu.memory_space<vmem>>)
      %dma_wait3A_342 = arith.constant 0 : i32
      %dma_wait3A_343 = tpu.memref_slice %arg3[%dma_wait3A_342] : memref<1600000xf32, #tpu.memory_space<hbm>> -> memref<4000xf32, #tpu.memory_space<hbm>>
      %dma_wait3A_344 = arith.constant 0 : i32
      %dma_wait3A_345 = tpu.memref_slice %arg3[%dma_wait3A_344] : memref<1600000xf32, #tpu.memory_space<hbm>> -> memref<4000xf32, #tpu.memory_space<hbm>>
      tpu.wait_dma2 semaphore(%arg24 : memref<!tpu.dma_semaphore, #tpu.memory_space<semaphore_mem>>) src(%dma_wait3A_345 : memref<4000xf32, #tpu.memory_space<hbm>>) dst(%arg14 : memref<4000xf32, #tpu.memory_space<vmem>>)
      %mul3A_346 = arith.constant 2 : i32
      %mul3A_347 = arith.muli %mul3A_346, %scan3A_283 : i32
      %add3A_348 = arith.constant 1 : i32
      %add3A_349 = arith.addi %mul3A_347, %add3A_348 : i32
      %jit3A_350 = arith.constant 50 : i32
      %div3A_351 = arith.divsi %add3A_349, %jit3A_350 : i32
      %sign3A_352 = arith.constant 0 : i32
      %sign3A_353 = arith.cmpi sgt, %add3A_349, %sign3A_352 : i32
      %sign3A_354 = arith.extui %sign3A_353 : i1 to i32
      %sign3A_355 = arith.constant 0 : i32
      %sign3A_356 = arith.cmpi slt, %add3A_349, %sign3A_355 : i32
      %sign3A_357 = arith.extui %sign3A_356 : i1 to i32
      %sign3A_358 = arith.subi %sign3A_354, %sign3A_357 : i32
      %sign3A_359 = arith.constant 0 : i32
      %sign3A_360 = arith.cmpi sgt, %jit3A_350, %sign3A_359 : i32
      %sign3A_361 = arith.extui %sign3A_360 : i1 to i32
      %sign3A_362 = arith.constant 0 : i32
      %sign3A_363 = arith.cmpi slt, %jit3A_350, %sign3A_362 : i32
      %sign3A_364 = arith.extui %sign3A_363 : i1 to i32
      %sign3A_365 = arith.subi %sign3A_361, %sign3A_364 : i32
      %ne3A_366 = arith.cmpi ne, %sign3A_358, %sign3A_365 : i32
      %rem3A_367 = arith.remsi %add3A_349, %jit3A_350 : i32
      %ne3A_368 = arith.constant 0 : i32
      %ne3A_369 = arith.cmpi ne, %rem3A_367, %ne3A_368 : i32
      %and3A_370 = arith.andi %ne3A_366, %ne3A_369 : i1
      %sub3A_371 = arith.constant 1 : i32
      %sub3A_372 = arith.subi %div3A_351, %sub3A_371 : i32
      %select_n3A_373 = arith.select %and3A_370, %sub3A_372, %div3A_351 : i32
      %broadcast_in_dim3A_374 = arith.constant 17 : i32
      %broadcast_in_dim3A_375 = vector.broadcast %broadcast_in_dim3A_374 : i32 to vector<16xi32>
      %add3A_376 = vector.broadcast %select_n3A_373 : i32 to vector<16xi32>
      %add3A_377 = arith.addi %broadcast_in_dim3A_375, %add3A_376 : vector<16xi32>
      %gather3A_378 = tpu.vector_load_idx %arg17[%add3A_377] : memref<64xf32, #tpu.memory_space<vmem>>[vector<16xi32>], vector<16xf32>,
      %broadcast_in_dim3A_379 = arith.constant 25 : i32
      %broadcast_in_dim3A_380 = vector.broadcast %broadcast_in_dim3A_379 : i32 to vector<16xi32>
      %add3A_381 = vector.broadcast %select_n3A_373 : i32 to vector<16xi32>
      %add3A_382 = arith.addi %broadcast_in_dim3A_380, %add3A_381 : vector<16xi32>
      %gather3A_383 = tpu.vector_load_idx %arg17[%add3A_382] : memref<64xf32, #tpu.memory_space<vmem>>[vector<16xi32>], vector<16xf32>,
      %parallel_loop3A_384 = arith.constant 0 : i32
      %parallel_loop3A_385 = arith.constant 250 : i32
      %parallel_loop3A_386 = arith.constant 1 : i32
      scf.for %parallel_loop3A_388 = %parallel_loop3A_384 to %parallel_loop3A_385 step %parallel_loop3A_386  : i32 {
        %parallel_loop3A_389 = arith.constant 16 : i32
        %parallel_loop3A_390 = arith.muli %parallel_loop3A_388, %parallel_loop3A_389 : i32
        %parallel_loop3A_391 = arith.index_cast %parallel_loop3A_390 : i32 to index
        %parallel_loop3A_392 = tpu.vector_load %arg13[%parallel_loop3A_391] {strides = array<i32>} : memref<4000xi32, #tpu.memory_space<vmem>>, vector<16xi32>,
        %parallel_loop3A_393 = arith.index_cast %parallel_loop3A_390 : i32 to index
        %parallel_loop3A_394 = tpu.vector_load %arg14[%parallel_loop3A_393] {strides = array<i32>} : memref<4000xf32, #tpu.memory_space<vmem>>, vector<16xf32>,
        %parallel_loop3A_395 = arith.constant 65535 : i32
        %parallel_loop3A_396 = vector.broadcast %parallel_loop3A_395 : i32 to vector<16xi32>
        %parallel_loop3A_397 = arith.andi %parallel_loop3A_392, %parallel_loop3A_396 : vector<16xi32>
        %parallel_loop3A_398 = arith.constant 16 : i32
        %parallel_loop3A_399 = vector.broadcast %parallel_loop3A_398 : i32 to vector<16xi32>
        %parallel_loop3A_400 = arith.shrui %parallel_loop3A_392, %parallel_loop3A_399 : vector<16xi32>
        %parallel_loop3A_401 = tpu.vector_load_idx %arg10[%parallel_loop3A_397] : memref<50000xf32, #tpu.memory_space<vmem>>[vector<16xi32>], vector<16xf32>,
        %parallel_loop3A_402 = arith.mulf %parallel_loop3A_401, %parallel_loop3A_394 : vector<16xf32>
        %parallel_loop3A_403 = arith.addf %gather3A_378, %gather3A_383 : vector<16xf32>
        %parallel_loop3A_404 = arith.mulf %parallel_loop3A_402, %parallel_loop3A_403 : vector<16xf32>
        tpu.vector_store_idx %arg9[%parallel_loop3A_400], %parallel_loop3A_404 {add = true} : memref<50000xf32, #tpu.memory_space<vmem>>[vector<16xi32>], vector<16xf32>,
      } {sc.loop_unroll_factor = 8 : i64, sc.parallel_access}
      %scan3A_387 = arith.constant 0 : i32
      scf.yield %scan3A_387 : i32
    }
    %scan3A_194 = arith.constant 200 : i32
    %broadcast_in_dim3A_195 = arith.constant 33 : i32
    %broadcast_in_dim3A_196 = vector.broadcast %broadcast_in_dim3A_195 : i32 to vector<16xi32>
    %gather3A_197 = tpu.vector_load_idx %arg17[%broadcast_in_dim3A_196] : memref<64xf32, #tpu.memory_space<vmem>>[vector<16xi32>], vector<16xf32>,
    %parallel_loop3A_198 = arith.constant 0 : i32
    %parallel_loop3A_199 = arith.constant 3125 : i32
    %parallel_loop3A_200 = arith.constant 1 : i32
    scf.for %parallel_loop3A_283 = %parallel_loop3A_198 to %parallel_loop3A_199 step %parallel_loop3A_200  : i32 {
      %parallel_loop3A_284 = arith.constant 16 : i32
      %parallel_loop3A_285 = arith.muli %parallel_loop3A_283, %parallel_loop3A_284 : i32
      %parallel_loop3A_286 = arith.index_cast %parallel_loop3A_285 : i32 to index
      %parallel_loop3A_287 = tpu.vector_load %arg9[%parallel_loop3A_286] {strides = array<i32>} : memref<50000xf32, #tpu.memory_space<vmem>>, vector<16xf32>,
      %parallel_loop3A_288 = arith.index_cast %parallel_loop3A_285 : i32 to index
      %parallel_loop3A_289 = tpu.vector_load %arg10[%parallel_loop3A_288] {strides = array<i32>} : memref<50000xf32, #tpu.memory_space<vmem>>, vector<16xf32>,
      %parallel_loop3A_290 = arith.mulf %parallel_loop3A_289, %gather3A_197 : vector<16xf32>
      %parallel_loop3A_291 = arith.addf %parallel_loop3A_287, %parallel_loop3A_290 : vector<16xf32>
      %parallel_loop3A_292 = arith.index_cast %parallel_loop3A_285 : i32 to index
      %parallel_loop3A_293 = tpu.vector_load %arg9[%parallel_loop3A_292] {strides = array<i32>} : memref<50000xf32, #tpu.memory_space<vmem>>, vector<16xf32>,
      tpu.vector_store %arg9[%parallel_loop3A_292], %parallel_loop3A_291 {strides = array<i32>} : memref<50000xf32, #tpu.memory_space<vmem>>, vector<16xf32>,
    } {sc.loop_unroll_factor = 8 : i64, sc.parallel_access}
    %parallel_loop3A_201 = arith.constant 0 : i32
    %parallel_loop3A_202 = arith.constant 3125 : i32
    %parallel_loop3A_203 = arith.constant 1 : i32
    scf.for %parallel_loop3A_283 = %parallel_loop3A_201 to %parallel_loop3A_202 step %parallel_loop3A_203  : i32 {
      %parallel_loop3A_284 = arith.constant 0.000000e+00 : f32
      %parallel_loop3A_285 = vector.broadcast %parallel_loop3A_284 : f32 to vector<16xf32>
      %parallel_loop3A_286 = arith.constant 16 : i32
      %parallel_loop3A_287 = arith.muli %parallel_loop3A_283, %parallel_loop3A_286 : i32
      %parallel_loop3A_288 = arith.index_cast %parallel_loop3A_287 : i32 to index
      %parallel_loop3A_289 = tpu.vector_load %arg10[%parallel_loop3A_288] {strides = array<i32>} : memref<50000xf32, #tpu.memory_space<vmem>>, vector<16xf32>,
      tpu.vector_store %arg10[%parallel_loop3A_288], %parallel_loop3A_285 {strides = array<i32>} : memref<50000xf32, #tpu.memory_space<vmem>>, vector<16xf32>,
    } {sc.loop_unroll_factor = 8 : i64, sc.parallel_access}
    %dma_start3A_204 = arith.constant 0 : i32
    %dma_start3A_205 = tpu.memref_slice %arg2[%dma_start3A_204] : memref<1600000xi32, #tpu.memory_space<hbm>> -> memref<4000xi32, #tpu.memory_space<hbm>>
    %dma_start3A_206 = arith.constant 0 : i32
    %dma_start3A_207 = tpu.memref_slice %arg2[%dma_start3A_206] : memref<1600000xi32, #tpu.memory_space<hbm>> -> memref<4000xi32, #tpu.memory_space<hbm>>
    tpu.enqueue_dma source(%dma_start3A_207 : memref<4000xi32, #tpu.memory_space<hbm>>) target(%arg11 : memref<4000xi32, #tpu.memory_space<vmem>>) target_semaphore(%arg23 : memref<!tpu.dma_semaphore, #tpu.memory_space<semaphore_mem>>)
    %dma_start3A_208 = arith.constant 0 : i32
    %dma_start3A_209 = tpu.memref_slice %arg3[%dma_start3A_208] : memref<1600000xf32, #tpu.memory_space<hbm>> -> memref<4000xf32, #tpu.memory_space<hbm>>
    %dma_start3A_210 = arith.constant 0 : i32
    %dma_start3A_211 = tpu.memref_slice %arg3[%dma_start3A_210] : memref<1600000xf32, #tpu.memory_space<hbm>> -> memref<4000xf32, #tpu.memory_space<hbm>>
    tpu.enqueue_dma source(%dma_start3A_211 : memref<4000xf32, #tpu.memory_space<hbm>>) target(%arg12 : memref<4000xf32, #tpu.memory_space<vmem>>) target_semaphore(%arg23 : memref<!tpu.dma_semaphore, #tpu.memory_space<semaphore_mem>>)
    %scan3A_212 = arith.constant 0 : i32
    %scan3A_213 = arith.constant 0 : i32
    %scan3A_214 = arith.constant 200 : i32
    %scan3A_215 = arith.addi %scan3A_213, %scan3A_214 : i32
    %scan3A_216 = arith.constant 1 : i32
    %scan3A_217 = scf.for %scan3A_283 = %scan3A_213 to %scan3A_215 step %scan3A_216 iter_args(%scan3A_284 = %scan3A_212) -> (i32)  : i32 {
      %mul3A_285 = arith.constant 2 : i32
      %mul3A_286 = arith.muli %mul3A_285, %scan3A_283 : i32
      %add3A_287 = arith.constant 1 : i32
      %add3A_288 = arith.addi %mul3A_286, %add3A_287 : i32
      %mul3A_289 = arith.constant 4000 : i32
      %mul3A_290 = arith.muli %add3A_288, %mul3A_289 : i32
      %dma_start3A_291 = tpu.memref_slice %arg2[%mul3A_290] : memref<1600000xi32, #tpu.memory_space<hbm>> -> memref<4000xi32, #tpu.memory_space<hbm>>
      %dma_start3A_292 = tpu.memref_slice %arg2[%mul3A_290] : memref<1600000xi32, #tpu.memory_space<hbm>> -> memref<4000xi32, #tpu.memory_space<hbm>>
      tpu.enqueue_dma source(%dma_start3A_292 : memref<4000xi32, #tpu.memory_space<hbm>>) target(%arg13 : memref<4000xi32, #tpu.memory_space<vmem>>) target_semaphore(%arg24 : memref<!tpu.dma_semaphore, #tpu.memory_space<semaphore_mem>>)
      %mul3A_293 = arith.constant 4000 : i32
      %mul3A_294 = arith.muli %add3A_288, %mul3A_293 : i32
      %dma_start3A_295 = tpu.memref_slice %arg3[%mul3A_294] : memref<1600000xf32, #tpu.memory_space<hbm>> -> memref<4000xf32, #tpu.memory_space<hbm>>
      %dma_start3A_296 = tpu.memref_slice %arg3[%mul3A_294] : memref<1600000xf32, #tpu.memory_space<hbm>> -> memref<4000xf32, #tpu.memory_space<hbm>>
      tpu.enqueue_dma source(%dma_start3A_296 : memref<4000xf32, #tpu.memory_space<hbm>>) target(%arg14 : memref<4000xf32, #tpu.memory_space<vmem>>) target_semaphore(%arg24 : memref<!tpu.dma_semaphore, #tpu.memory_space<semaphore_mem>>)
      %dma_wait3A = arith.constant 0 : i32
      %dma_wait3A_297 = tpu.memref_slice %arg2[%dma_wait3A] : memref<1600000xi32, #tpu.memory_space<hbm>> -> memref<4000xi32, #tpu.memory_space<hbm>>
      %dma_wait3A_298 = arith.constant 0 : i32
      %dma_wait3A_299 = tpu.memref_slice %arg2[%dma_wait3A_298] : memref<1600000xi32, #tpu.memory_space<hbm>> -> memref<4000xi32, #tpu.memory_space<hbm>>
      tpu.wait_dma2 semaphore(%arg23 : memref<!tpu.dma_semaphore, #tpu.memory_space<semaphore_mem>>) src(%dma_wait3A_299 : memref<4000xi32, #tpu.memory_space<hbm>>) dst(%arg11 : memref<4000xi32, #tpu.memory_space<vmem>>)
      %dma_wait3A_300 = arith.constant 0 : i32
      %dma_wait3A_301 = tpu.memref_slice %arg3[%dma_wait3A_300] : memref<1600000xf32, #tpu.memory_space<hbm>> -> memref<4000xf32, #tpu.memory_space<hbm>>
      %dma_wait3A_302 = arith.constant 0 : i32
      %dma_wait3A_303 = tpu.memref_slice %arg3[%dma_wait3A_302] : memref<1600000xf32, #tpu.memory_space<hbm>> -> memref<4000xf32, #tpu.memory_space<hbm>>
      tpu.wait_dma2 semaphore(%arg23 : memref<!tpu.dma_semaphore, #tpu.memory_space<semaphore_mem>>) src(%dma_wait3A_303 : memref<4000xf32, #tpu.memory_space<hbm>>) dst(%arg12 : memref<4000xf32, #tpu.memory_space<vmem>>)
      %mul3A_304 = arith.constant 2 : i32
      %mul3A_305 = arith.muli %mul3A_304, %scan3A_283 : i32
      %jit3A = arith.constant 50 : i32
      %div3A_306 = arith.divsi %mul3A_305, %jit3A : i32
      %sign3A = arith.constant 0 : i32
      %sign3A_307 = arith.cmpi sgt, %mul3A_305, %sign3A : i32
      %sign3A_308 = arith.extui %sign3A_307 : i1 to i32
      %sign3A_309 = arith.constant 0 : i32
      %sign3A_310 = arith.cmpi slt, %mul3A_305, %sign3A_309 : i32
      %sign3A_311 = arith.extui %sign3A_310 : i1 to i32
      %sign3A_312 = arith.subi %sign3A_308, %sign3A_311 : i32
      %sign3A_313 = arith.constant 0 : i32
      %sign3A_314 = arith.cmpi sgt, %jit3A, %sign3A_313 : i32
      %sign3A_315 = arith.extui %sign3A_314 : i1 to i32
      %sign3A_316 = arith.constant 0 : i32
      %sign3A_317 = arith.cmpi slt, %jit3A, %sign3A_316 : i32
      %sign3A_318 = arith.extui %sign3A_317 : i1 to i32
      %sign3A_319 = arith.subi %sign3A_315, %sign3A_318 : i32
      %ne3A = arith.cmpi ne, %sign3A_312, %sign3A_319 : i32
      %rem3A = arith.remsi %mul3A_305, %jit3A : i32
      %ne3A_320 = arith.constant 0 : i32
      %ne3A_321 = arith.cmpi ne, %rem3A, %ne3A_320 : i32
      %and3A = arith.andi %ne3A, %ne3A_321 : i1
      %sub3A = arith.constant 1 : i32
      %sub3A_322 = arith.subi %div3A_306, %sub3A : i32
      %select_n3A = arith.select %and3A, %sub3A_322, %div3A_306 : i32
      %broadcast_in_dim3A_323 = arith.constant 34 : i32
      %broadcast_in_dim3A_324 = vector.broadcast %broadcast_in_dim3A_323 : i32 to vector<16xi32>
      %add3A_325 = vector.broadcast %select_n3A : i32 to vector<16xi32>
      %add3A_326 = arith.addi %broadcast_in_dim3A_324, %add3A_325 : vector<16xi32>
      %gather3A_327 = tpu.vector_load_idx %arg17[%add3A_326] : memref<64xf32, #tpu.memory_space<vmem>>[vector<16xi32>], vector<16xf32>,
      %broadcast_in_dim3A_328 = arith.constant 42 : i32
      %broadcast_in_dim3A_329 = vector.broadcast %broadcast_in_dim3A_328 : i32 to vector<16xi32>
      %add3A_330 = vector.broadcast %select_n3A : i32 to vector<16xi32>
      %add3A_331 = arith.addi %broadcast_in_dim3A_329, %add3A_330 : vector<16xi32>
      %gather3A_332 = tpu.vector_load_idx %arg17[%add3A_331] : memref<64xf32, #tpu.memory_space<vmem>>[vector<16xi32>], vector<16xf32>,
      %parallel_loop3A_333 = arith.constant 0 : i32
      %parallel_loop3A_334 = arith.constant 250 : i32
      %parallel_loop3A_335 = arith.constant 1 : i32
      scf.for %parallel_loop3A_388 = %parallel_loop3A_333 to %parallel_loop3A_334 step %parallel_loop3A_335  : i32 {
        %parallel_loop3A_389 = arith.constant 16 : i32
        %parallel_loop3A_390 = arith.muli %parallel_loop3A_388, %parallel_loop3A_389 : i32
        %parallel_loop3A_391 = arith.index_cast %parallel_loop3A_390 : i32 to index
        %parallel_loop3A_392 = tpu.vector_load %arg11[%parallel_loop3A_391] {strides = array<i32>} : memref<4000xi32, #tpu.memory_space<vmem>>, vector<16xi32>,
        %parallel_loop3A_393 = arith.index_cast %parallel_loop3A_390 : i32 to index
        %parallel_loop3A_394 = tpu.vector_load %arg12[%parallel_loop3A_393] {strides = array<i32>} : memref<4000xf32, #tpu.memory_space<vmem>>, vector<16xf32>,
        %parallel_loop3A_395 = arith.constant 65535 : i32
        %parallel_loop3A_396 = vector.broadcast %parallel_loop3A_395 : i32 to vector<16xi32>
        %parallel_loop3A_397 = arith.andi %parallel_loop3A_392, %parallel_loop3A_396 : vector<16xi32>
        %parallel_loop3A_398 = arith.constant 16 : i32
        %parallel_loop3A_399 = vector.broadcast %parallel_loop3A_398 : i32 to vector<16xi32>
        %parallel_loop3A_400 = arith.shrui %parallel_loop3A_392, %parallel_loop3A_399 : vector<16xi32>
        %parallel_loop3A_401 = tpu.vector_load_idx %arg9[%parallel_loop3A_397] : memref<50000xf32, #tpu.memory_space<vmem>>[vector<16xi32>], vector<16xf32>,
        %parallel_loop3A_402 = arith.mulf %parallel_loop3A_401, %parallel_loop3A_394 : vector<16xf32>
        %parallel_loop3A_403 = arith.addf %gather3A_327, %gather3A_332 : vector<16xf32>
        %parallel_loop3A_404 = arith.mulf %parallel_loop3A_402, %parallel_loop3A_403 : vector<16xf32>
        tpu.vector_store_idx %arg10[%parallel_loop3A_400], %parallel_loop3A_404 {add = true} : memref<50000xf32, #tpu.memory_space<vmem>>[vector<16xi32>], vector<16xf32>,
      } {sc.loop_unroll_factor = 8 : i64, sc.parallel_access}
      %lt3A = arith.constant 199 : i32
      %lt3A_336 = arith.cmpi slt, %scan3A_283, %lt3A : i32
      %convert_element_type3A = arith.extui %lt3A_336 : i1 to i32
      %cond3A = arith.constant 0 : i32
      %cond3A_337 = arith.cmpi ne, %convert_element_type3A, %cond3A : i32
      scf.if %cond3A_337 {
        %mul3A_388 = arith.constant 2 : i32
        %mul3A_389 = arith.muli %mul3A_388, %scan3A_283 : i32
        %add3A_390 = arith.constant 2 : i32
        %add3A_391 = arith.addi %mul3A_389, %add3A_390 : i32
        %mul3A_392 = arith.constant 4000 : i32
        %mul3A_393 = arith.muli %add3A_391, %mul3A_392 : i32
        %dma_start3A_394 = tpu.memref_slice %arg2[%mul3A_393] : memref<1600000xi32, #tpu.memory_space<hbm>> -> memref<4000xi32, #tpu.memory_space<hbm>>
        %dma_start3A_395 = tpu.memref_slice %arg2[%mul3A_393] : memref<1600000xi32, #tpu.memory_space<hbm>> -> memref<4000xi32, #tpu.memory_space<hbm>>
        tpu.enqueue_dma source(%dma_start3A_395 : memref<4000xi32, #tpu.memory_space<hbm>>) target(%arg11 : memref<4000xi32, #tpu.memory_space<vmem>>) target_semaphore(%arg23 : memref<!tpu.dma_semaphore, #tpu.memory_space<semaphore_mem>>)
        %mul3A_396 = arith.constant 4000 : i32
        %mul3A_397 = arith.muli %add3A_391, %mul3A_396 : i32
        %dma_start3A_398 = tpu.memref_slice %arg3[%mul3A_397] : memref<1600000xf32, #tpu.memory_space<hbm>> -> memref<4000xf32, #tpu.memory_space<hbm>>
        %dma_start3A_399 = tpu.memref_slice %arg3[%mul3A_397] : memref<1600000xf32, #tpu.memory_space<hbm>> -> memref<4000xf32, #tpu.memory_space<hbm>>
        tpu.enqueue_dma source(%dma_start3A_399 : memref<4000xf32, #tpu.memory_space<hbm>>) target(%arg12 : memref<4000xf32, #tpu.memory_space<vmem>>) target_semaphore(%arg23 : memref<!tpu.dma_semaphore, #tpu.memory_space<semaphore_mem>>)
      } else {
      }
      %dma_wait3A_338 = arith.constant 0 : i32
      %dma_wait3A_339 = tpu.memref_slice %arg2[%dma_wait3A_338] : memref<1600000xi32, #tpu.memory_space<hbm>> -> memref<4000xi32, #tpu.memory_space<hbm>>
      %dma_wait3A_340 = arith.constant 0 : i32
      %dma_wait3A_341 = tpu.memref_slice %arg2[%dma_wait3A_340] : memref<1600000xi32, #tpu.memory_space<hbm>> -> memref<4000xi32, #tpu.memory_space<hbm>>
      tpu.wait_dma2 semaphore(%arg24 : memref<!tpu.dma_semaphore, #tpu.memory_space<semaphore_mem>>) src(%dma_wait3A_341 : memref<4000xi32, #tpu.memory_space<hbm>>) dst(%arg13 : memref<4000xi32, #tpu.memory_space<vmem>>)
      %dma_wait3A_342 = arith.constant 0 : i32
      %dma_wait3A_343 = tpu.memref_slice %arg3[%dma_wait3A_342] : memref<1600000xf32, #tpu.memory_space<hbm>> -> memref<4000xf32, #tpu.memory_space<hbm>>
      %dma_wait3A_344 = arith.constant 0 : i32
      %dma_wait3A_345 = tpu.memref_slice %arg3[%dma_wait3A_344] : memref<1600000xf32, #tpu.memory_space<hbm>> -> memref<4000xf32, #tpu.memory_space<hbm>>
      tpu.wait_dma2 semaphore(%arg24 : memref<!tpu.dma_semaphore, #tpu.memory_space<semaphore_mem>>) src(%dma_wait3A_345 : memref<4000xf32, #tpu.memory_space<hbm>>) dst(%arg14 : memref<4000xf32, #tpu.memory_space<vmem>>)
      %mul3A_346 = arith.constant 2 : i32
      %mul3A_347 = arith.muli %mul3A_346, %scan3A_283 : i32
      %add3A_348 = arith.constant 1 : i32
      %add3A_349 = arith.addi %mul3A_347, %add3A_348 : i32
      %jit3A_350 = arith.constant 50 : i32
      %div3A_351 = arith.divsi %add3A_349, %jit3A_350 : i32
      %sign3A_352 = arith.constant 0 : i32
      %sign3A_353 = arith.cmpi sgt, %add3A_349, %sign3A_352 : i32
      %sign3A_354 = arith.extui %sign3A_353 : i1 to i32
      %sign3A_355 = arith.constant 0 : i32
      %sign3A_356 = arith.cmpi slt, %add3A_349, %sign3A_355 : i32
      %sign3A_357 = arith.extui %sign3A_356 : i1 to i32
      %sign3A_358 = arith.subi %sign3A_354, %sign3A_357 : i32
      %sign3A_359 = arith.constant 0 : i32
      %sign3A_360 = arith.cmpi sgt, %jit3A_350, %sign3A_359 : i32
      %sign3A_361 = arith.extui %sign3A_360 : i1 to i32
      %sign3A_362 = arith.constant 0 : i32
      %sign3A_363 = arith.cmpi slt, %jit3A_350, %sign3A_362 : i32
      %sign3A_364 = arith.extui %sign3A_363 : i1 to i32
      %sign3A_365 = arith.subi %sign3A_361, %sign3A_364 : i32
      %ne3A_366 = arith.cmpi ne, %sign3A_358, %sign3A_365 : i32
      %rem3A_367 = arith.remsi %add3A_349, %jit3A_350 : i32
      %ne3A_368 = arith.constant 0 : i32
      %ne3A_369 = arith.cmpi ne, %rem3A_367, %ne3A_368 : i32
      %and3A_370 = arith.andi %ne3A_366, %ne3A_369 : i1
      %sub3A_371 = arith.constant 1 : i32
      %sub3A_372 = arith.subi %div3A_351, %sub3A_371 : i32
      %select_n3A_373 = arith.select %and3A_370, %sub3A_372, %div3A_351 : i32
      %broadcast_in_dim3A_374 = arith.constant 34 : i32
      %broadcast_in_dim3A_375 = vector.broadcast %broadcast_in_dim3A_374 : i32 to vector<16xi32>
      %add3A_376 = vector.broadcast %select_n3A_373 : i32 to vector<16xi32>
      %add3A_377 = arith.addi %broadcast_in_dim3A_375, %add3A_376 : vector<16xi32>
      %gather3A_378 = tpu.vector_load_idx %arg17[%add3A_377] : memref<64xf32, #tpu.memory_space<vmem>>[vector<16xi32>], vector<16xf32>,
      %broadcast_in_dim3A_379 = arith.constant 42 : i32
      %broadcast_in_dim3A_380 = vector.broadcast %broadcast_in_dim3A_379 : i32 to vector<16xi32>
      %add3A_381 = vector.broadcast %select_n3A_373 : i32 to vector<16xi32>
      %add3A_382 = arith.addi %broadcast_in_dim3A_380, %add3A_381 : vector<16xi32>
      %gather3A_383 = tpu.vector_load_idx %arg17[%add3A_382] : memref<64xf32, #tpu.memory_space<vmem>>[vector<16xi32>], vector<16xf32>,
      %parallel_loop3A_384 = arith.constant 0 : i32
      %parallel_loop3A_385 = arith.constant 250 : i32
      %parallel_loop3A_386 = arith.constant 1 : i32
      scf.for %parallel_loop3A_388 = %parallel_loop3A_384 to %parallel_loop3A_385 step %parallel_loop3A_386  : i32 {
        %parallel_loop3A_389 = arith.constant 16 : i32
        %parallel_loop3A_390 = arith.muli %parallel_loop3A_388, %parallel_loop3A_389 : i32
        %parallel_loop3A_391 = arith.index_cast %parallel_loop3A_390 : i32 to index
        %parallel_loop3A_392 = tpu.vector_load %arg13[%parallel_loop3A_391] {strides = array<i32>} : memref<4000xi32, #tpu.memory_space<vmem>>, vector<16xi32>,
        %parallel_loop3A_393 = arith.index_cast %parallel_loop3A_390 : i32 to index
        %parallel_loop3A_394 = tpu.vector_load %arg14[%parallel_loop3A_393] {strides = array<i32>} : memref<4000xf32, #tpu.memory_space<vmem>>, vector<16xf32>,
        %parallel_loop3A_395 = arith.constant 65535 : i32
        %parallel_loop3A_396 = vector.broadcast %parallel_loop3A_395 : i32 to vector<16xi32>
        %parallel_loop3A_397 = arith.andi %parallel_loop3A_392, %parallel_loop3A_396 : vector<16xi32>
        %parallel_loop3A_398 = arith.constant 16 : i32
        %parallel_loop3A_399 = vector.broadcast %parallel_loop3A_398 : i32 to vector<16xi32>
        %parallel_loop3A_400 = arith.shrui %parallel_loop3A_392, %parallel_loop3A_399 : vector<16xi32>
        %parallel_loop3A_401 = tpu.vector_load_idx %arg9[%parallel_loop3A_397] : memref<50000xf32, #tpu.memory_space<vmem>>[vector<16xi32>], vector<16xf32>,
        %parallel_loop3A_402 = arith.mulf %parallel_loop3A_401, %parallel_loop3A_394 : vector<16xf32>
        %parallel_loop3A_403 = arith.addf %gather3A_378, %gather3A_383 : vector<16xf32>
        %parallel_loop3A_404 = arith.mulf %parallel_loop3A_402, %parallel_loop3A_403 : vector<16xf32>
        tpu.vector_store_idx %arg10[%parallel_loop3A_400], %parallel_loop3A_404 {add = true} : memref<50000xf32, #tpu.memory_space<vmem>>[vector<16xi32>], vector<16xf32>,
      } {sc.loop_unroll_factor = 8 : i64, sc.parallel_access}
      %scan3A_387 = arith.constant 0 : i32
      scf.yield %scan3A_387 : i32
    }
    %scan3A_218 = arith.constant 200 : i32
    %broadcast_in_dim3A_219 = arith.constant 50 : i32
    %broadcast_in_dim3A_220 = vector.broadcast %broadcast_in_dim3A_219 : i32 to vector<16xi32>
    %gather3A_221 = tpu.vector_load_idx %arg17[%broadcast_in_dim3A_220] : memref<64xf32, #tpu.memory_space<vmem>>[vector<16xi32>], vector<16xf32>,
    %parallel_loop3A_222 = arith.constant 0 : i32
    %parallel_loop3A_223 = arith.constant 3125 : i32
    %parallel_loop3A_224 = arith.constant 1 : i32
    scf.for %parallel_loop3A_283 = %parallel_loop3A_222 to %parallel_loop3A_223 step %parallel_loop3A_224  : i32 {
      %parallel_loop3A_284 = arith.constant 16 : i32
      %parallel_loop3A_285 = arith.muli %parallel_loop3A_283, %parallel_loop3A_284 : i32
      %parallel_loop3A_286 = arith.index_cast %parallel_loop3A_285 : i32 to index
      %parallel_loop3A_287 = tpu.vector_load %arg10[%parallel_loop3A_286] {strides = array<i32>} : memref<50000xf32, #tpu.memory_space<vmem>>, vector<16xf32>,
      %parallel_loop3A_288 = arith.index_cast %parallel_loop3A_285 : i32 to index
      %parallel_loop3A_289 = tpu.vector_load %arg9[%parallel_loop3A_288] {strides = array<i32>} : memref<50000xf32, #tpu.memory_space<vmem>>, vector<16xf32>,
      %parallel_loop3A_290 = arith.mulf %parallel_loop3A_289, %gather3A_221 : vector<16xf32>
      %parallel_loop3A_291 = arith.addf %parallel_loop3A_287, %parallel_loop3A_290 : vector<16xf32>
      %parallel_loop3A_292 = arith.index_cast %parallel_loop3A_285 : i32 to index
      %parallel_loop3A_293 = tpu.vector_load %arg10[%parallel_loop3A_292] {strides = array<i32>} : memref<50000xf32, #tpu.memory_space<vmem>>, vector<16xf32>,
      tpu.vector_store %arg10[%parallel_loop3A_292], %parallel_loop3A_291 {strides = array<i32>} : memref<50000xf32, #tpu.memory_space<vmem>>, vector<16xf32>,
    } {sc.loop_unroll_factor = 8 : i64, sc.parallel_access}
    %gather3A_225 = tpu.vector_load_idx %arg10[%gather3A_147] : memref<50000xf32, #tpu.memory_space<vmem>>[vector<16xi32>], vector<16xf32>,
    %broadcast_in_dim3A_226 = arith.constant 0.000000e+00 : f32
    %broadcast_in_dim3A_227 = vector.broadcast %broadcast_in_dim3A_226 : f32 to vector<16xf32>
    %swap3A_228 = arith.constant 0 : index
    %swap3A_229 = tpu.vector_load %arg20[%swap3A_228] {strides = array<i32>} : memref<16xf32, #tpu.memory_space<vmem>>, vector<16xf32>,
    tpu.vector_store %arg20[%swap3A_228], %broadcast_in_dim3A_227 {strides = array<i32>} : memref<16xf32, #tpu.memory_space<vmem>>, vector<16xf32>,
    %broadcast_in_dim3A_230 = arith.constant 0 : i32
    %broadcast_in_dim3A_231 = vector.broadcast %broadcast_in_dim3A_230 : i32 to vector<16xi32>
    %swap3A_232 = arith.constant 0 : index
    %swap3A_233 = tpu.vector_load %arg21[%swap3A_232] {strides = array<i32>} : memref<16xi32, #tpu.memory_space<vmem>>, vector<16xi32>,
    tpu.vector_store %arg21[%swap3A_232], %broadcast_in_dim3A_231 {strides = array<i32>} : memref<16xi32, #tpu.memory_space<vmem>>, vector<16xi32>,
    %broadcast_in_dim3A_234 = arith.constant 0 : i32
    %broadcast_in_dim3A_235 = vector.broadcast %broadcast_in_dim3A_234 : i32 to vector<16xi32>
    %swap3A_236 = arith.constant 0 : index
    %swap3A_237 = tpu.vector_load %arg22[%swap3A_236] {strides = array<i32>} : memref<16xi32, #tpu.memory_space<vmem>>, vector<16xi32>,
    tpu.vector_store %arg22[%swap3A_236], %broadcast_in_dim3A_235 {strides = array<i32>} : memref<16xi32, #tpu.memory_space<vmem>>, vector<16xi32>,
    %scan3A_238 = arith.constant 0 : i32
    %scan3A_239 = arith.constant 0 : i32
    %scan3A_240 = arith.constant 3125 : i32
    %scan3A_241 = arith.addi %scan3A_239, %scan3A_240 : i32
    %scan3A_242 = arith.constant 1 : i32
    %scan3A_243 = scf.for %scan3A_283 = %scan3A_239 to %scan3A_241 step %scan3A_242 iter_args(%scan3A_284 = %scan3A_238) -> (i32)  : i32 {
      %mul3A_285 = arith.constant 16 : i32
      %mul3A_286 = arith.muli %scan3A_283, %mul3A_285 : i32
      %get3A_287 = arith.index_cast %mul3A_286 : i32 to index
      %get3A_288 = tpu.vector_load %arg10[%get3A_287] {strides = array<i32>} : memref<50000xf32, #tpu.memory_space<vmem>>, vector<16xf32>,
      %broadcast_in_dim3A_289 = arith.constant 0 : i32
      %broadcast_in_dim3A_290 = vector.broadcast %broadcast_in_dim3A_289 : i32 to vector<16xi32>
      %mul3A_291 = arith.constant 16 : i32
      %mul3A_292 = arith.muli %scan3A_283, %mul3A_291 : i32
      %add3A_293 = vector.broadcast %mul3A_292 : i32 to vector<16xi32>
      %add3A_294 = arith.addi %broadcast_in_dim3A_290, %add3A_293 : vector<16xi32>
      %add3A_295 = arith.addi %add3A_294, %iota3A : vector<16xi32>
      %get3A_296 = arith.constant 0 : index
      %get3A_297 = tpu.vector_load %arg20[%get3A_296] {strides = array<i32>} : memref<16xf32, #tpu.memory_space<vmem>>, vector<16xf32>,
      %add3A_298 = arith.addf %get3A_297, %get3A_288 : vector<16xf32>
      %swap3A_299 = arith.constant 0 : index
      %swap3A_300 = tpu.vector_load %arg20[%swap3A_299] {strides = array<i32>} : memref<16xf32, #tpu.memory_space<vmem>>, vector<16xf32>,
      tpu.vector_store %arg20[%swap3A_299], %add3A_298 {strides = array<i32>} : memref<16xf32, #tpu.memory_space<vmem>>, vector<16xf32>,
      %get3A_301 = arith.constant 0 : index
      %get3A_302 = tpu.vector_load %arg21[%get3A_301] {strides = array<i32>} : memref<16xi32, #tpu.memory_space<vmem>>, vector<16xi32>,
      %gt3A = arith.cmpf ogt, %get3A_288, %gather3A_225 : vector<16xf32>
      %convert_element_type3A = arith.extui %gt3A : vector<16xi1> to vector<16xi32>
      %add3A_303 = arith.addi %get3A_302, %convert_element_type3A : vector<16xi32>
      %swap3A_304 = arith.constant 0 : index
      %swap3A_305 = tpu.vector_load %arg21[%swap3A_304] {strides = array<i32>} : memref<16xi32, #tpu.memory_space<vmem>>, vector<16xi32>,
      tpu.vector_store %arg21[%swap3A_304], %add3A_303 {strides = array<i32>} : memref<16xi32, #tpu.memory_space<vmem>>, vector<16xi32>,
      %get3A_306 = arith.constant 0 : index
      %get3A_307 = tpu.vector_load %arg22[%get3A_306] {strides = array<i32>} : memref<16xi32, #tpu.memory_space<vmem>>, vector<16xi32>,
      %eq3A_308 = arith.cmpf oeq, %get3A_288, %gather3A_225 : vector<16xf32>
      %lt3A = arith.cmpi slt, %add3A_295, %gather3A_147 : vector<16xi32>
      %and3A = arith.andi %eq3A_308, %lt3A : vector<16xi1>
      %convert_element_type3A_309 = arith.extui %and3A : vector<16xi1> to vector<16xi32>
      %add3A_310 = arith.addi %get3A_307, %convert_element_type3A_309 : vector<16xi32>
      %swap3A_311 = arith.constant 0 : index
      %swap3A_312 = tpu.vector_load %arg22[%swap3A_311] {strides = array<i32>} : memref<16xi32, #tpu.memory_space<vmem>>, vector<16xi32>,
      tpu.vector_store %arg22[%swap3A_311], %add3A_310 {strides = array<i32>} : memref<16xi32, #tpu.memory_space<vmem>>, vector<16xi32>,
      %scan3A_313 = arith.constant 0 : i32
      scf.yield %scan3A_313 : i32
    }
    %scan3A_244 = arith.constant 3125 : i32
    %get3A_245 = arith.constant 0 : index
    %get3A_246 = tpu.vector_load %arg20[%get3A_245] {strides = array<i32>} : memref<16xf32, #tpu.memory_space<vmem>>, vector<16xf32>,
    %reduce_sum3A_247 = arith.constant true
    %reduce_sum3A_248 = vector.broadcast %reduce_sum3A_247 : i1 to vector<16xi1>
    %reduce_sum3A_249 = tpu.scan <sum>, %get3A_246 masked %reduce_sum3A_248 : vector<16xf32>, vector<16xi1> -> vector<16xf32>
    %reduce_sum3A_250 = vector.extract %reduce_sum3A_249[15] : f32 from vector<16xf32>
    %get3A_251 = arith.constant 0 : index
    %get3A_252 = tpu.vector_load %arg21[%get3A_251] {strides = array<i32>} : memref<16xi32, #tpu.memory_space<vmem>>, vector<16xi32>,
    %reduce_sum3A_253 = arith.constant true
    %reduce_sum3A_254 = vector.broadcast %reduce_sum3A_253 : i1 to vector<16xi1>
    %reduce_sum3A_255 = tpu.scan <sum>, %get3A_252 masked %reduce_sum3A_254 : vector<16xi32>, vector<16xi1> -> vector<16xi32>
    %reduce_sum3A_256 = vector.extract %reduce_sum3A_255[15] : i32 from vector<16xi32>
    %get3A_257 = arith.constant 0 : index
    %get3A_258 = tpu.vector_load %arg22[%get3A_257] {strides = array<i32>} : memref<16xi32, #tpu.memory_space<vmem>>, vector<16xi32>,
    %reduce_sum3A_259 = arith.constant true
    %reduce_sum3A_260 = vector.broadcast %reduce_sum3A_259 : i1 to vector<16xi1>
    %reduce_sum3A_261 = tpu.scan <sum>, %get3A_258 masked %reduce_sum3A_260 : vector<16xi32>, vector<16xi1> -> vector<16xi32>
    %reduce_sum3A_262 = vector.extract %reduce_sum3A_261[15] : i32 from vector<16xi32>
    %add3A_263 = arith.addi %reduce_sum3A_256, %reduce_sum3A_262 : i32
    %max3A_264 = arith.constant 9.99999968E-21 : f32
    %max3A_265 = arith.maximumf %max3A_264, %reduce_sum3A_250 : f32
    %div3A_266 = vector.broadcast %max3A_265 : f32 to vector<16xf32>
    %div3A_267 = arith.divf %gather3A_225, %div3A_266 : vector<16xf32>
    %max3A_268 = arith.constant 9.99999968E-21 : f32
    %max3A_269 = vector.broadcast %max3A_268 : f32 to vector<16xf32>
    %max3A_270 = arith.maximumf %max3A_269, %div3A_267 : vector<16xf32>
    %swap3A_271 = arith.constant 0 : index
    %swap3A_272 = tpu.vector_load %arg18[%swap3A_271] {strides = array<i32>} : memref<16xf32, #tpu.memory_space<vmem>>, vector<16xf32>,
    tpu.vector_store %arg18[%swap3A_271], %max3A_270 {strides = array<i32>} : memref<16xf32, #tpu.memory_space<vmem>>, vector<16xf32>,
    %broadcast_in_dim3A_273 = arith.constant 0 : i32
    %broadcast_in_dim3A_274 = vector.broadcast %broadcast_in_dim3A_273 : i32 to vector<16xi32>
    %add3A_275 = vector.broadcast %add3A_263 : i32 to vector<16xi32>
    %add3A_276 = arith.addi %broadcast_in_dim3A_274, %add3A_275 : vector<16xi32>
    %swap3A_277 = arith.constant 0 : index
    %swap3A_278 = tpu.vector_load %arg19[%swap3A_277] {strides = array<i32>} : memref<16xi32, #tpu.memory_space<vmem>>, vector<16xi32>,
    tpu.vector_store %arg19[%swap3A_277], %add3A_276 {strides = array<i32>} : memref<16xi32, #tpu.memory_space<vmem>>, vector<16xi32>,
    %mul3A_279 = arith.constant 16 : i32
    %mul3A_280 = arith.muli %add3A_139, %mul3A_279 : i32
    "tpu.region"() ({
      %run_scoped3A = tpu.sem_alloc : memref<!tpu.dma_semaphore, #tpu.memory_space<semaphore_mem>>
      %dma_start3A_283 = tpu.memref_slice %arg7[%mul3A_280] : memref<1024xf32, #tpu.memory_space<hbm>> -> memref<16xf32, #tpu.memory_space<hbm>>
      %dma_start3A_284 = tpu.memref_slice %arg7[%mul3A_280] : memref<1024xf32, #tpu.memory_space<hbm>> -> memref<16xf32, #tpu.memory_space<hbm>>
      tpu.enqueue_dma source(%arg18 : memref<16xf32, #tpu.memory_space<vmem>>) target(%dma_start3A_284 : memref<16xf32, #tpu.memory_space<hbm>>) target_semaphore(%run_scoped3A : memref<!tpu.dma_semaphore, #tpu.memory_space<semaphore_mem>>)
      %dma_wait3A = tpu.memref_slice %arg7[%mul3A_280] : memref<1024xf32, #tpu.memory_space<hbm>> -> memref<16xf32, #tpu.memory_space<hbm>>
      %dma_wait3A_285 = tpu.memref_slice %arg7[%mul3A_280] : memref<1024xf32, #tpu.memory_space<hbm>> -> memref<16xf32, #tpu.memory_space<hbm>>
      tpu.wait_dma2 semaphore(%run_scoped3A : memref<!tpu.dma_semaphore, #tpu.memory_space<semaphore_mem>>) src(%arg18 : memref<16xf32, #tpu.memory_space<vmem>>) dst(%dma_wait3A_285 : memref<16xf32, #tpu.memory_space<hbm>>)
      tpu.yield
    }) : () -> ()
    %mul3A_281 = arith.constant 16 : i32
    %mul3A_282 = arith.muli %add3A_139, %mul3A_281 : i32
    "tpu.region"() ({
      %run_scoped3A = tpu.sem_alloc : memref<!tpu.dma_semaphore, #tpu.memory_space<semaphore_mem>>
      %dma_start3A_283 = tpu.memref_slice %arg8[%mul3A_282] : memref<1024xi32, #tpu.memory_space<hbm>> -> memref<16xi32, #tpu.memory_space<hbm>>
      %dma_start3A_284 = tpu.memref_slice %arg8[%mul3A_282] : memref<1024xi32, #tpu.memory_space<hbm>> -> memref<16xi32, #tpu.memory_space<hbm>>
      tpu.enqueue_dma source(%arg19 : memref<16xi32, #tpu.memory_space<vmem>>) target(%dma_start3A_284 : memref<16xi32, #tpu.memory_space<hbm>>) target_semaphore(%run_scoped3A : memref<!tpu.dma_semaphore, #tpu.memory_space<semaphore_mem>>)
      %dma_wait3A = tpu.memref_slice %arg8[%mul3A_282] : memref<1024xi32, #tpu.memory_space<hbm>> -> memref<16xi32, #tpu.memory_space<hbm>>
      %dma_wait3A_285 = tpu.memref_slice %arg8[%mul3A_282] : memref<1024xi32, #tpu.memory_space<hbm>> -> memref<16xi32, #tpu.memory_space<hbm>>
      tpu.wait_dma2 semaphore(%run_scoped3A : memref<!tpu.dma_semaphore, #tpu.memory_space<semaphore_mem>>) src(%arg19 : memref<16xi32, #tpu.memory_space<vmem>>) dst(%dma_wait3A_285 : memref<16xi32, #tpu.memory_space<hbm>>)
      tpu.yield
    }) : () -> ()
    return
  }
}

#map = affine_map<(d0, d1) -> (0)>
module attributes {stable_mosaic.version = 14 : i64} {
  func.func @_mask_pack(%arg0: i32, %arg1: i32, %arg2: memref<3200000xi32, #tpu.memory_space<hbm>>, %arg3: memref<1600000xf32, #tpu.memory_space<hbm>>, %arg4: memref<64xi32, #tpu.memory_space<hbm>>, %arg5: memref<64xi32, #tpu.memory_space<hbm>>, %arg6: memref<64xi32, #tpu.memory_space<hbm>>, %arg7: memref<1600000xi32, #tpu.memory_space<hbm>>, %arg8: memref<1600000xf32, #tpu.memory_space<hbm>>, %arg9: memref<64xi32, #tpu.memory_space<vmem>>, %arg10: memref<64xi32, #tpu.memory_space<vmem>>, %arg11: memref<64xi32, #tpu.memory_space<vmem>>, %arg12: memref<96xi32, #tpu.memory_space<vmem>>, %arg13: memref<10000xi32, #tpu.memory_space<vmem>>, %arg14: memref<10000xi32, #tpu.memory_space<vmem>>, %arg15: memref<10000xf32, #tpu.memory_space<vmem>>, %arg16: memref<10000xi32, #tpu.memory_space<vmem>>, %arg17: memref<10000xf32, #tpu.memory_space<vmem>>, %arg18: memref<16xi32, #tpu.memory_space<vmem>>) attributes {dimension_semantics = [#tpu.dimension_semantics<core_parallel>, #tpu.dimension_semantics<subcore_parallel>], iteration_bounds = array<i64: 2, 16>, scalar_prefetch = 0 : i64, scratch_operands = 10 : i64, tpu.core_type = #tpu.core_type<sc_vector_subcore>, window_params = [{transform_indices = #map}, {transform_indices = #map}, {transform_indices = #map}, {transform_indices = #map}, {transform_indices = #map}, {transform_indices = #map}, {transform_indices = #map}]} {
    %mul3A = arith.constant 2 : i32
    %mul3A_0 = arith.muli %arg1, %mul3A : i32
    %add3A = arith.addi %mul3A_0, %arg0 : i32
    %jit3A = arith.constant 4 : i32
    %div3A = arith.divsi %add3A, %jit3A : i32
    %sign3A = arith.constant 0 : i32
    %sign3A_1 = arith.cmpi sgt, %add3A, %sign3A : i32
    %sign3A_2 = arith.extui %sign3A_1 : i1 to i32
    %sign3A_3 = arith.constant 0 : i32
    %sign3A_4 = arith.cmpi slt, %add3A, %sign3A_3 : i32
    %sign3A_5 = arith.extui %sign3A_4 : i1 to i32
    %sign3A_6 = arith.subi %sign3A_2, %sign3A_5 : i32
    %sign3A_7 = arith.constant 0 : i32
    %sign3A_8 = arith.cmpi sgt, %jit3A, %sign3A_7 : i32
    %sign3A_9 = arith.extui %sign3A_8 : i1 to i32
    %sign3A_10 = arith.constant 0 : i32
    %sign3A_11 = arith.cmpi slt, %jit3A, %sign3A_10 : i32
    %sign3A_12 = arith.extui %sign3A_11 : i1 to i32
    %sign3A_13 = arith.subi %sign3A_9, %sign3A_12 : i32
    %ne3A = arith.cmpi ne, %sign3A_6, %sign3A_13 : i32
    %rem3A = arith.remsi %add3A, %jit3A : i32
    %ne3A_14 = arith.constant 0 : i32
    %ne3A_15 = arith.cmpi ne, %rem3A, %ne3A_14 : i32
    %and3A = arith.andi %ne3A, %ne3A_15 : i1
    %sub3A = arith.constant 1 : i32
    %sub3A_16 = arith.subi %div3A, %sub3A : i32
    %select_n3A = arith.select %and3A, %sub3A_16, %div3A : i32
    %jit3A_17 = arith.constant 4 : i32
    %eq3A = arith.constant 0 : i32
    %eq3A_18 = arith.cmpi eq, %jit3A_17, %eq3A : i32
    %jit3A_19 = arith.constant 1 : i32
    %select_n3A_20 = arith.select %eq3A_18, %jit3A_19, %jit3A_17 : i32
    %rem3A_21 = arith.remsi %add3A, %select_n3A_20 : i32
    %ne3A_22 = arith.constant 0 : i32
    %ne3A_23 = arith.cmpi ne, %rem3A_21, %ne3A_22 : i32
    %lt3A = arith.constant 0 : i32
    %lt3A_24 = arith.cmpi slt, %rem3A_21, %lt3A : i32
    %lt3A_25 = arith.constant 0 : i32
    %lt3A_26 = arith.cmpi slt, %select_n3A_20, %lt3A_25 : i32
    %ne3A_27 = arith.xori %lt3A_24, %lt3A_26 : i1
    %and3A_28 = arith.andi %ne3A_27, %ne3A_23 : i1
    %add3A_29 = arith.addi %rem3A_21, %select_n3A_20 : i32
    %select_n3A_30 = arith.select %and3A_28, %add3A_29, %rem3A_21 : i32
    %mul3A_31 = arith.constant 50000 : i32
    %mul3A_32 = arith.muli %select_n3A_30, %mul3A_31 : i32
    "tpu.region"() ({
      %run_scoped3A = tpu.sem_alloc : memref<!tpu.dma_semaphore, #tpu.memory_space<semaphore_mem>>
      tpu.enqueue_dma source(%arg4 : memref<64xi32, #tpu.memory_space<hbm>>) target(%arg9 : memref<64xi32, #tpu.memory_space<vmem>>) target_semaphore(%run_scoped3A : memref<!tpu.dma_semaphore, #tpu.memory_space<semaphore_mem>>)
      tpu.wait_dma2 semaphore(%run_scoped3A : memref<!tpu.dma_semaphore, #tpu.memory_space<semaphore_mem>>) src(%arg4 : memref<64xi32, #tpu.memory_space<hbm>>) dst(%arg9 : memref<64xi32, #tpu.memory_space<vmem>>)
      tpu.yield
    }) : () -> ()
    "tpu.region"() ({
      %run_scoped3A = tpu.sem_alloc : memref<!tpu.dma_semaphore, #tpu.memory_space<semaphore_mem>>
      tpu.enqueue_dma source(%arg5 : memref<64xi32, #tpu.memory_space<hbm>>) target(%arg10 : memref<64xi32, #tpu.memory_space<vmem>>) target_semaphore(%run_scoped3A : memref<!tpu.dma_semaphore, #tpu.memory_space<semaphore_mem>>)
      tpu.wait_dma2 semaphore(%run_scoped3A : memref<!tpu.dma_semaphore, #tpu.memory_space<semaphore_mem>>) src(%arg5 : memref<64xi32, #tpu.memory_space<hbm>>) dst(%arg10 : memref<64xi32, #tpu.memory_space<vmem>>)
      tpu.yield
    }) : () -> ()
    "tpu.region"() ({
      %run_scoped3A = tpu.sem_alloc : memref<!tpu.dma_semaphore, #tpu.memory_space<semaphore_mem>>
      tpu.enqueue_dma source(%arg6 : memref<64xi32, #tpu.memory_space<hbm>>) target(%arg11 : memref<64xi32, #tpu.memory_space<vmem>>) target_semaphore(%run_scoped3A : memref<!tpu.dma_semaphore, #tpu.memory_space<semaphore_mem>>)
      tpu.wait_dma2 semaphore(%run_scoped3A : memref<!tpu.dma_semaphore, #tpu.memory_space<semaphore_mem>>) src(%arg6 : memref<64xi32, #tpu.memory_space<hbm>>) dst(%arg11 : memref<64xi32, #tpu.memory_space<vmem>>)
      tpu.yield
    }) : () -> ()
    %broadcast_in_dim3A = arith.constant -1 : i32
    %broadcast_in_dim3A_33 = vector.broadcast %broadcast_in_dim3A : i32 to vector<16xi32>
    %swap3A = arith.constant 0 : index
    %swap3A_34 = tpu.vector_load %arg12[%swap3A] {strides = array<i32>} : memref<96xi32, #tpu.memory_space<vmem>>, vector<16xi32>,
    tpu.vector_store %arg12[%swap3A], %broadcast_in_dim3A_33 {strides = array<i32>} : memref<96xi32, #tpu.memory_space<vmem>>, vector<16xi32>,
    %broadcast_in_dim3A_35 = arith.constant -1 : i32
    %broadcast_in_dim3A_36 = vector.broadcast %broadcast_in_dim3A_35 : i32 to vector<16xi32>
    %swap3A_37 = arith.constant 16 : index
    %swap3A_38 = tpu.vector_load %arg12[%swap3A_37] {strides = array<i32>} : memref<96xi32, #tpu.memory_space<vmem>>, vector<16xi32>,
    tpu.vector_store %arg12[%swap3A_37], %broadcast_in_dim3A_36 {strides = array<i32>} : memref<96xi32, #tpu.memory_space<vmem>>, vector<16xi32>,
    %broadcast_in_dim3A_39 = arith.constant -1 : i32
    %broadcast_in_dim3A_40 = vector.broadcast %broadcast_in_dim3A_39 : i32 to vector<16xi32>
    %swap3A_41 = arith.constant 32 : index
    %swap3A_42 = tpu.vector_load %arg12[%swap3A_41] {strides = array<i32>} : memref<96xi32, #tpu.memory_space<vmem>>, vector<16xi32>,
    tpu.vector_store %arg12[%swap3A_41], %broadcast_in_dim3A_40 {strides = array<i32>} : memref<96xi32, #tpu.memory_space<vmem>>, vector<16xi32>,
    %broadcast_in_dim3A_43 = arith.constant -1 : i32
    %broadcast_in_dim3A_44 = vector.broadcast %broadcast_in_dim3A_43 : i32 to vector<16xi32>
    %swap3A_45 = arith.constant 48 : index
    %swap3A_46 = tpu.vector_load %arg12[%swap3A_45] {strides = array<i32>} : memref<96xi32, #tpu.memory_space<vmem>>, vector<16xi32>,
    tpu.vector_store %arg12[%swap3A_45], %broadcast_in_dim3A_44 {strides = array<i32>} : memref<96xi32, #tpu.memory_space<vmem>>, vector<16xi32>,
    %broadcast_in_dim3A_47 = arith.constant -1 : i32
    %broadcast_in_dim3A_48 = vector.broadcast %broadcast_in_dim3A_47 : i32 to vector<16xi32>
    %swap3A_49 = arith.constant 64 : index
    %swap3A_50 = tpu.vector_load %arg12[%swap3A_49] {strides = array<i32>} : memref<96xi32, #tpu.memory_space<vmem>>, vector<16xi32>,
    tpu.vector_store %arg12[%swap3A_49], %broadcast_in_dim3A_48 {strides = array<i32>} : memref<96xi32, #tpu.memory_space<vmem>>, vector<16xi32>,
    %broadcast_in_dim3A_51 = arith.constant -1 : i32
    %broadcast_in_dim3A_52 = vector.broadcast %broadcast_in_dim3A_51 : i32 to vector<16xi32>
    %swap3A_53 = arith.constant 80 : index
    %swap3A_54 = tpu.vector_load %arg12[%swap3A_53] {strides = array<i32>} : memref<96xi32, #tpu.memory_space<vmem>>, vector<16xi32>,
    tpu.vector_store %arg12[%swap3A_53], %broadcast_in_dim3A_52 {strides = array<i32>} : memref<96xi32, #tpu.memory_space<vmem>>, vector<16xi32>,
    %scan3A = arith.constant 0 : i32
    %scan3A_55 = arith.constant 0 : i32
    %scan3A_56 = arith.constant 4 : i32
    %scan3A_57 = arith.addi %scan3A_55, %scan3A_56 : i32
    %scan3A_58 = arith.constant 1 : i32
    %scan3A_59 = scf.for %scan3A_68 = %scan3A_55 to %scan3A_57 step %scan3A_58 iter_args(%scan3A_69 = %scan3A) -> (i32)  : i32 {
      %mul3A_70 = arith.constant 16 : i32
      %mul3A_71 = arith.muli %scan3A_68, %mul3A_70 : i32
      %get3A = arith.index_cast %mul3A_71 : i32 to index
      %get3A_72 = tpu.vector_load %arg9[%get3A] {strides = array<i32>} : memref<64xi32, #tpu.memory_space<vmem>>, vector<16xi32>,
      %mul3A_73 = arith.constant 16 : i32
      %mul3A_74 = arith.muli %scan3A_68, %mul3A_73 : i32
      %get3A_75 = arith.index_cast %mul3A_74 : i32 to index
      %get3A_76 = tpu.vector_load %arg10[%get3A_75] {strides = array<i32>} : memref<64xi32, #tpu.memory_space<vmem>>, vector<16xi32>,
      %mul3A_77 = arith.constant 16 : i32
      %mul3A_78 = arith.muli %scan3A_68, %mul3A_77 : i32
      %get3A_79 = arith.index_cast %mul3A_78 : i32 to index
      %get3A_80 = tpu.vector_load %arg11[%get3A_79] {strides = array<i32>} : memref<64xi32, #tpu.memory_space<vmem>>, vector<16xi32>,
      %eq3A_81 = vector.broadcast %select_n3A : i32 to vector<16xi32>
      %eq3A_82 = arith.cmpi eq, %get3A_76, %eq3A_81 : vector<16xi32>
      %shift_left3A = arith.constant 16 : i32
      %shift_left3A_83 = vector.broadcast %shift_left3A : i32 to vector<16xi32>
      %shift_left3A_84 = arith.shli %get3A_80, %shift_left3A_83 : vector<16xi32>
      %or3A = arith.ori %get3A_72, %shift_left3A_84 : vector<16xi32>
      %convert_element_type3A = arith.extui %eq3A_82 : vector<16xi1> to vector<16xi32>
      %cumsum3A = arith.constant true
      %cumsum3A_85 = vector.broadcast %cumsum3A : i1 to vector<16xi1>
      %cumsum3A_86 = tpu.scan <sum>, %convert_element_type3A masked %cumsum3A_85 : vector<16xi32>, vector<16xi1> -> vector<16xi32>
      %add3A_87 = vector.broadcast %scan3A_69 : i32 to vector<16xi32>
      %add3A_88 = arith.addi %add3A_87, %cumsum3A_86 : vector<16xi32>
      %sub3A_89 = arith.constant 1 : i32
      %sub3A_90 = vector.broadcast %sub3A_89 : i32 to vector<16xi32>
      %sub3A_91 = arith.subi %add3A_88, %sub3A_90 : vector<16xi32>
      tpu.vector_store_idx %arg12[%sub3A_91], %or3A masked %eq3A_82 : memref<96xi32, #tpu.memory_space<vmem>>[vector<16xi32>], vector<16xi32>, vector<16xi1>
      %reduce_sum3A = arith.constant true
      %reduce_sum3A_92 = vector.broadcast %reduce_sum3A : i1 to vector<16xi1>
      %reduce_sum3A_93 = tpu.scan <sum>, %convert_element_type3A masked %reduce_sum3A_92 : vector<16xi32>, vector<16xi1> -> vector<16xi32>
      %reduce_sum3A_94 = vector.extract %reduce_sum3A_93[15] : i32 from vector<16xi32>
      %add3A_95 = arith.addi %scan3A_69, %reduce_sum3A_94 : i32
      scf.yield %add3A_95 : i32
    }
    %scan3A_60 = arith.constant 4 : i32
    %scan3A_61 = arith.constant 0 : i32
    %scan3A_62 = arith.constant 0 : i32
    %scan3A_63 = arith.constant 5 : i32
    %scan3A_64 = arith.addi %scan3A_62, %scan3A_63 : i32
    %scan3A_65 = arith.constant 1 : i32
    %scan3A_66 = scf.for %scan3A_68 = %scan3A_62 to %scan3A_64 step %scan3A_65 iter_args(%scan3A_69 = %scan3A_61) -> (i32)  : i32 {
      %mul3A_70 = arith.constant 10000 : i32
      %mul3A_71 = arith.muli %scan3A_68, %mul3A_70 : i32
      %add3A_72 = arith.addi %mul3A_32, %mul3A_71 : i32
      %mul3A_73 = arith.constant 2 : i32
      %mul3A_74 = arith.muli %select_n3A, %mul3A_73 : i32
      %mul3A_75 = arith.constant 200000 : i32
      %mul3A_76 = arith.muli %mul3A_74, %mul3A_75 : i32
      %add3A_77 = arith.addi %mul3A_76, %add3A_72 : i32
      "tpu.region"() ({
        %run_scoped3A = tpu.sem_alloc : memref<!tpu.dma_semaphore, #tpu.memory_space<semaphore_mem>>
        %dma_start3A = tpu.memref_slice %arg2[%add3A_77] : memref<3200000xi32, #tpu.memory_space<hbm>> -> memref<10000xi32, #tpu.memory_space<hbm>>
        %dma_start3A_102 = tpu.memref_slice %arg2[%add3A_77] : memref<3200000xi32, #tpu.memory_space<hbm>> -> memref<10000xi32, #tpu.memory_space<hbm>>
        tpu.enqueue_dma source(%dma_start3A_102 : memref<10000xi32, #tpu.memory_space<hbm>>) target(%arg13 : memref<10000xi32, #tpu.memory_space<vmem>>) target_semaphore(%run_scoped3A : memref<!tpu.dma_semaphore, #tpu.memory_space<semaphore_mem>>)
        %dma_wait3A = tpu.memref_slice %arg2[%add3A_77] : memref<3200000xi32, #tpu.memory_space<hbm>> -> memref<10000xi32, #tpu.memory_space<hbm>>
        %dma_wait3A_103 = tpu.memref_slice %arg2[%add3A_77] : memref<3200000xi32, #tpu.memory_space<hbm>> -> memref<10000xi32, #tpu.memory_space<hbm>>
        tpu.wait_dma2 semaphore(%run_scoped3A : memref<!tpu.dma_semaphore, #tpu.memory_space<semaphore_mem>>) src(%dma_wait3A_103 : memref<10000xi32, #tpu.memory_space<hbm>>) dst(%arg13 : memref<10000xi32, #tpu.memory_space<vmem>>)
        tpu.yield
      }) : () -> ()
      %mul3A_78 = arith.constant 2 : i32
      %mul3A_79 = arith.muli %select_n3A, %mul3A_78 : i32
      %mul3A_80 = arith.constant 200000 : i32
      %mul3A_81 = arith.muli %mul3A_79, %mul3A_80 : i32
      %add3A_82 = arith.constant 200000 : i32
      %add3A_83 = arith.addi %mul3A_81, %add3A_82 : i32
      %add3A_84 = arith.addi %add3A_83, %add3A_72 : i32
      "tpu.region"() ({
        %run_scoped3A = tpu.sem_alloc : memref<!tpu.dma_semaphore, #tpu.memory_space<semaphore_mem>>
        %dma_start3A = tpu.memref_slice %arg2[%add3A_84] : memref<3200000xi32, #tpu.memory_space<hbm>> -> memref<10000xi32, #tpu.memory_space<hbm>>
        %dma_start3A_102 = tpu.memref_slice %arg2[%add3A_84] : memref<3200000xi32, #tpu.memory_space<hbm>> -> memref<10000xi32, #tpu.memory_space<hbm>>
        tpu.enqueue_dma source(%dma_start3A_102 : memref<10000xi32, #tpu.memory_space<hbm>>) target(%arg14 : memref<10000xi32, #tpu.memory_space<vmem>>) target_semaphore(%run_scoped3A : memref<!tpu.dma_semaphore, #tpu.memory_space<semaphore_mem>>)
        %dma_wait3A = tpu.memref_slice %arg2[%add3A_84] : memref<3200000xi32, #tpu.memory_space<hbm>> -> memref<10000xi32, #tpu.memory_space<hbm>>
        %dma_wait3A_103 = tpu.memref_slice %arg2[%add3A_84] : memref<3200000xi32, #tpu.memory_space<hbm>> -> memref<10000xi32, #tpu.memory_space<hbm>>
        tpu.wait_dma2 semaphore(%run_scoped3A : memref<!tpu.dma_semaphore, #tpu.memory_space<semaphore_mem>>) src(%dma_wait3A_103 : memref<10000xi32, #tpu.memory_space<hbm>>) dst(%arg14 : memref<10000xi32, #tpu.memory_space<vmem>>)
        tpu.yield
      }) : () -> ()
      %mul3A_85 = arith.constant 200000 : i32
      %mul3A_86 = arith.muli %select_n3A, %mul3A_85 : i32
      %add3A_87 = arith.addi %mul3A_86, %add3A_72 : i32
      "tpu.region"() ({
        %run_scoped3A = tpu.sem_alloc : memref<!tpu.dma_semaphore, #tpu.memory_space<semaphore_mem>>
        %dma_start3A = tpu.memref_slice %arg3[%add3A_87] : memref<1600000xf32, #tpu.memory_space<hbm>> -> memref<10000xf32, #tpu.memory_space<hbm>>
        %dma_start3A_102 = tpu.memref_slice %arg3[%add3A_87] : memref<1600000xf32, #tpu.memory_space<hbm>> -> memref<10000xf32, #tpu.memory_space<hbm>>
        tpu.enqueue_dma source(%dma_start3A_102 : memref<10000xf32, #tpu.memory_space<hbm>>) target(%arg15 : memref<10000xf32, #tpu.memory_space<vmem>>) target_semaphore(%run_scoped3A : memref<!tpu.dma_semaphore, #tpu.memory_space<semaphore_mem>>)
        %dma_wait3A = tpu.memref_slice %arg3[%add3A_87] : memref<1600000xf32, #tpu.memory_space<hbm>> -> memref<10000xf32, #tpu.memory_space<hbm>>
        %dma_wait3A_103 = tpu.memref_slice %arg3[%add3A_87] : memref<1600000xf32, #tpu.memory_space<hbm>> -> memref<10000xf32, #tpu.memory_space<hbm>>
        tpu.wait_dma2 semaphore(%run_scoped3A : memref<!tpu.dma_semaphore, #tpu.memory_space<semaphore_mem>>) src(%dma_wait3A_103 : memref<10000xf32, #tpu.memory_space<hbm>>) dst(%arg15 : memref<10000xf32, #tpu.memory_space<vmem>>)
        tpu.yield
      }) : () -> ()
      %scan3A_88 = arith.constant 0 : i32
      %scan3A_89 = arith.constant 0 : i32
      %scan3A_90 = arith.constant 625 : i32
      %scan3A_91 = arith.addi %scan3A_89, %scan3A_90 : i32
      %scan3A_92 = arith.constant 1 : i32
      %scan3A_93 = scf.for %scan3A_102 = %scan3A_89 to %scan3A_91 step %scan3A_92 iter_args(%scan3A_103 = %scan3A_88) -> (i32)  : i32 {
        %mul3A_104 = arith.constant 16 : i32
        %mul3A_105 = arith.muli %scan3A_102, %mul3A_104 : i32
        %get3A = arith.index_cast %mul3A_105 : i32 to index
        %get3A_106 = tpu.vector_load %arg13[%get3A] {strides = array<i32>} : memref<10000xi32, #tpu.memory_space<vmem>>, vector<16xi32>,
        %get3A_107 = arith.index_cast %mul3A_105 : i32 to index
        %get3A_108 = tpu.vector_load %arg14[%get3A_107] {strides = array<i32>} : memref<10000xi32, #tpu.memory_space<vmem>>, vector<16xi32>,
        %get3A_109 = arith.index_cast %mul3A_105 : i32 to index
        %get3A_110 = tpu.vector_load %arg15[%get3A_109] {strides = array<i32>} : memref<10000xf32, #tpu.memory_space<vmem>>, vector<16xf32>,
        %shift_left3A = arith.constant 16 : i32
        %shift_left3A_111 = vector.broadcast %shift_left3A : i32 to vector<16xi32>
        %shift_left3A_112 = arith.shli %get3A_108, %shift_left3A_111 : vector<16xi32>
        %or3A = arith.ori %get3A_106, %shift_left3A_112 : vector<16xi32>
        %broadcast_in_dim3A_113 = arith.constant 0 : i32
        %broadcast_in_dim3A_114 = vector.broadcast %broadcast_in_dim3A_113 : i32 to vector<16xi32>
        %swap3A_115 = arith.constant 0 : index
        %swap3A_116 = tpu.vector_load %arg18[%swap3A_115] {strides = array<i32>} : memref<16xi32, #tpu.memory_space<vmem>>, vector<16xi32>,
        tpu.vector_store %arg18[%swap3A_115], %broadcast_in_dim3A_114 {strides = array<i32>} : memref<16xi32, #tpu.memory_space<vmem>>, vector<16xi32>,
        %while3A = arith.constant 0 : i32
        %while3A_117 = arith.constant 0 : i32
        %while3A_118 = arith.subi %scan3A_59, %while3A : i32
        %while3A_119 = arith.addi %while3A, %while3A_118 : i32
        %while3A_120 = arith.constant 1 : i32
        %while3A_121 = arith.divsi %while3A_118, %while3A_120 : i32
        %while3A_122 = arith.muli %while3A_121, %while3A_120 : i32
        %while3A_123 = arith.addi %while3A, %while3A_122 : i32
        %while3A_124 = arith.constant 1 : i32
        %while3A_125 = scf.for %while3A_141 = %while3A to %while3A_123 step %while3A_124 iter_args(%while3A_142 = %while3A_117) -> (i32)  : i32 {
          %broadcast_in_dim3A_143 = vector.broadcast %while3A_141 : i32 to vector<16xi32>
          %gather3A = tpu.vector_load_idx %arg12[%broadcast_in_dim3A_143] : memref<96xi32, #tpu.memory_space<vmem>>[vector<16xi32>], vector<16xi32>,
          %get3A_144 = arith.constant 0 : index
          %get3A_145 = tpu.vector_load %arg18[%get3A_144] {strides = array<i32>} : memref<16xi32, #tpu.memory_space<vmem>>, vector<16xi32>,
          %eq3A_146 = arith.cmpi eq, %or3A, %gather3A : vector<16xi32>
          %convert_element_type3A = arith.extui %eq3A_146 : vector<16xi1> to vector<16xi32>
          %or3A_147 = arith.ori %get3A_145, %convert_element_type3A : vector<16xi32>
          %swap3A_148 = arith.constant 0 : index
          %swap3A_149 = tpu.vector_load %arg18[%swap3A_148] {strides = array<i32>} : memref<16xi32, #tpu.memory_space<vmem>>, vector<16xi32>,
          tpu.vector_store %arg18[%swap3A_148], %or3A_147 {strides = array<i32>} : memref<16xi32, #tpu.memory_space<vmem>>, vector<16xi32>,
          %while3A_150 = arith.constant 0 : i32
          scf.yield %while3A_150 : i32
        }
        %while3A_126 = arith.constant 1 : i32
        %while3A_127 = scf.for %while3A_141 = %while3A_123 to %while3A_119 step %while3A_126 iter_args(%while3A_142 = %while3A_125) -> (i32)  : i32 {
          %broadcast_in_dim3A_143 = vector.broadcast %while3A_141 : i32 to vector<16xi32>
          %gather3A = tpu.vector_load_idx %arg12[%broadcast_in_dim3A_143] : memref<96xi32, #tpu.memory_space<vmem>>[vector<16xi32>], vector<16xi32>,
          %get3A_144 = arith.constant 0 : index
          %get3A_145 = tpu.vector_load %arg18[%get3A_144] {strides = array<i32>} : memref<16xi32, #tpu.memory_space<vmem>>, vector<16xi32>,
          %eq3A_146 = arith.cmpi eq, %or3A, %gather3A : vector<16xi32>
          %convert_element_type3A = arith.extui %eq3A_146 : vector<16xi1> to vector<16xi32>
          %or3A_147 = arith.ori %get3A_145, %convert_element_type3A : vector<16xi32>
          %swap3A_148 = arith.constant 0 : index
          %swap3A_149 = tpu.vector_load %arg18[%swap3A_148] {strides = array<i32>} : memref<16xi32, #tpu.memory_space<vmem>>, vector<16xi32>,
          tpu.vector_store %arg18[%swap3A_148], %or3A_147 {strides = array<i32>} : memref<16xi32, #tpu.memory_space<vmem>>, vector<16xi32>,
          %while3A_150 = arith.constant 0 : i32
          scf.yield %while3A_150 : i32
        }
        %swap3A_128 = arith.index_cast %mul3A_105 : i32 to index
        %swap3A_129 = tpu.vector_load %arg16[%swap3A_128] {strides = array<i32>} : memref<10000xi32, #tpu.memory_space<vmem>>, vector<16xi32>,
        tpu.vector_store %arg16[%swap3A_128], %or3A {strides = array<i32>} : memref<10000xi32, #tpu.memory_space<vmem>>, vector<16xi32>,
        %get3A_130 = arith.constant 0 : index
        %get3A_131 = tpu.vector_load %arg18[%get3A_130] {strides = array<i32>} : memref<16xi32, #tpu.memory_space<vmem>>, vector<16xi32>,
        %ne3A_132 = arith.constant 0 : i32
        %ne3A_133 = vector.broadcast %ne3A_132 : i32 to vector<16xi32>
        %ne3A_134 = arith.cmpi ne, %get3A_131, %ne3A_133 : vector<16xi32>
        %jit3A_135 = arith.constant 0.000000e+00 : f32
        %broadcast_in_dim3A_136 = vector.broadcast %jit3A_135 : f32 to vector<16xf32>
        %select_n3A_137 = arith.select %ne3A_134, %broadcast_in_dim3A_136, %get3A_110 : vector<16xi1>, vector<16xf32>
        %swap3A_138 = arith.index_cast %mul3A_105 : i32 to index
        %swap3A_139 = tpu.vector_load %arg17[%swap3A_138] {strides = array<i32>} : memref<10000xf32, #tpu.memory_space<vmem>>, vector<16xf32>,
        tpu.vector_store %arg17[%swap3A_138], %select_n3A_137 {strides = array<i32>} : memref<10000xf32, #tpu.memory_space<vmem>>, vector<16xf32>,
        %scan3A_140 = arith.constant 0 : i32
        scf.yield %scan3A_140 : i32
      }
      %scan3A_94 = arith.constant 625 : i32
      %mul3A_95 = arith.constant 200000 : i32
      %mul3A_96 = arith.muli %select_n3A, %mul3A_95 : i32
      %add3A_97 = arith.addi %mul3A_96, %add3A_72 : i32
      "tpu.region"() ({
        %run_scoped3A = tpu.sem_alloc : memref<!tpu.dma_semaphore, #tpu.memory_space<semaphore_mem>>
        %dma_start3A = tpu.memref_slice %arg7[%add3A_97] : memref<1600000xi32, #tpu.memory_space<hbm>> -> memref<10000xi32, #tpu.memory_space<hbm>>
        %dma_start3A_102 = tpu.memref_slice %arg7[%add3A_97] : memref<1600000xi32, #tpu.memory_space<hbm>> -> memref<10000xi32, #tpu.memory_space<hbm>>
        tpu.enqueue_dma source(%arg16 : memref<10000xi32, #tpu.memory_space<vmem>>) target(%dma_start3A_102 : memref<10000xi32, #tpu.memory_space<hbm>>) target_semaphore(%run_scoped3A : memref<!tpu.dma_semaphore, #tpu.memory_space<semaphore_mem>>)
        %dma_wait3A = tpu.memref_slice %arg7[%add3A_97] : memref<1600000xi32, #tpu.memory_space<hbm>> -> memref<10000xi32, #tpu.memory_space<hbm>>
        %dma_wait3A_103 = tpu.memref_slice %arg7[%add3A_97] : memref<1600000xi32, #tpu.memory_space<hbm>> -> memref<10000xi32, #tpu.memory_space<hbm>>
        tpu.wait_dma2 semaphore(%run_scoped3A : memref<!tpu.dma_semaphore, #tpu.memory_space<semaphore_mem>>) src(%arg16 : memref<10000xi32, #tpu.memory_space<vmem>>) dst(%dma_wait3A_103 : memref<10000xi32, #tpu.memory_space<hbm>>)
        tpu.yield
      }) : () -> ()
      %mul3A_98 = arith.constant 200000 : i32
      %mul3A_99 = arith.muli %select_n3A, %mul3A_98 : i32
      %add3A_100 = arith.addi %mul3A_99, %add3A_72 : i32
      "tpu.region"() ({
        %run_scoped3A = tpu.sem_alloc : memref<!tpu.dma_semaphore, #tpu.memory_space<semaphore_mem>>
        %dma_start3A = tpu.memref_slice %arg8[%add3A_100] : memref<1600000xf32, #tpu.memory_space<hbm>> -> memref<10000xf32, #tpu.memory_space<hbm>>
        %dma_start3A_102 = tpu.memref_slice %arg8[%add3A_100] : memref<1600000xf32, #tpu.memory_space<hbm>> -> memref<10000xf32, #tpu.memory_space<hbm>>
        tpu.enqueue_dma source(%arg17 : memref<10000xf32, #tpu.memory_space<vmem>>) target(%dma_start3A_102 : memref<10000xf32, #tpu.memory_space<hbm>>) target_semaphore(%run_scoped3A : memref<!tpu.dma_semaphore, #tpu.memory_space<semaphore_mem>>)
        %dma_wait3A = tpu.memref_slice %arg8[%add3A_100] : memref<1600000xf32, #tpu.memory_space<hbm>> -> memref<10000xf32, #tpu.memory_space<hbm>>
        %dma_wait3A_103 = tpu.memref_slice %arg8[%add3A_100] : memref<1600000xf32, #tpu.memory_space<hbm>> -> memref<10000xf32, #tpu.memory_space<hbm>>
        tpu.wait_dma2 semaphore(%run_scoped3A : memref<!tpu.dma_semaphore, #tpu.memory_space<semaphore_mem>>) src(%arg17 : memref<10000xf32, #tpu.memory_space<vmem>>) dst(%dma_wait3A_103 : memref<10000xf32, #tpu.memory_space<hbm>>)
        tpu.yield
      }) : () -> ()
      %scan3A_101 = arith.constant 0 : i32
      scf.yield %scan3A_101 : i32
    }
    %scan3A_67 = arith.constant 5 : i32
    return
  }
}

</mosaic_0001>

<sc_bundles>
// kernel: kernel.4.cloned.1.call-start
scs
__scs_entry_jumppad:
0x0: {  	(pc) =	sbr.rel $0x88, $3  }
0x1: {  	(tag) =	ssettag $0x0;
	lr =	simm.s32 $0x1  }
0x2: {  	[smem:$0x3F9C] =	sst lr;
	_ =	strace $0xD0000000  }
0x3: {  	_ = 	snop  }
0x4: {  	_ = 	snop  }
0x5: {  	_ = 	snop  }
0x6: {  	_ = 	snop  }
0x7: {  	_ = 	snop  }
__scs_overlays_trampoline_lowered:
0x8: {  	[smem:$0x3FAB] =	sst s0  }
0x9: {  	[smem:$0x3FAC] =	sst s1  }
0xa: {  	[smem:$0x3FAD] =	sst s2  }
0xb: {  	[smem:$0x3FAE] =	sst s3  }
0xc: {  	[smem:$0x3FAF] =	sst s4  }
0xd: {  	[smem:$0x3FB0] =	sst s5  }
0xe: {  	[smem:$0x3FB1] =	sst s6  }
0xf: {  	[smem:$0x3FB2] =	sst s7  }
0x10: {  	[smem:$0x3FB3] =	sst s8  }
0x11: {  	[smem:$0x3FB4] =	sst s9;
	s0 =	simm.s32 @!p0 $0x0  }
0x12: {  	s1 =	sld [smem:$0x3F9A];
	s0 =	simm.s32 @p0 $0x1  }
0x13: {  	[smem:$0x3FB5] =	sst s0;
	s0 =	simm.s32 @!p1 $0x0  }
0x14: {  	s2 =	sld [smem:$0x3F99];
	s0 =	simm.s32 @p1 $0x1  }
0x15: {  	[smem:$0x3FB6] =	sst s0;
	s0 =	simm.s32 @!p2 $0x0  }
0x16: {  	s3 =	sld [smem:$0x3FDB];
	s0 =	simm.s32 @p2 $0x1  }
0x17: {  	s4 =	simm.s32 $0x1BF5;
	[smem:$0x3FB8] =	sst s0  }
0x18: {  	s0 =	sld [smem:$0x3F9B];
	_ =	swait.ge [sflag:s4], $0x0  }
0x19: {  	s7 =	sld [smem:$0x3F9C]  }
0x1a: {  	s8 =	sadd.s32 $0xFFFFE003, lr  }
0x1b: {  	s9 =	sadd.s32 $0xFFFFFEF7, lr;
	s5 =	simm.s32 $0xFFFFFFFF;
	p2 =	slt.u32 s8, $0xFFFFF086  }
0x1c: {  	p1 =	slt.u32 s9, $0xF7A;
	s5 =	simm.s32 @!p2 $0x0  }
0x1d: {  	s5 =	simm.s32 @p1 $0x1;
	p0 =	seq.s32 s7, s2  }
0x1e: {  	s7 =	smul.u32 @!p0 $0xF7A, s2;
	p2 =	seq.s32 @!p0 s5, $0x0  }
0x1f: {  	s9 =	smul.u32 $0xF7A, s1;
	s8 =	simm.s32 @!p0 $0x1BF5;
	p2 =	por !p2, p0  }
0x20: {  	[sflag:s8] =	ssyncset.s32 @!p0 $0xFFFFF086;
	s6 =	sadd.s32 @!p0 s3, s7;
	s7 =	simm.s32 @!p0 $0x108  }
0x21: {  	s3 =	sadd.s32 s3, s9;
	s6 =	sadd.s32 @!p0 $0x88, s6;
	s7 =	simm.s32 @p2 $0x1082  }
0x22: {  	[simem:s7], [sflag:s8] =	dma.local @!p0 [hbm:s6], $0xF7A  }
0x23: {  	s9 =	sor.u32 $0xD0000000, s2;
	s6 =	simm.s32 $0x108;
	_ =	swait.ge @!p0 [sflag:s8], $0x0  }
0x24: {  	s3 =	sadd.s32 $0x88, s3;
	s6 =	simm.s32 @!p1 $0x1082;
	[sflag:s4] =	ssyncset.s32 $0xFFFFF086  }
0x25: {  	[simem:s6], [sflag:s4] =	dma.local [hbm:s3], $0xF7A  }
0x26: {  	[smem:$0x3F9C] =	sst s1;
	(tag) =	ssettag s2;
	_ =	strace s9  }
0x27: {  	s1 =	sld [smem:$0x3FAC]  }
0x28: {  	s2 =	sld [smem:$0x3FAD]  }
0x29: {  	s4 =	sld [smem:$0x3FAF]  }
0x2a: {  	p0 =	seq.s32 s5, $0x0;
	s5 =	sld [smem:$0x3FB0]  }
0x2b: {  	s6 =	sld [smem:$0x3FB1]  }
0x2c: {  	s7 =	sld [smem:$0x3FB2]  }
0x2d: {  	s3 =	simm.s32 $0x108;
	s8 =	sld [smem:$0x3FB3]  }
0x2e: {  	s3 =	simm.s32 @!p0 $0x1082;
	s9 =	sld [smem:$0x3FB4]  }
0x2f: {  	lr =	sadd.s32 s0, s3;
	s0 =	sld [smem:$0x3FAB]  }
0x30: {  	s3 =	sld [smem:$0x3FAE]  }
0x31: {  	[smem:$0x3FB7] =	sst s10  }
0x32: {  	s10 =	sld [smem:$0x3FB5];
	_ =	sdelay $0x3  }
0x33: {  	p0 =	seq.s32 s10, $0x1;
	s10 =	sld [smem:$0x3FB7];
	_ =	sdelay $0x3  }
0x34: {  	[smem:$0x3FB7] =	sst s10  }
0x35: {  	s10 =	sld [smem:$0x3FB6];
	_ =	sdelay $0x3  }
0x36: {  	p1 =	seq.s32 s10, $0x1;
	s10 =	sld [smem:$0x3FB7];
	_ =	sdelay $0x3  }
0x37: {  	[smem:$0x3FB7] =	sst s10  }
0x38: {  	s10 =	sld [smem:$0x3FB8]  }
0x39: {  	_ = 	snop;
	(pc) =	sbr.ind lr, $3  }
0x3a: {  	_ = 	snop  }
0x3b: {  	_ = 	snop  }
0x3c: {  	p2 =	seq.s32 s10, $0x1;
	s10 =	sld [smem:$0x3FB7]  }
0x3d: {  	_ =	shalt  }
0x3e: {  	_ =	shalt  }
0x3f: {  	_ =	shalt  }
0x40: {  	_ =	shalt  }
0x41: {  	_ =	shalt  }
0x42: {  	_ =	shalt  }
0x43: {  	_ =	shalt  }
0x44: {  	_ =	shalt  }
0x45: {  	_ =	shalt  }
0x46: {  	_ =	shalt  }
0x47: {  	_ =	shalt  }
0x48: {  	_ =	shalt  }
0x49: {  	_ =	shalt  }
0x4a: {  	_ =	shalt  }
0x4b: {  	_ =	shalt  }
0x4c: {  	_ =	shalt  }
0x4d: {  	_ =	shalt  }
0x4e: {  	_ =	shalt  }
0x4f: {  	_ =	shalt  }
0x50: {  	_ =	shalt  }
0x51: {  	_ =	shalt  }
0x52: {  	_ =	shalt  }
0x53: {  	_ =	shalt  }
0x54: {  	_ =	shalt  }
0x55: {  	_ =	shalt  }
0x56: {  	_ =	shalt  }
0x57: {  	_ =	shalt  }
0x58: {  	_ =	shalt  }
0x59: {  	_ =	shalt  }
0x5a: {  	_ =	shalt  }
0x5b: {  	_ =	shalt  }
0x5c: {  	_ =	shalt  }
0x5d: {  	_ =	shalt  }
0x5e: {  	_ =	shalt  }
0x5f: {  	_ =	shalt  }
0x60: {  	_ =	shalt  }
0x61: {  	_ =	shalt  }
0x62: {  	_ =	shalt  }
0x63: {  	_ =	shalt  }
0x64: {  	_ =	shalt  }
0x65: {  	_ =	shalt  }
0x66: {  	_ =	shalt  }
0x67: {  	_ =	shalt  }
0x68: {  	_ =	shalt  }
0x69: {  	_ =	shalt  }
0x6a: {  	_ =	shalt  }
0x6b: {  	_ =	shalt  }
0x6c: {  	_ =	shalt  }
0x6d: {  	_ =	shalt  }
0x6e: {  	_ =	shalt  }
0x6f: {  	_ =	shalt  }
0x70: {  	_ =	shalt  }
0x71: {  	_ =	shalt  }
0x72: {  	_ =	shalt  }
0x73: {  	_ =	shalt  }
0x74: {  	_ =	shalt  }
0x75: {  	_ =	shalt  }
0x76: {  	_ =	shalt  }
0x77: {  	_ =	shalt  }
0x78: {  	_ =	shalt  }
0x79: {  	_ =	shalt  }
0x7a: {  	_ =	shalt  }
0x7b: {  	_ =	shalt  }
0x7c: {  	_ =	shalt  }
0x7d: {  	_ =	shalt  }
0x7e: {  	_ =	shalt  }
0x7f: {  	_ =	shalt  }
0x80: {  	_ =	shalt  }
0x81: {  	_ =	shalt  }
0x82: {  	_ =	shalt  }
0x83: {  	_ =	shalt  }
0x84: {  	_ =	shalt  }
0x85: {  	_ =	shalt  }
0x86: {  	_ =	shalt  }
0x87: {  	_ =	shalt  }
.Lfunc_end0:
.L_simem_size_0:
called_computation_lowered:
.L_overlay_start_0:
0x88: {  	s2 =	sld [smem:$0x3FD9]  }
0x89: {  	s3 =	sld [smem:$0x3FFE];
	_ =	sdelay $0x1  }
0x8a: {  	s1 =	srdreg.scid  }
0x8b: {  	s0 =	sand.u32 $0x1, s1  }
0x8c: {  	s14 =	sshll.u32 s0, $0xA;
	s2 =	sadd.s32 s3, s2  }
0x8d: {  	s2 =	sadd.s32 s2, s14  }
0x8e: {  	[smem:$0x3FC3] =	sst s2  }
0x8f: {  	_ = 	snop  }
0x90: {  	s2 =	sld [smem:$0x3FD0];
	_ =	sdelay $0x2  }
0x91: {  	s4 =	simm.s32 $0xA;
	s5 =	simm.s32 $0x10;
	s15 =	sld [smem:$0x3FC8]  }
0x92: {  	[smem:s5], [sflag:s4] =	dma.local [hbm:s2], $0x1  }
0x93: {  	_ =	swait.eq [sflag:s4], $0x1  }
0x94: {  	[sflag:s4] =	ssyncset.done $0x0  }
0x95: {  	s16 =	sld [smem:$0x10];
	[sflag:s4] =	ssyncadd.s32 $0xFFFFFFFF  }
0x96: {  	s17 =	sld [smem:$0x11];
	(tm) =	ssettm $0x1  }
0x97: {  	s18 =	sld [smem:$0x3FFB];
	_ =	sdelay $0x3  }
0x98: {  	_ =	strace s18  }
0x99: {  	s5 =	sld [smem:$0x3FFC];
	_ =	sdelay $0x3  }
0x9a: {  	_ =	strace s5  }
0x9b: {  	s5 =	sld [smem:$0x3FFD];
	_ =	sdelay $0x3  }
0x9c: {  	_ =	strace s5  }
0x9d: {  	_ =	strace $0x8FFFFFFF  }
0x9e: {  	s19 =	sld [smem:$0x3FDB];
	_ =	sdelay $0x1  }
0x9f: {  	s6 =	simm.s32 $_scs_section_size  }
0xa0: {  	s7 =	simm.s32 $_size__tile_overlayer_lowered;
	s8 =	simm.s32 $_tile_overlayer_lowered  }
0xa1: {  	s22 =	simm.s32 $0x1BFF;
	s21 =	sshll.u32 s8, $0x1;
	s5 =	sadd.s32 s6, s19  }
0xa2: {  	s9 =	simm.s32 $0x0;
	s20 =	sshll.u32 s7, $0x1;
	s7 =	sadd.s32 s21, s5  }
0xa3: {  	[timem:s9], [sflag:s22] =	dma.local [hbm:s7], s20  }
0xa4: {  	_ =	swait.ge [sflag:s22], s20  }
0xa5: {  	s6 =	ssub.s32 $0x0, s20;
	[sflag:s22] =	ssyncset.done $0x0  }
0xa6: {  	[sflag:s22] =	ssyncadd.s32 s6;
	_ =	sdelay $0x1  }
0xa7: {  	s23 =	simm.s32 $0x1B8B  }
0xa8: {  	_ =	swait.ge [sflag:s23], $0x1  }
0xa9: {  	[sflag:s23] =	ssyncset.done $0x0  }
0xaa: {  	s25 =	simm.s32 $0x1B8E;
	s24 =	sld [smem:$0x3FFE];
	[sflag:s23] =	ssyncadd.s32 $0xFFFFFFFF  }
0xab: {  	s26 =	simm.s32 $execute0_lowered;
	[smem:$0x3FD2] =	sst s25  }
0xac: {  	s7 =	sshll.u32 s26, $0x1;
	_ =	strace $0x80000046;
	[dreg:$0x1] =	wrdreg $0xFFFFFFFF  }
0xad: {  	s28 =	simm.s32 $_size_execute0_lowered;
	s5 =	sadd.s32 s5, s7;
	[dreg:$0x0] =	wrdreg $0x0  }
0xae: {  	s7 =	sshll.u32 s28, $0x1;
	[dreg:$0x2] =	wrdreg s5  }
0xaf: {  	[dreg:$0x3] =	wrdreg s7  }
0xb0: {  	[dreg:$0x4] =	wrdreg $0xC0  }
0xb1: {  	_ =	task [dreg:s9], $0x5FFFF  }
0xb2: {  	[dreg:$0x1] =	wrdreg $0xFFFFFFFF  }
0xb3: {  	[dreg:$0x0] =	wrdreg $0x60  }
0xb4: {  	[dreg:$0x2] =	wrdreg s24  }
0xb5: {  	[dreg:$0x3] =	wrdreg s16  }
0xb6: {  	[dreg:$0x4] =	wrdreg s17  }
0xb7: {  	[dreg:$0x5] =	wrdreg s15  }
0xb8: {  	[dreg:$0x6] =	wrdreg $0x9  }
0xb9: {  	_ =	task.clear_ibuf [dreg:s9], $0x7FFFF;
	_ =	strace $0x90000046  }
0xba: {  	s29 =	simm.s32 $0x9;
	_ =	strace $0x80000048  }
0xbb: {  	_ =	swait.ge [sflag:s29], $0x1  }
0xbc: {  	[sflag:s29] =	ssyncadd.s32 $0xFFFFFFFF  }
0xbd: {  	_ =	strace $0x90000048  }
0xbe: {  	_ =	sfence  }
0xbf: {  	s30 =	sld [smem:$0x0];
	_ =	sdelay $0x2  }
0xc0: {  	s31 =	sshll.u32 s1, $0xD;
	s1 =	sshrl.u32 s1, $0x2  }
0xc1: {  	s3 =	sand.u32 $0x4000, s31;
	s1 =	sadd.s32 s1, s30  }
0xc2: {  	s0 =	sor.u32 s3, s0;
	s1 =	sshll.u32 s1, $0x11  }
0xc3: {  	s0 =	sor.u32 s1, s0  }
0xc4: {  	s0 =	sadd.s32 $0x8F2B, s0  }
0xc5: {  	[sflag:s0] =	ssyncadd.remote.s32 $0x1  }
0xc6: {  	_ =	sfence.sel $0xFFFF  }
0xc7: {  	[dreg:$0x0] =	wrdreg $0xFFFFFFFF;
	(pc) =	sbr.abs _section_cstart, $3  }
0xc8: {  	[dreg:$0x1] =	wrdreg $0xFFFFFFFF  }
0xc9: {  	_ =	task.clear_ibuf [dreg:s9], $0x2FFFF;
	_ =	strace $0x9FFFFFFF  }
0xca: {  	(tm) =	ssettm $0x7FFFFFFF  }
0xcb: {  	_ =	shalt  }
tec
execute0_lowered:
.L_overlay_start_1:
0x0: {  	(tag) =	ssettag $0x1  }
0x1: {  	s0 =	rddreg [dreg:$0x0]  }
0x2: {  	s1 =	rddreg [dreg:$0x1]  }
0x3: {  	s2 =	rddreg [dreg:$0x2]  }
0x4: {  	s3 =	rddreg [dreg:$0x3]  }
0x5: {  	s4 =	simm.s32 $0x0;
	s9 =	srdreg.scid;
	s5 =	stileid.u32  }
0x6: {  	s15 =	simm.s32 $0x1;
	s16 =	simm.s32 $0x80;
	s17 =	simm.s32 $0x100  }
0x7: {  	s18 =	simm.s32 $0x180;
	s19 =	simm.s32 $0x200;
	s20 =	simm.s32 $0x2980  }
0x8: {  	s21 =	simm.s32 $0x5100;
	s23 =	simm.s32 $0xA000;
	s24 =	simm.s32 $0x0  }
0x9: {  	[smem:$0x7FF] =	sst s4;
	s6 =	sadd.s32 $0x600, s0;
	s7 =	sadd.s32 $0x62200, s0  }
0xa: {  	s8 =	sadd.s32 $0x93000, s0;
	s11 =	sand.u32 $0x1, s9;
	s30 =	sshll.u32 s5, $0x1  }
.Ltmp0:
0xb: {  	s22 =	sshrl.u32 s5, $0x1;
	s10 =	sadd.s32 $0xC3E00, s0;
	(pc) =	sbr.rel .LBB2_1-.Ltmp0, $4  }
0xc: {  	_ =	strace $0x80000047;
	s12 =	ssub.s32 $0x2, s11;
	s13 =	sand.u32 $0x2, s30  }
0xd: {  	s9 =	smul.u32 $0x61A80, s22;
	s31 =	sshrl.u32 s12, $0x1;
	s11 =	sor.u32 s11, s13  }
0xe: {  	v0 =	vmov s22;
	s13 =	smul.u32 $0x30D40, s22;
	s22 =	simm.s32 $0x7880;
	s0 =	ssub.s32 s12, s31  }
0xf: {  	v1 =	vimm.s32 $0xFFFFFFFF;
	v2 =	vimm.s32 $0x0;
	s11 =	smul.u32 $0xC350, s11;
	s12 =	sadd.s32 $0x30D40, s9;
	s14 =	smax.u32 s0, $0x1  }
.LBB2_9:
0x10: {  	s24 =	sadd.s32 $0x1, s24  }
0x11: {  	p0 =	sne.s32 s24, s14  }
.Ltmp1:
0x12: {  	_ = 	snop;
	(pc) =	sbr.rel @!p0 .LBB2_10-.Ltmp1, $1  }
0x13: {  	_ =	sdelay $0x3  }
.LBB2_1:
0x14: {  	[tilespmem:s4], [sflag:$0x1] =	stream.linear.gather [hbm4b:s1+s4], $0x80, $0x38;
	[tilespmem:$0xC800] =	vst v63  }
0x15: {  	_ =	swait.ge [sflag:s15], $0x80  }
0x16: {  	[sflag:s15] =	ssyncset.done $0x0  }
0x17: {  	[sflag:s15] =	ssyncadd.s32 $0xFFFFFF80  }
0x18: {  	[tilespmem:s16], [sflag:$0x1] =	stream.linear.gather [hbm4b:s2+s4], $0x80, $0x38;
	[tilespmem:$0xC800] =	vst v63  }
0x19: {  	_ =	swait.ge [sflag:s15], $0x80  }
0x1a: {  	[sflag:s15] =	ssyncset.done $0x0  }
0x1b: {  	[sflag:s15] =	ssyncadd.s32 $0xFFFFFF80  }
0x1c: {  	[tilespmem:s17], [sflag:$0x1] =	stream.linear.gather [hbm4b:s3+s4], $0x80, $0x38;
	[tilespmem:$0xC800] =	vst v63  }
0x1d: {  	_ =	swait.ge [sflag:s15], $0x80  }
0x1e: {  	[sflag:s15] =	ssyncset.done $0x0  }
0x1f: {  	[sflag:s15] =	ssyncadd.s32 $0xFFFFFF80  }
0x20: {  	v3 =	vld [tilespmem:$0x80];
	_ =	sdelay $0x4  }
0x21: {  	vm0 =	veq.s32 v3, v0  }
0x22: {  	v3 =	vsel vm0, $0x1, v2  }
0x23: {  	(xrf0) =	vadd.scan.msk.s32 $0xffff, v3;
	_ =	sdelay $0x4  }
0x24: {  	v3 =	vld [tilespmem:$0x100]  }
0x25: {  	[tilespmem:$0x180] =	vst v1;
	v4 =	vld [tilespmem:$0x0];
	v5, _, _ =	vpop (xrf0)  }
0x26: {  	[tilespmem:$0x190] =	vst v1;
	v6 =	vadd.s32 $0xFFFFFFFF, v5  }
0x27: {  	[tilespmem:$0x1A0] =	vst v1  }
0x28: {  	[tilespmem:$0x1B0] =	vst v1  }
0x29: {  	[tilespmem:$0x1C0] =	vst v1;
	v3 =	vshll.u32 v3, $0x10  }
0x2a: {  	[tilespmem:$0x1D0] =	vst v1;
	v3 =	vor.u32 v4, v3  }
0x2b: {  	[tilespmem:v6+s18+$0x0] =	vst.idx.msk vm0, v3  }
0x2c: {  	v3 =	vld [tilespmem:$0x90];
	_ =	sdelay $0x4  }
0x2d: {  	vm13 =	veq.s32 v3, v0  }
0x2e: {  	v3 =	vsel vm13, $0x1, v2  }
0x2f: {  	(xrf0) =	vadd.scan.msk.s32 $0xffff, v3;
	_ =	sdelay $0x5  }
0x30: {  	(v2sf) =	vpush v5, $0xF;
	v56 =	vbroadcast v6, $0xF;
	v3 =	vld [tilespmem:$0x110];
	v55, _, _ =	vpop (xrf0)  }
0x31: {  	v57 =	vld [tilespmem:$0x10];
	(v2sf) =	vpush v55, $0xF  }
0x32: {  	v4 =	vadd.s32 v55, v56;
	_ =	sdelay $0x2  }
0x33: {  	v3 =	vshll.u32 v3, $0x10  }
0x34: {  	v3 =	vor.u32 v57, v3  }
0x35: {  	[tilespmem:v4+s18+$0x0] =	vst.idx.msk vm13, v3  }
0x36: {  	v3 =	vld [tilespmem:$0xA0];
	_ =	sdelay $0x4  }
0x37: {  	vm14 =	veq.s32 v3, v0  }
0x38: {  	v3 =	vsel vm14, $0x1, v2  }
0x39: {  	s0 =	spop (v2sf);
	(xrf0) =	vadd.scan.msk.s32 $0xffff, v3  }
0x3a: {  	s25 =	spop (v2sf)  }
0x3b: {  	s26 =	sadd.s32 s0, s25  }
0x3c: {  	v3 =	vmov s26  }
0x3d: {  	v3 =	vadd.s32 $0xFFFFFFFF, v3  }
0x3e: {  	v4 =	vld [tilespmem:$0x120];
	v3 =	vbroadcast v3, $0x0  }
0x3f: {  	v58 =	vld [tilespmem:$0x20];
	v59, _, _ =	vpop (xrf0)  }
0x40: {  	v3 =	vadd.s32 v59, v3;
	_ =	sdelay $0x2  }
0x41: {  	v4 =	vshll.u32 v4, $0x10  }
0x42: {  	v4 =	vor.u32 v58, v4  }
0x43: {  	[tilespmem:v3+s18+$0x0] =	vst.idx.msk vm14, v4  }
0x44: {  	v3 =	vld [tilespmem:$0xB0];
	_ =	sdelay $0x4  }
0x45: {  	(v2sf) =	vpush v59, $0xF;
	vm15 =	veq.s32 v3, v0  }
0x46: {  	v3 =	vsel vm15, $0x1, v2  }
0x47: {  	(xrf0) =	vadd.scan.msk.s32 $0xffff, v3;
	_ =	sdelay $0x5  }
0x48: {  	v3, _, _ =	vpop (xrf0)  }
0x49: {  	(v2sf) =	vpush v3, $0xF;
	_ =	sdelay $0x5  }
0x4a: {  	s28 =	spop (v2sf)  }
0x4b: {  	s26 =	sadd.s32 s26, s28  }
0x4c: {  	v60 =	vmov s26  }
0x4d: {  	v4 =	vadd.s32 $0xFFFFFFFF, v60  }
0x4e: {  	v61 =	vld [tilespmem:$0x130];
	v4 =	vbroadcast v4, $0x0  }
0x4f: {  	v62 =	vld [tilespmem:$0x30]  }
0x50: {  	v3 =	vadd.s32 v3, v4  }
.Ltmp2:
0x51: {  	_ = 	snop;
	(pc) =	sbr.rel .LBB2_2-.Ltmp2, $4  }
0x52: {  	_ = 	snop  }
0x53: {  	v63 =	vshll.u32 v61, $0x10;
	s0 =	sadd.s32 s28, s0;
	s29 =	spop (v2sf)  }
0x54: {  	v4 =	vor.u32 v62, v63;
	s26 =	sadd.s32 s26, s29;
	s0 =	sadd.s32 s29, s0  }
0x55: {  	[tilespmem:v3+s18+$0x0] =	vst.idx.msk vm15, v4;
	s25 =	sadd.s32 s25, s0;
	p0 =	slt.s32 s26, $0x1;
	s26 =	simm.s32 $0x0  }
.LBB2_8:
0x56: {  	s0 =	sadd.s32 s8, s29  }
0x57: {  	[hbm4b:s0+s4] =	stream.linear.scatter [tilespmem:s22], [sflag:$0x1], $0x2710, $0x38;
	[tilespmem:$0xC800] =	vst v63  }
0x58: {  	s26 =	sadd.s32 $0x1, s26;
	_ =	swait.ge [sflag:s15], $0x2710  }
0x59: {  	p1 =	sne.s32 s26, $0x5;
	[sflag:s15] =	ssyncset.done $0x0  }
.Ltmp3:
0x5a: {  	s31 =	sadd.s32 s10, s29;
	[sflag:s15] =	ssyncadd.s32 $0xFFFFD8F0;
	(pc) =	sbr.rel @!p1 .LBB2_9-.Ltmp3, $4  }
0x5b: {  	[hbm4b:s31+s4] =	stream.linear.scatter [tilespmem:s23], [sflag:$0x1], $0x2710, $0x38;
	[tilespmem:$0xC800] =	vst v63  }
0x5c: {  	_ =	swait.ge [sflag:s15], $0x2710  }
0x5d: {  	[sflag:s15] =	ssyncset.done $0x0  }
0x5e: {  	[sflag:s15] =	ssyncadd.s32 $0xFFFFD8F0  }
.LBB2_2:
0x5f: {  	s0 =	smul.u32 $0x2710, s26;
	_ =	sdelay $0x1  }
0x60: {  	s0 =	sadd.s32 s11, s0  }
0x61: {  	s28 =	sadd.s32 s9, s0  }
0x62: {  	s28 =	sshrl.u32 s28, $0x3  }
0x63: {  	s29 =	sadd.s32 s6, s28;
	s28 =	simm.s32 $0x0  }
0x64: {  	[tilespmem:s19], [sflag:$0x1] =	stream.linear.gather [hbm4b:s29+s28], $0x2710, $0x38;
	[tilespmem:$0xC800] =	vst v63  }
0x65: {  	s29 =	sadd.s32 s12, s0;
	_ =	swait.ge [sflag:s15], $0x2710  }
0x66: {  	s29 =	sshrl.u32 s29, $0x3;
	[sflag:s15] =	ssyncset.done $0x0  }
0x67: {  	s29 =	sadd.s32 s6, s29;
	[sflag:s15] =	ssyncadd.s32 $0xFFFFD8F0  }
0x68: {  	[tilespmem:s20], [sflag:$0x1] =	stream.linear.gather [hbm4b:s29+s28], $0x2710, $0x38;
	[tilespmem:$0xC800] =	vst v63  }
0x69: {  	s0 =	sadd.s32 s13, s0;
	_ =	swait.ge [sflag:s15], $0x2710  }
0x6a: {  	s29 =	sshrl.u32 s0, $0x3;
	[sflag:s15] =	ssyncset.done $0x0  }
.Ltmp4:
0x6b: {  	s0 =	sadd.s32 s7, s29;
	[sflag:s15] =	ssyncadd.s32 $0xFFFFD8F0;
	(pc) =	sbr.rel .LBB2_3-.Ltmp4, $4  }
0x6c: {  	[tilespmem:s21], [sflag:$0x1] =	stream.linear.gather [hbm4b:s0+s28], $0x2710, $0x38;
	[tilespmem:$0xC800] =	vst v63  }
0x6d: {  	_ =	swait.ge [sflag:s15], $0x2710  }
0x6e: {  	[sflag:s15] =	ssyncset.done $0x0  }
0x6f: {  	s30 =	simm.s32 $0x0;
	[sflag:s15] =	ssyncadd.s32 $0xFFFFD8F0  }
.LBB2_6:
0x70: {  	vm0 =	veq.s32 v4, v6  }
0x71: {  	v6 =	vsel vm0, $0x1, v2  }
0x72: {  	v5 =	vor.u32 v6, v5  }
0x73: {  	[tilespmem:$0xC780] =	vst v5  }
.LBB2_7:
0x74: {  	[tilespmem:s31+$0x7880] =	vst v4  }
0x75: {  	v4 =	vld [tilespmem:$0xC780]  }
0x76: {  	s30 =	sadd.s32 $0x1, s30  }
0x77: {  	p1 =	sne.s32 s30, $0x271  }
.Ltmp5:
0x78: {  	_ = 	snop;
	(pc) =	sbr.rel @!p1 .LBB2_8-.Ltmp5, $4  }
0x79: {  	_ = 	snop  }
0x7a: {  	vm0 =	veq.s32 v4, $0x0  }
0x7b: {  	v3 =	vnsel vm0, $0x0, v3  }
0x7c: {  	[tilespmem:s31+$0xA000] =	vst v3  }
.LBB2_3:
0x7d: {  	s31 =	sshll.u32 s30, $0x4  }
0x7e: {  	v4 =	vld [tilespmem:s31+$0x2980]  }
0x7f: {  	v6 =	vld [tilespmem:s31+$0x200]  }
.Ltmp6:
0x80: {  	_ = 	snop;
	(pc) =	sbr.rel @p0 .LBB2_7-.Ltmp6, $3  }
0x81: {  	_ =	sdelay $0x1  }
0x82: {  	v5 =	vimm.s32 $0x0;
	v4 =	vshll.u32 v4, $0x10  }
0x83: {  	v3 =	vld [tilespmem:s31+$0x5100];
	[tilespmem:$0xC780] =	vst v5;
	v4 =	vor.u32 v6, v4  }
0x84: {  	v6 =	vmov s28;
	_ =	sdelay $0x2  }
0x85: {  	s0 =	sadd.s32 $0x1, s28  }
0x86: {  	p1 =	sne.s32 s25, s0  }
.Ltmp7:
0x87: {  	v6 =	vld.idx.msk [tilespmem:v6+s18+$0x0], $0xffff;
	(pc) =	sbr.rel @!p1 .LBB2_6-.Ltmp7, $1  }
0x88: {  	_ =	sdelay $0x3  }
.LBB2_5:
0x89: {  	v7 =	vmov s0;
	s0 =	sadd.s32 $0x1, s0  }
0x8a: {  	p1 =	sne.s32 s25, s0  }
.Ltmp8:
0x8b: {  	vm0 =	veq.s32 v4, v6;
	(pc) =	sbr.rel @p1 .LBB2_5-.Ltmp8, $4  }
0x8c: {  	v6 =	vsel vm0, $0x1, v2  }
0x8d: {  	v5 =	vor.u32 v6, v5  }
0x8e: {  	[tilespmem:$0xC780] =	vst v5  }
0x8f: {  	v6 =	vld.idx.msk [tilespmem:v7+s18+$0x0], $0xffff  }
.Ltmp9:
0x90: {  	_ = 	snop;
	(pc) =	sbr.rel .LBB2_6-.Ltmp9, $1  }
0x91: {  	_ =	sdelay $0x3  }
.LBB2_10:
0x92: {  	_ =	sfence.sel $0x180000  }
0x93: {  	[bflag:$0x0] =	sbarrier.arrive $0xFFFF  }
0x94: {  	_ =	strace $0x90000047  }
0x95: {  	[bflag:$0x2] =	sbarrier.arrive $0xFFFF  }
0x96: {  	p0 =	sne.s32 s5, $0x0;
	s0 =	rddreg [dreg:$0x4]  }
0x97: {  	s0 =	sadd.s32 @!p0 $0x100000, s0  }
0x98: {  	[sflag:s0] =	ssyncadd.tile.s32 @!p0 $0x1;
	_ =	shalt  }
.Lfunc_end2:
_tile_overlayer_lowered:
.L_overlay_start_2:
0x99: {  	(tag) =	ssettag $0x2  }
0x9a: {  	s0 =	rddreg [dreg:$0x0];
	s2 =	stileid.u32  }
0x9b: {  	s1 =	rddreg [dreg:$0x1];
	p0 =	sne.s32 s2, $0x0  }
0x9c: {  	s3 =	rddreg [dreg:$0x2];
	[bflag:$0x3] =	sbarrier.arrive $0xFFFF;
	s2 =	simm.s32 @!p0 $0x1C01  }
0x9d: {  	[timem:s3], [sflag:s2] =	dma.local @!p0 [hbm:s0], s1  }
0x9e: {  	s0 =	simm.s32 @!p0 $0x1  }
0x9f: {  	_ =	swait.ge @!p0 [sflag:s0], s1  }
0xa0: {  	s1 =	ssub.s32 @!p0 $0x0, s1;
	[sflag:s0] =	ssyncset.done @!p0 $0x0  }
0xa1: {  	[sflag:s0] =	ssyncadd.s32 @!p0 s1  }
0xa2: {  	[bflag:$0x3] =	sbarrier.arrive $0xFFFF  }
0xa3: {  	_ =	shalt  }

// kernel: kernel.7.cloned.1.call-start
scs
__scs_entry_jumppad:
0x0: {  	(pc) =	sbr.rel $0x88, $3  }
0x1: {  	(tag) =	ssettag $0x0;
	lr =	simm.s32 $0x1  }
0x2: {  	[smem:$0x3F9C] =	sst lr;
	_ =	strace $0xD0000000  }
0x3: {  	_ = 	snop  }
0x4: {  	_ = 	snop  }
0x5: {  	_ = 	snop  }
0x6: {  	_ = 	snop  }
0x7: {  	_ = 	snop  }
__scs_overlays_trampoline_lowered:
0x8: {  	[smem:$0x3FAB] =	sst s0  }
0x9: {  	[smem:$0x3FAC] =	sst s1  }
0xa: {  	[smem:$0x3FAD] =	sst s2  }
0xb: {  	[smem:$0x3FAE] =	sst s3  }
0xc: {  	[smem:$0x3FAF] =	sst s4  }
0xd: {  	[smem:$0x3FB0] =	sst s5  }
0xe: {  	[smem:$0x3FB1] =	sst s6  }
0xf: {  	[smem:$0x3FB2] =	sst s7  }
0x10: {  	[smem:$0x3FB3] =	sst s8  }
0x11: {  	[smem:$0x3FB4] =	sst s9;
	s0 =	simm.s32 @!p0 $0x0  }
0x12: {  	s1 =	sld [smem:$0x3F9A];
	s0 =	simm.s32 @p0 $0x1  }
0x13: {  	[smem:$0x3FB5] =	sst s0;
	s0 =	simm.s32 @!p1 $0x0  }
0x14: {  	s2 =	sld [smem:$0x3F99];
	s0 =	simm.s32 @p1 $0x1  }
0x15: {  	[smem:$0x3FB6] =	sst s0;
	s0 =	simm.s32 @!p2 $0x0  }
0x16: {  	s3 =	sld [smem:$0x3FDB];
	s0 =	simm.s32 @p2 $0x1  }
0x17: {  	s4 =	simm.s32 $0x1BF5;
	[smem:$0x3FB8] =	sst s0  }
0x18: {  	s0 =	sld [smem:$0x3F9B];
	_ =	swait.ge [sflag:s4], $0x0  }
0x19: {  	s7 =	sld [smem:$0x3F9C]  }
0x1a: {  	s8 =	sadd.s32 $0xFFFFE003, lr  }
0x1b: {  	s9 =	sadd.s32 $0xFFFFFEF7, lr;
	s5 =	simm.s32 $0xFFFFFFFF;
	p2 =	slt.u32 s8, $0xFFFFF086  }
0x1c: {  	p1 =	slt.u32 s9, $0xF7A;
	s5 =	simm.s32 @!p2 $0x0  }
0x1d: {  	s5 =	simm.s32 @p1 $0x1;
	p0 =	seq.s32 s7, s2  }
0x1e: {  	s7 =	smul.u32 @!p0 $0xF7A, s2;
	p2 =	seq.s32 @!p0 s5, $0x0  }
0x1f: {  	s9 =	smul.u32 $0xF7A, s1;
	s8 =	simm.s32 @!p0 $0x1BF5;
	p2 =	por !p2, p0  }
0x20: {  	[sflag:s8] =	ssyncset.s32 @!p0 $0xFFFFF086;
	s6 =	sadd.s32 @!p0 s3, s7;
	s7 =	simm.s32 @!p0 $0x108  }
0x21: {  	s3 =	sadd.s32 s3, s9;
	s6 =	sadd.s32 @!p0 $0x88, s6;
	s7 =	simm.s32 @p2 $0x1082  }
0x22: {  	[simem:s7], [sflag:s8] =	dma.local @!p0 [hbm:s6], $0xF7A  }
0x23: {  	s9 =	sor.u32 $0xD0000000, s2;
	s6 =	simm.s32 $0x108;
	_ =	swait.ge @!p0 [sflag:s8], $0x0  }
0x24: {  	s3 =	sadd.s32 $0x88, s3;
	s6 =	simm.s32 @!p1 $0x1082;
	[sflag:s4] =	ssyncset.s32 $0xFFFFF086  }
0x25: {  	[simem:s6], [sflag:s4] =	dma.local [hbm:s3], $0xF7A  }
0x26: {  	[smem:$0x3F9C] =	sst s1;
	(tag) =	ssettag s2;
	_ =	strace s9  }
0x27: {  	s1 =	sld [smem:$0x3FAC]  }
0x28: {  	s2 =	sld [smem:$0x3FAD]  }
0x29: {  	s4 =	sld [smem:$0x3FAF]  }
0x2a: {  	p0 =	seq.s32 s5, $0x0;
	s5 =	sld [smem:$0x3FB0]  }
0x2b: {  	s6 =	sld [smem:$0x3FB1]  }
0x2c: {  	s7 =	sld [smem:$0x3FB2]  }
0x2d: {  	s3 =	simm.s32 $0x108;
	s8 =	sld [smem:$0x3FB3]  }
0x2e: {  	s3 =	simm.s32 @!p0 $0x1082;
	s9 =	sld [smem:$0x3FB4]  }
0x2f: {  	lr =	sadd.s32 s0, s3;
	s0 =	sld [smem:$0x3FAB]  }
0x30: {  	s3 =	sld [smem:$0x3FAE]  }
0x31: {  	[smem:$0x3FB7] =	sst s10  }
0x32: {  	s10 =	sld [smem:$0x3FB5];
	_ =	sdelay $0x3  }
0x33: {  	p0 =	seq.s32 s10, $0x1;
	s10 =	sld [smem:$0x3FB7];
	_ =	sdelay $0x3  }
0x34: {  	[smem:$0x3FB7] =	sst s10  }
0x35: {  	s10 =	sld [smem:$0x3FB6];
	_ =	sdelay $0x3  }
0x36: {  	p1 =	seq.s32 s10, $0x1;
	s10 =	sld [smem:$0x3FB7];
	_ =	sdelay $0x3  }
0x37: {  	[smem:$0x3FB7] =	sst s10  }
0x38: {  	s10 =	sld [smem:$0x3FB8]  }
0x39: {  	_ = 	snop;
	(pc) =	sbr.ind lr, $3  }
0x3a: {  	_ = 	snop  }
0x3b: {  	_ = 	snop  }
0x3c: {  	p2 =	seq.s32 s10, $0x1;
	s10 =	sld [smem:$0x3FB7]  }
0x3d: {  	_ =	shalt  }
0x3e: {  	_ =	shalt  }
0x3f: {  	_ =	shalt  }
0x40: {  	_ =	shalt  }
0x41: {  	_ =	shalt  }
0x42: {  	_ =	shalt  }
0x43: {  	_ =	shalt  }
0x44: {  	_ =	shalt  }
0x45: {  	_ =	shalt  }
0x46: {  	_ =	shalt  }
0x47: {  	_ =	shalt  }
0x48: {  	_ =	shalt  }
0x49: {  	_ =	shalt  }
0x4a: {  	_ =	shalt  }
0x4b: {  	_ =	shalt  }
0x4c: {  	_ =	shalt  }
0x4d: {  	_ =	shalt  }
0x4e: {  	_ =	shalt  }
0x4f: {  	_ =	shalt  }
0x50: {  	_ =	shalt  }
0x51: {  	_ =	shalt  }
0x52: {  	_ =	shalt  }
0x53: {  	_ =	shalt  }
0x54: {  	_ =	shalt  }
0x55: {  	_ =	shalt  }
0x56: {  	_ =	shalt  }
0x57: {  	_ =	shalt  }
0x58: {  	_ =	shalt  }
0x59: {  	_ =	shalt  }
0x5a: {  	_ =	shalt  }
0x5b: {  	_ =	shalt  }
0x5c: {  	_ =	shalt  }
0x5d: {  	_ =	shalt  }
0x5e: {  	_ =	shalt  }
0x5f: {  	_ =	shalt  }
0x60: {  	_ =	shalt  }
0x61: {  	_ =	shalt  }
0x62: {  	_ =	shalt  }
0x63: {  	_ =	shalt  }
0x64: {  	_ =	shalt  }
0x65: {  	_ =	shalt  }
0x66: {  	_ =	shalt  }
0x67: {  	_ =	shalt  }
0x68: {  	_ =	shalt  }
0x69: {  	_ =	shalt  }
0x6a: {  	_ =	shalt  }
0x6b: {  	_ =	shalt  }
0x6c: {  	_ =	shalt  }
0x6d: {  	_ =	shalt  }
0x6e: {  	_ =	shalt  }
0x6f: {  	_ =	shalt  }
0x70: {  	_ =	shalt  }
0x71: {  	_ =	shalt  }
0x72: {  	_ =	shalt  }
0x73: {  	_ =	shalt  }
0x74: {  	_ =	shalt  }
0x75: {  	_ =	shalt  }
0x76: {  	_ =	shalt  }
0x77: {  	_ =	shalt  }
0x78: {  	_ =	shalt  }
0x79: {  	_ =	shalt  }
0x7a: {  	_ =	shalt  }
0x7b: {  	_ =	shalt  }
0x7c: {  	_ =	shalt  }
0x7d: {  	_ =	shalt  }
0x7e: {  	_ =	shalt  }
0x7f: {  	_ =	shalt  }
0x80: {  	_ =	shalt  }
0x81: {  	_ =	shalt  }
0x82: {  	_ =	shalt  }
0x83: {  	_ =	shalt  }
0x84: {  	_ =	shalt  }
0x85: {  	_ =	shalt  }
0x86: {  	_ =	shalt  }
0x87: {  	_ =	shalt  }
.Lfunc_end0:
.L_simem_size_0:
called_computation.1_lowered:
.L_overlay_start_0:
0x88: {  	s2 =	sld [smem:$0x3FD9]  }
0x89: {  	s3 =	sld [smem:$0x3FFE];
	_ =	sdelay $0x1  }
0x8a: {  	s1 =	srdreg.scid  }
0x8b: {  	s0 =	sand.u32 $0x1, s1  }
0x8c: {  	s14 =	sshll.u32 s0, $0xA;
	s2 =	sadd.s32 s3, s2  }
0x8d: {  	s2 =	sadd.s32 s2, s14  }
0x8e: {  	[smem:$0x3FC3] =	sst s2  }
0x8f: {  	_ = 	snop  }
0x90: {  	s2 =	sld [smem:$0x3FD0];
	_ =	sdelay $0x2  }
0x91: {  	s4 =	simm.s32 $0xA;
	s5 =	simm.s32 $0x10;
	s15 =	sld [smem:$0x3FC8]  }
0x92: {  	[smem:s5], [sflag:s4] =	dma.local [hbm:s2], $0x1  }
0x93: {  	_ =	swait.eq [sflag:s4], $0x1  }
0x94: {  	[sflag:s4] =	ssyncset.done $0x0  }
0x95: {  	[sflag:s4] =	ssyncadd.s32 $0xFFFFFFFF  }
0x96: {  	s16 =	sld [smem:$0x10];
	(tm) =	ssettm $0x1  }
0x97: {  	s17 =	sld [smem:$0x3FFB];
	_ =	sdelay $0x3  }
0x98: {  	_ =	strace s17  }
0x99: {  	s4 =	sld [smem:$0x3FFC];
	_ =	sdelay $0x3  }
0x9a: {  	_ =	strace s4  }
0x9b: {  	s4 =	sld [smem:$0x3FFD];
	_ =	sdelay $0x3  }
0x9c: {  	_ =	strace s4  }
0x9d: {  	_ =	strace $0x8FFFFFFF  }
0x9e: {  	s18 =	sld [smem:$0x3FDB];
	_ =	sdelay $0x1  }
0x9f: {  	s19 =	simm.s32 $_scs_section_size  }
0xa0: {  	s6 =	simm.s32 $_size__tile_overlayer_lowered;
	s7 =	simm.s32 $_tile_overlayer_lowered  }
0xa1: {  	s22 =	simm.s32 $0x1BFF;
	s21 =	sshll.u32 s7, $0x1;
	s4 =	sadd.s32 s19, s18  }
0xa2: {  	s8 =	simm.s32 $0x0;
	s20 =	sshll.u32 s6, $0x1;
	s6 =	sadd.s32 s21, s4  }
0xa3: {  	[timem:s8], [sflag:s22] =	dma.local [hbm:s6], s20  }
0xa4: {  	_ =	swait.ge [sflag:s22], s20  }
0xa5: {  	s5 =	ssub.s32 $0x0, s20;
	[sflag:s22] =	ssyncset.done $0x0  }
0xa6: {  	[sflag:s22] =	ssyncadd.s32 s5;
	_ =	sdelay $0x1  }
0xa7: {  	s23 =	simm.s32 $0x1B8B  }
0xa8: {  	_ =	swait.ge [sflag:s23], $0x1  }
0xa9: {  	[sflag:s23] =	ssyncset.done $0x0  }
0xaa: {  	s25 =	simm.s32 $0x1B8E;
	s24 =	sld [smem:$0x3FFE];
	[sflag:s23] =	ssyncadd.s32 $0xFFFFFFFF  }
0xab: {  	s26 =	simm.s32 $execute0_lowered;
	[smem:$0x3FD2] =	sst s25  }
0xac: {  	s6 =	sshll.u32 s26, $0x1;
	_ =	strace $0x80000049;
	[dreg:$0x1] =	wrdreg $0xFFFFFFFF  }
0xad: {  	s28 =	simm.s32 $_size_execute0_lowered;
	s4 =	sadd.s32 s4, s6;
	[dreg:$0x0] =	wrdreg $0x0  }
0xae: {  	s6 =	sshll.u32 s28, $0x1;
	[dreg:$0x2] =	wrdreg s4  }
0xaf: {  	[dreg:$0x3] =	wrdreg s6  }
0xb0: {  	[dreg:$0x4] =	wrdreg $0xC0  }
0xb1: {  	_ =	task [dreg:s8], $0x5FFFF  }
0xb2: {  	[dreg:$0x1] =	wrdreg $0xFFFFFFFF  }
0xb3: {  	[dreg:$0x0] =	wrdreg $0x60  }
0xb4: {  	[dreg:$0x2] =	wrdreg s24  }
0xb5: {  	[dreg:$0x3] =	wrdreg s16  }
0xb6: {  	[dreg:$0x4] =	wrdreg s15  }
0xb7: {  	[dreg:$0x5] =	wrdreg $0x9  }
0xb8: {  	_ =	task.clear_ibuf [dreg:s8], $0x6FFFF;
	_ =	strace $0x90000049  }
0xb9: {  	s29 =	simm.s32 $0x9;
	_ =	strace $0x8000004B  }
0xba: {  	_ =	swait.ge [sflag:s29], $0x1  }
0xbb: {  	[sflag:s29] =	ssyncadd.s32 $0xFFFFFFFF  }
0xbc: {  	_ =	strace $0x9000004B  }
0xbd: {  	_ =	sfence  }
0xbe: {  	s30 =	sld [smem:$0x0];
	_ =	sdelay $0x2  }
0xbf: {  	s31 =	sshll.u32 s1, $0xD;
	s1 =	sshrl.u32 s1, $0x2  }
0xc0: {  	s3 =	sand.u32 $0x4000, s31;
	s1 =	sadd.s32 s1, s30  }
0xc1: {  	s0 =	sor.u32 s3, s0;
	s1 =	sshll.u32 s1, $0x11  }
0xc2: {  	s0 =	sor.u32 s1, s0  }
0xc3: {  	s0 =	sadd.s32 $0x8F2B, s0  }
0xc4: {  	[sflag:s0] =	ssyncadd.remote.s32 $0x1  }
0xc5: {  	_ =	sfence.sel $0xFFFF  }
0xc6: {  	[dreg:$0x0] =	wrdreg $0xFFFFFFFF;
	(pc) =	sbr.abs _section_cstart, $3  }
0xc7: {  	[dreg:$0x1] =	wrdreg $0xFFFFFFFF  }
0xc8: {  	_ =	task.clear_ibuf [dreg:s8], $0x2FFFF;
	_ =	strace $0x9FFFFFFF  }
0xc9: {  	(tm) =	ssettm $0x7FFFFFFF  }
tec
execute0_lowered:
.L_overlay_start_1:
0x0: {  	(tag) =	ssettag $0x1  }
0x1: {  	s0 =	rddreg [dreg:$0x0]  }
0x2: {  	s3 =	simm.s32 $0x0;
	s1 =	srdreg.scid;
	s8 =	stileid.u32  }
0x3: {  	s14 =	simm.s32 $0x1C700;
	s15 =	simm.s32 $0x3;
	s16 =	simm.s32 $0x1C780  }
0x4: {  	s17 =	simm.s32 $0x1C800;
	s18 =	simm.s32 $0x18700;
	s20 =	simm.s32 $0x1A700  }
0x5: {  	s21 =	simm.s32 $0x1B700;
	s22 =	simm.s32 $0x1;
	s23 =	simm.s32 $0xC380  }
0x6: {  	s24 =	simm.s32 $0x2;
	s25 =	simm.s32 $0x1C880;
	s26 =	simm.s32 $0x1C900  }
0x7: {  	s28 =	simm.s32 $0x0;
	[smem:$0x7FF] =	sst s3;
	s5 =	sadd.s32 $0x93000, s0  }
0x8: {  	s6 =	sadd.s32 $0xC3E00, s0;
	s2 =	sadd.s32 $0xF4C00, s0;
	s1 =	sand.u32 $0x1, s1  }
0x9: {  	s4 =	sadd.s32 $0x600, s0;
	s8 =	sshll.u32 s8, $0x1;
	s0 =	sadd.s32 $0x800, s0  }
0xa: {  	_ =	strace $0x8000004A;
	s7 =	ssub.s32 $0x2, s1;
	s1 =	sor.u32 s1, s8  }
0xb: {  	s9 =	sshrl.u32 s7, $0x1;
	s30 =	sshll.u32 s1, $0x3;
	s31 =	sshll.u32 s1, $0x1  }
0xc: {  	s19 =	sor.u32 $0x20, s1;
	s13 =	ssub.s32 s7, s9;
	s7 =	sadd.s32 s2, s30  }
0xd: {  	v2 =	vimm.f32 $0.0e+00;
	v3 =	vimm.f32 $1.000000000e+00;
	v4 =	vimm.s32 $0x10;
	s8 =	sadd.s32 s4, s31;
	s9 =	sadd.s32 s0, s31;
	s10 =	sshll.u32 s19, $0x3  }
0xe: {  	v5 =	vimm.s32 $0x21;
	v6 =	vimm.s32 $0x32;
	s12 =	sshll.u32 s19, $0x1;
	v1 =	vmov s19;
	s19 =	simm.s32 $0x19700;
	s10 =	sadd.s32 s2, s10  }
0xf: {  	v7 =	vimm.s32 $0x0;
	v8 =	vlaneseq.u32;
	v0 =	vmov s1;
	s11 =	sadd.s32 s4, s12;
	s12 =	sadd.s32 s0, s12;
	s13 =	smax.u32 s13, $0x1  }
.LBB2_1:
0x10: {  	s0 =	rddreg [dreg:$0x1]  }
0x11: {  	[tilespmem:s14], [sflag:$0x3] =	stream.linear.gather [hbm4b:s0+s3], $0x80, $0x38;
	[tilespmem:$0x1CB00] =	vst v63  }
0x12: {  	_ =	swait.ge [sflag:s15], $0x80  }
0x13: {  	[sflag:s15] =	ssyncset.done $0x0  }
0x14: {  	[sflag:s15] =	ssyncadd.s32 $0xFFFFFF80  }
0x15: {  	s31 =	rddreg [dreg:$0x2]  }
0x16: {  	[tilespmem:s16], [sflag:$0x3] =	stream.linear.gather [hbm4b:s31+s3], $0x80, $0x38;
	[tilespmem:$0x1CB00] =	vst v63  }
0x17: {  	_ =	swait.ge [sflag:s15], $0x80  }
0x18: {  	[sflag:s15] =	ssyncset.done $0x0  }
0x19: {  	[sflag:s15] =	ssyncadd.s32 $0xFFFFFF80  }
0x1a: {  	[tilespmem:s17], [sflag:$0x3] =	stream.linear.gather [hbm4b:s7+s3], $0x40, $0x38;
	[tilespmem:$0x1CB00] =	vst v63  }
0x1b: {  	_ =	swait.ge [sflag:s15], $0x40  }
0x1c: {  	[sflag:s15] =	ssyncset.done $0x0  }
0x1d: {  	[sflag:s15] =	ssyncadd.s32 $0xFFFFFFC0  }
0x1e: {  	s0 =	simm.s32 $0x40;
	v10 =	vld.idx.msk [tilespmem:v0+s14+$0x0], $0xffff  }
0x1f: {  	v9 =	vld.idx.msk [tilespmem:v0+s16+$0x0], $0xffff;
	[tilespmem:s0+$0xFFFFFFC0] =	vst v2  }
0x20: {  	[tilespmem:s0+$0x30] =	vst v2  }
0x21: {  	[tilespmem:s0+$0x20] =	vst v2  }
0x22: {  	[tilespmem:s0+$0x10] =	vst v2  }
0x23: {  	[tilespmem:s0+$0x0] =	vst v2  }
0x24: {  	[tilespmem:s0+$0xFFFFFFF0] =	vst v2  }
0x25: {  	s1 =	simm.s32 $0x0;
	[tilespmem:s0+$0xFFFFFFE0] =	vst v2  }
.LBB2_2:
0x26: {  	s1 =	sadd.s32 $0x8, s1;
	[tilespmem:s0+$0xFFFFFFD0] =	vst v2;
	s0 =	sadd.s32 $0x80, s0  }
0x27: {  	[tilespmem:s0+$0xFFFFFFC0] =	vst v2;
	p0 =	slt.u32 s1, $0xC28  }
0x28: {  	[tilespmem:s0+$0x30] =	vst v2  }
.Ltmp0:
0x29: {  	[tilespmem:s0+$0x20] =	vst v2;
	(pc) =	sbr.rel @p0 .LBB2_2-.Ltmp0, $4  }
0x2a: {  	[tilespmem:s0+$0x10] =	vst v2  }
0x2b: {  	[tilespmem:s0+$0x0] =	vst v2  }
0x2c: {  	[tilespmem:s0+$0xFFFFFFF0] =	vst v2  }
0x2d: {  	[tilespmem:s0+$0xFFFFFFE0] =	vst v2  }
0x2e: {  	[tilespmem:s0+$0xFFFFFFD0] =	vst v2;
	s0 =	simm.s32 $0x0  }
.LBB2_4:
0x2f: {  	p0 =	sne.s32 s0, $0x100  }
.Ltmp1:
0x30: {  	_ = 	snop;
	(pc) =	sbr.rel @p0 .LBB2_4-.Ltmp1, $3  }
0x31: {  	_ =	sdelay $0x1  }
0x32: {  	s1 =	sshra.s32 s0, $0x2  }
0x33: {  	s0 =	sadd.s32 $0x40, s0;
	[tilespmem:s1+$0xC300] =	vst v2  }
0x34: {  	_ =	sdelay $0x3  }
0x35: {  	[tilespmem:v10+s3+$0x0] =	vst.idx.msk $0x1, v3;
	s0 =	simm.s32 $0xC3C0  }
0x36: {  	[tilespmem:s0+$0xFFFFFFC0] =	vst v2  }
0x37: {  	[tilespmem:s0+$0x30] =	vst v2  }
0x38: {  	[tilespmem:s0+$0x20] =	vst v2  }
0x39: {  	[tilespmem:s0+$0x10] =	vst v2  }
0x3a: {  	[tilespmem:s0+$0x0] =	vst v2  }
0x3b: {  	[tilespmem:s0+$0xFFFFFFF0] =	vst v2  }
0x3c: {  	s1 =	simm.s32 $0x0;
	[tilespmem:s0+$0xFFFFFFE0] =	vst v2  }
.LBB2_6:
0x3d: {  	s1 =	sadd.s32 $0x8, s1;
	[tilespmem:s0+$0xFFFFFFD0] =	vst v2;
	s0 =	sadd.s32 $0x80, s0  }
0x3e: {  	[tilespmem:s0+$0xFFFFFFC0] =	vst v2;
	p0 =	slt.u32 s1, $0xC28  }
0x3f: {  	[tilespmem:s0+$0x30] =	vst v2  }
.Ltmp2:
0x40: {  	[tilespmem:s0+$0x20] =	vst v2;
	(pc) =	sbr.rel @p0 .LBB2_6-.Ltmp2, $4  }
0x41: {  	[tilespmem:s0+$0x10] =	vst v2  }
0x42: {  	[tilespmem:s0+$0x0] =	vst v2  }
0x43: {  	[tilespmem:s0+$0xFFFFFFF0] =	vst v2  }
0x44: {  	[tilespmem:s0+$0xFFFFFFE0] =	vst v2  }
0x45: {  	[tilespmem:s0+$0xFFFFFFD0] =	vst v2;
	s0 =	simm.s32 $0x0  }
.LBB2_8:
0x46: {  	p0 =	sne.s32 s0, $0x100  }
.Ltmp3:
0x47: {  	_ = 	snop;
	(pc) =	sbr.rel @p0 .LBB2_8-.Ltmp3, $3  }
0x48: {  	_ =	sdelay $0x1  }
0x49: {  	s1 =	sshra.s32 s0, $0x2  }
0x4a: {  	s0 =	sadd.s32 $0x40, s0;
	[tilespmem:s1+$0x18680] =	vst v2  }
0x4b: {  	s29 =	simm.s32 $0x0  }
0x4c: {  	[tilespmem:s18], [sflag:$0x1] =	stream.linear.gather [hbm4b:s5+s29], $0xFA0, $0x38;
	[tilespmem:$0x1CB00] =	vst v63  }
0x4d: {  	s30 =	simm.s32 $0x0  }
0x4e: {  	[tilespmem:s19], [sflag:$0x1] =	stream.linear.gather [hbm4b:s6+s29], $0xFA0, $0x38;
	[tilespmem:$0x1CB00] =	vst v63  }
.LBB2_10:
0x4f: {  	s0 =	smul.u32 $0x3E8, s30;
	_ =	sdelay $0x1  }
0x50: {  	s0 =	sadd.s32 $0x1F4, s0  }
0x51: {  	s1 =	sadd.s32 s5, s0  }
0x52: {  	[tilespmem:s20], [sflag:$0x2] =	stream.linear.gather [hbm4b:s1+s3], $0xFA0, $0x38;
	[tilespmem:$0x1CB00] =	vst v63  }
0x53: {  	s4 =	smul.u32 $0x29, s30;
	s0 =	sadd.s32 s6, s0  }
0x54: {  	[tilespmem:s21], [sflag:$0x2] =	stream.linear.gather [hbm4b:s0+s3], $0xFA0, $0x38;
	[tilespmem:$0x1CB00] =	vst v63  }
0x55: {  	s2 =	sshrl.u32 s4, $0xA;
	_ =	swait.ge [sflag:s22], $0xFA0  }
0x56: {  	s0 =	sand.u32 $0x3F, s2;
	[sflag:s22] =	ssyncset.done $0x0  }
0x57: {  	v11 =	vmov s0;
	[sflag:s22] =	ssyncadd.s32 $0xFFFFF060  }
0x58: {  	_ =	swait.ge [sflag:s22], $0xFA0  }
0x59: {  	[sflag:s22] =	ssyncset.done $0x0  }
0x5a: {  	s4 =	simm.s32 $0x18740;
	[sflag:s22] =	ssyncadd.s32 $0xFFFFF060  }
0x5b: {  	v12 =	vld [tilespmem:s4+$0x30]  }
0x5c: {  	v13 =	vld.idx.msk [tilespmem:v11+s17+$0x0], $0xffff  }
0x5d: {  	v14 =	vld [tilespmem:s4+$0xFFFFFFD0]  }
0x5e: {  	v15 =	vld [tilespmem:s4+$0xFFFFFFE0]  }
0x5f: {  	v10 =	vadd.s32 $0x8, v11;
	v16 =	vld [tilespmem:s4+$0xFFFFFFF0]  }
0x60: {  	v17 =	vld [tilespmem:s4+$0x0]  }
0x61: {  	v19 =	vld [tilespmem:s4+$0x10]  }
0x62: {  	v21 =	vld [tilespmem:s4+$0xFFFFFFC0]  }
0x63: {  	v22 =	vld [tilespmem:s4+$0x20]  }
0x64: {  	s31 =	simm.s32 $0x19740;
	v24 =	vld.idx.msk [tilespmem:v10+s17+$0x0], $0xffff  }
0x65: {  	v28 =	vld [tilespmem:s31+$0x30]  }
0x66: {  	v31 =	vld [tilespmem:s31+$0xFFFFFFC0];
	v18 =	vand.u32 $0xFFFF, v12  }
0x67: {  	v32 =	vld [tilespmem:s31+$0xFFFFFFD0];
	v20 =	vand.u32 $0xFFFF, v14  }
0x68: {  	v33 =	vld [tilespmem:s31+$0xFFFFFFE0];
	v23 =	vand.u32 $0xFFFF, v15  }
0x69: {  	v35 =	vld [tilespmem:s31+$0xFFFFFFF0];
	v29 =	vand.u32 $0xFFFF, v21  }
0x6a: {  	v62 =	vld [tilespmem:s31+$0x10];
	v25 =	vand.u32 $0xFFFF, v16  }
0x6b: {  	v26 =	vand.u32 $0xFFFF, v17;
	v18 =	vld.idx.msk [tilespmem:v18+s29+$0x0], $0xffff  }
0x6c: {  	v27 =	vand.u32 $0xFFFF, v19;
	v20 =	vld.idx.msk [tilespmem:v20+s29+$0x0], $0xffff  }
0x6d: {  	v23 =	vld.idx.msk [tilespmem:v23+s29+$0x0], $0xffff  }
0x6e: {  	v30 =	vand.u32 $0xFFFF, v22;
	v29 =	vld.idx.msk [tilespmem:v29+s29+$0x0], $0xffff  }
0x6f: {  	v25 =	vld.idx.msk [tilespmem:v25+s29+$0x0], $0xffff  }
0x70: {  	v26 =	vld.idx.msk [tilespmem:v26+s29+$0x0], $0xffff  }
0x71: {  	v34 =	vshrl.u32 v12, $0x10;
	v27 =	vld.idx.msk [tilespmem:v27+s29+$0x0], $0xffff  }
0x72: {  	v12 =	vadd.f32 v24, v13;
	v21 =	vshrl.u32 v21, $0x10;
	v13 =	vmul.f32 v18, v28;
	v18 =	vld [tilespmem:s31+$0x0]  }
0x73: {  	v61 =	vshrl.u32 v14, $0x10;
	v30 =	vld.idx.msk [tilespmem:v30+s29+$0x0], $0xffff;
	v14 =	vmul.f32 v29, v31  }
0x74: {  	v63 =	vshrl.u32 v15, $0x10;
	v15 =	vmul.f32 v20, v32;
	v20 =	vld [tilespmem:s31+$0x20];
	v13 =	vmul.f32 v13, v12  }
0x75: {  	v23 =	vmul.f32 v23, v33;
	v31 =	vmul.f32 v14, v12  }
0x76: {  	v25 =	vmul.f32 v25, v35;
	[tilespmem:v34+s23+$0x0] =	vst.idx.add.f32.msk $0xffff, v13;
	v13 =	vshrl.u32 v16, $0x10;
	v16 =	vmul.f32 v15, v12  }
0x77: {  	v14 =	vshrl.u32 v17, $0x10;
	[tilespmem:v21+s23+$0x0] =	vst.idx.add.f32.msk $0xffff, v31;
	v21 =	vmul.f32 v23, v12;
	v18 =	vmul.f32 v26, v18  }
0x78: {  	v17 =	vmul.f32 v25, v12;
	v15 =	vshrl.u32 v19, $0x10;
	v19 =	vmul.f32 v27, v62;
	[tilespmem:v61+s23+$0x0] =	vst.idx.add.f32.msk $0xffff, v16  }
0x79: {  	s1 =	simm.s32 $0x187C0;
	s0 =	simm.s32 $0x0;
	v20 =	vmul.f32 v30, v20;
	v16 =	vshrl.u32 v22, $0x10;
	[tilespmem:v63+s23+$0x0] =	vst.idx.add.f32.msk $0xffff, v21;
	v18 =	vmul.f32 v18, v12  }
.LBB2_11:
0x7a: {  	v21 =	vld [tilespmem:s1+$0x30];
	s0 =	sadd.s32 $0x8, s0;
	v19 =	vmul.f32 v19, v12  }
0x7b: {  	v22 =	vld [tilespmem:s1+$0xFFFFFFD0];
	p0 =	slt.u32 s0, $0xF0;
	v20 =	vmul.f32 v20, v12  }
0x7c: {  	v23 =	vld [tilespmem:s1+$0xFFFFFFE0]  }
0x7d: {  	v24 =	vld [tilespmem:s1+$0xFFFFFFF0]  }
0x7e: {  	v25 =	vld [tilespmem:s1+$0x0]  }
0x7f: {  	v26 =	vld [tilespmem:s1+$0x10];
	v27 =	vand.u32 $0xFFFF, v21  }
0x80: {  	v28 =	vshrl.u32 v22, $0x10;
	v22 =	vand.u32 $0xFFFF, v22;
	v29 =	vld [tilespmem:s1+$0x20]  }
0x81: {  	v30 =	vld [tilespmem:s1+$0xFFFFFFC0];
	v31 =	vshrl.u32 v23, $0x10;
	v23 =	vand.u32 $0xFFFF, v23  }
0x82: {  	v32 =	vand.u32 $0xFFFF, v24;
	[tilespmem:v13+s23+$0x0] =	vst.idx.add.f32.msk $0xffff, v17;
	v13 =	vshrl.u32 v24, $0x10  }
0x83: {  	s2 =	simm.s32 $0x0;
	v17 =	vand.u32 $0xFFFF, v25;
	[tilespmem:v14+s23+$0x0] =	vst.idx.add.f32.msk $0xffff, v18;
	v14 =	vshrl.u32 v25, $0x10  }
0x84: {  	s31 =	sadd.s32 $0x80, s31;
	v18 =	vshrl.u32 v26, $0x10;
	v24 =	vand.u32 $0xFFFF, v26;
	v25 =	vld.idx.msk [tilespmem:v27+s2+$0x0], $0xffff  }
0x85: {  	v26 =	vshrl.u32 v29, $0x10;
	v27 =	vand.u32 $0xFFFF, v29;
	v29 =	vld [tilespmem:s31+$0x30]  }
0x86: {  	v33 =	vshrl.u32 v30, $0x10;
	v30 =	vand.u32 $0xFFFF, v30;
	v22 =	vld.idx.msk [tilespmem:v22+s2+$0x0], $0xffff  }
0x87: {  	v23 =	vld.idx.msk [tilespmem:v23+s2+$0x0], $0xffff  }
0x88: {  	v32 =	vld.idx.msk [tilespmem:v32+s2+$0x0], $0xffff  }
0x89: {  	v21 =	vshrl.u32 v21, $0x10;
	v17 =	vld.idx.msk [tilespmem:v17+s2+$0x0], $0xffff  }
0x8a: {  	v24 =	vld.idx.msk [tilespmem:v24+s2+$0x0], $0xffff;
	v25 =	vmul.f32 v25, v29  }
0x8b: {  	v29 =	vld.idx.msk [tilespmem:v30+s2+$0x0], $0xffff  }
0x8c: {  	v27 =	vld.idx.msk [tilespmem:v27+s2+$0x0], $0xffff;
	v25 =	vmul.f32 v25, v12  }
0x8d: {  	v30 =	vld [tilespmem:s31+$0xFFFFFFC0]  }
0x8e: {  	[tilespmem:v21+s23+$0x0] =	vst.idx.add.f32.msk $0xffff, v25  }
0x8f: {  	v21 =	vld [tilespmem:s31+$0xFFFFFFD0]  }
0x90: {  	v25 =	vld [tilespmem:s31+$0xFFFFFFE0]  }
0x91: {  	v34 =	vld [tilespmem:s31+$0xFFFFFFF0]  }
0x92: {  	v29 =	vmul.f32 v29, v30;
	v30 =	vld [tilespmem:s31+$0x0]  }
0x93: {  	v35 =	vld [tilespmem:s31+$0x10]  }
0x94: {  	v29 =	vmul.f32 v29, v12;
	v21 =	vmul.f32 v22, v21;
	v22 =	vld [tilespmem:s31+$0x20]  }
.Ltmp4:
0x95: {  	v23 =	vmul.f32 v23, v25;
	[tilespmem:v15+s23+$0x0] =	vst.idx.add.f32.msk $0xffff, v19;
	v15 =	vmov v18;
	(pc) =	sbr.rel @p0 .LBB2_11-.Ltmp4, $4  }
0x96: {  	[tilespmem:v33+s23+$0x0] =	vst.idx.add.f32.msk $0xffff, v29;
	v18 =	vmul.f32 v21, v12;
	v19 =	vmul.f32 v32, v34  }
0x97: {  	v21 =	vmul.f32 v23, v12;
	v23 =	vmul.f32 v17, v30;
	[tilespmem:v16+s23+$0x0] =	vst.idx.add.f32.msk $0xffff, v20;
	v16 =	vmov v26  }
0x98: {  	[tilespmem:v28+s23+$0x0] =	vst.idx.add.f32.msk $0xffff, v18;
	v17 =	vmul.f32 v19, v12;
	v19 =	vmul.f32 v24, v35  }
0x99: {  	s1 =	sadd.s32 $0x80, s1;
	[tilespmem:v31+s23+$0x0] =	vst.idx.add.f32.msk $0xffff, v21;
	v18 =	vmul.f32 v23, v12;
	v20 =	vmul.f32 v27, v22  }
0x9a: {  	_ =	sdelay $0x3  }
0x9b: {  	v19 =	vmul.f32 v19, v12;
	[tilespmem:v13+s23+$0x0] =	vst.idx.add.f32.msk $0xffff, v17  }
0x9c: {  	v13 =	vmul.f32 v20, v12;
	[tilespmem:v14+s23+$0x0] =	vst.idx.add.f32.msk $0xffff, v18  }
0x9d: {  	[tilespmem:v15+s23+$0x0] =	vst.idx.add.f32.msk $0xffff, v19  }
0x9e: {  	[tilespmem:v16+s23+$0x0] =	vst.idx.add.f32.msk $0xffff, v13  }
.LBB2_13:
0x9f: {  	s0 =	sshra.s32 s2, $0x2  }
0xa0: {  	v13 =	vld [tilespmem:s0+$0x19680];
	_ =	sdelay $0x4  }
0xa1: {  	v14 =	vand.u32 $0xFFFF, v13;
	_ =	sdelay $0x3  }
0xa2: {  	v15 =	vld [tilespmem:s0+$0x1A680]  }
0xa3: {  	v14 =	vld.idx.msk [tilespmem:v14+s3+$0x0], $0xffff;
	_ =	sdelay $0x3  }
0xa4: {  	p0 =	sne.s32 s2, $0x40;
	v13 =	vshrl.u32 v13, $0x10  }
.Ltmp5:
0xa5: {  	v14 =	vmul.f32 v14, v15;
	(pc) =	sbr.rel @p0 .LBB2_13-.Ltmp5, $3  }
0xa6: {  	_ = 	snop  }
0xa7: {  	v14 =	vmul.f32 v14, v12;
	_ =	sdelay $0x1  }
0xa8: {  	s2 =	sadd.s32 $0x40, s2;
	[tilespmem:v13+s23+$0x0] =	vst.idx.add.f32.msk $0xffff, v14  }
0xa9: {  	p0 =	seq.s32 s30, $0xC7  }
0xaa: {  	s0 =	smul.u32 @!p0 $0x1F40, s30;
	_ =	sdelay $0x1  }
0xab: {  	s0 =	sshrl.u32 @!p0 s0, $0x3  }
0xac: {  	s0 =	sadd.s32 @!p0 $0x3E8, s0  }
0xad: {  	s2 =	simm.s32 @!p0 $0x0;
	s4 =	simm.s32 @!p0 $0x18700;
	s1 =	sadd.s32 @!p0 s5, s0  }
0xae: {  	[tilespmem:s4], [sflag:$0x1] =	stream.linear.gather @!p0 [hbm4b:s1+s2], $0xFA0, $0x38;
	[tilespmem:$0x1CB00] =	vst v63  }
0xaf: {  	s0 =	sadd.s32 @!p0 s6, s0;
	s1 =	simm.s32 @!p0 $0x19700  }
0xb0: {  	[tilespmem:s1], [sflag:$0x1] =	stream.linear.gather @!p0 [hbm4b:s0+s2], $0xFA0, $0x38;
	[tilespmem:$0x1CB00] =	vst v63  }
0xb1: {  	_ =	swait.ge [sflag:s24], $0xFA0  }
0xb2: {  	[sflag:s24] =	ssyncset.done $0x0  }
0xb3: {  	[sflag:s24] =	ssyncadd.s32 $0xFFFFF060  }
0xb4: {  	_ =	swait.ge [sflag:s24], $0xFA0  }
0xb5: {  	[sflag:s24] =	ssyncset.done $0x0  }
0xb6: {  	s4 =	simm.s32 $0x1A740;
	[sflag:s24] =	ssyncadd.s32 $0xFFFFF060  }
0xb7: {  	v12 =	vld [tilespmem:s4+$0x30]  }
0xb8: {  	v11 =	vld.idx.msk [tilespmem:v11+s17+$0x0], $0xffff  }
0xb9: {  	v13 =	vld [tilespmem:s4+$0xFFFFFFD0]  }
0xba: {  	v14 =	vld [tilespmem:s4+$0xFFFFFFE0]  }
0xbb: {  	v15 =	vld [tilespmem:s4+$0xFFFFFFF0]  }
0xbc: {  	v16 =	vld [tilespmem:s4+$0x0]  }
0xbd: {  	v18 =	vld [tilespmem:s4+$0x10]  }
0xbe: {  	v20 =	vld [tilespmem:s4+$0xFFFFFFC0]  }
0xbf: {  	v21 =	vld [tilespmem:s4+$0x20]  }
0xc0: {  	s0 =	simm.s32 $0x1B740;
	v10 =	vld.idx.msk [tilespmem:v10+s17+$0x0], $0xffff  }
0xc1: {  	v26 =	vld [tilespmem:s0+$0x30]  }
0xc2: {  	v29 =	vld [tilespmem:s0+$0xFFFFFFC0];
	v17 =	vand.u32 $0xFFFF, v12  }
0xc3: {  	v30 =	vld [tilespmem:s0+$0xFFFFFFD0];
	v19 =	vand.u32 $0xFFFF, v13  }
0xc4: {  	v31 =	vld [tilespmem:s0+$0xFFFFFFE0];
	v22 =	vand.u32 $0xFFFF, v14  }
0xc5: {  	v32 =	vld [tilespmem:s0+$0xFFFFFFF0];
	v23 =	vand.u32 $0xFFFF, v15  }
0xc6: {  	s31 =	simm.s32 $0x0;
	v62 =	vld [tilespmem:s0+$0x10];
	v27 =	vand.u32 $0xFFFF, v20  }
0xc7: {  	v24 =	vand.u32 $0xFFFF, v16;
	v17 =	vld.idx.msk [tilespmem:v17+s31+$0x0], $0xffff  }
0xc8: {  	v25 =	vand.u32 $0xFFFF, v18;
	v19 =	vld.idx.msk [tilespmem:v19+s31+$0x0], $0xffff  }
0xc9: {  	v28 =	vand.u32 $0xFFFF, v21;
	v22 =	vld.idx.msk [tilespmem:v22+s31+$0x0], $0xffff  }
0xca: {  	v23 =	vld.idx.msk [tilespmem:v23+s31+$0x0], $0xffff  }
0xcb: {  	v27 =	vld.idx.msk [tilespmem:v27+s31+$0x0], $0xffff  }
0xcc: {  	v24 =	vld.idx.msk [tilespmem:v24+s31+$0x0], $0xffff  }
0xcd: {  	v25 =	vld.idx.msk [tilespmem:v25+s31+$0x0], $0xffff  }
0xce: {  	v12 =	vshrl.u32 v12, $0x10;
	v10 =	vadd.f32 v10, v11;
	v28 =	vld.idx.msk [tilespmem:v28+s31+$0x0], $0xffff  }
0xcf: {  	v20 =	vshrl.u32 v20, $0x10;
	v61 =	vshrl.u32 v13, $0x10;
	v11 =	vmul.f32 v17, v26;
	v17 =	vld [tilespmem:s0+$0x0]  }
0xd0: {  	v63 =	vshrl.u32 v14, $0x10;
	v13 =	vmul.f32 v27, v29;
	v14 =	vmul.f32 v19, v30;
	v19 =	vld [tilespmem:s0+$0x20]  }
0xd1: {  	v11 =	vmul.f32 v11, v10  }
0xd2: {  	v22 =	vmul.f32 v22, v31;
	v13 =	vmul.f32 v13, v10  }
0xd3: {  	v14 =	vmul.f32 v14, v10;
	[tilespmem:v12+s23+$0x0] =	vst.idx.add.f32.msk $0xffff, v11;
	v11 =	vshrl.u32 v15, $0x10;
	v15 =	vmul.f32 v23, v32  }
0xd4: {  	v12 =	vshrl.u32 v16, $0x10;
	[tilespmem:v20+s23+$0x0] =	vst.idx.add.f32.msk $0xffff, v13;
	v16 =	vmul.f32 v22, v10;
	v20 =	vmul.f32 v24, v17  }
0xd5: {  	v13 =	vshrl.u32 v18, $0x10;
	[tilespmem:v61+s23+$0x0] =	vst.idx.add.f32.msk $0xffff, v14;
	v17 =	vmul.f32 v25, v62;
	v18 =	vmul.f32 v28, v19  }
0xd6: {  	s1 =	simm.s32 $0x0;
	s2 =	simm.s32 $0x1A7C0;
	v14 =	vshrl.u32 v21, $0x10;
	v15 =	vmul.f32 v15, v10;
	[tilespmem:v63+s23+$0x0] =	vst.idx.add.f32.msk $0xffff, v16;
	v16 =	vmul.f32 v20, v10  }
.LBB2_15:
0xd7: {  	v19 =	vld [tilespmem:s2+$0x30];
	s1 =	sadd.s32 $0x8, s1;
	v17 =	vmul.f32 v17, v10  }
0xd8: {  	v20 =	vld [tilespmem:s2+$0xFFFFFFD0];
	p0 =	slt.u32 s1, $0xF0;
	v18 =	vmul.f32 v18, v10  }
0xd9: {  	v21 =	vld [tilespmem:s2+$0xFFFFFFE0]  }
0xda: {  	v22 =	vld [tilespmem:s2+$0xFFFFFFF0]  }
0xdb: {  	v23 =	vld [tilespmem:s2+$0x0]  }
0xdc: {  	v24 =	vld [tilespmem:s2+$0x10];
	v25 =	vand.u32 $0xFFFF, v19  }
0xdd: {  	v26 =	vshrl.u32 v20, $0x10;
	v20 =	vand.u32 $0xFFFF, v20;
	v27 =	vld [tilespmem:s2+$0x20]  }
0xde: {  	v28 =	vld [tilespmem:s2+$0xFFFFFFC0];
	v29 =	vshrl.u32 v21, $0x10;
	v21 =	vand.u32 $0xFFFF, v21  }
0xdf: {  	v30 =	vand.u32 $0xFFFF, v22;
	[tilespmem:v11+s23+$0x0] =	vst.idx.add.f32.msk $0xffff, v15;
	v11 =	vshrl.u32 v22, $0x10  }
0xe0: {  	v15 =	vand.u32 $0xFFFF, v23;
	[tilespmem:v12+s23+$0x0] =	vst.idx.add.f32.msk $0xffff, v16;
	v12 =	vshrl.u32 v23, $0x10  }
0xe1: {  	s0 =	sadd.s32 $0x80, s0;
	v16 =	vshrl.u32 v24, $0x10;
	v22 =	vand.u32 $0xFFFF, v24;
	v23 =	vld.idx.msk [tilespmem:v25+s31+$0x0], $0xffff  }
0xe2: {  	v24 =	vshrl.u32 v27, $0x10;
	v25 =	vand.u32 $0xFFFF, v27;
	v27 =	vld [tilespmem:s0+$0x30]  }
0xe3: {  	v31 =	vshrl.u32 v28, $0x10;
	v28 =	vand.u32 $0xFFFF, v28;
	v20 =	vld.idx.msk [tilespmem:v20+s31+$0x0], $0xffff  }
0xe4: {  	v21 =	vld.idx.msk [tilespmem:v21+s31+$0x0], $0xffff  }
0xe5: {  	v30 =	vld.idx.msk [tilespmem:v30+s31+$0x0], $0xffff  }
0xe6: {  	v19 =	vshrl.u32 v19, $0x10;
	v15 =	vld.idx.msk [tilespmem:v15+s31+$0x0], $0xffff  }
0xe7: {  	v22 =	vld.idx.msk [tilespmem:v22+s31+$0x0], $0xffff;
	v23 =	vmul.f32 v23, v27  }
0xe8: {  	v27 =	vld.idx.msk [tilespmem:v28+s31+$0x0], $0xffff  }
0xe9: {  	v25 =	vld.idx.msk [tilespmem:v25+s31+$0x0], $0xffff;
	v23 =	vmul.f32 v23, v10  }
0xea: {  	v28 =	vld [tilespmem:s0+$0xFFFFFFC0]  }
0xeb: {  	[tilespmem:v19+s23+$0x0] =	vst.idx.add.f32.msk $0xffff, v23  }
0xec: {  	v19 =	vld [tilespmem:s0+$0xFFFFFFD0]  }
0xed: {  	v23 =	vld [tilespmem:s0+$0xFFFFFFE0]  }
0xee: {  	v32 =	vld [tilespmem:s0+$0xFFFFFFF0]  }
0xef: {  	v27 =	vmul.f32 v27, v28;
	v28 =	vld [tilespmem:s0+$0x0]  }
0xf0: {  	v33 =	vld [tilespmem:s0+$0x10]  }
0xf1: {  	v27 =	vmul.f32 v27, v10;
	v19 =	vmul.f32 v20, v19;
	v20 =	vld [tilespmem:s0+$0x20]  }
.Ltmp6:
0xf2: {  	v21 =	vmul.f32 v21, v23;
	[tilespmem:v13+s23+$0x0] =	vst.idx.add.f32.msk $0xffff, v17;
	v13 =	vmov v16;
	(pc) =	sbr.rel @p0 .LBB2_15-.Ltmp6, $4  }
0xf3: {  	[tilespmem:v31+s23+$0x0] =	vst.idx.add.f32.msk $0xffff, v27;
	v16 =	vmul.f32 v19, v10;
	v17 =	vmul.f32 v30, v32  }
0xf4: {  	v19 =	vmul.f32 v21, v10;
	v21 =	vmul.f32 v15, v28;
	[tilespmem:v14+s23+$0x0] =	vst.idx.add.f32.msk $0xffff, v18;
	v14 =	vmov v24  }
0xf5: {  	[tilespmem:v26+s23+$0x0] =	vst.idx.add.f32.msk $0xffff, v16;
	v15 =	vmul.f32 v17, v10;
	v17 =	vmul.f32 v22, v33  }
0xf6: {  	s2 =	sadd.s32 $0x80, s2;
	[tilespmem:v29+s23+$0x0] =	vst.idx.add.f32.msk $0xffff, v19;
	v16 =	vmul.f32 v21, v10;
	v18 =	vmul.f32 v25, v20  }
0xf7: {  	_ =	sdelay $0x3  }
0xf8: {  	v17 =	vmul.f32 v17, v10;
	[tilespmem:v11+s23+$0x0] =	vst.idx.add.f32.msk $0xffff, v15  }
0xf9: {  	v11 =	vmul.f32 v18, v10;
	[tilespmem:v12+s23+$0x0] =	vst.idx.add.f32.msk $0xffff, v16  }
0xfa: {  	[tilespmem:v13+s23+$0x0] =	vst.idx.add.f32.msk $0xffff, v17  }
0xfb: {  	[tilespmem:v14+s23+$0x0] =	vst.idx.add.f32.msk $0xffff, v11  }
.LBB2_17:
0xfc: {  	s0 =	sshra.s32 s31, $0x2  }
0xfd: {  	v11 =	vld [tilespmem:s0+$0x1B680];
	_ =	sdelay $0x4  }
0xfe: {  	v12 =	vand.u32 $0xFFFF, v11;
	_ =	sdelay $0x3  }
0xff: {  	v13 =	vld [tilespmem:s0+$0x1C680]  }
0x100: {  	v12 =	vld.idx.msk [tilespmem:v12+s3+$0x0], $0xffff;
	_ =	sdelay $0x3  }
0x101: {  	p0 =	sne.s32 s31, $0x40;
	v11 =	vshrl.u32 v11, $0x10  }
.Ltmp7:
0x102: {  	v12 =	vmul.f32 v12, v13;
	(pc) =	sbr.rel @p0 .LBB2_17-.Ltmp7, $3  }
0x103: {  	_ = 	snop  }
0x104: {  	v12 =	vmul.f32 v12, v10;
	_ =	sdelay $0x1  }
0x105: {  	s31 =	sadd.s32 $0x40, s31;
	[tilespmem:v11+s23+$0x0] =	vst.idx.add.f32.msk $0xffff, v12  }
0x106: {  	s30 =	sadd.s32 $0x1, s30  }
0x107: {  	p0 =	sne.s32 s30, $0xC8  }
.Ltmp8:
0x108: {  	_ = 	snop;
	(pc) =	sbr.rel @p0 .LBB2_10-.Ltmp8, $1  }
0x109: {  	_ =	sdelay $0x3  }
0x10a: {  	_ =	sdelay $0x3  }
0x10b: {  	v10 =	vld.idx.msk [tilespmem:v4+s17+$0x0], $0xffff;
	s1 =	simm.s32 $0x40  }
0x10c: {  	v11 =	vld [tilespmem:s1+$0x30]  }
0x10d: {  	s0 =	simm.s32 $0xC3C0;
	v12 =	vld [tilespmem:s1+$0xFFFFFFC0]  }
0x10e: {  	v13 =	vld [tilespmem:s0+$0x30]  }
0x10f: {  	v14 =	vld [tilespmem:s1+$0xFFFFFFD0]  }
0x110: {  	v16 =	vld [tilespmem:s1+$0xFFFFFFE0]  }
0x111: {  	v17 =	vld [tilespmem:s1+$0xFFFFFFF0]  }
0x112: {  	v18 =	vld [tilespmem:s1+$0x0]  }
0x113: {  	v19 =	vld [tilespmem:s1+$0x10]  }
0x114: {  	v21 =	vld [tilespmem:s1+$0x20]  }
0x115: {  	v22 =	vld [tilespmem:s0+$0xFFFFFFD0]  }
0x116: {  	v23 =	vld [tilespmem:s0+$0xFFFFFFE0]  }
0x117: {  	v15 =	vld [tilespmem:s0+$0xFFFFFFF0];
	v20 =	vmul.f32 v11, v10  }
0x118: {  	v11 =	vmul.f32 v12, v10;
	v24 =	vmul.f32 v14, v10;
	v12 =	vld [tilespmem:s0+$0x0]  }
0x119: {  	v26 =	vmul.f32 v16, v10;
	v25 =	vadd.f32 v20, v13;
	v13 =	vld [tilespmem:s0+$0x10]  }
0x11a: {  	v18 =	vmul.f32 v18, v10;
	v16 =	vld [tilespmem:s0+$0x20];
	v20 =	vmul.f32 v17, v10;
	v22 =	vadd.f32 v24, v22  }
0x11b: {  	s2 =	simm.s32 $0x0;
	s4 =	simm.s32 $0xC0;
	s1 =	simm.s32 $0xC3C0;
	v14 =	vmul.f32 v19, v10;
	v19 =	vld [tilespmem:s0+$0xFFFFFFC0];
	v17 =	vmul.f32 v21, v10;
	v21 =	vadd.f32 v26, v23;
	[tilespmem:s0+$0x30] =	vst v25  }
.LBB2_20:
0x11c: {  	v23 =	vld [tilespmem:s4+$0x30];
	s2 =	sadd.s32 $0x8, s2;
	[tilespmem:s0+$0xFFFFFFD0] =	vst v22;
	v15 =	vadd.f32 v20, v15  }
0x11d: {  	s0 =	sadd.s32 $0x80, s0;
	v20 =	vld [tilespmem:s4+$0xFFFFFFC0];
	p0 =	slt.u32 s2, $0xC28;
	[tilespmem:s1+$0xFFFFFFE0] =	vst v21;
	v12 =	vadd.f32 v18, v12  }
0x11e: {  	v18 =	vld [tilespmem:s0+$0x30];
	[tilespmem:s1+$0xFFFFFFF0] =	vst v15;
	v13 =	vadd.f32 v14, v13  }
0x11f: {  	v14 =	vld [tilespmem:s4+$0xFFFFFFD0];
	[tilespmem:s1+$0x0] =	vst v12;
	v12 =	vadd.f32 v17, v16  }
0x120: {  	v15 =	vld [tilespmem:s4+$0xFFFFFFE0];
	v16 =	vadd.f32 v11, v19;
	[tilespmem:s1+$0x10] =	vst v13  }
0x121: {  	v13 =	vld [tilespmem:s4+$0xFFFFFFF0];
	v17 =	vmul.f32 v23, v10;
	[tilespmem:s1+$0x20] =	vst v12  }
0x122: {  	v11 =	vmul.f32 v20, v10;
	v12 =	vld [tilespmem:s4+$0x0];
	[tilespmem:s1+$0xFFFFFFC0] =	vst v16;
	s1 =	smov.u32 s0  }
0x123: {  	v16 =	vld [tilespmem:s4+$0x10];
	v17 =	vadd.f32 v17, v18  }
0x124: {  	v19 =	vmul.f32 v14, v10;
	v21 =	vld [tilespmem:s4+$0x20]  }
0x125: {  	s29 =	simm.s32 $0x0;
	v22 =	vld [tilespmem:s0+$0xFFFFFFD0];
	v23 =	vmul.f32 v15, v10;
	[tilespmem:s0+$0x30] =	vst v17  }
0x126: {  	v24 =	vld [tilespmem:s0+$0xFFFFFFE0];
	v20 =	vmul.f32 v13, v10  }
.Ltmp9:
0x127: {  	v15 =	vld [tilespmem:s0+$0xFFFFFFF0];
	v18 =	vmul.f32 v12, v10;
	(pc) =	sbr.rel @p0 .LBB2_20-.Ltmp9, $4  }
0x128: {  	v12 =	vld [tilespmem:s0+$0x0];
	v14 =	vmul.f32 v16, v10  }
0x129: {  	v13 =	vld [tilespmem:s0+$0x10];
	v17 =	vmul.f32 v21, v10  }
0x12a: {  	v22 =	vadd.f32 v19, v22;
	v16 =	vld [tilespmem:s0+$0x20]  }
0x12b: {  	s4 =	sadd.s32 $0x80, s4;
	v19 =	vld [tilespmem:s0+$0xFFFFFFC0];
	v21 =	vadd.f32 v23, v24  }
0x12c: {  	[tilespmem:s0+$0xFFFFFFD0] =	vst v22;
	v15 =	vadd.f32 v20, v15  }
0x12d: {  	[tilespmem:s1+$0xFFFFFFE0] =	vst v21;
	v12 =	vadd.f32 v18, v12  }
0x12e: {  	[tilespmem:s1+$0xFFFFFFF0] =	vst v15;
	v13 =	vadd.f32 v14, v13  }
0x12f: {  	[tilespmem:s1+$0x0] =	vst v12;
	v63 =	vadd.f32 v17, v16  }
0x130: {  	v11 =	vadd.f32 v11, v19;
	[tilespmem:s1+$0x10] =	vst v13  }
0x131: {  	[tilespmem:s1+$0x20] =	vst v63  }
0x132: {  	[tilespmem:s1+$0xFFFFFFC0] =	vst v11  }
.LBB2_22:
0x133: {  	s0 =	sshra.s32 s29, $0x2  }
0x134: {  	v11 =	vld [tilespmem:s0+$0xC300];
	_ =	sdelay $0x1  }
0x135: {  	v12 =	vld [tilespmem:s0+$0x18680];
	_ =	sdelay $0x1  }
0x136: {  	p0 =	sne.s32 s29, $0x100  }
.Ltmp10:
0x137: {  	v11 =	vmul.f32 v11, v10;
	(pc) =	sbr.rel @p0 .LBB2_22-.Ltmp10, $3  }
0x138: {  	_ = 	snop  }
0x139: {  	v11 =	vadd.f32 v11, v12;
	_ =	sdelay $0x1  }
0x13a: {  	s29 =	sadd.s32 $0x40, s29;
	[tilespmem:s0+$0x18680] =	vst v11  }
0x13b: {  	s0 =	simm.s32 $0x40  }
0x13c: {  	[tilespmem:s0+$0xFFFFFFC0] =	vst v2  }
0x13d: {  	[tilespmem:s0+$0x30] =	vst v2  }
0x13e: {  	[tilespmem:s0+$0x20] =	vst v2  }
0x13f: {  	[tilespmem:s0+$0x10] =	vst v2  }
0x140: {  	[tilespmem:s0+$0x0] =	vst v2  }
0x141: {  	[tilespmem:s0+$0xFFFFFFF0] =	vst v2  }
0x142: {  	s1 =	simm.s32 $0x0;
	[tilespmem:s0+$0xFFFFFFE0] =	vst v2  }
.LBB2_24:
0x143: {  	s1 =	sadd.s32 $0x8, s1;
	[tilespmem:s0+$0xFFFFFFD0] =	vst v2;
	s0 =	sadd.s32 $0x80, s0  }
0x144: {  	[tilespmem:s0+$0xFFFFFFC0] =	vst v2;
	p0 =	slt.u32 s1, $0xC28  }
0x145: {  	[tilespmem:s0+$0x30] =	vst v2  }
.Ltmp11:
0x146: {  	[tilespmem:s0+$0x20] =	vst v2;
	(pc) =	sbr.rel @p0 .LBB2_24-.Ltmp11, $4  }
0x147: {  	[tilespmem:s0+$0x10] =	vst v2  }
0x148: {  	[tilespmem:s0+$0x0] =	vst v2  }
0x149: {  	[tilespmem:s0+$0xFFFFFFF0] =	vst v2  }
0x14a: {  	[tilespmem:s0+$0xFFFFFFE0] =	vst v2  }
0x14b: {  	[tilespmem:s0+$0xFFFFFFD0] =	vst v2;
	s0 =	simm.s32 $0x0  }
.LBB2_26:
0x14c: {  	p0 =	sne.s32 s0, $0x100  }
.Ltmp12:
0x14d: {  	_ = 	snop;
	(pc) =	sbr.rel @p0 .LBB2_26-.Ltmp12, $3  }
0x14e: {  	_ =	sdelay $0x1  }
0x14f: {  	s1 =	sshra.s32 s0, $0x2  }
0x150: {  	s0 =	sadd.s32 $0x40, s0;
	[tilespmem:s1+$0xC300] =	vst v2  }
0x151: {  	s29 =	simm.s32 $0x0  }
0x152: {  	[tilespmem:s18], [sflag:$0x1] =	stream.linear.gather [hbm4b:s5+s29], $0xFA0, $0x38;
	[tilespmem:$0x1CB00] =	vst v63  }
0x153: {  	s30 =	simm.s32 $0x0  }
0x154: {  	[tilespmem:s19], [sflag:$0x1] =	stream.linear.gather [hbm4b:s6+s29], $0xFA0, $0x38;
	[tilespmem:$0x1CB00] =	vst v63  }
.LBB2_28:
0x155: {  	s0 =	smul.u32 $0x3E8, s30;
	_ =	sdelay $0x1  }
0x156: {  	s0 =	sadd.s32 $0x1F4, s0  }
0x157: {  	s4 =	smul.u32 $0x29, s30;
	s1 =	sadd.s32 s5, s0  }
0x158: {  	[tilespmem:s20], [sflag:$0x2] =	stream.linear.gather [hbm4b:s1+s3], $0xFA0, $0x38;
	[tilespmem:$0x1CB00] =	vst v63  }
0x159: {  	s2 =	sshrl.u32 s4, $0xA;
	s0 =	sadd.s32 s6, s0  }
0x15a: {  	[tilespmem:s21], [sflag:$0x2] =	stream.linear.gather [hbm4b:s0+s3], $0xFA0, $0x38;
	[tilespmem:$0x1CB00] =	vst v63  }
0x15b: {  	s0 =	sand.u32 $0x3F, s2;
	_ =	swait.ge [sflag:s22], $0xFA0  }
0x15c: {  	v10 =	vmov s0;
	[sflag:s22] =	ssyncset.done $0x0  }
0x15d: {  	v11 =	vadd.s32 $0x11, v10;
	[sflag:s22] =	ssyncadd.s32 $0xFFFFF060  }
0x15e: {  	_ =	swait.ge [sflag:s22], $0xFA0  }
0x15f: {  	[sflag:s22] =	ssyncset.done $0x0  }
0x160: {  	s4 =	simm.s32 $0x18740;
	[sflag:s22] =	ssyncadd.s32 $0xFFFFF060  }
0x161: {  	v12 =	vld [tilespmem:s4+$0x30]  }
0x162: {  	v13 =	vld.idx.msk [tilespmem:v11+s17+$0x0], $0xffff  }
0x163: {  	v14 =	vld [tilespmem:s4+$0xFFFFFFD0]  }
0x164: {  	v15 =	vld [tilespmem:s4+$0xFFFFFFE0]  }
0x165: {  	v10 =	vadd.s32 $0x19, v10;
	v16 =	vld [tilespmem:s4+$0xFFFFFFF0]  }
0x166: {  	v17 =	vld [tilespmem:s4+$0x0]  }
0x167: {  	v19 =	vld [tilespmem:s4+$0x10]  }
0x168: {  	v21 =	vld [tilespmem:s4+$0xFFFFFFC0]  }
0x169: {  	v22 =	vld [tilespmem:s4+$0x20]  }
0x16a: {  	s31 =	simm.s32 $0x19740;
	v24 =	vld.idx.msk [tilespmem:v10+s17+$0x0], $0xffff  }
0x16b: {  	v28 =	vld [tilespmem:s31+$0x30]  }
0x16c: {  	v31 =	vld [tilespmem:s31+$0xFFFFFFC0];
	v18 =	vand.u32 $0xFFFF, v12  }
0x16d: {  	v32 =	vld [tilespmem:s31+$0xFFFFFFD0];
	v20 =	vand.u32 $0xFFFF, v14  }
0x16e: {  	v33 =	vld [tilespmem:s31+$0xFFFFFFE0];
	v23 =	vand.u32 $0xFFFF, v15  }
0x16f: {  	v35 =	vld [tilespmem:s31+$0xFFFFFFF0];
	v29 =	vand.u32 $0xFFFF, v21  }
0x170: {  	v62 =	vld [tilespmem:s31+$0x10];
	v25 =	vand.u32 $0xFFFF, v16  }
0x171: {  	v26 =	vand.u32 $0xFFFF, v17;
	v18 =	vld.idx.msk [tilespmem:v18+s23+$0x0], $0xffff  }
0x172: {  	v27 =	vand.u32 $0xFFFF, v19;
	v20 =	vld.idx.msk [tilespmem:v20+s23+$0x0], $0xffff  }
0x173: {  	v23 =	vld.idx.msk [tilespmem:v23+s23+$0x0], $0xffff  }
0x174: {  	v30 =	vand.u32 $0xFFFF, v22;
	v29 =	vld.idx.msk [tilespmem:v29+s23+$0x0], $0xffff  }
0x175: {  	v25 =	vld.idx.msk [tilespmem:v25+s23+$0x0], $0xffff  }
0x176: {  	v26 =	vld.idx.msk [tilespmem:v26+s23+$0x0], $0xffff  }
0x177: {  	v34 =	vshrl.u32 v12, $0x10;
	v27 =	vld.idx.msk [tilespmem:v27+s23+$0x0], $0xffff  }
0x178: {  	v12 =	vadd.f32 v24, v13;
	v21 =	vshrl.u32 v21, $0x10;
	v13 =	vmul.f32 v18, v28;
	v18 =	vld [tilespmem:s31+$0x0]  }
0x179: {  	v61 =	vshrl.u32 v14, $0x10;
	v30 =	vld.idx.msk [tilespmem:v30+s23+$0x0], $0xffff;
	v14 =	vmul.f32 v29, v31  }
0x17a: {  	v63 =	vshrl.u32 v15, $0x10;
	v15 =	vmul.f32 v20, v32;
	v20 =	vld [tilespmem:s31+$0x20];
	v13 =	vmul.f32 v13, v12  }
0x17b: {  	v23 =	vmul.f32 v23, v33;
	v31 =	vmul.f32 v14, v12  }
0x17c: {  	v25 =	vmul.f32 v25, v35;
	[tilespmem:v34+s29+$0x0] =	vst.idx.add.f32.msk $0xffff, v13;
	v13 =	vshrl.u32 v16, $0x10;
	v16 =	vmul.f32 v15, v12  }
0x17d: {  	v14 =	vshrl.u32 v17, $0x10;
	[tilespmem:v21+s29+$0x0] =	vst.idx.add.f32.msk $0xffff, v31;
	v21 =	vmul.f32 v23, v12;
	v18 =	vmul.f32 v26, v18  }
0x17e: {  	v17 =	vmul.f32 v25, v12;
	v15 =	vshrl.u32 v19, $0x10;
	v19 =	vmul.f32 v27, v62;
	[tilespmem:v61+s29+$0x0] =	vst.idx.add.f32.msk $0xffff, v16  }
0x17f: {  	s1 =	simm.s32 $0x187C0;
	s0 =	simm.s32 $0x0;
	s4 =	simm.s32 $0x0;
	v20 =	vmul.f32 v30, v20;
	v16 =	vshrl.u32 v22, $0x10;
	[tilespmem:v63+s29+$0x0] =	vst.idx.add.f32.msk $0xffff, v21;
	v18 =	vmul.f32 v18, v12  }
.LBB2_29:
0x180: {  	v21 =	vld [tilespmem:s1+$0x30];
	s0 =	sadd.s32 $0x8, s0;
	v19 =	vmul.f32 v19, v12  }
0x181: {  	v22 =	vld [tilespmem:s1+$0xFFFFFFD0];
	p0 =	slt.u32 s0, $0xF0;
	v20 =	vmul.f32 v20, v12  }
0x182: {  	v23 =	vld [tilespmem:s1+$0xFFFFFFE0]  }
0x183: {  	v24 =	vld [tilespmem:s1+$0xFFFFFFF0]  }
0x184: {  	v25 =	vld [tilespmem:s1+$0x0]  }
0x185: {  	v26 =	vld [tilespmem:s1+$0x10];
	v27 =	vand.u32 $0xFFFF, v21  }
0x186: {  	v28 =	vshrl.u32 v22, $0x10;
	v22 =	vand.u32 $0xFFFF, v22;
	v29 =	vld [tilespmem:s1+$0x20]  }
0x187: {  	v30 =	vld [tilespmem:s1+$0xFFFFFFC0];
	v31 =	vshrl.u32 v23, $0x10;
	v23 =	vand.u32 $0xFFFF, v23  }
0x188: {  	v32 =	vand.u32 $0xFFFF, v24;
	[tilespmem:v13+s4+$0x0] =	vst.idx.add.f32.msk $0xffff, v17;
	v13 =	vshrl.u32 v24, $0x10  }
0x189: {  	v17 =	vand.u32 $0xFFFF, v25;
	[tilespmem:v14+s4+$0x0] =	vst.idx.add.f32.msk $0xffff, v18;
	v14 =	vshrl.u32 v25, $0x10  }
0x18a: {  	s31 =	sadd.s32 $0x80, s31;
	v18 =	vshrl.u32 v26, $0x10;
	v24 =	vand.u32 $0xFFFF, v26;
	v25 =	vld.idx.msk [tilespmem:v27+s23+$0x0], $0xffff  }
0x18b: {  	v26 =	vshrl.u32 v29, $0x10;
	v27 =	vand.u32 $0xFFFF, v29;
	v29 =	vld [tilespmem:s31+$0x30]  }
0x18c: {  	v33 =	vshrl.u32 v30, $0x10;
	v30 =	vand.u32 $0xFFFF, v30;
	v22 =	vld.idx.msk [tilespmem:v22+s23+$0x0], $0xffff  }
0x18d: {  	v23 =	vld.idx.msk [tilespmem:v23+s23+$0x0], $0xffff  }
0x18e: {  	v32 =	vld.idx.msk [tilespmem:v32+s23+$0x0], $0xffff  }
0x18f: {  	v21 =	vshrl.u32 v21, $0x10;
	v17 =	vld.idx.msk [tilespmem:v17+s23+$0x0], $0xffff  }
0x190: {  	v24 =	vld.idx.msk [tilespmem:v24+s23+$0x0], $0xffff;
	v25 =	vmul.f32 v25, v29  }
0x191: {  	v29 =	vld.idx.msk [tilespmem:v30+s23+$0x0], $0xffff  }
0x192: {  	v27 =	vld.idx.msk [tilespmem:v27+s23+$0x0], $0xffff;
	v25 =	vmul.f32 v25, v12  }
0x193: {  	s2 =	simm.s32 $0x0;
	v30 =	vld [tilespmem:s31+$0xFFFFFFC0]  }
0x194: {  	[tilespmem:v21+s2+$0x0] =	vst.idx.add.f32.msk $0xffff, v25  }
0x195: {  	v21 =	vld [tilespmem:s31+$0xFFFFFFD0]  }
0x196: {  	v25 =	vld [tilespmem:s31+$0xFFFFFFE0]  }
0x197: {  	v34 =	vld [tilespmem:s31+$0xFFFFFFF0]  }
0x198: {  	v29 =	vmul.f32 v29, v30;
	v30 =	vld [tilespmem:s31+$0x0]  }
0x199: {  	v35 =	vld [tilespmem:s31+$0x10]  }
0x19a: {  	v29 =	vmul.f32 v29, v12;
	v21 =	vmul.f32 v22, v21;
	v22 =	vld [tilespmem:s31+$0x20]  }
.Ltmp13:
0x19b: {  	v23 =	vmul.f32 v23, v25;
	[tilespmem:v15+s4+$0x0] =	vst.idx.add.f32.msk $0xffff, v19;
	v15 =	vmov v18;
	(pc) =	sbr.rel @p0 .LBB2_29-.Ltmp13, $4  }
0x19c: {  	[tilespmem:v33+s2+$0x0] =	vst.idx.add.f32.msk $0xffff, v29;
	v18 =	vmul.f32 v21, v12;
	v19 =	vmul.f32 v32, v34  }
0x19d: {  	v21 =	vmul.f32 v23, v12;
	v23 =	vmul.f32 v17, v30;
	[tilespmem:v16+s4+$0x0] =	vst.idx.add.f32.msk $0xffff, v20;
	v16 =	vmov v26;
	s4 =	smov.u32 s2  }
0x19e: {  	[tilespmem:v28+s4+$0x0] =	vst.idx.add.f32.msk $0xffff, v18;
	v17 =	vmul.f32 v19, v12;
	v19 =	vmul.f32 v24, v35  }
0x19f: {  	s1 =	sadd.s32 $0x80, s1;
	[tilespmem:v31+s4+$0x0] =	vst.idx.add.f32.msk $0xffff, v21;
	v18 =	vmul.f32 v23, v12;
	v20 =	vmul.f32 v27, v22  }
0x1a0: {  	_ =	sdelay $0x3  }
0x1a1: {  	v19 =	vmul.f32 v19, v12;
	[tilespmem:v13+s4+$0x0] =	vst.idx.add.f32.msk $0xffff, v17  }
0x1a2: {  	v13 =	vmul.f32 v20, v12;
	[tilespmem:v14+s4+$0x0] =	vst.idx.add.f32.msk $0xffff, v18  }
0x1a3: {  	[tilespmem:v15+s4+$0x0] =	vst.idx.add.f32.msk $0xffff, v19  }
0x1a4: {  	[tilespmem:v16+s4+$0x0] =	vst.idx.add.f32.msk $0xffff, v13  }
.LBB2_31:
0x1a5: {  	s0 =	sshra.s32 s2, $0x2  }
0x1a6: {  	v13 =	vld [tilespmem:s0+$0x19680];
	_ =	sdelay $0x4  }
0x1a7: {  	v14 =	vand.u32 $0xFFFF, v13;
	_ =	sdelay $0x3  }
0x1a8: {  	v15 =	vld [tilespmem:s0+$0x1A680]  }
0x1a9: {  	v14 =	vld.idx.msk [tilespmem:v14+s23+$0x0], $0xffff;
	_ =	sdelay $0x3  }
0x1aa: {  	p0 =	sne.s32 s2, $0x40;
	v13 =	vshrl.u32 v13, $0x10  }
.Ltmp14:
0x1ab: {  	v14 =	vmul.f32 v14, v15;
	(pc) =	sbr.rel @p0 .LBB2_31-.Ltmp14, $3  }
0x1ac: {  	_ = 	snop  }
0x1ad: {  	v14 =	vmul.f32 v14, v12;
	_ =	sdelay $0x1  }
0x1ae: {  	s2 =	sadd.s32 $0x40, s2;
	[tilespmem:v13+s3+$0x0] =	vst.idx.add.f32.msk $0xffff, v14  }
0x1af: {  	p0 =	seq.s32 s30, $0xC7  }
0x1b0: {  	s0 =	smul.u32 @!p0 $0x1F40, s30;
	_ =	sdelay $0x1  }
0x1b1: {  	s0 =	sshrl.u32 @!p0 s0, $0x3  }
0x1b2: {  	s0 =	sadd.s32 @!p0 $0x3E8, s0  }
0x1b3: {  	s2 =	simm.s32 @!p0 $0x0;
	s4 =	simm.s32 @!p0 $0x18700;
	s1 =	sadd.s32 @!p0 s5, s0  }
0x1b4: {  	[tilespmem:s4], [sflag:$0x1] =	stream.linear.gather @!p0 [hbm4b:s1+s2], $0xFA0, $0x38;
	[tilespmem:$0x1CB00] =	vst v63  }
0x1b5: {  	s0 =	sadd.s32 @!p0 s6, s0;
	s1 =	simm.s32 @!p0 $0x19700  }
0x1b6: {  	[tilespmem:s1], [sflag:$0x1] =	stream.linear.gather @!p0 [hbm4b:s0+s2], $0xFA0, $0x38;
	[tilespmem:$0x1CB00] =	vst v63  }
0x1b7: {  	_ =	swait.ge [sflag:s24], $0xFA0  }
0x1b8: {  	[sflag:s24] =	ssyncset.done $0x0  }
0x1b9: {  	[sflag:s24] =	ssyncadd.s32 $0xFFFFF060  }
0x1ba: {  	_ =	swait.ge [sflag:s24], $0xFA0  }
0x1bb: {  	[sflag:s24] =	ssyncset.done $0x0  }
0x1bc: {  	s4 =	simm.s32 $0x1A740;
	[sflag:s24] =	ssyncadd.s32 $0xFFFFF060  }
0x1bd: {  	v12 =	vld [tilespmem:s4+$0x30]  }
0x1be: {  	v11 =	vld.idx.msk [tilespmem:v11+s17+$0x0], $0xffff  }
0x1bf: {  	v13 =	vld [tilespmem:s4+$0xFFFFFFD0]  }
0x1c0: {  	v14 =	vld [tilespmem:s4+$0xFFFFFFE0]  }
0x1c1: {  	v15 =	vld [tilespmem:s4+$0xFFFFFFF0]  }
0x1c2: {  	v16 =	vld [tilespmem:s4+$0x0]  }
0x1c3: {  	v18 =	vld [tilespmem:s4+$0x10]  }
0x1c4: {  	v20 =	vld [tilespmem:s4+$0xFFFFFFC0]  }
0x1c5: {  	v21 =	vld [tilespmem:s4+$0x20]  }
0x1c6: {  	s31 =	simm.s32 $0x1B740;
	v10 =	vld.idx.msk [tilespmem:v10+s17+$0x0], $0xffff  }
0x1c7: {  	v26 =	vld [tilespmem:s31+$0x30]  }
0x1c8: {  	v29 =	vld [tilespmem:s31+$0xFFFFFFC0];
	v17 =	vand.u32 $0xFFFF, v12  }
0x1c9: {  	v30 =	vld [tilespmem:s31+$0xFFFFFFD0];
	v19 =	vand.u32 $0xFFFF, v13  }
0x1ca: {  	v31 =	vld [tilespmem:s31+$0xFFFFFFE0];
	v22 =	vand.u32 $0xFFFF, v14  }
0x1cb: {  	v32 =	vld [tilespmem:s31+$0xFFFFFFF0];
	v23 =	vand.u32 $0xFFFF, v15  }
0x1cc: {  	v62 =	vld [tilespmem:s31+$0x10];
	v27 =	vand.u32 $0xFFFF, v20  }
0x1cd: {  	v24 =	vand.u32 $0xFFFF, v16;
	v17 =	vld.idx.msk [tilespmem:v17+s23+$0x0], $0xffff  }
0x1ce: {  	v25 =	vand.u32 $0xFFFF, v18;
	v19 =	vld.idx.msk [tilespmem:v19+s23+$0x0], $0xffff  }
0x1cf: {  	v28 =	vand.u32 $0xFFFF, v21;
	v22 =	vld.idx.msk [tilespmem:v22+s23+$0x0], $0xffff  }
0x1d0: {  	v23 =	vld.idx.msk [tilespmem:v23+s23+$0x0], $0xffff  }
0x1d1: {  	v27 =	vld.idx.msk [tilespmem:v27+s23+$0x0], $0xffff  }
0x1d2: {  	v24 =	vld.idx.msk [tilespmem:v24+s23+$0x0], $0xffff  }
0x1d3: {  	v25 =	vld.idx.msk [tilespmem:v25+s23+$0x0], $0xffff  }
0x1d4: {  	v12 =	vshrl.u32 v12, $0x10;
	v10 =	vadd.f32 v10, v11;
	v28 =	vld.idx.msk [tilespmem:v28+s23+$0x0], $0xffff  }
0x1d5: {  	v20 =	vshrl.u32 v20, $0x10;
	v61 =	vshrl.u32 v13, $0x10;
	v11 =	vmul.f32 v17, v26;
	v17 =	vld [tilespmem:s31+$0x0]  }
0x1d6: {  	v63 =	vshrl.u32 v14, $0x10;
	v13 =	vmul.f32 v27, v29;
	v14 =	vmul.f32 v19, v30;
	v19 =	vld [tilespmem:s31+$0x20]  }
0x1d7: {  	v11 =	vmul.f32 v11, v10  }
0x1d8: {  	s0 =	simm.s32 $0x0;
	v22 =	vmul.f32 v22, v31;
	v13 =	vmul.f32 v13, v10  }
0x1d9: {  	v14 =	vmul.f32 v14, v10;
	[tilespmem:v12+s0+$0x0] =	vst.idx.add.f32.msk $0xffff, v11;
	v11 =	vshrl.u32 v15, $0x10;
	v15 =	vmul.f32 v23, v32  }
0x1da: {  	v12 =	vshrl.u32 v16, $0x10;
	[tilespmem:v20+s0+$0x0] =	vst.idx.add.f32.msk $0xffff, v13;
	v16 =	vmul.f32 v22, v10;
	v20 =	vmul.f32 v24, v17  }
0x1db: {  	v13 =	vshrl.u32 v18, $0x10;
	[tilespmem:v61+s0+$0x0] =	vst.idx.add.f32.msk $0xffff, v14;
	v17 =	vmul.f32 v25, v62;
	v18 =	vmul.f32 v28, v19  }
0x1dc: {  	s2 =	simm.s32 $0x1A7C0;
	s1 =	simm.s32 $0x0;
	s4 =	simm.s32 $0x0;
	v14 =	vshrl.u32 v21, $0x10;
	v15 =	vmul.f32 v15, v10;
	[tilespmem:v63+s0+$0x0] =	vst.idx.add.f32.msk $0xffff, v16;
	v16 =	vmul.f32 v20, v10  }
.LBB2_33:
0x1dd: {  	v19 =	vld [tilespmem:s2+$0x30];
	s4 =	sadd.s32 $0x8, s4;
	v17 =	vmul.f32 v17, v10  }
0x1de: {  	v20 =	vld [tilespmem:s2+$0xFFFFFFD0];
	p0 =	slt.u32 s4, $0xF0;
	v18 =	vmul.f32 v18, v10  }
0x1df: {  	v21 =	vld [tilespmem:s2+$0xFFFFFFE0]  }
0x1e0: {  	v22 =	vld [tilespmem:s2+$0xFFFFFFF0]  }
0x1e1: {  	v23 =	vld [tilespmem:s2+$0x0]  }
0x1e2: {  	v24 =	vld [tilespmem:s2+$0x10];
	v25 =	vand.u32 $0xFFFF, v19  }
0x1e3: {  	v26 =	vshrl.u32 v20, $0x10;
	v20 =	vand.u32 $0xFFFF, v20;
	v27 =	vld [tilespmem:s2+$0x20]  }
0x1e4: {  	v28 =	vld [tilespmem:s2+$0xFFFFFFC0];
	v29 =	vshrl.u32 v21, $0x10;
	v21 =	vand.u32 $0xFFFF, v21  }
0x1e5: {  	v30 =	vand.u32 $0xFFFF, v22;
	[tilespmem:v11+s1+$0x0] =	vst.idx.add.f32.msk $0xffff, v15;
	v11 =	vshrl.u32 v22, $0x10  }
0x1e6: {  	v15 =	vand.u32 $0xFFFF, v23;
	[tilespmem:v12+s1+$0x0] =	vst.idx.add.f32.msk $0xffff, v16;
	v12 =	vshrl.u32 v23, $0x10  }
0x1e7: {  	s31 =	sadd.s32 $0x80, s31;
	v16 =	vshrl.u32 v24, $0x10;
	v22 =	vand.u32 $0xFFFF, v24;
	v23 =	vld.idx.msk [tilespmem:v25+s23+$0x0], $0xffff  }
0x1e8: {  	v24 =	vshrl.u32 v27, $0x10;
	v25 =	vand.u32 $0xFFFF, v27;
	v27 =	vld [tilespmem:s31+$0x30]  }
0x1e9: {  	v31 =	vshrl.u32 v28, $0x10;
	v28 =	vand.u32 $0xFFFF, v28;
	v20 =	vld.idx.msk [tilespmem:v20+s23+$0x0], $0xffff  }
0x1ea: {  	v21 =	vld.idx.msk [tilespmem:v21+s23+$0x0], $0xffff  }
0x1eb: {  	v30 =	vld.idx.msk [tilespmem:v30+s23+$0x0], $0xffff  }
0x1ec: {  	v19 =	vshrl.u32 v19, $0x10;
	v15 =	vld.idx.msk [tilespmem:v15+s23+$0x0], $0xffff  }
0x1ed: {  	v22 =	vld.idx.msk [tilespmem:v22+s23+$0x0], $0xffff;
	v23 =	vmul.f32 v23, v27  }
0x1ee: {  	v27 =	vld.idx.msk [tilespmem:v28+s23+$0x0], $0xffff  }
0x1ef: {  	v25 =	vld.idx.msk [tilespmem:v25+s23+$0x0], $0xffff;
	v23 =	vmul.f32 v23, v10  }
0x1f0: {  	v28 =	vld [tilespmem:s31+$0xFFFFFFC0]  }
0x1f1: {  	[tilespmem:v19+s0+$0x0] =	vst.idx.add.f32.msk $0xffff, v23  }
0x1f2: {  	v19 =	vld [tilespmem:s31+$0xFFFFFFD0]  }
0x1f3: {  	v23 =	vld [tilespmem:s31+$0xFFFFFFE0]  }
0x1f4: {  	v32 =	vld [tilespmem:s31+$0xFFFFFFF0]  }
0x1f5: {  	v27 =	vmul.f32 v27, v28;
	v28 =	vld [tilespmem:s31+$0x0]  }
0x1f6: {  	v33 =	vld [tilespmem:s31+$0x10]  }
0x1f7: {  	v27 =	vmul.f32 v27, v10;
	v19 =	vmul.f32 v20, v19;
	v20 =	vld [tilespmem:s31+$0x20]  }
.Ltmp15:
0x1f8: {  	v21 =	vmul.f32 v21, v23;
	[tilespmem:v13+s1+$0x0] =	vst.idx.add.f32.msk $0xffff, v17;
	v13 =	vmov v16;
	(pc) =	sbr.rel @p0 .LBB2_33-.Ltmp15, $4  }
0x1f9: {  	[tilespmem:v31+s0+$0x0] =	vst.idx.add.f32.msk $0xffff, v27;
	v16 =	vmul.f32 v19, v10;
	v17 =	vmul.f32 v30, v32  }
0x1fa: {  	v19 =	vmul.f32 v21, v10;
	v21 =	vmul.f32 v15, v28;
	[tilespmem:v14+s1+$0x0] =	vst.idx.add.f32.msk $0xffff, v18;
	v14 =	vmov v24;
	s1 =	smov.u32 s0  }
0x1fb: {  	[tilespmem:v26+s1+$0x0] =	vst.idx.add.f32.msk $0xffff, v16;
	v15 =	vmul.f32 v17, v10;
	v17 =	vmul.f32 v22, v33  }
0x1fc: {  	s2 =	sadd.s32 $0x80, s2;
	[tilespmem:v29+s1+$0x0] =	vst.idx.add.f32.msk $0xffff, v19;
	v16 =	vmul.f32 v21, v10;
	v18 =	vmul.f32 v25, v20  }
0x1fd: {  	_ =	sdelay $0x3  }
0x1fe: {  	v17 =	vmul.f32 v17, v10;
	[tilespmem:v11+s1+$0x0] =	vst.idx.add.f32.msk $0xffff, v15  }
0x1ff: {  	v11 =	vmul.f32 v18, v10;
	[tilespmem:v12+s1+$0x0] =	vst.idx.add.f32.msk $0xffff, v16  }
0x200: {  	[tilespmem:v13+s1+$0x0] =	vst.idx.add.f32.msk $0xffff, v17  }
0x201: {  	[tilespmem:v14+s1+$0x0] =	vst.idx.add.f32.msk $0xffff, v11  }
.LBB2_35:
0x202: {  	s1 =	sshra.s32 s0, $0x2  }
0x203: {  	v11 =	vld [tilespmem:s1+$0x1B680];
	_ =	sdelay $0x4  }
0x204: {  	v12 =	vand.u32 $0xFFFF, v11;
	_ =	sdelay $0x3  }
0x205: {  	v13 =	vld [tilespmem:s1+$0x1C680]  }
0x206: {  	v12 =	vld.idx.msk [tilespmem:v12+s23+$0x0], $0xffff;
	_ =	sdelay $0x3  }
0x207: {  	p0 =	sne.s32 s0, $0x40;
	v11 =	vshrl.u32 v11, $0x10  }
.Ltmp16:
0x208: {  	v12 =	vmul.f32 v12, v13;
	(pc) =	sbr.rel @p0 .LBB2_35-.Ltmp16, $3  }
0x209: {  	_ = 	snop  }
0x20a: {  	v12 =	vmul.f32 v12, v10;
	_ =	sdelay $0x1  }
0x20b: {  	s0 =	sadd.s32 $0x40, s0;
	[tilespmem:v11+s3+$0x0] =	vst.idx.add.f32.msk $0xffff, v12  }
0x20c: {  	s30 =	sadd.s32 $0x1, s30  }
0x20d: {  	p0 =	sne.s32 s30, $0xC8  }
.Ltmp17:
0x20e: {  	_ = 	snop;
	(pc) =	sbr.rel @p0 .LBB2_28-.Ltmp17, $1  }
0x20f: {  	_ =	sdelay $0x3  }
0x210: {  	_ =	sdelay $0x3  }
0x211: {  	v10 =	vld.idx.msk [tilespmem:v5+s17+$0x0], $0xffff;
	s1 =	simm.s32 $0xC3C0  }
0x212: {  	v11 =	vld [tilespmem:s1+$0x30]  }
0x213: {  	s0 =	simm.s32 $0x40;
	v12 =	vld [tilespmem:s1+$0xFFFFFFC0]  }
0x214: {  	v13 =	vld [tilespmem:s0+$0x30]  }
0x215: {  	v14 =	vld [tilespmem:s1+$0xFFFFFFD0]  }
0x216: {  	v16 =	vld [tilespmem:s1+$0xFFFFFFE0]  }
0x217: {  	v17 =	vld [tilespmem:s1+$0xFFFFFFF0]  }
0x218: {  	v18 =	vld [tilespmem:s1+$0x0]  }
0x219: {  	v19 =	vld [tilespmem:s1+$0x10]  }
0x21a: {  	v21 =	vld [tilespmem:s1+$0x20]  }
0x21b: {  	v22 =	vld [tilespmem:s0+$0xFFFFFFD0]  }
0x21c: {  	v23 =	vld [tilespmem:s0+$0xFFFFFFE0]  }
0x21d: {  	v15 =	vld [tilespmem:s0+$0xFFFFFFF0];
	v20 =	vmul.f32 v11, v10  }
0x21e: {  	v11 =	vmul.f32 v12, v10;
	v24 =	vmul.f32 v14, v10;
	v12 =	vld [tilespmem:s0+$0x0]  }
0x21f: {  	v26 =	vmul.f32 v16, v10;
	v25 =	vadd.f32 v20, v13;
	v13 =	vld [tilespmem:s0+$0x10]  }
0x220: {  	v18 =	vmul.f32 v18, v10;
	v16 =	vld [tilespmem:s0+$0x20];
	v20 =	vmul.f32 v17, v10;
	v22 =	vadd.f32 v24, v22  }
0x221: {  	s2 =	simm.s32 $0x0;
	s4 =	simm.s32 $0xC440;
	s1 =	simm.s32 $0x40;
	v14 =	vmul.f32 v19, v10;
	v19 =	vld [tilespmem:s0+$0xFFFFFFC0];
	v17 =	vmul.f32 v21, v10;
	v21 =	vadd.f32 v26, v23;
	[tilespmem:s0+$0x30] =	vst v25  }
.LBB2_38:
0x222: {  	v23 =	vld [tilespmem:s4+$0x30];
	s2 =	sadd.s32 $0x8, s2;
	[tilespmem:s0+$0xFFFFFFD0] =	vst v22;
	v15 =	vadd.f32 v20, v15  }
0x223: {  	s0 =	sadd.s32 $0x80, s0;
	v20 =	vld [tilespmem:s4+$0xFFFFFFC0];
	p0 =	slt.u32 s2, $0xC28;
	[tilespmem:s1+$0xFFFFFFE0] =	vst v21;
	v12 =	vadd.f32 v18, v12  }
0x224: {  	v18 =	vld [tilespmem:s0+$0x30];
	[tilespmem:s1+$0xFFFFFFF0] =	vst v15;
	v13 =	vadd.f32 v14, v13  }
0x225: {  	v14 =	vld [tilespmem:s4+$0xFFFFFFD0];
	[tilespmem:s1+$0x0] =	vst v12;
	v12 =	vadd.f32 v17, v16  }
0x226: {  	v15 =	vld [tilespmem:s4+$0xFFFFFFE0];
	v16 =	vadd.f32 v11, v19;
	[tilespmem:s1+$0x10] =	vst v13  }
0x227: {  	v13 =	vld [tilespmem:s4+$0xFFFFFFF0];
	v17 =	vmul.f32 v23, v10;
	[tilespmem:s1+$0x20] =	vst v12  }
0x228: {  	v11 =	vmul.f32 v20, v10;
	v12 =	vld [tilespmem:s4+$0x0];
	[tilespmem:s1+$0xFFFFFFC0] =	vst v16;
	s1 =	smov.u32 s0  }
0x229: {  	v16 =	vld [tilespmem:s4+$0x10];
	v17 =	vadd.f32 v17, v18  }
0x22a: {  	v19 =	vmul.f32 v14, v10;
	v21 =	vld [tilespmem:s4+$0x20]  }
0x22b: {  	s29 =	simm.s32 $0x0;
	v22 =	vld [tilespmem:s0+$0xFFFFFFD0];
	v23 =	vmul.f32 v15, v10;
	[tilespmem:s0+$0x30] =	vst v17  }
0x22c: {  	v24 =	vld [tilespmem:s0+$0xFFFFFFE0];
	v20 =	vmul.f32 v13, v10  }
.Ltmp18:
0x22d: {  	v15 =	vld [tilespmem:s0+$0xFFFFFFF0];
	v18 =	vmul.f32 v12, v10;
	(pc) =	sbr.rel @p0 .LBB2_38-.Ltmp18, $4  }
0x22e: {  	v12 =	vld [tilespmem:s0+$0x0];
	v14 =	vmul.f32 v16, v10  }
0x22f: {  	v13 =	vld [tilespmem:s0+$0x10];
	v17 =	vmul.f32 v21, v10  }
0x230: {  	v22 =	vadd.f32 v19, v22;
	v16 =	vld [tilespmem:s0+$0x20]  }
0x231: {  	s4 =	sadd.s32 $0x80, s4;
	v19 =	vld [tilespmem:s0+$0xFFFFFFC0];
	v21 =	vadd.f32 v23, v24  }
0x232: {  	[tilespmem:s0+$0xFFFFFFD0] =	vst v22;
	v15 =	vadd.f32 v20, v15  }
0x233: {  	[tilespmem:s1+$0xFFFFFFE0] =	vst v21;
	v12 =	vadd.f32 v18, v12  }
0x234: {  	[tilespmem:s1+$0xFFFFFFF0] =	vst v15;
	v13 =	vadd.f32 v14, v13  }
0x235: {  	[tilespmem:s1+$0x0] =	vst v12;
	v63 =	vadd.f32 v17, v16  }
0x236: {  	v11 =	vadd.f32 v11, v19;
	[tilespmem:s1+$0x10] =	vst v13  }
0x237: {  	[tilespmem:s1+$0x20] =	vst v63  }
0x238: {  	[tilespmem:s1+$0xFFFFFFC0] =	vst v11  }
.LBB2_40:
0x239: {  	s0 =	sshra.s32 s29, $0x2  }
0x23a: {  	v11 =	vld [tilespmem:s0+$0x18680];
	_ =	sdelay $0x1  }
0x23b: {  	v12 =	vld [tilespmem:s0+$0xC300];
	_ =	sdelay $0x1  }
0x23c: {  	p0 =	sne.s32 s29, $0x100  }
.Ltmp19:
0x23d: {  	v11 =	vmul.f32 v11, v10;
	(pc) =	sbr.rel @p0 .LBB2_40-.Ltmp19, $3  }
0x23e: {  	_ = 	snop  }
0x23f: {  	v11 =	vadd.f32 v11, v12;
	_ =	sdelay $0x1  }
0x240: {  	s29 =	sadd.s32 $0x40, s29;
	[tilespmem:s0+$0xC300] =	vst v11  }
0x241: {  	s0 =	simm.s32 $0xC3C0  }
0x242: {  	[tilespmem:s0+$0xFFFFFFC0] =	vst v2  }
0x243: {  	[tilespmem:s0+$0x30] =	vst v2  }
0x244: {  	[tilespmem:s0+$0x20] =	vst v2  }
0x245: {  	[tilespmem:s0+$0x10] =	vst v2  }
0x246: {  	[tilespmem:s0+$0x0] =	vst v2  }
0x247: {  	[tilespmem:s0+$0xFFFFFFF0] =	vst v2  }
0x248: {  	s1 =	simm.s32 $0x0;
	[tilespmem:s0+$0xFFFFFFE0] =	vst v2  }
.LBB2_42:
0x249: {  	s1 =	sadd.s32 $0x8, s1;
	[tilespmem:s0+$0xFFFFFFD0] =	vst v2;
	s0 =	sadd.s32 $0x80, s0  }
0x24a: {  	[tilespmem:s0+$0xFFFFFFC0] =	vst v2;
	p0 =	slt.u32 s1, $0xC28  }
0x24b: {  	[tilespmem:s0+$0x30] =	vst v2  }
.Ltmp20:
0x24c: {  	[tilespmem:s0+$0x20] =	vst v2;
	(pc) =	sbr.rel @p0 .LBB2_42-.Ltmp20, $4  }
0x24d: {  	[tilespmem:s0+$0x10] =	vst v2  }
0x24e: {  	[tilespmem:s0+$0x0] =	vst v2  }
0x24f: {  	[tilespmem:s0+$0xFFFFFFF0] =	vst v2  }
0x250: {  	[tilespmem:s0+$0xFFFFFFE0] =	vst v2  }
0x251: {  	[tilespmem:s0+$0xFFFFFFD0] =	vst v2;
	s0 =	simm.s32 $0x0  }
.LBB2_44:
0x252: {  	p0 =	sne.s32 s0, $0x100  }
.Ltmp21:
0x253: {  	_ = 	snop;
	(pc) =	sbr.rel @p0 .LBB2_44-.Ltmp21, $3  }
0x254: {  	_ =	sdelay $0x1  }
0x255: {  	s1 =	sshra.s32 s0, $0x2  }
0x256: {  	s0 =	sadd.s32 $0x40, s0;
	[tilespmem:s1+$0x18680] =	vst v2  }
0x257: {  	s29 =	simm.s32 $0x0  }
0x258: {  	[tilespmem:s18], [sflag:$0x1] =	stream.linear.gather [hbm4b:s5+s29], $0xFA0, $0x38;
	[tilespmem:$0x1CB00] =	vst v63  }
0x259: {  	s30 =	simm.s32 $0x0  }
0x25a: {  	[tilespmem:s19], [sflag:$0x1] =	stream.linear.gather [hbm4b:s6+s29], $0xFA0, $0x38;
	[tilespmem:$0x1CB00] =	vst v63  }
.LBB2_46:
0x25b: {  	s0 =	smul.u32 $0x3E8, s30;
	_ =	sdelay $0x1  }
0x25c: {  	s0 =	sadd.s32 $0x1F4, s0  }
0x25d: {  	s4 =	smul.u32 $0x29, s30;
	s1 =	sadd.s32 s5, s0  }
0x25e: {  	[tilespmem:s20], [sflag:$0x2] =	stream.linear.gather [hbm4b:s1+s3], $0xFA0, $0x38;
	[tilespmem:$0x1CB00] =	vst v63  }
0x25f: {  	s2 =	sshrl.u32 s4, $0xA;
	s0 =	sadd.s32 s6, s0  }
0x260: {  	[tilespmem:s21], [sflag:$0x2] =	stream.linear.gather [hbm4b:s0+s3], $0xFA0, $0x38;
	[tilespmem:$0x1CB00] =	vst v63  }
0x261: {  	s0 =	sand.u32 $0x3F, s2;
	_ =	swait.ge [sflag:s22], $0xFA0  }
0x262: {  	v10 =	vmov s0;
	[sflag:s22] =	ssyncset.done $0x0  }
0x263: {  	v11 =	vadd.s32 $0x22, v10;
	[sflag:s22] =	ssyncadd.s32 $0xFFFFF060  }
0x264: {  	_ =	swait.ge [sflag:s22], $0xFA0  }
0x265: {  	[sflag:s22] =	ssyncset.done $0x0  }
0x266: {  	s4 =	simm.s32 $0x18740;
	[sflag:s22] =	ssyncadd.s32 $0xFFFFF060  }
0x267: {  	v12 =	vld [tilespmem:s4+$0x30]  }
0x268: {  	v13 =	vld.idx.msk [tilespmem:v11+s17+$0x0], $0xffff  }
0x269: {  	v14 =	vld [tilespmem:s4+$0xFFFFFFD0]  }
0x26a: {  	v15 =	vld [tilespmem:s4+$0xFFFFFFE0]  }
0x26b: {  	v10 =	vadd.s32 $0x2A, v10;
	v16 =	vld [tilespmem:s4+$0xFFFFFFF0]  }
0x26c: {  	v17 =	vld [tilespmem:s4+$0x0]  }
0x26d: {  	v19 =	vld [tilespmem:s4+$0x10]  }
0x26e: {  	v21 =	vld [tilespmem:s4+$0xFFFFFFC0]  }
0x26f: {  	v22 =	vld [tilespmem:s4+$0x20]  }
0x270: {  	s31 =	simm.s32 $0x19740;
	v24 =	vld.idx.msk [tilespmem:v10+s17+$0x0], $0xffff  }
0x271: {  	v28 =	vld [tilespmem:s31+$0x30]  }
0x272: {  	v31 =	vld [tilespmem:s31+$0xFFFFFFC0];
	v18 =	vand.u32 $0xFFFF, v12  }
0x273: {  	v32 =	vld [tilespmem:s31+$0xFFFFFFD0];
	v20 =	vand.u32 $0xFFFF, v14  }
0x274: {  	v33 =	vld [tilespmem:s31+$0xFFFFFFE0];
	v23 =	vand.u32 $0xFFFF, v15  }
0x275: {  	v35 =	vld [tilespmem:s31+$0xFFFFFFF0];
	v29 =	vand.u32 $0xFFFF, v21  }
0x276: {  	v62 =	vld [tilespmem:s31+$0x10];
	v25 =	vand.u32 $0xFFFF, v16  }
0x277: {  	v26 =	vand.u32 $0xFFFF, v17;
	v18 =	vld.idx.msk [tilespmem:v18+s29+$0x0], $0xffff  }
0x278: {  	v27 =	vand.u32 $0xFFFF, v19;
	v20 =	vld.idx.msk [tilespmem:v20+s29+$0x0], $0xffff  }
0x279: {  	v23 =	vld.idx.msk [tilespmem:v23+s29+$0x0], $0xffff  }
0x27a: {  	v30 =	vand.u32 $0xFFFF, v22;
	v29 =	vld.idx.msk [tilespmem:v29+s29+$0x0], $0xffff  }
0x27b: {  	v25 =	vld.idx.msk [tilespmem:v25+s29+$0x0], $0xffff  }
0x27c: {  	v26 =	vld.idx.msk [tilespmem:v26+s29+$0x0], $0xffff  }
0x27d: {  	v34 =	vshrl.u32 v12, $0x10;
	v27 =	vld.idx.msk [tilespmem:v27+s29+$0x0], $0xffff  }
0x27e: {  	v12 =	vadd.f32 v24, v13;
	v21 =	vshrl.u32 v21, $0x10;
	v13 =	vmul.f32 v18, v28;
	v18 =	vld [tilespmem:s31+$0x0]  }
0x27f: {  	v61 =	vshrl.u32 v14, $0x10;
	v30 =	vld.idx.msk [tilespmem:v30+s29+$0x0], $0xffff;
	v14 =	vmul.f32 v29, v31  }
0x280: {  	v63 =	vshrl.u32 v15, $0x10;
	v15 =	vmul.f32 v20, v32;
	v20 =	vld [tilespmem:s31+$0x20];
	v13 =	vmul.f32 v13, v12  }
0x281: {  	v23 =	vmul.f32 v23, v33;
	v31 =	vmul.f32 v14, v12  }
0x282: {  	v25 =	vmul.f32 v25, v35;
	[tilespmem:v34+s23+$0x0] =	vst.idx.add.f32.msk $0xffff, v13;
	v13 =	vshrl.u32 v16, $0x10;
	v16 =	vmul.f32 v15, v12  }
0x283: {  	v14 =	vshrl.u32 v17, $0x10;
	[tilespmem:v21+s23+$0x0] =	vst.idx.add.f32.msk $0xffff, v31;
	v21 =	vmul.f32 v23, v12;
	v18 =	vmul.f32 v26, v18  }
0x284: {  	v17 =	vmul.f32 v25, v12;
	v15 =	vshrl.u32 v19, $0x10;
	v19 =	vmul.f32 v27, v62;
	[tilespmem:v61+s23+$0x0] =	vst.idx.add.f32.msk $0xffff, v16  }
0x285: {  	s1 =	simm.s32 $0x187C0;
	s0 =	simm.s32 $0x0;
	v20 =	vmul.f32 v30, v20;
	v16 =	vshrl.u32 v22, $0x10;
	[tilespmem:v63+s23+$0x0] =	vst.idx.add.f32.msk $0xffff, v21;
	v18 =	vmul.f32 v18, v12  }
.LBB2_47:
0x286: {  	v21 =	vld [tilespmem:s1+$0x30];
	s0 =	sadd.s32 $0x8, s0;
	v19 =	vmul.f32 v19, v12  }
0x287: {  	v22 =	vld [tilespmem:s1+$0xFFFFFFD0];
	p0 =	slt.u32 s0, $0xF0;
	v20 =	vmul.f32 v20, v12  }
0x288: {  	v23 =	vld [tilespmem:s1+$0xFFFFFFE0]  }
0x289: {  	v24 =	vld [tilespmem:s1+$0xFFFFFFF0]  }
0x28a: {  	v25 =	vld [tilespmem:s1+$0x0]  }
0x28b: {  	v26 =	vld [tilespmem:s1+$0x10];
	v27 =	vand.u32 $0xFFFF, v21  }
0x28c: {  	v28 =	vshrl.u32 v22, $0x10;
	v22 =	vand.u32 $0xFFFF, v22;
	v29 =	vld [tilespmem:s1+$0x20]  }
0x28d: {  	v30 =	vld [tilespmem:s1+$0xFFFFFFC0];
	v31 =	vshrl.u32 v23, $0x10;
	v23 =	vand.u32 $0xFFFF, v23  }
0x28e: {  	v32 =	vand.u32 $0xFFFF, v24;
	[tilespmem:v13+s23+$0x0] =	vst.idx.add.f32.msk $0xffff, v17;
	v13 =	vshrl.u32 v24, $0x10  }
0x28f: {  	s2 =	simm.s32 $0x0;
	v17 =	vand.u32 $0xFFFF, v25;
	[tilespmem:v14+s23+$0x0] =	vst.idx.add.f32.msk $0xffff, v18;
	v14 =	vshrl.u32 v25, $0x10  }
0x290: {  	s31 =	sadd.s32 $0x80, s31;
	v18 =	vshrl.u32 v26, $0x10;
	v24 =	vand.u32 $0xFFFF, v26;
	v25 =	vld.idx.msk [tilespmem:v27+s2+$0x0], $0xffff  }
0x291: {  	v26 =	vshrl.u32 v29, $0x10;
	v27 =	vand.u32 $0xFFFF, v29;
	v29 =	vld [tilespmem:s31+$0x30]  }
0x292: {  	v33 =	vshrl.u32 v30, $0x10;
	v30 =	vand.u32 $0xFFFF, v30;
	v22 =	vld.idx.msk [tilespmem:v22+s2+$0x0], $0xffff  }
0x293: {  	v23 =	vld.idx.msk [tilespmem:v23+s2+$0x0], $0xffff  }
0x294: {  	v32 =	vld.idx.msk [tilespmem:v32+s2+$0x0], $0xffff  }
0x295: {  	v21 =	vshrl.u32 v21, $0x10;
	v17 =	vld.idx.msk [tilespmem:v17+s2+$0x0], $0xffff  }
0x296: {  	v24 =	vld.idx.msk [tilespmem:v24+s2+$0x0], $0xffff;
	v25 =	vmul.f32 v25, v29  }
0x297: {  	v29 =	vld.idx.msk [tilespmem:v30+s2+$0x0], $0xffff  }
0x298: {  	v27 =	vld.idx.msk [tilespmem:v27+s2+$0x0], $0xffff;
	v25 =	vmul.f32 v25, v12  }
0x299: {  	v30 =	vld [tilespmem:s31+$0xFFFFFFC0]  }
0x29a: {  	[tilespmem:v21+s23+$0x0] =	vst.idx.add.f32.msk $0xffff, v25  }
0x29b: {  	v21 =	vld [tilespmem:s31+$0xFFFFFFD0]  }
0x29c: {  	v25 =	vld [tilespmem:s31+$0xFFFFFFE0]  }
0x29d: {  	v34 =	vld [tilespmem:s31+$0xFFFFFFF0]  }
0x29e: {  	v29 =	vmul.f32 v29, v30;
	v30 =	vld [tilespmem:s31+$0x0]  }
0x29f: {  	v35 =	vld [tilespmem:s31+$0x10]  }
0x2a0: {  	v29 =	vmul.f32 v29, v12;
	v21 =	vmul.f32 v22, v21;
	v22 =	vld [tilespmem:s31+$0x20]  }
.Ltmp22:
0x2a1: {  	v23 =	vmul.f32 v23, v25;
	[tilespmem:v15+s23+$0x0] =	vst.idx.add.f32.msk $0xffff, v19;
	v15 =	vmov v18;
	(pc) =	sbr.rel @p0 .LBB2_47-.Ltmp22, $4  }
0x2a2: {  	[tilespmem:v33+s23+$0x0] =	vst.idx.add.f32.msk $0xffff, v29;
	v18 =	vmul.f32 v21, v12;
	v19 =	vmul.f32 v32, v34  }
0x2a3: {  	v21 =	vmul.f32 v23, v12;
	v23 =	vmul.f32 v17, v30;
	[tilespmem:v16+s23+$0x0] =	vst.idx.add.f32.msk $0xffff, v20;
	v16 =	vmov v26  }
0x2a4: {  	[tilespmem:v28+s23+$0x0] =	vst.idx.add.f32.msk $0xffff, v18;
	v17 =	vmul.f32 v19, v12;
	v19 =	vmul.f32 v24, v35  }
0x2a5: {  	s1 =	sadd.s32 $0x80, s1;
	[tilespmem:v31+s23+$0x0] =	vst.idx.add.f32.msk $0xffff, v21;
	v18 =	vmul.f32 v23, v12;
	v20 =	vmul.f32 v27, v22  }
0x2a6: {  	_ =	sdelay $0x3  }
0x2a7: {  	v19 =	vmul.f32 v19, v12;
	[tilespmem:v13+s23+$0x0] =	vst.idx.add.f32.msk $0xffff, v17  }
0x2a8: {  	v13 =	vmul.f32 v20, v12;
	[tilespmem:v14+s23+$0x0] =	vst.idx.add.f32.msk $0xffff, v18  }
0x2a9: {  	[tilespmem:v15+s23+$0x0] =	vst.idx.add.f32.msk $0xffff, v19  }
0x2aa: {  	[tilespmem:v16+s23+$0x0] =	vst.idx.add.f32.msk $0xffff, v13  }
.LBB2_49:
0x2ab: {  	s0 =	sshra.s32 s2, $0x2  }
0x2ac: {  	v13 =	vld [tilespmem:s0+$0x19680];
	_ =	sdelay $0x4  }
0x2ad: {  	v14 =	vand.u32 $0xFFFF, v13;
	_ =	sdelay $0x3  }
0x2ae: {  	v15 =	vld [tilespmem:s0+$0x1A680]  }
0x2af: {  	v14 =	vld.idx.msk [tilespmem:v14+s3+$0x0], $0xffff;
	_ =	sdelay $0x3  }
0x2b0: {  	p0 =	sne.s32 s2, $0x40;
	v13 =	vshrl.u32 v13, $0x10  }
.Ltmp23:
0x2b1: {  	v14 =	vmul.f32 v14, v15;
	(pc) =	sbr.rel @p0 .LBB2_49-.Ltmp23, $3  }
0x2b2: {  	_ = 	snop  }
0x2b3: {  	v14 =	vmul.f32 v14, v12;
	_ =	sdelay $0x1  }
0x2b4: {  	s2 =	sadd.s32 $0x40, s2;
	[tilespmem:v13+s23+$0x0] =	vst.idx.add.f32.msk $0xffff, v14  }
0x2b5: {  	p0 =	seq.s32 s30, $0xC7  }
0x2b6: {  	s0 =	smul.u32 @!p0 $0x1F40, s30;
	_ =	sdelay $0x1  }
0x2b7: {  	s0 =	sshrl.u32 @!p0 s0, $0x3  }
0x2b8: {  	s0 =	sadd.s32 @!p0 $0x3E8, s0  }
0x2b9: {  	s2 =	simm.s32 @!p0 $0x0;
	s4 =	simm.s32 @!p0 $0x18700;
	s1 =	sadd.s32 @!p0 s5, s0  }
0x2ba: {  	[tilespmem:s4], [sflag:$0x1] =	stream.linear.gather @!p0 [hbm4b:s1+s2], $0xFA0, $0x38;
	[tilespmem:$0x1CB00] =	vst v63  }
0x2bb: {  	s0 =	sadd.s32 @!p0 s6, s0;
	s1 =	simm.s32 @!p0 $0x19700  }
0x2bc: {  	[tilespmem:s1], [sflag:$0x1] =	stream.linear.gather @!p0 [hbm4b:s0+s2], $0xFA0, $0x38;
	[tilespmem:$0x1CB00] =	vst v63  }
0x2bd: {  	_ =	swait.ge [sflag:s24], $0xFA0  }
0x2be: {  	[sflag:s24] =	ssyncset.done $0x0  }
0x2bf: {  	[sflag:s24] =	ssyncadd.s32 $0xFFFFF060  }
0x2c0: {  	_ =	swait.ge [sflag:s24], $0xFA0  }
0x2c1: {  	[sflag:s24] =	ssyncset.done $0x0  }
0x2c2: {  	s4 =	simm.s32 $0x1A740;
	[sflag:s24] =	ssyncadd.s32 $0xFFFFF060  }
0x2c3: {  	v12 =	vld [tilespmem:s4+$0x30]  }
0x2c4: {  	v11 =	vld.idx.msk [tilespmem:v11+s17+$0x0], $0xffff  }
0x2c5: {  	v13 =	vld [tilespmem:s4+$0xFFFFFFD0]  }
0x2c6: {  	v14 =	vld [tilespmem:s4+$0xFFFFFFE0]  }
0x2c7: {  	v15 =	vld [tilespmem:s4+$0xFFFFFFF0]  }
0x2c8: {  	v16 =	vld [tilespmem:s4+$0x0]  }
0x2c9: {  	v18 =	vld [tilespmem:s4+$0x10]  }
0x2ca: {  	v20 =	vld [tilespmem:s4+$0xFFFFFFC0]  }
0x2cb: {  	v21 =	vld [tilespmem:s4+$0x20]  }
0x2cc: {  	s0 =	simm.s32 $0x1B740;
	v10 =	vld.idx.msk [tilespmem:v10+s17+$0x0], $0xffff  }
0x2cd: {  	v26 =	vld [tilespmem:s0+$0x30]  }
0x2ce: {  	v29 =	vld [tilespmem:s0+$0xFFFFFFC0];
	v17 =	vand.u32 $0xFFFF, v12  }
0x2cf: {  	v30 =	vld [tilespmem:s0+$0xFFFFFFD0];
	v19 =	vand.u32 $0xFFFF, v13  }
0x2d0: {  	v31 =	vld [tilespmem:s0+$0xFFFFFFE0];
	v22 =	vand.u32 $0xFFFF, v14  }
0x2d1: {  	v32 =	vld [tilespmem:s0+$0xFFFFFFF0];
	v23 =	vand.u32 $0xFFFF, v15  }
0x2d2: {  	s31 =	simm.s32 $0x0;
	v62 =	vld [tilespmem:s0+$0x10];
	v27 =	vand.u32 $0xFFFF, v20  }
0x2d3: {  	v24 =	vand.u32 $0xFFFF, v16;
	v17 =	vld.idx.msk [tilespmem:v17+s31+$0x0], $0xffff  }
0x2d4: {  	v25 =	vand.u32 $0xFFFF, v18;
	v19 =	vld.idx.msk [tilespmem:v19+s31+$0x0], $0xffff  }
0x2d5: {  	v28 =	vand.u32 $0xFFFF, v21;
	v22 =	vld.idx.msk [tilespmem:v22+s31+$0x0], $0xffff  }
0x2d6: {  	v23 =	vld.idx.msk [tilespmem:v23+s31+$0x0], $0xffff  }
0x2d7: {  	v27 =	vld.idx.msk [tilespmem:v27+s31+$0x0], $0xffff  }
0x2d8: {  	v24 =	vld.idx.msk [tilespmem:v24+s31+$0x0], $0xffff  }
0x2d9: {  	v25 =	vld.idx.msk [tilespmem:v25+s31+$0x0], $0xffff  }
0x2da: {  	v12 =	vshrl.u32 v12, $0x10;
	v10 =	vadd.f32 v10, v11;
	v28 =	vld.idx.msk [tilespmem:v28+s31+$0x0], $0xffff  }
0x2db: {  	v20 =	vshrl.u32 v20, $0x10;
	v61 =	vshrl.u32 v13, $0x10;
	v11 =	vmul.f32 v17, v26;
	v17 =	vld [tilespmem:s0+$0x0]  }
0x2dc: {  	v63 =	vshrl.u32 v14, $0x10;
	v13 =	vmul.f32 v27, v29;
	v14 =	vmul.f32 v19, v30;
	v19 =	vld [tilespmem:s0+$0x20]  }
0x2dd: {  	v11 =	vmul.f32 v11, v10  }
0x2de: {  	v22 =	vmul.f32 v22, v31;
	v13 =	vmul.f32 v13, v10  }
0x2df: {  	v14 =	vmul.f32 v14, v10;
	[tilespmem:v12+s23+$0x0] =	vst.idx.add.f32.msk $0xffff, v11;
	v11 =	vshrl.u32 v15, $0x10;
	v15 =	vmul.f32 v23, v32  }
0x2e0: {  	v12 =	vshrl.u32 v16, $0x10;
	[tilespmem:v20+s23+$0x0] =	vst.idx.add.f32.msk $0xffff, v13;
	v16 =	vmul.f32 v22, v10;
	v20 =	vmul.f32 v24, v17  }
0x2e1: {  	v13 =	vshrl.u32 v18, $0x10;
	[tilespmem:v61+s23+$0x0] =	vst.idx.add.f32.msk $0xffff, v14;
	v17 =	vmul.f32 v25, v62;
	v18 =	vmul.f32 v28, v19  }
0x2e2: {  	s1 =	simm.s32 $0x0;
	s2 =	simm.s32 $0x1A7C0;
	v14 =	vshrl.u32 v21, $0x10;
	v15 =	vmul.f32 v15, v10;
	[tilespmem:v63+s23+$0x0] =	vst.idx.add.f32.msk $0xffff, v16;
	v16 =	vmul.f32 v20, v10  }
.LBB2_51:
0x2e3: {  	v19 =	vld [tilespmem:s2+$0x30];
	s1 =	sadd.s32 $0x8, s1;
	v17 =	vmul.f32 v17, v10  }
0x2e4: {  	v20 =	vld [tilespmem:s2+$0xFFFFFFD0];
	p0 =	slt.u32 s1, $0xF0;
	v18 =	vmul.f32 v18, v10  }
0x2e5: {  	v21 =	vld [tilespmem:s2+$0xFFFFFFE0]  }
0x2e6: {  	v22 =	vld [tilespmem:s2+$0xFFFFFFF0]  }
0x2e7: {  	v23 =	vld [tilespmem:s2+$0x0]  }
0x2e8: {  	v24 =	vld [tilespmem:s2+$0x10];
	v25 =	vand.u32 $0xFFFF, v19  }
0x2e9: {  	v26 =	vshrl.u32 v20, $0x10;
	v20 =	vand.u32 $0xFFFF, v20;
	v27 =	vld [tilespmem:s2+$0x20]  }
0x2ea: {  	v28 =	vld [tilespmem:s2+$0xFFFFFFC0];
	v29 =	vshrl.u32 v21, $0x10;
	v21 =	vand.u32 $0xFFFF, v21  }
0x2eb: {  	v30 =	vand.u32 $0xFFFF, v22;
	[tilespmem:v11+s23+$0x0] =	vst.idx.add.f32.msk $0xffff, v15;
	v11 =	vshrl.u32 v22, $0x10  }
0x2ec: {  	v15 =	vand.u32 $0xFFFF, v23;
	[tilespmem:v12+s23+$0x0] =	vst.idx.add.f32.msk $0xffff, v16;
	v12 =	vshrl.u32 v23, $0x10  }
0x2ed: {  	s0 =	sadd.s32 $0x80, s0;
	v16 =	vshrl.u32 v24, $0x10;
	v22 =	vand.u32 $0xFFFF, v24;
	v23 =	vld.idx.msk [tilespmem:v25+s31+$0x0], $0xffff  }
0x2ee: {  	v24 =	vshrl.u32 v27, $0x10;
	v25 =	vand.u32 $0xFFFF, v27;
	v27 =	vld [tilespmem:s0+$0x30]  }
0x2ef: {  	v31 =	vshrl.u32 v28, $0x10;
	v28 =	vand.u32 $0xFFFF, v28;
	v20 =	vld.idx.msk [tilespmem:v20+s31+$0x0], $0xffff  }
0x2f0: {  	v21 =	vld.idx.msk [tilespmem:v21+s31+$0x0], $0xffff  }
0x2f1: {  	v30 =	vld.idx.msk [tilespmem:v30+s31+$0x0], $0xffff  }
0x2f2: {  	v19 =	vshrl.u32 v19, $0x10;
	v15 =	vld.idx.msk [tilespmem:v15+s31+$0x0], $0xffff  }
0x2f3: {  	v22 =	vld.idx.msk [tilespmem:v22+s31+$0x0], $0xffff;
	v23 =	vmul.f32 v23, v27  }
0x2f4: {  	v27 =	vld.idx.msk [tilespmem:v28+s31+$0x0], $0xffff  }
0x2f5: {  	v25 =	vld.idx.msk [tilespmem:v25+s31+$0x0], $0xffff;
	v23 =	vmul.f32 v23, v10  }
0x2f6: {  	v28 =	vld [tilespmem:s0+$0xFFFFFFC0]  }
0x2f7: {  	[tilespmem:v19+s23+$0x0] =	vst.idx.add.f32.msk $0xffff, v23  }
0x2f8: {  	v19 =	vld [tilespmem:s0+$0xFFFFFFD0]  }
0x2f9: {  	v23 =	vld [tilespmem:s0+$0xFFFFFFE0]  }
0x2fa: {  	v32 =	vld [tilespmem:s0+$0xFFFFFFF0]  }
0x2fb: {  	v27 =	vmul.f32 v27, v28;
	v28 =	vld [tilespmem:s0+$0x0]  }
0x2fc: {  	v33 =	vld [tilespmem:s0+$0x10]  }
0x2fd: {  	v27 =	vmul.f32 v27, v10;
	v19 =	vmul.f32 v20, v19;
	v20 =	vld [tilespmem:s0+$0x20]  }
.Ltmp24:
0x2fe: {  	v21 =	vmul.f32 v21, v23;
	[tilespmem:v13+s23+$0x0] =	vst.idx.add.f32.msk $0xffff, v17;
	v13 =	vmov v16;
	(pc) =	sbr.rel @p0 .LBB2_51-.Ltmp24, $4  }
0x2ff: {  	[tilespmem:v31+s23+$0x0] =	vst.idx.add.f32.msk $0xffff, v27;
	v16 =	vmul.f32 v19, v10;
	v17 =	vmul.f32 v30, v32  }
0x300: {  	v19 =	vmul.f32 v21, v10;
	v21 =	vmul.f32 v15, v28;
	[tilespmem:v14+s23+$0x0] =	vst.idx.add.f32.msk $0xffff, v18;
	v14 =	vmov v24  }
0x301: {  	[tilespmem:v26+s23+$0x0] =	vst.idx.add.f32.msk $0xffff, v16;
	v15 =	vmul.f32 v17, v10;
	v17 =	vmul.f32 v22, v33  }
0x302: {  	s2 =	sadd.s32 $0x80, s2;
	[tilespmem:v29+s23+$0x0] =	vst.idx.add.f32.msk $0xffff, v19;
	v16 =	vmul.f32 v21, v10;
	v18 =	vmul.f32 v25, v20  }
0x303: {  	_ =	sdelay $0x3  }
0x304: {  	v17 =	vmul.f32 v17, v10;
	[tilespmem:v11+s23+$0x0] =	vst.idx.add.f32.msk $0xffff, v15  }
0x305: {  	v11 =	vmul.f32 v18, v10;
	[tilespmem:v12+s23+$0x0] =	vst.idx.add.f32.msk $0xffff, v16  }
0x306: {  	[tilespmem:v13+s23+$0x0] =	vst.idx.add.f32.msk $0xffff, v17  }
0x307: {  	[tilespmem:v14+s23+$0x0] =	vst.idx.add.f32.msk $0xffff, v11  }
.LBB2_53:
0x308: {  	s0 =	sshra.s32 s31, $0x2  }
0x309: {  	v11 =	vld [tilespmem:s0+$0x1B680];
	_ =	sdelay $0x4  }
0x30a: {  	v12 =	vand.u32 $0xFFFF, v11;
	_ =	sdelay $0x3  }
0x30b: {  	v13 =	vld [tilespmem:s0+$0x1C680]  }
0x30c: {  	v12 =	vld.idx.msk [tilespmem:v12+s3+$0x0], $0xffff;
	_ =	sdelay $0x3  }
0x30d: {  	p0 =	sne.s32 s31, $0x40;
	v11 =	vshrl.u32 v11, $0x10  }
.Ltmp25:
0x30e: {  	v12 =	vmul.f32 v12, v13;
	(pc) =	sbr.rel @p0 .LBB2_53-.Ltmp25, $3  }
0x30f: {  	_ = 	snop  }
0x310: {  	v12 =	vmul.f32 v12, v10;
	_ =	sdelay $0x1  }
0x311: {  	s31 =	sadd.s32 $0x40, s31;
	[tilespmem:v11+s23+$0x0] =	vst.idx.add.f32.msk $0xffff, v12  }
0x312: {  	s30 =	sadd.s32 $0x1, s30  }
0x313: {  	p0 =	sne.s32 s30, $0xC8  }
.Ltmp26:
0x314: {  	_ = 	snop;
	(pc) =	sbr.rel @p0 .LBB2_46-.Ltmp26, $1  }
0x315: {  	_ =	sdelay $0x3  }
0x316: {  	_ =	sdelay $0x3  }
0x317: {  	v10 =	vld.idx.msk [tilespmem:v6+s17+$0x0], $0xffff;
	s1 =	simm.s32 $0x40  }
0x318: {  	v11 =	vld [tilespmem:s1+$0x30]  }
0x319: {  	s0 =	simm.s32 $0xC3C0;
	v12 =	vld [tilespmem:s1+$0xFFFFFFC0]  }
0x31a: {  	v13 =	vld [tilespmem:s0+$0x30]  }
0x31b: {  	v14 =	vld [tilespmem:s1+$0xFFFFFFD0]  }
0x31c: {  	v16 =	vld [tilespmem:s1+$0xFFFFFFE0]  }
0x31d: {  	v17 =	vld [tilespmem:s1+$0xFFFFFFF0]  }
0x31e: {  	v18 =	vld [tilespmem:s1+$0x0]  }
0x31f: {  	v19 =	vld [tilespmem:s1+$0x10]  }
0x320: {  	v21 =	vld [tilespmem:s1+$0x20]  }
0x321: {  	v22 =	vld [tilespmem:s0+$0xFFFFFFD0]  }
0x322: {  	v23 =	vld [tilespmem:s0+$0xFFFFFFE0]  }
0x323: {  	v15 =	vld [tilespmem:s0+$0xFFFFFFF0];
	v20 =	vmul.f32 v11, v10  }
0x324: {  	v11 =	vmul.f32 v12, v10;
	v24 =	vmul.f32 v14, v10;
	v12 =	vld [tilespmem:s0+$0x0]  }
0x325: {  	v26 =	vmul.f32 v16, v10;
	v25 =	vadd.f32 v20, v13;
	v13 =	vld [tilespmem:s0+$0x10]  }
0x326: {  	v18 =	vmul.f32 v18, v10;
	v16 =	vld [tilespmem:s0+$0x20];
	v20 =	vmul.f32 v17, v10;
	v22 =	vadd.f32 v24, v22  }
0x327: {  	s2 =	simm.s32 $0x0;
	s4 =	simm.s32 $0xC0;
	s1 =	simm.s32 $0xC3C0;
	v14 =	vmul.f32 v19, v10;
	v19 =	vld [tilespmem:s0+$0xFFFFFFC0];
	v17 =	vmul.f32 v21, v10;
	v21 =	vadd.f32 v26, v23;
	[tilespmem:s0+$0x30] =	vst v25  }
.LBB2_56:
0x328: {  	v23 =	vld [tilespmem:s4+$0x30];
	s2 =	sadd.s32 $0x8, s2;
	[tilespmem:s0+$0xFFFFFFD0] =	vst v22;
	v15 =	vadd.f32 v20, v15  }
0x329: {  	s0 =	sadd.s32 $0x80, s0;
	v20 =	vld [tilespmem:s4+$0xFFFFFFC0];
	p0 =	slt.u32 s2, $0xC28;
	[tilespmem:s1+$0xFFFFFFE0] =	vst v21;
	v12 =	vadd.f32 v18, v12  }
0x32a: {  	v18 =	vld [tilespmem:s0+$0x30];
	[tilespmem:s1+$0xFFFFFFF0] =	vst v15;
	v13 =	vadd.f32 v14, v13  }
0x32b: {  	v14 =	vld [tilespmem:s4+$0xFFFFFFD0];
	[tilespmem:s1+$0x0] =	vst v12;
	v12 =	vadd.f32 v17, v16  }
0x32c: {  	v15 =	vld [tilespmem:s4+$0xFFFFFFE0];
	v16 =	vadd.f32 v11, v19;
	[tilespmem:s1+$0x10] =	vst v13  }
0x32d: {  	v13 =	vld [tilespmem:s4+$0xFFFFFFF0];
	v17 =	vmul.f32 v23, v10;
	[tilespmem:s1+$0x20] =	vst v12  }
0x32e: {  	v11 =	vmul.f32 v20, v10;
	v12 =	vld [tilespmem:s4+$0x0];
	[tilespmem:s1+$0xFFFFFFC0] =	vst v16;
	s1 =	smov.u32 s0  }
0x32f: {  	v16 =	vld [tilespmem:s4+$0x10];
	v17 =	vadd.f32 v17, v18  }
0x330: {  	v19 =	vmul.f32 v14, v10;
	v21 =	vld [tilespmem:s4+$0x20]  }
0x331: {  	s29 =	simm.s32 $0x0;
	v22 =	vld [tilespmem:s0+$0xFFFFFFD0];
	v23 =	vmul.f32 v15, v10;
	[tilespmem:s0+$0x30] =	vst v17  }
0x332: {  	v24 =	vld [tilespmem:s0+$0xFFFFFFE0];
	v20 =	vmul.f32 v13, v10  }
.Ltmp27:
0x333: {  	v15 =	vld [tilespmem:s0+$0xFFFFFFF0];
	v18 =	vmul.f32 v12, v10;
	(pc) =	sbr.rel @p0 .LBB2_56-.Ltmp27, $4  }
0x334: {  	v12 =	vld [tilespmem:s0+$0x0];
	v14 =	vmul.f32 v16, v10  }
0x335: {  	v13 =	vld [tilespmem:s0+$0x10];
	v17 =	vmul.f32 v21, v10  }
0x336: {  	v22 =	vadd.f32 v19, v22;
	v16 =	vld [tilespmem:s0+$0x20]  }
0x337: {  	s4 =	sadd.s32 $0x80, s4;
	v19 =	vld [tilespmem:s0+$0xFFFFFFC0];
	v21 =	vadd.f32 v23, v24  }
0x338: {  	[tilespmem:s0+$0xFFFFFFD0] =	vst v22;
	v15 =	vadd.f32 v20, v15  }
0x339: {  	[tilespmem:s1+$0xFFFFFFE0] =	vst v21;
	v12 =	vadd.f32 v18, v12  }
0x33a: {  	[tilespmem:s1+$0xFFFFFFF0] =	vst v15;
	v13 =	vadd.f32 v14, v13  }
0x33b: {  	[tilespmem:s1+$0x0] =	vst v12;
	v63 =	vadd.f32 v17, v16  }
0x33c: {  	v11 =	vadd.f32 v11, v19;
	[tilespmem:s1+$0x10] =	vst v13  }
0x33d: {  	[tilespmem:s1+$0x20] =	vst v63  }
0x33e: {  	[tilespmem:s1+$0xFFFFFFC0] =	vst v11  }
.LBB2_58:
0x33f: {  	s0 =	sshra.s32 s29, $0x2  }
0x340: {  	v11 =	vld [tilespmem:s0+$0xC300];
	_ =	sdelay $0x1  }
0x341: {  	v12 =	vld [tilespmem:s0+$0x18680];
	_ =	sdelay $0x1  }
0x342: {  	p0 =	sne.s32 s29, $0x100  }
.Ltmp28:
0x343: {  	v11 =	vmul.f32 v11, v10;
	(pc) =	sbr.rel @p0 .LBB2_58-.Ltmp28, $3  }
0x344: {  	_ = 	snop  }
0x345: {  	v11 =	vadd.f32 v11, v12;
	_ =	sdelay $0x1  }
0x346: {  	s29 =	sadd.s32 $0x40, s29;
	[tilespmem:s0+$0x18680] =	vst v11  }
0x347: {  	_ =	sdelay $0x2  }
0x348: {  	s1 =	simm.s32 $0xC380  }
0x349: {  	v10 =	vld.idx.msk [tilespmem:v9+s1+$0x0], $0xffff;
	[tilespmem:$0x1C980] =	vst v2  }
0x34a: {  	[tilespmem:$0x1CA00] =	vst v7  }
0x34b: {  	[tilespmem:$0x1CA80] =	vst v7;
	v12 =	vld [tilespmem:$0x1C980]  }
0x34c: {  	s0 =	simm.s32 $0x0;
	s2 =	simm.s32 $0x10;
	v11 =	vld [tilespmem:s1+$0x0]  }
.LBB2_60:
0x34d: {  	p0 =	sne.s32 s2, $0xC340  }
0x34e: {  	v13 =	vld [tilespmem:$0x1CA00]  }
0x34f: {  	v14 =	vor.u32 s0, v8;
	s0 =	smov.u32 s2;
	v15 =	vld [tilespmem:$0x1CA80]  }
0x350: {  	vm0 =	vlt.s32 v14, v9  }
0x351: {  	v12 =	vadd.f32 v12, v11;
	vm1 =	vgt.f32 v11, v10;
	vm2 =	veq.f32 v11, v10  }
.Ltmp29:
0x352: {  	v11 =	vsel vm1, $0x1, v7;
	vm0 =	vmand vm0, vm2;
	(pc) =	sbr.rel @p0 .LBB2_60-.Ltmp29, $4  }
0x353: {  	[tilespmem:$0x1C980] =	vst v12;
	v11 =	vadd.s32 v11, v13;
	v12 =	vsel vm0, $0x1, v7  }
0x354: {  	[tilespmem:$0x1CA00] =	vst v11;
	v11 =	vadd.s32 v12, v15  }
0x355: {  	s1 =	sadd.s32 $0x10, s1;
	v12 =	vld [tilespmem:$0x1C980];
	[tilespmem:$0x1CA80] =	vst v11  }
0x356: {  	s2 =	sadd.s32 $0x10, s2;
	v11 =	vld [tilespmem:s1+$0x0]  }
0x357: {  	_ =	sdelay $0x3  }
0x358: {  	v12 =	vadd.f32 v12, v11;
	_ =	sdelay $0x1  }
0x359: {  	[tilespmem:$0x1C980] =	vst v12  }
0x35a: {  	v12 =	vld [tilespmem:$0x1C980];
	_ =	sdelay $0x4  }
0x35b: {  	(xrf2) =	vadd.scan.msk.f32 $0xffff, v12;
	_ =	sdelay $0x4  }
0x35c: {  	v61 =	vld [tilespmem:$0x1CA00];
	_ =	sdelay $0x2  }
0x35d: {  	vm0 =	vgt.f32 v11, v10  }
0x35e: {  	v13 =	vsel vm0, $0x1, v7  }
0x35f: {  	v12 =	vadd.s32 v13, v61;
	v62, _, _ =	vpop (xrf2)  }
0x360: {  	v14 =	vld [tilespmem:$0x1CA80];
	[tilespmem:$0x1CA00] =	vst v12;
	(v2sf) =	vpush v62, $0xF  }
0x361: {  	v12 =	vld [tilespmem:$0x1CA00]  }
0x362: {  	v63 =	vor.u32 s0, v8  }
0x363: {  	vm15 =	vlt.s32 v63, v9;
	vm1 =	veq.f32 v11, v10  }
0x364: {  	vm0 =	vmand vm15, vm1  }
0x365: {  	v9 =	vsel vm0, $0x1, v7  }
0x366: {  	v9 =	vadd.s32 v9, v14;
	(xrf0) =	vadd.scan.msk.s32 $0xffff, v12  }
0x367: {  	(xrf0) =	vadd.scan.msk.s32 $0xffff, v9;
	_ =	sdelay $0x4  }
0x368: {  	v11, _, _ =	vpop (xrf0)  }
0x369: {  	(v2sf) =	vpush v11, $0xF;
	v11, _, _ =	vpop (xrf0)  }
0x36a: {  	(v2sf) =	vpush v11, $0xF  }
0x36b: {  	s30 =	spop (v2sf)  }
0x36c: {  	s0 =	smax.f32 s30, $9.999999680e-21  }
0x36d: {  	v11 =	vmov s0  }
0x36e: {  	(erf) = vrcp.f32 v11;
	_ =	sdelay $0x8  }
0x36f: {  	v11 =	vpop (erf)  }
0x370: {  	s31 =	spop (v2sf);
	v10 =	vmul.f32 v11, v10  }
0x371: {  	s1 =	spop (v2sf)  }
0x372: {  	[tilespmem:$0x1CA80] =	vst v9;
	s0 =	sadd.s32 s31, s1;
	v9 =	vmax.f32 v10, $9.999999680e-21  }
0x373: {  	[tilespmem:$0x1C880] =	vst v9;
	v9 =	vmov s0  }
0x374: {  	[tilespmem:$0x1C900] =	vst v9  }
0x375: {  	[hbm4b:s8+s3] =	stream.linear.scatter [tilespmem:s25], [sflag:$0x3], $0x10, $0x38;
	[tilespmem:$0x1CB00] =	vst v63  }
0x376: {  	_ =	swait.ge [sflag:s15], $0x10  }
0x377: {  	[sflag:s15] =	ssyncset.done $0x0  }
0x378: {  	[sflag:s15] =	ssyncadd.s32 $0xFFFFFFF0  }
0x379: {  	[hbm4b:s9+s3] =	stream.linear.scatter [tilespmem:s26], [sflag:$0x3], $0x10, $0x38;
	[tilespmem:$0x1CB00] =	vst v63  }
0x37a: {  	_ =	swait.ge [sflag:s15], $0x10  }
0x37b: {  	[sflag:s15] =	ssyncset.done $0x0  }
0x37c: {  	[sflag:s15] =	ssyncadd.s32 $0xFFFFFFF0  }
0x37d: {  	[tilespmem:s17], [sflag:$0x3] =	stream.linear.gather [hbm4b:s10+s3], $0x40, $0x38;
	[tilespmem:$0x1CB00] =	vst v63  }
0x37e: {  	_ =	swait.ge [sflag:s15], $0x40  }
0x37f: {  	[sflag:s15] =	ssyncset.done $0x0  }
0x380: {  	[sflag:s15] =	ssyncadd.s32 $0xFFFFFFC0  }
0x381: {  	s0 =	simm.s32 $0x40;
	v10 =	vld.idx.msk [tilespmem:v1+s14+$0x0], $0xffff  }
0x382: {  	v9 =	vld.idx.msk [tilespmem:v1+s16+$0x0], $0xffff;
	[tilespmem:s0+$0xFFFFFFC0] =	vst v2  }
0x383: {  	[tilespmem:s0+$0x30] =	vst v2  }
0x384: {  	[tilespmem:s0+$0x20] =	vst v2  }
0x385: {  	[tilespmem:s0+$0x10] =	vst v2  }
0x386: {  	[tilespmem:s0+$0x0] =	vst v2  }
0x387: {  	[tilespmem:s0+$0xFFFFFFF0] =	vst v2  }
0x388: {  	s1 =	simm.s32 $0x0;
	[tilespmem:s0+$0xFFFFFFE0] =	vst v2  }
.LBB2_62:
0x389: {  	s1 =	sadd.s32 $0x8, s1;
	[tilespmem:s0+$0xFFFFFFD0] =	vst v2;
	s0 =	sadd.s32 $0x80, s0  }
0x38a: {  	[tilespmem:s0+$0xFFFFFFC0] =	vst v2;
	p0 =	slt.u32 s1, $0xC28  }
0x38b: {  	[tilespmem:s0+$0x30] =	vst v2  }
.Ltmp30:
0x38c: {  	[tilespmem:s0+$0x20] =	vst v2;
	(pc) =	sbr.rel @p0 .LBB2_62-.Ltmp30, $4  }
0x38d: {  	[tilespmem:s0+$0x10] =	vst v2  }
0x38e: {  	[tilespmem:s0+$0x0] =	vst v2  }
0x38f: {  	[tilespmem:s0+$0xFFFFFFF0] =	vst v2  }
0x390: {  	[tilespmem:s0+$0xFFFFFFE0] =	vst v2  }
0x391: {  	[tilespmem:s0+$0xFFFFFFD0] =	vst v2;
	s0 =	simm.s32 $0x0  }
.LBB2_64:
0x392: {  	p0 =	sne.s32 s0, $0x100  }
.Ltmp31:
0x393: {  	_ = 	snop;
	(pc) =	sbr.rel @p0 .LBB2_64-.Ltmp31, $3  }
0x394: {  	_ =	sdelay $0x1  }
0x395: {  	s1 =	sshra.s32 s0, $0x2  }
0x396: {  	s0 =	sadd.s32 $0x40, s0;
	[tilespmem:s1+$0xC300] =	vst v2  }
0x397: {  	_ =	sdelay $0x3  }
0x398: {  	[tilespmem:v10+s3+$0x0] =	vst.idx.msk $0x1, v3;
	s0 =	simm.s32 $0xC3C0  }
0x399: {  	[tilespmem:s0+$0xFFFFFFC0] =	vst v2  }
0x39a: {  	[tilespmem:s0+$0x30] =	vst v2  }
0x39b: {  	[tilespmem:s0+$0x20] =	vst v2  }
0x39c: {  	[tilespmem:s0+$0x10] =	vst v2  }
0x39d: {  	[tilespmem:s0+$0x0] =	vst v2  }
0x39e: {  	[tilespmem:s0+$0xFFFFFFF0] =	vst v2  }
0x39f: {  	s1 =	simm.s32 $0x0;
	[tilespmem:s0+$0xFFFFFFE0] =	vst v2  }
.LBB2_66:
0x3a0: {  	s1 =	sadd.s32 $0x8, s1;
	[tilespmem:s0+$0xFFFFFFD0] =	vst v2;
	s0 =	sadd.s32 $0x80, s0  }
0x3a1: {  	[tilespmem:s0+$0xFFFFFFC0] =	vst v2;
	p0 =	slt.u32 s1, $0xC28  }
0x3a2: {  	[tilespmem:s0+$0x30] =	vst v2  }
.Ltmp32:
0x3a3: {  	[tilespmem:s0+$0x20] =	vst v2;
	(pc) =	sbr.rel @p0 .LBB2_66-.Ltmp32, $4  }
0x3a4: {  	[tilespmem:s0+$0x10] =	vst v2  }
0x3a5: {  	[tilespmem:s0+$0x0] =	vst v2  }
0x3a6: {  	[tilespmem:s0+$0xFFFFFFF0] =	vst v2  }
0x3a7: {  	[tilespmem:s0+$0xFFFFFFE0] =	vst v2  }
0x3a8: {  	[tilespmem:s0+$0xFFFFFFD0] =	vst v2;
	s0 =	simm.s32 $0x0  }
.LBB2_68:
0x3a9: {  	p0 =	sne.s32 s0, $0x100  }
.Ltmp33:
0x3aa: {  	_ = 	snop;
	(pc) =	sbr.rel @p0 .LBB2_68-.Ltmp33, $3  }
0x3ab: {  	_ =	sdelay $0x1  }
0x3ac: {  	s1 =	sshra.s32 s0, $0x2  }
0x3ad: {  	s0 =	sadd.s32 $0x40, s0;
	[tilespmem:s1+$0x18680] =	vst v2  }
0x3ae: {  	s29 =	simm.s32 $0x0  }
0x3af: {  	[tilespmem:s18], [sflag:$0x1] =	stream.linear.gather [hbm4b:s5+s29], $0xFA0, $0x38;
	[tilespmem:$0x1CB00] =	vst v63  }
0x3b0: {  	s30 =	simm.s32 $0x0  }
0x3b1: {  	[tilespmem:s19], [sflag:$0x1] =	stream.linear.gather [hbm4b:s6+s29], $0xFA0, $0x38;
	[tilespmem:$0x1CB00] =	vst v63  }
.LBB2_70:
0x3b2: {  	s0 =	smul.u32 $0x3E8, s30;
	_ =	sdelay $0x1  }
0x3b3: {  	s0 =	sadd.s32 $0x1F4, s0  }
0x3b4: {  	s1 =	sadd.s32 s5, s0  }
0x3b5: {  	[tilespmem:s20], [sflag:$0x2] =	stream.linear.gather [hbm4b:s1+s3], $0xFA0, $0x38;
	[tilespmem:$0x1CB00] =	vst v63  }
0x3b6: {  	s4 =	smul.u32 $0x29, s30;
	s0 =	sadd.s32 s6, s0  }
0x3b7: {  	[tilespmem:s21], [sflag:$0x2] =	stream.linear.gather [hbm4b:s0+s3], $0xFA0, $0x38;
	[tilespmem:$0x1CB00] =	vst v63  }
0x3b8: {  	s2 =	sshrl.u32 s4, $0xA;
	_ =	swait.ge [sflag:s22], $0xFA0  }
0x3b9: {  	s0 =	sand.u32 $0x3F, s2;
	[sflag:s22] =	ssyncset.done $0x0  }
0x3ba: {  	v11 =	vmov s0;
	[sflag:s22] =	ssyncadd.s32 $0xFFFFF060  }
0x3bb: {  	_ =	swait.ge [sflag:s22], $0xFA0  }
0x3bc: {  	[sflag:s22] =	ssyncset.done $0x0  }
0x3bd: {  	s4 =	simm.s32 $0x18740;
	[sflag:s22] =	ssyncadd.s32 $0xFFFFF060  }
0x3be: {  	v12 =	vld [tilespmem:s4+$0x30]  }
0x3bf: {  	v13 =	vld.idx.msk [tilespmem:v11+s17+$0x0], $0xffff  }
0x3c0: {  	v14 =	vld [tilespmem:s4+$0xFFFFFFD0]  }
0x3c1: {  	v15 =	vld [tilespmem:s4+$0xFFFFFFE0]  }
0x3c2: {  	v10 =	vadd.s32 $0x8, v11;
	v16 =	vld [tilespmem:s4+$0xFFFFFFF0]  }
0x3c3: {  	v17 =	vld [tilespmem:s4+$0x0]  }
0x3c4: {  	v19 =	vld [tilespmem:s4+$0x10]  }
0x3c5: {  	v21 =	vld [tilespmem:s4+$0xFFFFFFC0]  }
0x3c6: {  	v22 =	vld [tilespmem:s4+$0x20]  }
0x3c7: {  	s31 =	simm.s32 $0x19740;
	v24 =	vld.idx.msk [tilespmem:v10+s17+$0x0], $0xffff  }
0x3c8: {  	v28 =	vld [tilespmem:s31+$0x30]  }
0x3c9: {  	v31 =	vld [tilespmem:s31+$0xFFFFFFC0];
	v18 =	vand.u32 $0xFFFF, v12  }
0x3ca: {  	v32 =	vld [tilespmem:s31+$0xFFFFFFD0];
	v20 =	vand.u32 $0xFFFF, v14  }
0x3cb: {  	v33 =	vld [tilespmem:s31+$0xFFFFFFE0];
	v23 =	vand.u32 $0xFFFF, v15  }
0x3cc: {  	v35 =	vld [tilespmem:s31+$0xFFFFFFF0];
	v29 =	vand.u32 $0xFFFF, v21  }
0x3cd: {  	v62 =	vld [tilespmem:s31+$0x10];
	v25 =	vand.u32 $0xFFFF, v16  }
0x3ce: {  	v26 =	vand.u32 $0xFFFF, v17;
	v18 =	vld.idx.msk [tilespmem:v18+s29+$0x0], $0xffff  }
0x3cf: {  	v27 =	vand.u32 $0xFFFF, v19;
	v20 =	vld.idx.msk [tilespmem:v20+s29+$0x0], $0xffff  }
0x3d0: {  	v23 =	vld.idx.msk [tilespmem:v23+s29+$0x0], $0xffff  }
0x3d1: {  	v30 =	vand.u32 $0xFFFF, v22;
	v29 =	vld.idx.msk [tilespmem:v29+s29+$0x0], $0xffff  }
0x3d2: {  	v25 =	vld.idx.msk [tilespmem:v25+s29+$0x0], $0xffff  }
0x3d3: {  	v26 =	vld.idx.msk [tilespmem:v26+s29+$0x0], $0xffff  }
0x3d4: {  	v34 =	vshrl.u32 v12, $0x10;
	v27 =	vld.idx.msk [tilespmem:v27+s29+$0x0], $0xffff  }
0x3d5: {  	v12 =	vadd.f32 v24, v13;
	v21 =	vshrl.u32 v21, $0x10;
	v13 =	vmul.f32 v18, v28;
	v18 =	vld [tilespmem:s31+$0x0]  }
0x3d6: {  	v61 =	vshrl.u32 v14, $0x10;
	v30 =	vld.idx.msk [tilespmem:v30+s29+$0x0], $0xffff;
	v14 =	vmul.f32 v29, v31  }
0x3d7: {  	v63 =	vshrl.u32 v15, $0x10;
	v15 =	vmul.f32 v20, v32;
	v20 =	vld [tilespmem:s31+$0x20];
	v13 =	vmul.f32 v13, v12  }
0x3d8: {  	v23 =	vmul.f32 v23, v33;
	v31 =	vmul.f32 v14, v12  }
0x3d9: {  	v25 =	vmul.f32 v25, v35;
	[tilespmem:v34+s23+$0x0] =	vst.idx.add.f32.msk $0xffff, v13;
	v13 =	vshrl.u32 v16, $0x10;
	v16 =	vmul.f32 v15, v12  }
0x3da: {  	v14 =	vshrl.u32 v17, $0x10;
	[tilespmem:v21+s23+$0x0] =	vst.idx.add.f32.msk $0xffff, v31;
	v21 =	vmul.f32 v23, v12;
	v18 =	vmul.f32 v26, v18  }
0x3db: {  	v17 =	vmul.f32 v25, v12;
	v15 =	vshrl.u32 v19, $0x10;
	v19 =	vmul.f32 v27, v62;
	[tilespmem:v61+s23+$0x0] =	vst.idx.add.f32.msk $0xffff, v16  }
0x3dc: {  	s1 =	simm.s32 $0x187C0;
	s0 =	simm.s32 $0x0;
	v20 =	vmul.f32 v30, v20;
	v16 =	vshrl.u32 v22, $0x10;
	[tilespmem:v63+s23+$0x0] =	vst.idx.add.f32.msk $0xffff, v21;
	v18 =	vmul.f32 v18, v12  }
.LBB2_71:
0x3dd: {  	v21 =	vld [tilespmem:s1+$0x30];
	s0 =	sadd.s32 $0x8, s0;
	v19 =	vmul.f32 v19, v12  }
0x3de: {  	v22 =	vld [tilespmem:s1+$0xFFFFFFD0];
	p0 =	slt.u32 s0, $0xF0;
	v20 =	vmul.f32 v20, v12  }
0x3df: {  	v23 =	vld [tilespmem:s1+$0xFFFFFFE0]  }
0x3e0: {  	v24 =	vld [tilespmem:s1+$0xFFFFFFF0]  }
0x3e1: {  	v25 =	vld [tilespmem:s1+$0x0]  }
0x3e2: {  	v26 =	vld [tilespmem:s1+$0x10];
	v27 =	vand.u32 $0xFFFF, v21  }
0x3e3: {  	v28 =	vshrl.u32 v22, $0x10;
	v22 =	vand.u32 $0xFFFF, v22;
	v29 =	vld [tilespmem:s1+$0x20]  }
0x3e4: {  	v30 =	vld [tilespmem:s1+$0xFFFFFFC0];
	v31 =	vshrl.u32 v23, $0x10;
	v23 =	vand.u32 $0xFFFF, v23  }
0x3e5: {  	v32 =	vand.u32 $0xFFFF, v24;
	[tilespmem:v13+s23+$0x0] =	vst.idx.add.f32.msk $0xffff, v17;
	v13 =	vshrl.u32 v24, $0x10  }
0x3e6: {  	s2 =	simm.s32 $0x0;
	v17 =	vand.u32 $0xFFFF, v25;
	[tilespmem:v14+s23+$0x0] =	vst.idx.add.f32.msk $0xffff, v18;
	v14 =	vshrl.u32 v25, $0x10  }
0x3e7: {  	s31 =	sadd.s32 $0x80, s31;
	v18 =	vshrl.u32 v26, $0x10;
	v24 =	vand.u32 $0xFFFF, v26;
	v25 =	vld.idx.msk [tilespmem:v27+s2+$0x0], $0xffff  }
0x3e8: {  	v26 =	vshrl.u32 v29, $0x10;
	v27 =	vand.u32 $0xFFFF, v29;
	v29 =	vld [tilespmem:s31+$0x30]  }
0x3e9: {  	v33 =	vshrl.u32 v30, $0x10;
	v30 =	vand.u32 $0xFFFF, v30;
	v22 =	vld.idx.msk [tilespmem:v22+s2+$0x0], $0xffff  }
0x3ea: {  	v23 =	vld.idx.msk [tilespmem:v23+s2+$0x0], $0xffff  }
0x3eb: {  	v32 =	vld.idx.msk [tilespmem:v32+s2+$0x0], $0xffff  }
0x3ec: {  	v21 =	vshrl.u32 v21, $0x10;
	v17 =	vld.idx.msk [tilespmem:v17+s2+$0x0], $0xffff  }
0x3ed: {  	v24 =	vld.idx.msk [tilespmem:v24+s2+$0x0], $0xffff;
	v25 =	vmul.f32 v25, v29  }
0x3ee: {  	v29 =	vld.idx.msk [tilespmem:v30+s2+$0x0], $0xffff  }
0x3ef: {  	v27 =	vld.idx.msk [tilespmem:v27+s2+$0x0], $0xffff;
	v25 =	vmul.f32 v25, v12  }
0x3f0: {  	v30 =	vld [tilespmem:s31+$0xFFFFFFC0]  }
0x3f1: {  	[tilespmem:v21+s23+$0x0] =	vst.idx.add.f32.msk $0xffff, v25  }
0x3f2: {  	v21 =	vld [tilespmem:s31+$0xFFFFFFD0]  }
0x3f3: {  	v25 =	vld [tilespmem:s31+$0xFFFFFFE0]  }
0x3f4: {  	v34 =	vld [tilespmem:s31+$0xFFFFFFF0]  }
0x3f5: {  	v29 =	vmul.f32 v29, v30;
	v30 =	vld [tilespmem:s31+$0x0]  }
0x3f6: {  	v35 =	vld [tilespmem:s31+$0x10]  }
0x3f7: {  	v29 =	vmul.f32 v29, v12;
	v21 =	vmul.f32 v22, v21;
	v22 =	vld [tilespmem:s31+$0x20]  }
.Ltmp34:
0x3f8: {  	v23 =	vmul.f32 v23, v25;
	[tilespmem:v15+s23+$0x0] =	vst.idx.add.f32.msk $0xffff, v19;
	v15 =	vmov v18;
	(pc) =	sbr.rel @p0 .LBB2_71-.Ltmp34, $4  }
0x3f9: {  	[tilespmem:v33+s23+$0x0] =	vst.idx.add.f32.msk $0xffff, v29;
	v18 =	vmul.f32 v21, v12;
	v19 =	vmul.f32 v32, v34  }
0x3fa: {  	v21 =	vmul.f32 v23, v12;
	v23 =	vmul.f32 v17, v30;
	[tilespmem:v16+s23+$0x0] =	vst.idx.add.f32.msk $0xffff, v20;
	v16 =	vmov v26  }
0x3fb: {  	[tilespmem:v28+s23+$0x0] =	vst.idx.add.f32.msk $0xffff, v18;
	v17 =	vmul.f32 v19, v12;
	v19 =	vmul.f32 v24, v35  }
0x3fc: {  	s1 =	sadd.s32 $0x80, s1;
	[tilespmem:v31+s23+$0x0] =	vst.idx.add.f32.msk $0xffff, v21;
	v18 =	vmul.f32 v23, v12;
	v20 =	vmul.f32 v27, v22  }
0x3fd: {  	_ =	sdelay $0x3  }
0x3fe: {  	v19 =	vmul.f32 v19, v12;
	[tilespmem:v13+s23+$0x0] =	vst.idx.add.f32.msk $0xffff, v17  }
0x3ff: {  	v13 =	vmul.f32 v20, v12;
	[tilespmem:v14+s23+$0x0] =	vst.idx.add.f32.msk $0xffff, v18  }
0x400: {  	[tilespmem:v15+s23+$0x0] =	vst.idx.add.f32.msk $0xffff, v19  }
0x401: {  	[tilespmem:v16+s23+$0x0] =	vst.idx.add.f32.msk $0xffff, v13  }
.LBB2_73:
0x402: {  	s0 =	sshra.s32 s2, $0x2  }
0x403: {  	v13 =	vld [tilespmem:s0+$0x19680];
	_ =	sdelay $0x4  }
0x404: {  	v14 =	vand.u32 $0xFFFF, v13;
	_ =	sdelay $0x3  }
0x405: {  	v15 =	vld [tilespmem:s0+$0x1A680]  }
0x406: {  	v14 =	vld.idx.msk [tilespmem:v14+s3+$0x0], $0xffff;
	_ =	sdelay $0x3  }
0x407: {  	p0 =	sne.s32 s2, $0x40;
	v13 =	vshrl.u32 v13, $0x10  }
.Ltmp35:
0x408: {  	v14 =	vmul.f32 v14, v15;
	(pc) =	sbr.rel @p0 .LBB2_73-.Ltmp35, $3  }
0x409: {  	_ = 	snop  }
0x40a: {  	v14 =	vmul.f32 v14, v12;
	_ =	sdelay $0x1  }
0x40b: {  	s2 =	sadd.s32 $0x40, s2;
	[tilespmem:v13+s23+$0x0] =	vst.idx.add.f32.msk $0xffff, v14  }
0x40c: {  	p0 =	seq.s32 s30, $0xC7  }
0x40d: {  	s0 =	smul.u32 @!p0 $0x1F40, s30;
	_ =	sdelay $0x1  }
0x40e: {  	s0 =	sshrl.u32 @!p0 s0, $0x3  }
0x40f: {  	s0 =	sadd.s32 @!p0 $0x3E8, s0  }
0x410: {  	s2 =	simm.s32 @!p0 $0x0;
	s4 =	simm.s32 @!p0 $0x18700;
	s1 =	sadd.s32 @!p0 s5, s0  }
0x411: {  	[tilespmem:s4], [sflag:$0x1] =	stream.linear.gather @!p0 [hbm4b:s1+s2], $0xFA0, $0x38;
	[tilespmem:$0x1CB00] =	vst v63  }
0x412: {  	s0 =	sadd.s32 @!p0 s6, s0;
	s1 =	simm.s32 @!p0 $0x19700  }
0x413: {  	[tilespmem:s1], [sflag:$0x1] =	stream.linear.gather @!p0 [hbm4b:s0+s2], $0xFA0, $0x38;
	[tilespmem:$0x1CB00] =	vst v63  }
0x414: {  	_ =	swait.ge [sflag:s24], $0xFA0  }
0x415: {  	[sflag:s24] =	ssyncset.done $0x0  }
0x416: {  	[sflag:s24] =	ssyncadd.s32 $0xFFFFF060  }
0x417: {  	_ =	swait.ge [sflag:s24], $0xFA0  }
0x418: {  	[sflag:s24] =	ssyncset.done $0x0  }
0x419: {  	s4 =	simm.s32 $0x1A740;
	[sflag:s24] =	ssyncadd.s32 $0xFFFFF060  }
0x41a: {  	v12 =	vld [tilespmem:s4+$0x30]  }
0x41b: {  	v11 =	vld.idx.msk [tilespmem:v11+s17+$0x0], $0xffff  }
0x41c: {  	v13 =	vld [tilespmem:s4+$0xFFFFFFD0]  }
0x41d: {  	v14 =	vld [tilespmem:s4+$0xFFFFFFE0]  }
0x41e: {  	v15 =	vld [tilespmem:s4+$0xFFFFFFF0]  }
0x41f: {  	v16 =	vld [tilespmem:s4+$0x0]  }
0x420: {  	v18 =	vld [tilespmem:s4+$0x10]  }
0x421: {  	v20 =	vld [tilespmem:s4+$0xFFFFFFC0]  }
0x422: {  	v21 =	vld [tilespmem:s4+$0x20]  }
0x423: {  	s0 =	simm.s32 $0x1B740;
	v10 =	vld.idx.msk [tilespmem:v10+s17+$0x0], $0xffff  }
0x424: {  	v26 =	vld [tilespmem:s0+$0x30]  }
0x425: {  	v29 =	vld [tilespmem:s0+$0xFFFFFFC0];
	v17 =	vand.u32 $0xFFFF, v12  }
0x426: {  	v30 =	vld [tilespmem:s0+$0xFFFFFFD0];
	v19 =	vand.u32 $0xFFFF, v13  }
0x427: {  	v31 =	vld [tilespmem:s0+$0xFFFFFFE0];
	v22 =	vand.u32 $0xFFFF, v14  }
0x428: {  	v32 =	vld [tilespmem:s0+$0xFFFFFFF0];
	v23 =	vand.u32 $0xFFFF, v15  }
0x429: {  	s31 =	simm.s32 $0x0;
	v62 =	vld [tilespmem:s0+$0x10];
	v27 =	vand.u32 $0xFFFF, v20  }
0x42a: {  	v24 =	vand.u32 $0xFFFF, v16;
	v17 =	vld.idx.msk [tilespmem:v17+s31+$0x0], $0xffff  }
0x42b: {  	v25 =	vand.u32 $0xFFFF, v18;
	v19 =	vld.idx.msk [tilespmem:v19+s31+$0x0], $0xffff  }
0x42c: {  	v28 =	vand.u32 $0xFFFF, v21;
	v22 =	vld.idx.msk [tilespmem:v22+s31+$0x0], $0xffff  }
0x42d: {  	v23 =	vld.idx.msk [tilespmem:v23+s31+$0x0], $0xffff  }
0x42e: {  	v27 =	vld.idx.msk [tilespmem:v27+s31+$0x0], $0xffff  }
0x42f: {  	v24 =	vld.idx.msk [tilespmem:v24+s31+$0x0], $0xffff  }
0x430: {  	v25 =	vld.idx.msk [tilespmem:v25+s31+$0x0], $0xffff  }
0x431: {  	v12 =	vshrl.u32 v12, $0x10;
	v10 =	vadd.f32 v10, v11;
	v28 =	vld.idx.msk [tilespmem:v28+s31+$0x0], $0xffff  }
0x432: {  	v20 =	vshrl.u32 v20, $0x10;
	v61 =	vshrl.u32 v13, $0x10;
	v11 =	vmul.f32 v17, v26;
	v17 =	vld [tilespmem:s0+$0x0]  }
0x433: {  	v63 =	vshrl.u32 v14, $0x10;
	v13 =	vmul.f32 v27, v29;
	v14 =	vmul.f32 v19, v30;
	v19 =	vld [tilespmem:s0+$0x20]  }
0x434: {  	v11 =	vmul.f32 v11, v10  }
0x435: {  	v22 =	vmul.f32 v22, v31;
	v13 =	vmul.f32 v13, v10  }
0x436: {  	v14 =	vmul.f32 v14, v10;
	[tilespmem:v12+s23+$0x0] =	vst.idx.add.f32.msk $0xffff, v11;
	v11 =	vshrl.u32 v15, $0x10;
	v15 =	vmul.f32 v23, v32  }
0x437: {  	v12 =	vshrl.u32 v16, $0x10;
	[tilespmem:v20+s23+$0x0] =	vst.idx.add.f32.msk $0xffff, v13;
	v16 =	vmul.f32 v22, v10;
	v20 =	vmul.f32 v24, v17  }
0x438: {  	v13 =	vshrl.u32 v18, $0x10;
	[tilespmem:v61+s23+$0x0] =	vst.idx.add.f32.msk $0xffff, v14;
	v17 =	vmul.f32 v25, v62;
	v18 =	vmul.f32 v28, v19  }
0x439: {  	s1 =	simm.s32 $0x0;
	s2 =	simm.s32 $0x1A7C0;
	v14 =	vshrl.u32 v21, $0x10;
	v15 =	vmul.f32 v15, v10;
	[tilespmem:v63+s23+$0x0] =	vst.idx.add.f32.msk $0xffff, v16;
	v16 =	vmul.f32 v20, v10  }
.LBB2_75:
0x43a: {  	v19 =	vld [tilespmem:s2+$0x30];
	s1 =	sadd.s32 $0x8, s1;
	v17 =	vmul.f32 v17, v10  }
0x43b: {  	v20 =	vld [tilespmem:s2+$0xFFFFFFD0];
	p0 =	slt.u32 s1, $0xF0;
	v18 =	vmul.f32 v18, v10  }
0x43c: {  	v21 =	vld [tilespmem:s2+$0xFFFFFFE0]  }
0x43d: {  	v22 =	vld [tilespmem:s2+$0xFFFFFFF0]  }
0x43e: {  	v23 =	vld [tilespmem:s2+$0x0]  }
0x43f: {  	v24 =	vld [tilespmem:s2+$0x10];
	v25 =	vand.u32 $0xFFFF, v19  }
0x440: {  	v26 =	vshrl.u32 v20, $0x10;
	v20 =	vand.u32 $0xFFFF, v20;
	v27 =	vld [tilespmem:s2+$0x20]  }
0x441: {  	v28 =	vld [tilespmem:s2+$0xFFFFFFC0];
	v29 =	vshrl.u32 v21, $0x10;
	v21 =	vand.u32 $0xFFFF, v21  }
0x442: {  	v30 =	vand.u32 $0xFFFF, v22;
	[tilespmem:v11+s23+$0x0] =	vst.idx.add.f32.msk $0xffff, v15;
	v11 =	vshrl.u32 v22, $0x10  }
0x443: {  	v15 =	vand.u32 $0xFFFF, v23;
	[tilespmem:v12+s23+$0x0] =	vst.idx.add.f32.msk $0xffff, v16;
	v12 =	vshrl.u32 v23, $0x10  }
0x444: {  	s0 =	sadd.s32 $0x80, s0;
	v16 =	vshrl.u32 v24, $0x10;
	v22 =	vand.u32 $0xFFFF, v24;
	v23 =	vld.idx.msk [tilespmem:v25+s31+$0x0], $0xffff  }
0x445: {  	v24 =	vshrl.u32 v27, $0x10;
	v25 =	vand.u32 $0xFFFF, v27;
	v27 =	vld [tilespmem:s0+$0x30]  }
0x446: {  	v31 =	vshrl.u32 v28, $0x10;
	v28 =	vand.u32 $0xFFFF, v28;
	v20 =	vld.idx.msk [tilespmem:v20+s31+$0x0], $0xffff  }
0x447: {  	v21 =	vld.idx.msk [tilespmem:v21+s31+$0x0], $0xffff  }
0x448: {  	v30 =	vld.idx.msk [tilespmem:v30+s31+$0x0], $0xffff  }
0x449: {  	v19 =	vshrl.u32 v19, $0x10;
	v15 =	vld.idx.msk [tilespmem:v15+s31+$0x0], $0xffff  }
0x44a: {  	v22 =	vld.idx.msk [tilespmem:v22+s31+$0x0], $0xffff;
	v23 =	vmul.f32 v23, v27  }
0x44b: {  	v27 =	vld.idx.msk [tilespmem:v28+s31+$0x0], $0xffff  }
0x44c: {  	v25 =	vld.idx.msk [tilespmem:v25+s31+$0x0], $0xffff;
	v23 =	vmul.f32 v23, v10  }
0x44d: {  	v28 =	vld [tilespmem:s0+$0xFFFFFFC0]  }
0x44e: {  	[tilespmem:v19+s23+$0x0] =	vst.idx.add.f32.msk $0xffff, v23  }
0x44f: {  	v19 =	vld [tilespmem:s0+$0xFFFFFFD0]  }
0x450: {  	v23 =	vld [tilespmem:s0+$0xFFFFFFE0]  }
0x451: {  	v32 =	vld [tilespmem:s0+$0xFFFFFFF0]  }
0x452: {  	v27 =	vmul.f32 v27, v28;
	v28 =	vld [tilespmem:s0+$0x0]  }
0x453: {  	v33 =	vld [tilespmem:s0+$0x10]  }
0x454: {  	v27 =	vmul.f32 v27, v10;
	v19 =	vmul.f32 v20, v19;
	v20 =	vld [tilespmem:s0+$0x20]  }
.Ltmp36:
0x455: {  	v21 =	vmul.f32 v21, v23;
	[tilespmem:v13+s23+$0x0] =	vst.idx.add.f32.msk $0xffff, v17;
	v13 =	vmov v16;
	(pc) =	sbr.rel @p0 .LBB2_75-.Ltmp36, $4  }
0x456: {  	[tilespmem:v31+s23+$0x0] =	vst.idx.add.f32.msk $0xffff, v27;
	v16 =	vmul.f32 v19, v10;
	v17 =	vmul.f32 v30, v32  }
0x457: {  	v19 =	vmul.f32 v21, v10;
	v21 =	vmul.f32 v15, v28;
	[tilespmem:v14+s23+$0x0] =	vst.idx.add.f32.msk $0xffff, v18;
	v14 =	vmov v24  }
0x458: {  	[tilespmem:v26+s23+$0x0] =	vst.idx.add.f32.msk $0xffff, v16;
	v15 =	vmul.f32 v17, v10;
	v17 =	vmul.f32 v22, v33  }
0x459: {  	s2 =	sadd.s32 $0x80, s2;
	[tilespmem:v29+s23+$0x0] =	vst.idx.add.f32.msk $0xffff, v19;
	v16 =	vmul.f32 v21, v10;
	v18 =	vmul.f32 v25, v20  }
0x45a: {  	_ =	sdelay $0x3  }
0x45b: {  	v17 =	vmul.f32 v17, v10;
	[tilespmem:v11+s23+$0x0] =	vst.idx.add.f32.msk $0xffff, v15  }
0x45c: {  	v11 =	vmul.f32 v18, v10;
	[tilespmem:v12+s23+$0x0] =	vst.idx.add.f32.msk $0xffff, v16  }
0x45d: {  	[tilespmem:v13+s23+$0x0] =	vst.idx.add.f32.msk $0xffff, v17  }
0x45e: {  	[tilespmem:v14+s23+$0x0] =	vst.idx.add.f32.msk $0xffff, v11  }
.LBB2_77:
0x45f: {  	s0 =	sshra.s32 s31, $0x2  }
0x460: {  	v11 =	vld [tilespmem:s0+$0x1B680];
	_ =	sdelay $0x4  }
0x461: {  	v12 =	vand.u32 $0xFFFF, v11;
	_ =	sdelay $0x3  }
0x462: {  	v13 =	vld [tilespmem:s0+$0x1C680]  }
0x463: {  	v12 =	vld.idx.msk [tilespmem:v12+s3+$0x0], $0xffff;
	_ =	sdelay $0x3  }
0x464: {  	p0 =	sne.s32 s31, $0x40;
	v11 =	vshrl.u32 v11, $0x10  }
.Ltmp37:
0x465: {  	v12 =	vmul.f32 v12, v13;
	(pc) =	sbr.rel @p0 .LBB2_77-.Ltmp37, $3  }
0x466: {  	_ = 	snop  }
0x467: {  	v12 =	vmul.f32 v12, v10;
	_ =	sdelay $0x1  }
0x468: {  	s31 =	sadd.s32 $0x40, s31;
	[tilespmem:v11+s23+$0x0] =	vst.idx.add.f32.msk $0xffff, v12  }
0x469: {  	s30 =	sadd.s32 $0x1, s30  }
0x46a: {  	p0 =	sne.s32 s30, $0xC8  }
.Ltmp38:
0x46b: {  	_ = 	snop;
	(pc) =	sbr.rel @p0 .LBB2_70-.Ltmp38, $1  }
0x46c: {  	_ =	sdelay $0x3  }
0x46d: {  	_ =	sdelay $0x3  }
0x46e: {  	v10 =	vld.idx.msk [tilespmem:v4+s17+$0x0], $0xffff;
	s1 =	simm.s32 $0x40  }
0x46f: {  	v11 =	vld [tilespmem:s1+$0x30]  }
0x470: {  	s0 =	simm.s32 $0xC3C0;
	v12 =	vld [tilespmem:s1+$0xFFFFFFC0]  }
0x471: {  	v13 =	vld [tilespmem:s0+$0x30]  }
0x472: {  	v14 =	vld [tilespmem:s1+$0xFFFFFFD0]  }
0x473: {  	v16 =	vld [tilespmem:s1+$0xFFFFFFE0]  }
0x474: {  	v17 =	vld [tilespmem:s1+$0xFFFFFFF0]  }
0x475: {  	v18 =	vld [tilespmem:s1+$0x0]  }
0x476: {  	v19 =	vld [tilespmem:s1+$0x10]  }
0x477: {  	v21 =	vld [tilespmem:s1+$0x20]  }
0x478: {  	v22 =	vld [tilespmem:s0+$0xFFFFFFD0]  }
0x479: {  	v23 =	vld [tilespmem:s0+$0xFFFFFFE0]  }
0x47a: {  	v15 =	vld [tilespmem:s0+$0xFFFFFFF0];
	v20 =	vmul.f32 v11, v10  }
0x47b: {  	v11 =	vmul.f32 v12, v10;
	v24 =	vmul.f32 v14, v10;
	v12 =	vld [tilespmem:s0+$0x0]  }
0x47c: {  	v26 =	vmul.f32 v16, v10;
	v25 =	vadd.f32 v20, v13;
	v13 =	vld [tilespmem:s0+$0x10]  }
0x47d: {  	v18 =	vmul.f32 v18, v10;
	v16 =	vld [tilespmem:s0+$0x20];
	v20 =	vmul.f32 v17, v10;
	v22 =	vadd.f32 v24, v22  }
0x47e: {  	s2 =	simm.s32 $0x0;
	s4 =	simm.s32 $0xC0;
	s1 =	simm.s32 $0xC3C0;
	v14 =	vmul.f32 v19, v10;
	v19 =	vld [tilespmem:s0+$0xFFFFFFC0];
	v17 =	vmul.f32 v21, v10;
	v21 =	vadd.f32 v26, v23;
	[tilespmem:s0+$0x30] =	vst v25  }
.LBB2_80:
0x47f: {  	v23 =	vld [tilespmem:s4+$0x30];
	s2 =	sadd.s32 $0x8, s2;
	[tilespmem:s0+$0xFFFFFFD0] =	vst v22;
	v15 =	vadd.f32 v20, v15  }
0x480: {  	s0 =	sadd.s32 $0x80, s0;
	v20 =	vld [tilespmem:s4+$0xFFFFFFC0];
	p0 =	slt.u32 s2, $0xC28;
	[tilespmem:s1+$0xFFFFFFE0] =	vst v21;
	v12 =	vadd.f32 v18, v12  }
0x481: {  	v18 =	vld [tilespmem:s0+$0x30];
	[tilespmem:s1+$0xFFFFFFF0] =	vst v15;
	v13 =	vadd.f32 v14, v13  }
0x482: {  	v14 =	vld [tilespmem:s4+$0xFFFFFFD0];
	[tilespmem:s1+$0x0] =	vst v12;
	v12 =	vadd.f32 v17, v16  }
0x483: {  	v15 =	vld [tilespmem:s4+$0xFFFFFFE0];
	v16 =	vadd.f32 v11, v19;
	[tilespmem:s1+$0x10] =	vst v13  }
0x484: {  	v13 =	vld [tilespmem:s4+$0xFFFFFFF0];
	v17 =	vmul.f32 v23, v10;
	[tilespmem:s1+$0x20] =	vst v12  }
0x485: {  	v11 =	vmul.f32 v20, v10;
	v12 =	vld [tilespmem:s4+$0x0];
	[tilespmem:s1+$0xFFFFFFC0] =	vst v16;
	s1 =	smov.u32 s0  }
0x486: {  	v16 =	vld [tilespmem:s4+$0x10];
	v17 =	vadd.f32 v17, v18  }
0x487: {  	v19 =	vmul.f32 v14, v10;
	v21 =	vld [tilespmem:s4+$0x20]  }
0x488: {  	s29 =	simm.s32 $0x0;
	v22 =	vld [tilespmem:s0+$0xFFFFFFD0];
	v23 =	vmul.f32 v15, v10;
	[tilespmem:s0+$0x30] =	vst v17  }
0x489: {  	v24 =	vld [tilespmem:s0+$0xFFFFFFE0];
	v20 =	vmul.f32 v13, v10  }
.Ltmp39:
0x48a: {  	v15 =	vld [tilespmem:s0+$0xFFFFFFF0];
	v18 =	vmul.f32 v12, v10;
	(pc) =	sbr.rel @p0 .LBB2_80-.Ltmp39, $4  }
0x48b: {  	v12 =	vld [tilespmem:s0+$0x0];
	v14 =	vmul.f32 v16, v10  }
0x48c: {  	v13 =	vld [tilespmem:s0+$0x10];
	v17 =	vmul.f32 v21, v10  }
0x48d: {  	v22 =	vadd.f32 v19, v22;
	v16 =	vld [tilespmem:s0+$0x20]  }
0x48e: {  	s4 =	sadd.s32 $0x80, s4;
	v19 =	vld [tilespmem:s0+$0xFFFFFFC0];
	v21 =	vadd.f32 v23, v24  }
0x48f: {  	[tilespmem:s0+$0xFFFFFFD0] =	vst v22;
	v15 =	vadd.f32 v20, v15  }
0x490: {  	[tilespmem:s1+$0xFFFFFFE0] =	vst v21;
	v12 =	vadd.f32 v18, v12  }
0x491: {  	[tilespmem:s1+$0xFFFFFFF0] =	vst v15;
	v13 =	vadd.f32 v14, v13  }
0x492: {  	[tilespmem:s1+$0x0] =	vst v12;
	v63 =	vadd.f32 v17, v16  }
0x493: {  	v11 =	vadd.f32 v11, v19;
	[tilespmem:s1+$0x10] =	vst v13  }
0x494: {  	[tilespmem:s1+$0x20] =	vst v63  }
0x495: {  	[tilespmem:s1+$0xFFFFFFC0] =	vst v11  }
.LBB2_82:
0x496: {  	s0 =	sshra.s32 s29, $0x2  }
0x497: {  	v11 =	vld [tilespmem:s0+$0xC300];
	_ =	sdelay $0x1  }
0x498: {  	v12 =	vld [tilespmem:s0+$0x18680];
	_ =	sdelay $0x1  }
0x499: {  	p0 =	sne.s32 s29, $0x100  }
.Ltmp40:
0x49a: {  	v11 =	vmul.f32 v11, v10;
	(pc) =	sbr.rel @p0 .LBB2_82-.Ltmp40, $3  }
0x49b: {  	_ = 	snop  }
0x49c: {  	v11 =	vadd.f32 v11, v12;
	_ =	sdelay $0x1  }
0x49d: {  	s29 =	sadd.s32 $0x40, s29;
	[tilespmem:s0+$0x18680] =	vst v11  }
0x49e: {  	s0 =	simm.s32 $0x40  }
0x49f: {  	[tilespmem:s0+$0xFFFFFFC0] =	vst v2  }
0x4a0: {  	[tilespmem:s0+$0x30] =	vst v2  }
0x4a1: {  	[tilespmem:s0+$0x20] =	vst v2  }
0x4a2: {  	[tilespmem:s0+$0x10] =	vst v2  }
0x4a3: {  	[tilespmem:s0+$0x0] =	vst v2  }
0x4a4: {  	[tilespmem:s0+$0xFFFFFFF0] =	vst v2  }
0x4a5: {  	s1 =	simm.s32 $0x0;
	[tilespmem:s0+$0xFFFFFFE0] =	vst v2  }
.LBB2_84:
0x4a6: {  	s1 =	sadd.s32 $0x8, s1;
	[tilespmem:s0+$0xFFFFFFD0] =	vst v2;
	s0 =	sadd.s32 $0x80, s0  }
0x4a7: {  	[tilespmem:s0+$0xFFFFFFC0] =	vst v2;
	p0 =	slt.u32 s1, $0xC28  }
0x4a8: {  	[tilespmem:s0+$0x30] =	vst v2  }
.Ltmp41:
0x4a9: {  	[tilespmem:s0+$0x20] =	vst v2;
	(pc) =	sbr.rel @p0 .LBB2_84-.Ltmp41, $4  }
0x4aa: {  	[tilespmem:s0+$0x10] =	vst v2  }
0x4ab: {  	[tilespmem:s0+$0x0] =	vst v2  }
0x4ac: {  	[tilespmem:s0+$0xFFFFFFF0] =	vst v2  }
0x4ad: {  	[tilespmem:s0+$0xFFFFFFE0] =	vst v2  }
0x4ae: {  	[tilespmem:s0+$0xFFFFFFD0] =	vst v2;
	s0 =	simm.s32 $0x0  }
.LBB2_86:
0x4af: {  	p0 =	sne.s32 s0, $0x100  }
.Ltmp42:
0x4b0: {  	_ = 	snop;
	(pc) =	sbr.rel @p0 .LBB2_86-.Ltmp42, $3  }
0x4b1: {  	_ =	sdelay $0x1  }
0x4b2: {  	s1 =	sshra.s32 s0, $0x2  }
0x4b3: {  	s0 =	sadd.s32 $0x40, s0;
	[tilespmem:s1+$0xC300] =	vst v2  }
0x4b4: {  	s29 =	simm.s32 $0x0  }
0x4b5: {  	[tilespmem:s18], [sflag:$0x1] =	stream.linear.gather [hbm4b:s5+s29], $0xFA0, $0x38;
	[tilespmem:$0x1CB00] =	vst v63  }
0x4b6: {  	s30 =	simm.s32 $0x0  }
0x4b7: {  	[tilespmem:s19], [sflag:$0x1] =	stream.linear.gather [hbm4b:s6+s29], $0xFA0, $0x38;
	[tilespmem:$0x1CB00] =	vst v63  }
.LBB2_88:
0x4b8: {  	s0 =	smul.u32 $0x3E8, s30;
	_ =	sdelay $0x1  }
0x4b9: {  	s0 =	sadd.s32 $0x1F4, s0  }
0x4ba: {  	s4 =	smul.u32 $0x29, s30;
	s1 =	sadd.s32 s5, s0  }
0x4bb: {  	[tilespmem:s20], [sflag:$0x2] =	stream.linear.gather [hbm4b:s1+s3], $0xFA0, $0x38;
	[tilespmem:$0x1CB00] =	vst v63  }
0x4bc: {  	s2 =	sshrl.u32 s4, $0xA;
	s0 =	sadd.s32 s6, s0  }
0x4bd: {  	[tilespmem:s21], [sflag:$0x2] =	stream.linear.gather [hbm4b:s0+s3], $0xFA0, $0x38;
	[tilespmem:$0x1CB00] =	vst v63  }
0x4be: {  	s0 =	sand.u32 $0x3F, s2;
	_ =	swait.ge [sflag:s22], $0xFA0  }
0x4bf: {  	v10 =	vmov s0;
	[sflag:s22] =	ssyncset.done $0x0  }
0x4c0: {  	v11 =	vadd.s32 $0x11, v10;
	[sflag:s22] =	ssyncadd.s32 $0xFFFFF060  }
0x4c1: {  	_ =	swait.ge [sflag:s22], $0xFA0  }
0x4c2: {  	[sflag:s22] =	ssyncset.done $0x0  }
0x4c3: {  	s4 =	simm.s32 $0x18740;
	[sflag:s22] =	ssyncadd.s32 $0xFFFFF060  }
0x4c4: {  	v12 =	vld [tilespmem:s4+$0x30]  }
0x4c5: {  	v13 =	vld.idx.msk [tilespmem:v11+s17+$0x0], $0xffff  }
0x4c6: {  	v14 =	vld [tilespmem:s4+$0xFFFFFFD0]  }
0x4c7: {  	v15 =	vld [tilespmem:s4+$0xFFFFFFE0]  }
0x4c8: {  	v10 =	vadd.s32 $0x19, v10;
	v16 =	vld [tilespmem:s4+$0xFFFFFFF0]  }
0x4c9: {  	v17 =	vld [tilespmem:s4+$0x0]  }
0x4ca: {  	v19 =	vld [tilespmem:s4+$0x10]  }
0x4cb: {  	v21 =	vld [tilespmem:s4+$0xFFFFFFC0]  }
0x4cc: {  	v22 =	vld [tilespmem:s4+$0x20]  }
0x4cd: {  	s31 =	simm.s32 $0x19740;
	v24 =	vld.idx.msk [tilespmem:v10+s17+$0x0], $0xffff  }
0x4ce: {  	v28 =	vld [tilespmem:s31+$0x30]  }
0x4cf: {  	v31 =	vld [tilespmem:s31+$0xFFFFFFC0];
	v18 =	vand.u32 $0xFFFF, v12  }
0x4d0: {  	v32 =	vld [tilespmem:s31+$0xFFFFFFD0];
	v20 =	vand.u32 $0xFFFF, v14  }
0x4d1: {  	v33 =	vld [tilespmem:s31+$0xFFFFFFE0];
	v23 =	vand.u32 $0xFFFF, v15  }
0x4d2: {  	v35 =	vld [tilespmem:s31+$0xFFFFFFF0];
	v29 =	vand.u32 $0xFFFF, v21  }
0x4d3: {  	v62 =	vld [tilespmem:s31+$0x10];
	v25 =	vand.u32 $0xFFFF, v16  }
0x4d4: {  	v26 =	vand.u32 $0xFFFF, v17;
	v18 =	vld.idx.msk [tilespmem:v18+s23+$0x0], $0xffff  }
0x4d5: {  	v27 =	vand.u32 $0xFFFF, v19;
	v20 =	vld.idx.msk [tilespmem:v20+s23+$0x0], $0xffff  }
0x4d6: {  	v23 =	vld.idx.msk [tilespmem:v23+s23+$0x0], $0xffff  }
0x4d7: {  	v30 =	vand.u32 $0xFFFF, v22;
	v29 =	vld.idx.msk [tilespmem:v29+s23+$0x0], $0xffff  }
0x4d8: {  	v25 =	vld.idx.msk [tilespmem:v25+s23+$0x0], $0xffff  }
0x4d9: {  	v26 =	vld.idx.msk [tilespmem:v26+s23+$0x0], $0xffff  }
0x4da: {  	v34 =	vshrl.u32 v12, $0x10;
	v27 =	vld.idx.msk [tilespmem:v27+s23+$0x0], $0xffff  }
0x4db: {  	v12 =	vadd.f32 v24, v13;
	v21 =	vshrl.u32 v21, $0x10;
	v13 =	vmul.f32 v18, v28;
	v18 =	vld [tilespmem:s31+$0x0]  }
0x4dc: {  	v61 =	vshrl.u32 v14, $0x10;
	v30 =	vld.idx.msk [tilespmem:v30+s23+$0x0], $0xffff;
	v14 =	vmul.f32 v29, v31  }
0x4dd: {  	v63 =	vshrl.u32 v15, $0x10;
	v15 =	vmul.f32 v20, v32;
	v20 =	vld [tilespmem:s31+$0x20];
	v13 =	vmul.f32 v13, v12  }
0x4de: {  	v23 =	vmul.f32 v23, v33;
	v31 =	vmul.f32 v14, v12  }
0x4df: {  	v25 =	vmul.f32 v25, v35;
	[tilespmem:v34+s29+$0x0] =	vst.idx.add.f32.msk $0xffff, v13;
	v13 =	vshrl.u32 v16, $0x10;
	v16 =	vmul.f32 v15, v12  }
0x4e0: {  	v14 =	vshrl.u32 v17, $0x10;
	[tilespmem:v21+s29+$0x0] =	vst.idx.add.f32.msk $0xffff, v31;
	v21 =	vmul.f32 v23, v12;
	v18 =	vmul.f32 v26, v18  }
0x4e1: {  	v17 =	vmul.f32 v25, v12;
	v15 =	vshrl.u32 v19, $0x10;
	v19 =	vmul.f32 v27, v62;
	[tilespmem:v61+s29+$0x0] =	vst.idx.add.f32.msk $0xffff, v16  }
0x4e2: {  	s1 =	simm.s32 $0x187C0;
	s0 =	simm.s32 $0x0;
	s4 =	simm.s32 $0x0;
	v20 =	vmul.f32 v30, v20;
	v16 =	vshrl.u32 v22, $0x10;
	[tilespmem:v63+s29+$0x0] =	vst.idx.add.f32.msk $0xffff, v21;
	v18 =	vmul.f32 v18, v12  }
.LBB2_89:
0x4e3: {  	v21 =	vld [tilespmem:s1+$0x30];
	s0 =	sadd.s32 $0x8, s0;
	v19 =	vmul.f32 v19, v12  }
0x4e4: {  	v22 =	vld [tilespmem:s1+$0xFFFFFFD0];
	p0 =	slt.u32 s0, $0xF0;
	v20 =	vmul.f32 v20, v12  }
0x4e5: {  	v23 =	vld [tilespmem:s1+$0xFFFFFFE0]  }
0x4e6: {  	v24 =	vld [tilespmem:s1+$0xFFFFFFF0]  }
0x4e7: {  	v25 =	vld [tilespmem:s1+$0x0]  }
0x4e8: {  	v26 =	vld [tilespmem:s1+$0x10];
	v27 =	vand.u32 $0xFFFF, v21  }
0x4e9: {  	v28 =	vshrl.u32 v22, $0x10;
	v22 =	vand.u32 $0xFFFF, v22;
	v29 =	vld [tilespmem:s1+$0x20]  }
0x4ea: {  	v30 =	vld [tilespmem:s1+$0xFFFFFFC0];
	v31 =	vshrl.u32 v23, $0x10;
	v23 =	vand.u32 $0xFFFF, v23  }
0x4eb: {  	v32 =	vand.u32 $0xFFFF, v24;
	[tilespmem:v13+s4+$0x0] =	vst.idx.add.f32.msk $0xffff, v17;
	v13 =	vshrl.u32 v24, $0x10  }
0x4ec: {  	v17 =	vand.u32 $0xFFFF, v25;
	[tilespmem:v14+s4+$0x0] =	vst.idx.add.f32.msk $0xffff, v18;
	v14 =	vshrl.u32 v25, $0x10  }
0x4ed: {  	s31 =	sadd.s32 $0x80, s31;
	v18 =	vshrl.u32 v26, $0x10;
	v24 =	vand.u32 $0xFFFF, v26;
	v25 =	vld.idx.msk [tilespmem:v27+s23+$0x0], $0xffff  }
0x4ee: {  	v26 =	vshrl.u32 v29, $0x10;
	v27 =	vand.u32 $0xFFFF, v29;
	v29 =	vld [tilespmem:s31+$0x30]  }
0x4ef: {  	v33 =	vshrl.u32 v30, $0x10;
	v30 =	vand.u32 $0xFFFF, v30;
	v22 =	vld.idx.msk [tilespmem:v22+s23+$0x0], $0xffff  }
0x4f0: {  	v23 =	vld.idx.msk [tilespmem:v23+s23+$0x0], $0xffff  }
0x4f1: {  	v32 =	vld.idx.msk [tilespmem:v32+s23+$0x0], $0xffff  }
0x4f2: {  	v21 =	vshrl.u32 v21, $0x10;
	v17 =	vld.idx.msk [tilespmem:v17+s23+$0x0], $0xffff  }
0x4f3: {  	v24 =	vld.idx.msk [tilespmem:v24+s23+$0x0], $0xffff;
	v25 =	vmul.f32 v25, v29  }
0x4f4: {  	v29 =	vld.idx.msk [tilespmem:v30+s23+$0x0], $0xffff  }
0x4f5: {  	v27 =	vld.idx.msk [tilespmem:v27+s23+$0x0], $0xffff;
	v25 =	vmul.f32 v25, v12  }
0x4f6: {  	s2 =	simm.s32 $0x0;
	v30 =	vld [tilespmem:s31+$0xFFFFFFC0]  }
0x4f7: {  	[tilespmem:v21+s2+$0x0] =	vst.idx.add.f32.msk $0xffff, v25  }
0x4f8: {  	v21 =	vld [tilespmem:s31+$0xFFFFFFD0]  }
0x4f9: {  	v25 =	vld [tilespmem:s31+$0xFFFFFFE0]  }
0x4fa: {  	v34 =	vld [tilespmem:s31+$0xFFFFFFF0]  }
0x4fb: {  	v29 =	vmul.f32 v29, v30;
	v30 =	vld [tilespmem:s31+$0x0]  }
0x4fc: {  	v35 =	vld [tilespmem:s31+$0x10]  }
0x4fd: {  	v29 =	vmul.f32 v29, v12;
	v21 =	vmul.f32 v22, v21;
	v22 =	vld [tilespmem:s31+$0x20]  }
.Ltmp43:
0x4fe: {  	v23 =	vmul.f32 v23, v25;
	[tilespmem:v15+s4+$0x0] =	vst.idx.add.f32.msk $0xffff, v19;
	v15 =	vmov v18;
	(pc) =	sbr.rel @p0 .LBB2_89-.Ltmp43, $4  }
0x4ff: {  	[tilespmem:v33+s2+$0x0] =	vst.idx.add.f32.msk $0xffff, v29;
	v18 =	vmul.f32 v21, v12;
	v19 =	vmul.f32 v32, v34  }
0x500: {  	v21 =	vmul.f32 v23, v12;
	v23 =	vmul.f32 v17, v30;
	[tilespmem:v16+s4+$0x0] =	vst.idx.add.f32.msk $0xffff, v20;
	v16 =	vmov v26;
	s4 =	smov.u32 s2  }
0x501: {  	[tilespmem:v28+s4+$0x0] =	vst.idx.add.f32.msk $0xffff, v18;
	v17 =	vmul.f32 v19, v12;
	v19 =	vmul.f32 v24, v35  }
0x502: {  	s1 =	sadd.s32 $0x80, s1;
	[tilespmem:v31+s4+$0x0] =	vst.idx.add.f32.msk $0xffff, v21;
	v18 =	vmul.f32 v23, v12;
	v20 =	vmul.f32 v27, v22  }
0x503: {  	_ =	sdelay $0x3  }
0x504: {  	v19 =	vmul.f32 v19, v12;
	[tilespmem:v13+s4+$0x0] =	vst.idx.add.f32.msk $0xffff, v17  }
0x505: {  	v13 =	vmul.f32 v20, v12;
	[tilespmem:v14+s4+$0x0] =	vst.idx.add.f32.msk $0xffff, v18  }
0x506: {  	[tilespmem:v15+s4+$0x0] =	vst.idx.add.f32.msk $0xffff, v19  }
0x507: {  	[tilespmem:v16+s4+$0x0] =	vst.idx.add.f32.msk $0xffff, v13  }
.LBB2_91:
0x508: {  	s0 =	sshra.s32 s2, $0x2  }
0x509: {  	v13 =	vld [tilespmem:s0+$0x19680];
	_ =	sdelay $0x4  }
0x50a: {  	v14 =	vand.u32 $0xFFFF, v13;
	_ =	sdelay $0x3  }
0x50b: {  	v15 =	vld [tilespmem:s0+$0x1A680]  }
0x50c: {  	v14 =	vld.idx.msk [tilespmem:v14+s23+$0x0], $0xffff;
	_ =	sdelay $0x3  }
0x50d: {  	p0 =	sne.s32 s2, $0x40;
	v13 =	vshrl.u32 v13, $0x10  }
.Ltmp44:
0x50e: {  	v14 =	vmul.f32 v14, v15;
	(pc) =	sbr.rel @p0 .LBB2_91-.Ltmp44, $3  }
0x50f: {  	_ = 	snop  }
0x510: {  	v14 =	vmul.f32 v14, v12;
	_ =	sdelay $0x1  }
0x511: {  	s2 =	sadd.s32 $0x40, s2;
	[tilespmem:v13+s3+$0x0] =	vst.idx.add.f32.msk $0xffff, v14  }
0x512: {  	p0 =	seq.s32 s30, $0xC7  }
0x513: {  	s0 =	smul.u32 @!p0 $0x1F40, s30;
	_ =	sdelay $0x1  }
0x514: {  	s0 =	sshrl.u32 @!p0 s0, $0x3  }
0x515: {  	s0 =	sadd.s32 @!p0 $0x3E8, s0  }
0x516: {  	s2 =	simm.s32 @!p0 $0x0;
	s4 =	simm.s32 @!p0 $0x18700;
	s1 =	sadd.s32 @!p0 s5, s0  }
0x517: {  	[tilespmem:s4], [sflag:$0x1] =	stream.linear.gather @!p0 [hbm4b:s1+s2], $0xFA0, $0x38;
	[tilespmem:$0x1CB00] =	vst v63  }
0x518: {  	s0 =	sadd.s32 @!p0 s6, s0;
	s1 =	simm.s32 @!p0 $0x19700  }
0x519: {  	[tilespmem:s1], [sflag:$0x1] =	stream.linear.gather @!p0 [hbm4b:s0+s2], $0xFA0, $0x38;
	[tilespmem:$0x1CB00] =	vst v63  }
0x51a: {  	_ =	swait.ge [sflag:s24], $0xFA0  }
0x51b: {  	[sflag:s24] =	ssyncset.done $0x0  }
0x51c: {  	[sflag:s24] =	ssyncadd.s32 $0xFFFFF060  }
0x51d: {  	_ =	swait.ge [sflag:s24], $0xFA0  }
0x51e: {  	[sflag:s24] =	ssyncset.done $0x0  }
0x51f: {  	s4 =	simm.s32 $0x1A740;
	[sflag:s24] =	ssyncadd.s32 $0xFFFFF060  }
0x520: {  	v12 =	vld [tilespmem:s4+$0x30]  }
0x521: {  	v11 =	vld.idx.msk [tilespmem:v11+s17+$0x0], $0xffff  }
0x522: {  	v13 =	vld [tilespmem:s4+$0xFFFFFFD0]  }
0x523: {  	v14 =	vld [tilespmem:s4+$0xFFFFFFE0]  }
0x524: {  	v15 =	vld [tilespmem:s4+$0xFFFFFFF0]  }
0x525: {  	v16 =	vld [tilespmem:s4+$0x0]  }
0x526: {  	v18 =	vld [tilespmem:s4+$0x10]  }
0x527: {  	v20 =	vld [tilespmem:s4+$0xFFFFFFC0]  }
0x528: {  	v21 =	vld [tilespmem:s4+$0x20]  }
0x529: {  	s31 =	simm.s32 $0x1B740;
	v10 =	vld.idx.msk [tilespmem:v10+s17+$0x0], $0xffff  }
0x52a: {  	v26 =	vld [tilespmem:s31+$0x30]  }
0x52b: {  	v29 =	vld [tilespmem:s31+$0xFFFFFFC0];
	v17 =	vand.u32 $0xFFFF, v12  }
0x52c: {  	v30 =	vld [tilespmem:s31+$0xFFFFFFD0];
	v19 =	vand.u32 $0xFFFF, v13  }
0x52d: {  	v31 =	vld [tilespmem:s31+$0xFFFFFFE0];
	v22 =	vand.u32 $0xFFFF, v14  }
0x52e: {  	v32 =	vld [tilespmem:s31+$0xFFFFFFF0];
	v23 =	vand.u32 $0xFFFF, v15  }
0x52f: {  	v62 =	vld [tilespmem:s31+$0x10];
	v27 =	vand.u32 $0xFFFF, v20  }
0x530: {  	v24 =	vand.u32 $0xFFFF, v16;
	v17 =	vld.idx.msk [tilespmem:v17+s23+$0x0], $0xffff  }
0x531: {  	v25 =	vand.u32 $0xFFFF, v18;
	v19 =	vld.idx.msk [tilespmem:v19+s23+$0x0], $0xffff  }
0x532: {  	v28 =	vand.u32 $0xFFFF, v21;
	v22 =	vld.idx.msk [tilespmem:v22+s23+$0x0], $0xffff  }
0x533: {  	v23 =	vld.idx.msk [tilespmem:v23+s23+$0x0], $0xffff  }
0x534: {  	v27 =	vld.idx.msk [tilespmem:v27+s23+$0x0], $0xffff  }
0x535: {  	v24 =	vld.idx.msk [tilespmem:v24+s23+$0x0], $0xffff  }
0x536: {  	v25 =	vld.idx.msk [tilespmem:v25+s23+$0x0], $0xffff  }
0x537: {  	v12 =	vshrl.u32 v12, $0x10;
	v10 =	vadd.f32 v10, v11;
	v28 =	vld.idx.msk [tilespmem:v28+s23+$0x0], $0xffff  }
0x538: {  	v20 =	vshrl.u32 v20, $0x10;
	v61 =	vshrl.u32 v13, $0x10;
	v11 =	vmul.f32 v17, v26;
	v17 =	vld [tilespmem:s31+$0x0]  }
0x539: {  	v63 =	vshrl.u32 v14, $0x10;
	v13 =	vmul.f32 v27, v29;
	v14 =	vmul.f32 v19, v30;
	v19 =	vld [tilespmem:s31+$0x20]  }
0x53a: {  	v11 =	vmul.f32 v11, v10  }
0x53b: {  	s0 =	simm.s32 $0x0;
	v22 =	vmul.f32 v22, v31;
	v13 =	vmul.f32 v13, v10  }
0x53c: {  	v14 =	vmul.f32 v14, v10;
	[tilespmem:v12+s0+$0x0] =	vst.idx.add.f32.msk $0xffff, v11;
	v11 =	vshrl.u32 v15, $0x10;
	v15 =	vmul.f32 v23, v32  }
0x53d: {  	v12 =	vshrl.u32 v16, $0x10;
	[tilespmem:v20+s0+$0x0] =	vst.idx.add.f32.msk $0xffff, v13;
	v16 =	vmul.f32 v22, v10;
	v20 =	vmul.f32 v24, v17  }
0x53e: {  	v13 =	vshrl.u32 v18, $0x10;
	[tilespmem:v61+s0+$0x0] =	vst.idx.add.f32.msk $0xffff, v14;
	v17 =	vmul.f32 v25, v62;
	v18 =	vmul.f32 v28, v19  }
0x53f: {  	s2 =	simm.s32 $0x1A7C0;
	s1 =	simm.s32 $0x0;
	s4 =	simm.s32 $0x0;
	v14 =	vshrl.u32 v21, $0x10;
	v15 =	vmul.f32 v15, v10;
	[tilespmem:v63+s0+$0x0] =	vst.idx.add.f32.msk $0xffff, v16;
	v16 =	vmul.f32 v20, v10  }
.LBB2_93:
0x540: {  	v19 =	vld [tilespmem:s2+$0x30];
	s4 =	sadd.s32 $0x8, s4;
	v17 =	vmul.f32 v17, v10  }
0x541: {  	v20 =	vld [tilespmem:s2+$0xFFFFFFD0];
	p0 =	slt.u32 s4, $0xF0;
	v18 =	vmul.f32 v18, v10  }
0x542: {  	v21 =	vld [tilespmem:s2+$0xFFFFFFE0]  }
0x543: {  	v22 =	vld [tilespmem:s2+$0xFFFFFFF0]  }
0x544: {  	v23 =	vld [tilespmem:s2+$0x0]  }
0x545: {  	v24 =	vld [tilespmem:s2+$0x10];
	v25 =	vand.u32 $0xFFFF, v19  }
0x546: {  	v26 =	vshrl.u32 v20, $0x10;
	v20 =	vand.u32 $0xFFFF, v20;
	v27 =	vld [tilespmem:s2+$0x20]  }
0x547: {  	v28 =	vld [tilespmem:s2+$0xFFFFFFC0];
	v29 =	vshrl.u32 v21, $0x10;
	v21 =	vand.u32 $0xFFFF, v21  }
0x548: {  	v30 =	vand.u32 $0xFFFF, v22;
	[tilespmem:v11+s1+$0x0] =	vst.idx.add.f32.msk $0xffff, v15;
	v11 =	vshrl.u32 v22, $0x10  }
0x549: {  	v15 =	vand.u32 $0xFFFF, v23;
	[tilespmem:v12+s1+$0x0] =	vst.idx.add.f32.msk $0xffff, v16;
	v12 =	vshrl.u32 v23, $0x10  }
0x54a: {  	s31 =	sadd.s32 $0x80, s31;
	v16 =	vshrl.u32 v24, $0x10;
	v22 =	vand.u32 $0xFFFF, v24;
	v23 =	vld.idx.msk [tilespmem:v25+s23+$0x0], $0xffff  }
0x54b: {  	v24 =	vshrl.u32 v27, $0x10;
	v25 =	vand.u32 $0xFFFF, v27;
	v27 =	vld [tilespmem:s31+$0x30]  }
0x54c: {  	v31 =	vshrl.u32 v28, $0x10;
	v28 =	vand.u32 $0xFFFF, v28;
	v20 =	vld.idx.msk [tilespmem:v20+s23+$0x0], $0xffff  }
0x54d: {  	v21 =	vld.idx.msk [tilespmem:v21+s23+$0x0], $0xffff  }
0x54e: {  	v30 =	vld.idx.msk [tilespmem:v30+s23+$0x0], $0xffff  }
0x54f: {  	v19 =	vshrl.u32 v19, $0x10;
	v15 =	vld.idx.msk [tilespmem:v15+s23+$0x0], $0xffff  }
0x550: {  	v22 =	vld.idx.msk [tilespmem:v22+s23+$0x0], $0xffff;
	v23 =	vmul.f32 v23, v27  }
0x551: {  	v27 =	vld.idx.msk [tilespmem:v28+s23+$0x0], $0xffff  }
0x552: {  	v25 =	vld.idx.msk [tilespmem:v25+s23+$0x0], $0xffff;
	v23 =	vmul.f32 v23, v10  }
0x553: {  	v28 =	vld [tilespmem:s31+$0xFFFFFFC0]  }
0x554: {  	[tilespmem:v19+s0+$0x0] =	vst.idx.add.f32.msk $0xffff, v23  }
0x555: {  	v19 =	vld [tilespmem:s31+$0xFFFFFFD0]  }
0x556: {  	v23 =	vld [tilespmem:s31+$0xFFFFFFE0]  }
0x557: {  	v32 =	vld [tilespmem:s31+$0xFFFFFFF0]  }
0x558: {  	v27 =	vmul.f32 v27, v28;
	v28 =	vld [tilespmem:s31+$0x0]  }
0x559: {  	v33 =	vld [tilespmem:s31+$0x10]  }
0x55a: {  	v27 =	vmul.f32 v27, v10;
	v19 =	vmul.f32 v20, v19;
	v20 =	vld [tilespmem:s31+$0x20]  }
.Ltmp45:
0x55b: {  	v21 =	vmul.f32 v21, v23;
	[tilespmem:v13+s1+$0x0] =	vst.idx.add.f32.msk $0xffff, v17;
	v13 =	vmov v16;
	(pc) =	sbr.rel @p0 .LBB2_93-.Ltmp45, $4  }
0x55c: {  	[tilespmem:v31+s0+$0x0] =	vst.idx.add.f32.msk $0xffff, v27;
	v16 =	vmul.f32 v19, v10;
	v17 =	vmul.f32 v30, v32  }
0x55d: {  	v19 =	vmul.f32 v21, v10;
	v21 =	vmul.f32 v15, v28;
	[tilespmem:v14+s1+$0x0] =	vst.idx.add.f32.msk $0xffff, v18;
	v14 =	vmov v24;
	s1 =	smov.u32 s0  }
0x55e: {  	[tilespmem:v26+s1+$0x0] =	vst.idx.add.f32.msk $0xffff, v16;
	v15 =	vmul.f32 v17, v10;
	v17 =	vmul.f32 v22, v33  }
0x55f: {  	s2 =	sadd.s32 $0x80, s2;
	[tilespmem:v29+s1+$0x0] =	vst.idx.add.f32.msk $0xffff, v19;
	v16 =	vmul.f32 v21, v10;
	v18 =	vmul.f32 v25, v20  }
0x560: {  	_ =	sdelay $0x3  }
0x561: {  	v17 =	vmul.f32 v17, v10;
	[tilespmem:v11+s1+$0x0] =	vst.idx.add.f32.msk $0xffff, v15  }
0x562: {  	v11 =	vmul.f32 v18, v10;
	[tilespmem:v12+s1+$0x0] =	vst.idx.add.f32.msk $0xffff, v16  }
0x563: {  	[tilespmem:v13+s1+$0x0] =	vst.idx.add.f32.msk $0xffff, v17  }
0x564: {  	[tilespmem:v14+s1+$0x0] =	vst.idx.add.f32.msk $0xffff, v11  }
.LBB2_95:
0x565: {  	s1 =	sshra.s32 s0, $0x2  }
0x566: {  	v11 =	vld [tilespmem:s1+$0x1B680];
	_ =	sdelay $0x4  }
0x567: {  	v12 =	vand.u32 $0xFFFF, v11;
	_ =	sdelay $0x3  }
0x568: {  	v13 =	vld [tilespmem:s1+$0x1C680]  }
0x569: {  	v12 =	vld.idx.msk [tilespmem:v12+s23+$0x0], $0xffff;
	_ =	sdelay $0x3  }
0x56a: {  	p0 =	sne.s32 s0, $0x40;
	v11 =	vshrl.u32 v11, $0x10  }
.Ltmp46:
0x56b: {  	v12 =	vmul.f32 v12, v13;
	(pc) =	sbr.rel @p0 .LBB2_95-.Ltmp46, $3  }
0x56c: {  	_ = 	snop  }
0x56d: {  	v12 =	vmul.f32 v12, v10;
	_ =	sdelay $0x1  }
0x56e: {  	s0 =	sadd.s32 $0x40, s0;
	[tilespmem:v11+s3+$0x0] =	vst.idx.add.f32.msk $0xffff, v12  }
0x56f: {  	s30 =	sadd.s32 $0x1, s30  }
0x570: {  	p0 =	sne.s32 s30, $0xC8  }
.Ltmp47:
0x571: {  	_ = 	snop;
	(pc) =	sbr.rel @p0 .LBB2_88-.Ltmp47, $1  }
0x572: {  	_ =	sdelay $0x3  }
0x573: {  	_ =	sdelay $0x3  }
0x574: {  	v10 =	vld.idx.msk [tilespmem:v5+s17+$0x0], $0xffff;
	s1 =	simm.s32 $0xC3C0  }
0x575: {  	v11 =	vld [tilespmem:s1+$0x30]  }
0x576: {  	s0 =	simm.s32 $0x40;
	v12 =	vld [tilespmem:s1+$0xFFFFFFC0]  }
0x577: {  	v13 =	vld [tilespmem:s0+$0x30]  }
0x578: {  	v14 =	vld [tilespmem:s1+$0xFFFFFFD0]  }
0x579: {  	v16 =	vld [tilespmem:s1+$0xFFFFFFE0]  }
0x57a: {  	v17 =	vld [tilespmem:s1+$0xFFFFFFF0]  }
0x57b: {  	v18 =	vld [tilespmem:s1+$0x0]  }
0x57c: {  	v19 =	vld [tilespmem:s1+$0x10]  }
0x57d: {  	v21 =	vld [tilespmem:s1+$0x20]  }
0x57e: {  	v22 =	vld [tilespmem:s0+$0xFFFFFFD0]  }
0x57f: {  	v23 =	vld [tilespmem:s0+$0xFFFFFFE0]  }
0x580: {  	v15 =	vld [tilespmem:s0+$0xFFFFFFF0];
	v20 =	vmul.f32 v11, v10  }
0x581: {  	v11 =	vmul.f32 v12, v10;
	v24 =	vmul.f32 v14, v10;
	v12 =	vld [tilespmem:s0+$0x0]  }
0x582: {  	v26 =	vmul.f32 v16, v10;
	v25 =	vadd.f32 v20, v13;
	v13 =	vld [tilespmem:s0+$0x10]  }
0x583: {  	v18 =	vmul.f32 v18, v10;
	v16 =	vld [tilespmem:s0+$0x20];
	v20 =	vmul.f32 v17, v10;
	v22 =	vadd.f32 v24, v22  }
0x584: {  	s2 =	simm.s32 $0x0;
	s4 =	simm.s32 $0xC440;
	s1 =	simm.s32 $0x40;
	v14 =	vmul.f32 v19, v10;
	v19 =	vld [tilespmem:s0+$0xFFFFFFC0];
	v17 =	vmul.f32 v21, v10;
	v21 =	vadd.f32 v26, v23;
	[tilespmem:s0+$0x30] =	vst v25  }
.LBB2_98:
0x585: {  	v23 =	vld [tilespmem:s4+$0x30];
	s2 =	sadd.s32 $0x8, s2;
	[tilespmem:s0+$0xFFFFFFD0] =	vst v22;
	v15 =	vadd.f32 v20, v15  }
0x586: {  	s0 =	sadd.s32 $0x80, s0;
	v20 =	vld [tilespmem:s4+$0xFFFFFFC0];
	p0 =	slt.u32 s2, $0xC28;
	[tilespmem:s1+$0xFFFFFFE0] =	vst v21;
	v12 =	vadd.f32 v18, v12  }
0x587: {  	v18 =	vld [tilespmem:s0+$0x30];
	[tilespmem:s1+$0xFFFFFFF0] =	vst v15;
	v13 =	vadd.f32 v14, v13  }
0x588: {  	v14 =	vld [tilespmem:s4+$0xFFFFFFD0];
	[tilespmem:s1+$0x0] =	vst v12;
	v12 =	vadd.f32 v17, v16  }
0x589: {  	v15 =	vld [tilespmem:s4+$0xFFFFFFE0];
	v16 =	vadd.f32 v11, v19;
	[tilespmem:s1+$0x10] =	vst v13  }
0x58a: {  	v13 =	vld [tilespmem:s4+$0xFFFFFFF0];
	v17 =	vmul.f32 v23, v10;
	[tilespmem:s1+$0x20] =	vst v12  }
0x58b: {  	v11 =	vmul.f32 v20, v10;
	v12 =	vld [tilespmem:s4+$0x0];
	[tilespmem:s1+$0xFFFFFFC0] =	vst v16;
	s1 =	smov.u32 s0  }
0x58c: {  	v16 =	vld [tilespmem:s4+$0x10];
	v17 =	vadd.f32 v17, v18  }
0x58d: {  	v19 =	vmul.f32 v14, v10;
	v21 =	vld [tilespmem:s4+$0x20]  }
0x58e: {  	s29 =	simm.s32 $0x0;
	v22 =	vld [tilespmem:s0+$0xFFFFFFD0];
	v23 =	vmul.f32 v15, v10;
	[tilespmem:s0+$0x30] =	vst v17  }
0x58f: {  	v24 =	vld [tilespmem:s0+$0xFFFFFFE0];
	v20 =	vmul.f32 v13, v10  }
.Ltmp48:
0x590: {  	v15 =	vld [tilespmem:s0+$0xFFFFFFF0];
	v18 =	vmul.f32 v12, v10;
	(pc) =	sbr.rel @p0 .LBB2_98-.Ltmp48, $4  }
0x591: {  	v12 =	vld [tilespmem:s0+$0x0];
	v14 =	vmul.f32 v16, v10  }
0x592: {  	v13 =	vld [tilespmem:s0+$0x10];
	v17 =	vmul.f32 v21, v10  }
0x593: {  	v22 =	vadd.f32 v19, v22;
	v16 =	vld [tilespmem:s0+$0x20]  }
0x594: {  	s4 =	sadd.s32 $0x80, s4;
	v19 =	vld [tilespmem:s0+$0xFFFFFFC0];
	v21 =	vadd.f32 v23, v24  }
0x595: {  	[tilespmem:s0+$0xFFFFFFD0] =	vst v22;
	v15 =	vadd.f32 v20, v15  }
0x596: {  	[tilespmem:s1+$0xFFFFFFE0] =	vst v21;
	v12 =	vadd.f32 v18, v12  }
0x597: {  	[tilespmem:s1+$0xFFFFFFF0] =	vst v15;
	v13 =	vadd.f32 v14, v13  }
0x598: {  	[tilespmem:s1+$0x0] =	vst v12;
	v63 =	vadd.f32 v17, v16  }
0x599: {  	v11 =	vadd.f32 v11, v19;
	[tilespmem:s1+$0x10] =	vst v13  }
0x59a: {  	[tilespmem:s1+$0x20] =	vst v63  }
0x59b: {  	[tilespmem:s1+$0xFFFFFFC0] =	vst v11  }
.LBB2_100:
0x59c: {  	s0 =	sshra.s32 s29, $0x2  }
0x59d: {  	v11 =	vld [tilespmem:s0+$0x18680];
	_ =	sdelay $0x1  }
0x59e: {  	v12 =	vld [tilespmem:s0+$0xC300];
	_ =	sdelay $0x1  }
0x59f: {  	p0 =	sne.s32 s29, $0x100  }
.Ltmp49:
0x5a0: {  	v11 =	vmul.f32 v11, v10;
	(pc) =	sbr.rel @p0 .LBB2_100-.Ltmp49, $3  }
0x5a1: {  	_ = 	snop  }
0x5a2: {  	v11 =	vadd.f32 v11, v12;
	_ =	sdelay $0x1  }
0x5a3: {  	s29 =	sadd.s32 $0x40, s29;
	[tilespmem:s0+$0xC300] =	vst v11  }
0x5a4: {  	s0 =	simm.s32 $0xC3C0  }
0x5a5: {  	[tilespmem:s0+$0xFFFFFFC0] =	vst v2  }
0x5a6: {  	[tilespmem:s0+$0x30] =	vst v2  }
0x5a7: {  	[tilespmem:s0+$0x20] =	vst v2  }
0x5a8: {  	[tilespmem:s0+$0x10] =	vst v2  }
0x5a9: {  	[tilespmem:s0+$0x0] =	vst v2  }
0x5aa: {  	[tilespmem:s0+$0xFFFFFFF0] =	vst v2  }
0x5ab: {  	s1 =	simm.s32 $0x0;
	[tilespmem:s0+$0xFFFFFFE0] =	vst v2  }
.LBB2_102:
0x5ac: {  	s1 =	sadd.s32 $0x8, s1;
	[tilespmem:s0+$0xFFFFFFD0] =	vst v2;
	s0 =	sadd.s32 $0x80, s0  }
0x5ad: {  	[tilespmem:s0+$0xFFFFFFC0] =	vst v2;
	p0 =	slt.u32 s1, $0xC28  }
0x5ae: {  	[tilespmem:s0+$0x30] =	vst v2  }
.Ltmp50:
0x5af: {  	[tilespmem:s0+$0x20] =	vst v2;
	(pc) =	sbr.rel @p0 .LBB2_102-.Ltmp50, $4  }
0x5b0: {  	[tilespmem:s0+$0x10] =	vst v2  }
0x5b1: {  	[tilespmem:s0+$0x0] =	vst v2  }
0x5b2: {  	[tilespmem:s0+$0xFFFFFFF0] =	vst v2  }
0x5b3: {  	[tilespmem:s0+$0xFFFFFFE0] =	vst v2  }
0x5b4: {  	[tilespmem:s0+$0xFFFFFFD0] =	vst v2;
	s0 =	simm.s32 $0x0  }
.LBB2_104:
0x5b5: {  	p0 =	sne.s32 s0, $0x100  }
.Ltmp51:
0x5b6: {  	_ = 	snop;
	(pc) =	sbr.rel @p0 .LBB2_104-.Ltmp51, $3  }
0x5b7: {  	_ =	sdelay $0x1  }
0x5b8: {  	s1 =	sshra.s32 s0, $0x2  }
0x5b9: {  	s0 =	sadd.s32 $0x40, s0;
	[tilespmem:s1+$0x18680] =	vst v2  }
0x5ba: {  	s29 =	simm.s32 $0x0  }
0x5bb: {  	[tilespmem:s18], [sflag:$0x1] =	stream.linear.gather [hbm4b:s5+s29], $0xFA0, $0x38;
	[tilespmem:$0x1CB00] =	vst v63  }
0x5bc: {  	s30 =	simm.s32 $0x0  }
0x5bd: {  	[tilespmem:s19], [sflag:$0x1] =	stream.linear.gather [hbm4b:s6+s29], $0xFA0, $0x38;
	[tilespmem:$0x1CB00] =	vst v63  }
.LBB2_106:
0x5be: {  	s0 =	smul.u32 $0x3E8, s30;
	_ =	sdelay $0x1  }
0x5bf: {  	s0 =	sadd.s32 $0x1F4, s0  }
0x5c0: {  	s4 =	smul.u32 $0x29, s30;
	s1 =	sadd.s32 s5, s0  }
0x5c1: {  	[tilespmem:s20], [sflag:$0x2] =	stream.linear.gather [hbm4b:s1+s3], $0xFA0, $0x38;
	[tilespmem:$0x1CB00] =	vst v63  }
0x5c2: {  	s2 =	sshrl.u32 s4, $0xA;
	s0 =	sadd.s32 s6, s0  }
0x5c3: {  	[tilespmem:s21], [sflag:$0x2] =	stream.linear.gather [hbm4b:s0+s3], $0xFA0, $0x38;
	[tilespmem:$0x1CB00] =	vst v63  }
0x5c4: {  	s0 =	sand.u32 $0x3F, s2;
	_ =	swait.ge [sflag:s22], $0xFA0  }
0x5c5: {  	v10 =	vmov s0;
	[sflag:s22] =	ssyncset.done $0x0  }
0x5c6: {  	v11 =	vadd.s32 $0x22, v10;
	[sflag:s22] =	ssyncadd.s32 $0xFFFFF060  }
0x5c7: {  	_ =	swait.ge [sflag:s22], $0xFA0  }
0x5c8: {  	[sflag:s22] =	ssyncset.done $0x0  }
0x5c9: {  	s4 =	simm.s32 $0x18740;
	[sflag:s22] =	ssyncadd.s32 $0xFFFFF060  }
0x5ca: {  	v12 =	vld [tilespmem:s4+$0x30]  }
0x5cb: {  	v13 =	vld.idx.msk [tilespmem:v11+s17+$0x0], $0xffff  }
0x5cc: {  	v14 =	vld [tilespmem:s4+$0xFFFFFFD0]  }
0x5cd: {  	v15 =	vld [tilespmem:s4+$0xFFFFFFE0]  }
0x5ce: {  	v10 =	vadd.s32 $0x2A, v10;
	v16 =	vld [tilespmem:s4+$0xFFFFFFF0]  }
0x5cf: {  	v17 =	vld [tilespmem:s4+$0x0]  }
0x5d0: {  	v19 =	vld [tilespmem:s4+$0x10]  }
0x5d1: {  	v21 =	vld [tilespmem:s4+$0xFFFFFFC0]  }
0x5d2: {  	v22 =	vld [tilespmem:s4+$0x20]  }
0x5d3: {  	s31 =	simm.s32 $0x19740;
	v24 =	vld.idx.msk [tilespmem:v10+s17+$0x0], $0xffff  }
0x5d4: {  	v28 =	vld [tilespmem:s31+$0x30]  }
0x5d5: {  	v31 =	vld [tilespmem:s31+$0xFFFFFFC0];
	v18 =	vand.u32 $0xFFFF, v12  }
0x5d6: {  	v32 =	vld [tilespmem:s31+$0xFFFFFFD0];
	v20 =	vand.u32 $0xFFFF, v14  }
0x5d7: {  	v33 =	vld [tilespmem:s31+$0xFFFFFFE0];
	v23 =	vand.u32 $0xFFFF, v15  }
0x5d8: {  	v35 =	vld [tilespmem:s31+$0xFFFFFFF0];
	v29 =	vand.u32 $0xFFFF, v21  }
0x5d9: {  	v62 =	vld [tilespmem:s31+$0x10];
	v25 =	vand.u32 $0xFFFF, v16  }
0x5da: {  	v26 =	vand.u32 $0xFFFF, v17;
	v18 =	vld.idx.msk [tilespmem:v18+s29+$0x0], $0xffff  }
0x5db: {  	v27 =	vand.u32 $0xFFFF, v19;
	v20 =	vld.idx.msk [tilespmem:v20+s29+$0x0], $0xffff  }
0x5dc: {  	v23 =	vld.idx.msk [tilespmem:v23+s29+$0x0], $0xffff  }
0x5dd: {  	v30 =	vand.u32 $0xFFFF, v22;
	v29 =	vld.idx.msk [tilespmem:v29+s29+$0x0], $0xffff  }
0x5de: {  	v25 =	vld.idx.msk [tilespmem:v25+s29+$0x0], $0xffff  }
0x5df: {  	v26 =	vld.idx.msk [tilespmem:v26+s29+$0x0], $0xffff  }
0x5e0: {  	v34 =	vshrl.u32 v12, $0x10;
	v27 =	vld.idx.msk [tilespmem:v27+s29+$0x0], $0xffff  }
0x5e1: {  	v12 =	vadd.f32 v24, v13;
	v21 =	vshrl.u32 v21, $0x10;
	v13 =	vmul.f32 v18, v28;
	v18 =	vld [tilespmem:s31+$0x0]  }
0x5e2: {  	v61 =	vshrl.u32 v14, $0x10;
	v30 =	vld.idx.msk [tilespmem:v30+s29+$0x0], $0xffff;
	v14 =	vmul.f32 v29, v31  }
0x5e3: {  	v63 =	vshrl.u32 v15, $0x10;
	v15 =	vmul.f32 v20, v32;
	v20 =	vld [tilespmem:s31+$0x20];
	v13 =	vmul.f32 v13, v12  }
0x5e4: {  	v23 =	vmul.f32 v23, v33;
	v31 =	vmul.f32 v14, v12  }
0x5e5: {  	v25 =	vmul.f32 v25, v35;
	[tilespmem:v34+s23+$0x0] =	vst.idx.add.f32.msk $0xffff, v13;
	v13 =	vshrl.u32 v16, $0x10;
	v16 =	vmul.f32 v15, v12  }
0x5e6: {  	v14 =	vshrl.u32 v17, $0x10;
	[tilespmem:v21+s23+$0x0] =	vst.idx.add.f32.msk $0xffff, v31;
	v21 =	vmul.f32 v23, v12;
	v18 =	vmul.f32 v26, v18  }
0x5e7: {  	v17 =	vmul.f32 v25, v12;
	v15 =	vshrl.u32 v19, $0x10;
	v19 =	vmul.f32 v27, v62;
	[tilespmem:v61+s23+$0x0] =	vst.idx.add.f32.msk $0xffff, v16  }
0x5e8: {  	s1 =	simm.s32 $0x187C0;
	s0 =	simm.s32 $0x0;
	v20 =	vmul.f32 v30, v20;
	v16 =	vshrl.u32 v22, $0x10;
	[tilespmem:v63+s23+$0x0] =	vst.idx.add.f32.msk $0xffff, v21;
	v18 =	vmul.f32 v18, v12  }
.LBB2_107:
0x5e9: {  	v21 =	vld [tilespmem:s1+$0x30];
	s0 =	sadd.s32 $0x8, s0;
	v19 =	vmul.f32 v19, v12  }
0x5ea: {  	v22 =	vld [tilespmem:s1+$0xFFFFFFD0];
	p0 =	slt.u32 s0, $0xF0;
	v20 =	vmul.f32 v20, v12  }
0x5eb: {  	v23 =	vld [tilespmem:s1+$0xFFFFFFE0]  }
0x5ec: {  	v24 =	vld [tilespmem:s1+$0xFFFFFFF0]  }
0x5ed: {  	v25 =	vld [tilespmem:s1+$0x0]  }
0x5ee: {  	v26 =	vld [tilespmem:s1+$0x10];
	v27 =	vand.u32 $0xFFFF, v21  }
0x5ef: {  	v28 =	vshrl.u32 v22, $0x10;
	v22 =	vand.u32 $0xFFFF, v22;
	v29 =	vld [tilespmem:s1+$0x20]  }
0x5f0: {  	v30 =	vld [tilespmem:s1+$0xFFFFFFC0];
	v31 =	vshrl.u32 v23, $0x10;
	v23 =	vand.u32 $0xFFFF, v23  }
0x5f1: {  	v32 =	vand.u32 $0xFFFF, v24;
	[tilespmem:v13+s23+$0x0] =	vst.idx.add.f32.msk $0xffff, v17;
	v13 =	vshrl.u32 v24, $0x10  }
0x5f2: {  	s2 =	simm.s32 $0x0;
	v17 =	vand.u32 $0xFFFF, v25;
	[tilespmem:v14+s23+$0x0] =	vst.idx.add.f32.msk $0xffff, v18;
	v14 =	vshrl.u32 v25, $0x10  }
0x5f3: {  	s31 =	sadd.s32 $0x80, s31;
	v18 =	vshrl.u32 v26, $0x10;
	v24 =	vand.u32 $0xFFFF, v26;
	v25 =	vld.idx.msk [tilespmem:v27+s2+$0x0], $0xffff  }
0x5f4: {  	v26 =	vshrl.u32 v29, $0x10;
	v27 =	vand.u32 $0xFFFF, v29;
	v29 =	vld [tilespmem:s31+$0x30]  }
0x5f5: {  	v33 =	vshrl.u32 v30, $0x10;
	v30 =	vand.u32 $0xFFFF, v30;
	v22 =	vld.idx.msk [tilespmem:v22+s2+$0x0], $0xffff  }
0x5f6: {  	v23 =	vld.idx.msk [tilespmem:v23+s2+$0x0], $0xffff  }
0x5f7: {  	v32 =	vld.idx.msk [tilespmem:v32+s2+$0x0], $0xffff  }
0x5f8: {  	v21 =	vshrl.u32 v21, $0x10;
	v17 =	vld.idx.msk [tilespmem:v17+s2+$0x0], $0xffff  }
0x5f9: {  	v24 =	vld.idx.msk [tilespmem:v24+s2+$0x0], $0xffff;
	v25 =	vmul.f32 v25, v29  }
0x5fa: {  	v29 =	vld.idx.msk [tilespmem:v30+s2+$0x0], $0xffff  }
0x5fb: {  	v27 =	vld.idx.msk [tilespmem:v27+s2+$0x0], $0xffff;
	v25 =	vmul.f32 v25, v12  }
0x5fc: {  	v30 =	vld [tilespmem:s31+$0xFFFFFFC0]  }
0x5fd: {  	[tilespmem:v21+s23+$0x0] =	vst.idx.add.f32.msk $0xffff, v25  }
0x5fe: {  	v21 =	vld [tilespmem:s31+$0xFFFFFFD0]  }
0x5ff: {  	v25 =	vld [tilespmem:s31+$0xFFFFFFE0]  }
0x600: {  	v34 =	vld [tilespmem:s31+$0xFFFFFFF0]  }
0x601: {  	v29 =	vmul.f32 v29, v30;
	v30 =	vld [tilespmem:s31+$0x0]  }
0x602: {  	v35 =	vld [tilespmem:s31+$0x10]  }
0x603: {  	v29 =	vmul.f32 v29, v12;
	v21 =	vmul.f32 v22, v21;
	v22 =	vld [tilespmem:s31+$0x20]  }
.Ltmp52:
0x604: {  	v23 =	vmul.f32 v23, v25;
	[tilespmem:v15+s23+$0x0] =	vst.idx.add.f32.msk $0xffff, v19;
	v15 =	vmov v18;
	(pc) =	sbr.rel @p0 .LBB2_107-.Ltmp52, $4  }
0x605: {  	[tilespmem:v33+s23+$0x0] =	vst.idx.add.f32.msk $0xffff, v29;
	v18 =	vmul.f32 v21, v12;
	v19 =	vmul.f32 v32, v34  }
0x606: {  	v21 =	vmul.f32 v23, v12;
	v23 =	vmul.f32 v17, v30;
	[tilespmem:v16+s23+$0x0] =	vst.idx.add.f32.msk $0xffff, v20;
	v16 =	vmov v26  }
0x607: {  	[tilespmem:v28+s23+$0x0] =	vst.idx.add.f32.msk $0xffff, v18;
	v17 =	vmul.f32 v19, v12;
	v19 =	vmul.f32 v24, v35  }
0x608: {  	s1 =	sadd.s32 $0x80, s1;
	[tilespmem:v31+s23+$0x0] =	vst.idx.add.f32.msk $0xffff, v21;
	v18 =	vmul.f32 v23, v12;
	v20 =	vmul.f32 v27, v22  }
0x609: {  	_ =	sdelay $0x3  }
0x60a: {  	v19 =	vmul.f32 v19, v12;
	[tilespmem:v13+s23+$0x0] =	vst.idx.add.f32.msk $0xffff, v17  }
0x60b: {  	v13 =	vmul.f32 v20, v12;
	[tilespmem:v14+s23+$0x0] =	vst.idx.add.f32.msk $0xffff, v18  }
0x60c: {  	[tilespmem:v15+s23+$0x0] =	vst.idx.add.f32.msk $0xffff, v19  }
0x60d: {  	[tilespmem:v16+s23+$0x0] =	vst.idx.add.f32.msk $0xffff, v13  }
.LBB2_109:
0x60e: {  	s0 =	sshra.s32 s2, $0x2  }
0x60f: {  	v13 =	vld [tilespmem:s0+$0x19680];
	_ =	sdelay $0x4  }
0x610: {  	v14 =	vand.u32 $0xFFFF, v13;
	_ =	sdelay $0x3  }
0x611: {  	v15 =	vld [tilespmem:s0+$0x1A680]  }
0x612: {  	v14 =	vld.idx.msk [tilespmem:v14+s3+$0x0], $0xffff;
	_ =	sdelay $0x3  }
0x613: {  	p0 =	sne.s32 s2, $0x40;
	v13 =	vshrl.u32 v13, $0x10  }
.Ltmp53:
0x614: {  	v14 =	vmul.f32 v14, v15;
	(pc) =	sbr.rel @p0 .LBB2_109-.Ltmp53, $3  }
0x615: {  	_ = 	snop  }
0x616: {  	v14 =	vmul.f32 v14, v12;
	_ =	sdelay $0x1  }
0x617: {  	s2 =	sadd.s32 $0x40, s2;
	[tilespmem:v13+s23+$0x0] =	vst.idx.add.f32.msk $0xffff, v14  }
0x618: {  	p0 =	seq.s32 s30, $0xC7  }
0x619: {  	s0 =	smul.u32 @!p0 $0x1F40, s30;
	_ =	sdelay $0x1  }
0x61a: {  	s0 =	sshrl.u32 @!p0 s0, $0x3  }
0x61b: {  	s0 =	sadd.s32 @!p0 $0x3E8, s0  }
0x61c: {  	s2 =	simm.s32 @!p0 $0x0;
	s4 =	simm.s32 @!p0 $0x18700;
	s1 =	sadd.s32 @!p0 s5, s0  }
0x61d: {  	[tilespmem:s4], [sflag:$0x1] =	stream.linear.gather @!p0 [hbm4b:s1+s2], $0xFA0, $0x38;
	[tilespmem:$0x1CB00] =	vst v63  }
0x61e: {  	s0 =	sadd.s32 @!p0 s6, s0;
	s1 =	simm.s32 @!p0 $0x19700  }
0x61f: {  	[tilespmem:s1], [sflag:$0x1] =	stream.linear.gather @!p0 [hbm4b:s0+s2], $0xFA0, $0x38;
	[tilespmem:$0x1CB00] =	vst v63  }
0x620: {  	_ =	swait.ge [sflag:s24], $0xFA0  }
0x621: {  	[sflag:s24] =	ssyncset.done $0x0  }
0x622: {  	[sflag:s24] =	ssyncadd.s32 $0xFFFFF060  }
0x623: {  	_ =	swait.ge [sflag:s24], $0xFA0  }
0x624: {  	[sflag:s24] =	ssyncset.done $0x0  }
0x625: {  	s4 =	simm.s32 $0x1A740;
	[sflag:s24] =	ssyncadd.s32 $0xFFFFF060  }
0x626: {  	v12 =	vld [tilespmem:s4+$0x30]  }
0x627: {  	v11 =	vld.idx.msk [tilespmem:v11+s17+$0x0], $0xffff  }
0x628: {  	v13 =	vld [tilespmem:s4+$0xFFFFFFD0]  }
0x629: {  	v14 =	vld [tilespmem:s4+$0xFFFFFFE0]  }
0x62a: {  	v15 =	vld [tilespmem:s4+$0xFFFFFFF0]  }
0x62b: {  	v16 =	vld [tilespmem:s4+$0x0]  }
0x62c: {  	v18 =	vld [tilespmem:s4+$0x10]  }
0x62d: {  	v20 =	vld [tilespmem:s4+$0xFFFFFFC0]  }
0x62e: {  	v21 =	vld [tilespmem:s4+$0x20]  }
0x62f: {  	s0 =	simm.s32 $0x1B740;
	v10 =	vld.idx.msk [tilespmem:v10+s17+$0x0], $0xffff  }
0x630: {  	v26 =	vld [tilespmem:s0+$0x30]  }
0x631: {  	v29 =	vld [tilespmem:s0+$0xFFFFFFC0];
	v17 =	vand.u32 $0xFFFF, v12  }
0x632: {  	v30 =	vld [tilespmem:s0+$0xFFFFFFD0];
	v19 =	vand.u32 $0xFFFF, v13  }
0x633: {  	v31 =	vld [tilespmem:s0+$0xFFFFFFE0];
	v22 =	vand.u32 $0xFFFF, v14  }
0x634: {  	v32 =	vld [tilespmem:s0+$0xFFFFFFF0];
	v23 =	vand.u32 $0xFFFF, v15  }
0x635: {  	s31 =	simm.s32 $0x0;
	v62 =	vld [tilespmem:s0+$0x10];
	v27 =	vand.u32 $0xFFFF, v20  }
0x636: {  	v24 =	vand.u32 $0xFFFF, v16;
	v17 =	vld.idx.msk [tilespmem:v17+s31+$0x0], $0xffff  }
0x637: {  	v25 =	vand.u32 $0xFFFF, v18;
	v19 =	vld.idx.msk [tilespmem:v19+s31+$0x0], $0xffff  }
0x638: {  	v28 =	vand.u32 $0xFFFF, v21;
	v22 =	vld.idx.msk [tilespmem:v22+s31+$0x0], $0xffff  }
0x639: {  	v23 =	vld.idx.msk [tilespmem:v23+s31+$0x0], $0xffff  }
0x63a: {  	v27 =	vld.idx.msk [tilespmem:v27+s31+$0x0], $0xffff  }
0x63b: {  	v24 =	vld.idx.msk [tilespmem:v24+s31+$0x0], $0xffff  }
0x63c: {  	v25 =	vld.idx.msk [tilespmem:v25+s31+$0x0], $0xffff  }
0x63d: {  	v12 =	vshrl.u32 v12, $0x10;
	v10 =	vadd.f32 v10, v11;
	v28 =	vld.idx.msk [tilespmem:v28+s31+$0x0], $0xffff  }
0x63e: {  	v20 =	vshrl.u32 v20, $0x10;
	v61 =	vshrl.u32 v13, $0x10;
	v11 =	vmul.f32 v17, v26;
	v17 =	vld [tilespmem:s0+$0x0]  }
0x63f: {  	v63 =	vshrl.u32 v14, $0x10;
	v13 =	vmul.f32 v27, v29;
	v14 =	vmul.f32 v19, v30;
	v19 =	vld [tilespmem:s0+$0x20]  }
0x640: {  	v11 =	vmul.f32 v11, v10  }
0x641: {  	v22 =	vmul.f32 v22, v31;
	v13 =	vmul.f32 v13, v10  }
0x642: {  	v14 =	vmul.f32 v14, v10;
	[tilespmem:v12+s23+$0x0] =	vst.idx.add.f32.msk $0xffff, v11;
	v11 =	vshrl.u32 v15, $0x10;
	v15 =	vmul.f32 v23, v32  }
0x643: {  	v12 =	vshrl.u32 v16, $0x10;
	[tilespmem:v20+s23+$0x0] =	vst.idx.add.f32.msk $0xffff, v13;
	v16 =	vmul.f32 v22, v10;
	v20 =	vmul.f32 v24, v17  }
0x644: {  	v13 =	vshrl.u32 v18, $0x10;
	[tilespmem:v61+s23+$0x0] =	vst.idx.add.f32.msk $0xffff, v14;
	v17 =	vmul.f32 v25, v62;
	v18 =	vmul.f32 v28, v19  }
0x645: {  	s1 =	simm.s32 $0x0;
	s2 =	simm.s32 $0x1A7C0;
	v14 =	vshrl.u32 v21, $0x10;
	v15 =	vmul.f32 v15, v10;
	[tilespmem:v63+s23+$0x0] =	vst.idx.add.f32.msk $0xffff, v16;
	v16 =	vmul.f32 v20, v10  }
.LBB2_111:
0x646: {  	v19 =	vld [tilespmem:s2+$0x30];
	s1 =	sadd.s32 $0x8, s1;
	v17 =	vmul.f32 v17, v10  }
0x647: {  	v20 =	vld [tilespmem:s2+$0xFFFFFFD0];
	p0 =	slt.u32 s1, $0xF0;
	v18 =	vmul.f32 v18, v10  }
0x648: {  	v21 =	vld [tilespmem:s2+$0xFFFFFFE0]  }
0x649: {  	v22 =	vld [tilespmem:s2+$0xFFFFFFF0]  }
0x64a: {  	v23 =	vld [tilespmem:s2+$0x0]  }
0x64b: {  	v24 =	vld [tilespmem:s2+$0x10];
	v25 =	vand.u32 $0xFFFF, v19  }
0x64c: {  	v26 =	vshrl.u32 v20, $0x10;
	v20 =	vand.u32 $0xFFFF, v20;
	v27 =	vld [tilespmem:s2+$0x20]  }
0x64d: {  	v28 =	vld [tilespmem:s2+$0xFFFFFFC0];
	v29 =	vshrl.u32 v21, $0x10;
	v21 =	vand.u32 $0xFFFF, v21  }
0x64e: {  	v30 =	vand.u32 $0xFFFF, v22;
	[tilespmem:v11+s23+$0x0] =	vst.idx.add.f32.msk $0xffff, v15;
	v11 =	vshrl.u32 v22, $0x10  }
0x64f: {  	v15 =	vand.u32 $0xFFFF, v23;
	[tilespmem:v12+s23+$0x0] =	vst.idx.add.f32.msk $0xffff, v16;
	v12 =	vshrl.u32 v23, $0x10  }
0x650: {  	s0 =	sadd.s32 $0x80, s0;
	v16 =	vshrl.u32 v24, $0x10;
	v22 =	vand.u32 $0xFFFF, v24;
	v23 =	vld.idx.msk [tilespmem:v25+s31+$0x0], $0xffff  }
0x651: {  	v24 =	vshrl.u32 v27, $0x10;
	v25 =	vand.u32 $0xFFFF, v27;
	v27 =	vld [tilespmem:s0+$0x30]  }
0x652: {  	v31 =	vshrl.u32 v28, $0x10;
	v28 =	vand.u32 $0xFFFF, v28;
	v20 =	vld.idx.msk [tilespmem:v20+s31+$0x0], $0xffff  }
0x653: {  	v21 =	vld.idx.msk [tilespmem:v21+s31+$0x0], $0xffff  }
0x654: {  	v30 =	vld.idx.msk [tilespmem:v30+s31+$0x0], $0xffff  }
0x655: {  	v19 =	vshrl.u32 v19, $0x10;
	v15 =	vld.idx.msk [tilespmem:v15+s31+$0x0], $0xffff  }
0x656: {  	v22 =	vld.idx.msk [tilespmem:v22+s31+$0x0], $0xffff;
	v23 =	vmul.f32 v23, v27  }
0x657: {  	v27 =	vld.idx.msk [tilespmem:v28+s31+$0x0], $0xffff  }
0x658: {  	v25 =	vld.idx.msk [tilespmem:v25+s31+$0x0], $0xffff;
	v23 =	vmul.f32 v23, v10  }
0x659: {  	v28 =	vld [tilespmem:s0+$0xFFFFFFC0]  }
0x65a: {  	[tilespmem:v19+s23+$0x0] =	vst.idx.add.f32.msk $0xffff, v23  }
0x65b: {  	v19 =	vld [tilespmem:s0+$0xFFFFFFD0]  }
0x65c: {  	v23 =	vld [tilespmem:s0+$0xFFFFFFE0]  }
0x65d: {  	v32 =	vld [tilespmem:s0+$0xFFFFFFF0]  }
0x65e: {  	v27 =	vmul.f32 v27, v28;
	v28 =	vld [tilespmem:s0+$0x0]  }
0x65f: {  	v33 =	vld [tilespmem:s0+$0x10]  }
0x660: {  	v27 =	vmul.f32 v27, v10;
	v19 =	vmul.f32 v20, v19;
	v20 =	vld [tilespmem:s0+$0x20]  }
.Ltmp54:
0x661: {  	v21 =	vmul.f32 v21, v23;
	[tilespmem:v13+s23+$0x0] =	vst.idx.add.f32.msk $0xffff, v17;
	v13 =	vmov v16;
	(pc) =	sbr.rel @p0 .LBB2_111-.Ltmp54, $4  }
0x662: {  	[tilespmem:v31+s23+$0x0] =	vst.idx.add.f32.msk $0xffff, v27;
	v16 =	vmul.f32 v19, v10;
	v17 =	vmul.f32 v30, v32  }
0x663: {  	v19 =	vmul.f32 v21, v10;
	v21 =	vmul.f32 v15, v28;
	[tilespmem:v14+s23+$0x0] =	vst.idx.add.f32.msk $0xffff, v18;
	v14 =	vmov v24  }
0x664: {  	[tilespmem:v26+s23+$0x0] =	vst.idx.add.f32.msk $0xffff, v16;
	v15 =	vmul.f32 v17, v10;
	v17 =	vmul.f32 v22, v33  }
0x665: {  	s2 =	sadd.s32 $0x80, s2;
	[tilespmem:v29+s23+$0x0] =	vst.idx.add.f32.msk $0xffff, v19;
	v16 =	vmul.f32 v21, v10;
	v18 =	vmul.f32 v25, v20  }
0x666: {  	_ =	sdelay $0x3  }
0x667: {  	v17 =	vmul.f32 v17, v10;
	[tilespmem:v11+s23+$0x0] =	vst.idx.add.f32.msk $0xffff, v15  }
0x668: {  	v11 =	vmul.f32 v18, v10;
	[tilespmem:v12+s23+$0x0] =	vst.idx.add.f32.msk $0xffff, v16  }
0x669: {  	[tilespmem:v13+s23+$0x0] =	vst.idx.add.f32.msk $0xffff, v17  }
0x66a: {  	[tilespmem:v14+s23+$0x0] =	vst.idx.add.f32.msk $0xffff, v11  }
.LBB2_113:
0x66b: {  	s0 =	sshra.s32 s31, $0x2  }
0x66c: {  	v11 =	vld [tilespmem:s0+$0x1B680];
	_ =	sdelay $0x4  }
0x66d: {  	v12 =	vand.u32 $0xFFFF, v11;
	_ =	sdelay $0x3  }
0x66e: {  	v13 =	vld [tilespmem:s0+$0x1C680]  }
0x66f: {  	v12 =	vld.idx.msk [tilespmem:v12+s3+$0x0], $0xffff;
	_ =	sdelay $0x3  }
0x670: {  	p0 =	sne.s32 s31, $0x40;
	v11 =	vshrl.u32 v11, $0x10  }
.Ltmp55:
0x671: {  	v12 =	vmul.f32 v12, v13;
	(pc) =	sbr.rel @p0 .LBB2_113-.Ltmp55, $3  }
0x672: {  	_ = 	snop  }
0x673: {  	v12 =	vmul.f32 v12, v10;
	_ =	sdelay $0x1  }
0x674: {  	s31 =	sadd.s32 $0x40, s31;
	[tilespmem:v11+s23+$0x0] =	vst.idx.add.f32.msk $0xffff, v12  }
0x675: {  	s30 =	sadd.s32 $0x1, s30  }
0x676: {  	p0 =	sne.s32 s30, $0xC8  }
.Ltmp56:
0x677: {  	_ = 	snop;
	(pc) =	sbr.rel @p0 .LBB2_106-.Ltmp56, $1  }
0x678: {  	_ =	sdelay $0x3  }
0x679: {  	_ =	sdelay $0x3  }
0x67a: {  	v10 =	vld.idx.msk [tilespmem:v6+s17+$0x0], $0xffff;
	s1 =	simm.s32 $0x40  }
0x67b: {  	v11 =	vld [tilespmem:s1+$0x30]  }
0x67c: {  	s0 =	simm.s32 $0xC3C0;
	v12 =	vld [tilespmem:s1+$0xFFFFFFC0]  }
0x67d: {  	v13 =	vld [tilespmem:s0+$0x30]  }
0x67e: {  	v14 =	vld [tilespmem:s1+$0xFFFFFFD0]  }
0x67f: {  	v16 =	vld [tilespmem:s1+$0xFFFFFFE0]  }
0x680: {  	v17 =	vld [tilespmem:s1+$0xFFFFFFF0]  }
0x681: {  	v18 =	vld [tilespmem:s1+$0x0]  }
0x682: {  	v19 =	vld [tilespmem:s1+$0x10]  }
0x683: {  	v21 =	vld [tilespmem:s1+$0x20]  }
0x684: {  	v22 =	vld [tilespmem:s0+$0xFFFFFFD0]  }
0x685: {  	v23 =	vld [tilespmem:s0+$0xFFFFFFE0]  }
0x686: {  	v15 =	vld [tilespmem:s0+$0xFFFFFFF0];
	v20 =	vmul.f32 v11, v10  }
0x687: {  	v11 =	vmul.f32 v12, v10;
	v24 =	vmul.f32 v14, v10;
	v12 =	vld [tilespmem:s0+$0x0]  }
0x688: {  	v26 =	vmul.f32 v16, v10;
	v25 =	vadd.f32 v20, v13;
	v13 =	vld [tilespmem:s0+$0x10]  }
0x689: {  	v18 =	vmul.f32 v18, v10;
	v16 =	vld [tilespmem:s0+$0x20];
	v20 =	vmul.f32 v17, v10;
	v22 =	vadd.f32 v24, v22  }
0x68a: {  	s2 =	simm.s32 $0x0;
	s4 =	simm.s32 $0xC0;
	s1 =	simm.s32 $0xC3C0;
	v14 =	vmul.f32 v19, v10;
	v19 =	vld [tilespmem:s0+$0xFFFFFFC0];
	v17 =	vmul.f32 v21, v10;
	v21 =	vadd.f32 v26, v23;
	[tilespmem:s0+$0x30] =	vst v25  }
.LBB2_116:
0x68b: {  	v23 =	vld [tilespmem:s4+$0x30];
	s2 =	sadd.s32 $0x8, s2;
	[tilespmem:s0+$0xFFFFFFD0] =	vst v22;
	v15 =	vadd.f32 v20, v15  }
0x68c: {  	s0 =	sadd.s32 $0x80, s0;
	v20 =	vld [tilespmem:s4+$0xFFFFFFC0];
	p0 =	slt.u32 s2, $0xC28;
	[tilespmem:s1+$0xFFFFFFE0] =	vst v21;
	v12 =	vadd.f32 v18, v12  }
0x68d: {  	v18 =	vld [tilespmem:s0+$0x30];
	[tilespmem:s1+$0xFFFFFFF0] =	vst v15;
	v13 =	vadd.f32 v14, v13  }
0x68e: {  	v14 =	vld [tilespmem:s4+$0xFFFFFFD0];
	[tilespmem:s1+$0x0] =	vst v12;
	v12 =	vadd.f32 v17, v16  }
0x68f: {  	v15 =	vld [tilespmem:s4+$0xFFFFFFE0];
	v16 =	vadd.f32 v11, v19;
	[tilespmem:s1+$0x10] =	vst v13  }
0x690: {  	v13 =	vld [tilespmem:s4+$0xFFFFFFF0];
	v17 =	vmul.f32 v23, v10;
	[tilespmem:s1+$0x20] =	vst v12  }
0x691: {  	v11 =	vmul.f32 v20, v10;
	v12 =	vld [tilespmem:s4+$0x0];
	[tilespmem:s1+$0xFFFFFFC0] =	vst v16;
	s1 =	smov.u32 s0  }
0x692: {  	v16 =	vld [tilespmem:s4+$0x10];
	v17 =	vadd.f32 v17, v18  }
0x693: {  	v19 =	vmul.f32 v14, v10;
	v21 =	vld [tilespmem:s4+$0x20]  }
0x694: {  	s29 =	simm.s32 $0x0;
	v22 =	vld [tilespmem:s0+$0xFFFFFFD0];
	v23 =	vmul.f32 v15, v10;
	[tilespmem:s0+$0x30] =	vst v17  }
0x695: {  	v24 =	vld [tilespmem:s0+$0xFFFFFFE0];
	v20 =	vmul.f32 v13, v10  }
.Ltmp57:
0x696: {  	v15 =	vld [tilespmem:s0+$0xFFFFFFF0];
	v18 =	vmul.f32 v12, v10;
	(pc) =	sbr.rel @p0 .LBB2_116-.Ltmp57, $4  }
0x697: {  	v12 =	vld [tilespmem:s0+$0x0];
	v14 =	vmul.f32 v16, v10  }
0x698: {  	v13 =	vld [tilespmem:s0+$0x10];
	v17 =	vmul.f32 v21, v10  }
0x699: {  	v22 =	vadd.f32 v19, v22;
	v16 =	vld [tilespmem:s0+$0x20]  }
0x69a: {  	s4 =	sadd.s32 $0x80, s4;
	v19 =	vld [tilespmem:s0+$0xFFFFFFC0];
	v21 =	vadd.f32 v23, v24  }
0x69b: {  	[tilespmem:s0+$0xFFFFFFD0] =	vst v22;
	v15 =	vadd.f32 v20, v15  }
0x69c: {  	[tilespmem:s1+$0xFFFFFFE0] =	vst v21;
	v12 =	vadd.f32 v18, v12  }
0x69d: {  	[tilespmem:s1+$0xFFFFFFF0] =	vst v15;
	v13 =	vadd.f32 v14, v13  }
0x69e: {  	[tilespmem:s1+$0x0] =	vst v12;
	v63 =	vadd.f32 v17, v16  }
0x69f: {  	v11 =	vadd.f32 v11, v19;
	[tilespmem:s1+$0x10] =	vst v13  }
0x6a0: {  	[tilespmem:s1+$0x20] =	vst v63  }
0x6a1: {  	[tilespmem:s1+$0xFFFFFFC0] =	vst v11  }
.LBB2_118:
0x6a2: {  	s0 =	sshra.s32 s29, $0x2  }
0x6a3: {  	v11 =	vld [tilespmem:s0+$0xC300];
	_ =	sdelay $0x1  }
0x6a4: {  	v12 =	vld [tilespmem:s0+$0x18680];
	_ =	sdelay $0x1  }
0x6a5: {  	p0 =	sne.s32 s29, $0x100  }
.Ltmp58:
0x6a6: {  	v11 =	vmul.f32 v11, v10;
	(pc) =	sbr.rel @p0 .LBB2_118-.Ltmp58, $3  }
0x6a7: {  	_ = 	snop  }
0x6a8: {  	v11 =	vadd.f32 v11, v12;
	_ =	sdelay $0x1  }
0x6a9: {  	s29 =	sadd.s32 $0x40, s29;
	[tilespmem:s0+$0x18680] =	vst v11  }
0x6aa: {  	_ =	sdelay $0x2  }
0x6ab: {  	s1 =	simm.s32 $0xC380  }
0x6ac: {  	v10 =	vld.idx.msk [tilespmem:v9+s1+$0x0], $0xffff;
	[tilespmem:$0x1C980] =	vst v2  }
0x6ad: {  	[tilespmem:$0x1CA00] =	vst v7  }
0x6ae: {  	[tilespmem:$0x1CA80] =	vst v7;
	v12 =	vld [tilespmem:$0x1C980]  }
0x6af: {  	s0 =	simm.s32 $0x0;
	s2 =	simm.s32 $0x10;
	v11 =	vld [tilespmem:s1+$0x0]  }
.LBB2_120:
0x6b0: {  	p0 =	sne.s32 s2, $0xC340  }
0x6b1: {  	v13 =	vld [tilespmem:$0x1CA00]  }
0x6b2: {  	v14 =	vor.u32 s0, v8;
	s0 =	smov.u32 s2;
	v15 =	vld [tilespmem:$0x1CA80]  }
0x6b3: {  	vm0 =	vlt.s32 v14, v9  }
0x6b4: {  	v12 =	vadd.f32 v12, v11;
	vm1 =	vgt.f32 v11, v10;
	vm2 =	veq.f32 v11, v10  }
.Ltmp59:
0x6b5: {  	v11 =	vsel vm1, $0x1, v7;
	vm0 =	vmand vm0, vm2;
	(pc) =	sbr.rel @p0 .LBB2_120-.Ltmp59, $4  }
0x6b6: {  	[tilespmem:$0x1C980] =	vst v12;
	v11 =	vadd.s32 v11, v13;
	v12 =	vsel vm0, $0x1, v7  }
0x6b7: {  	[tilespmem:$0x1CA00] =	vst v11;
	v11 =	vadd.s32 v12, v15  }
0x6b8: {  	s1 =	sadd.s32 $0x10, s1;
	v12 =	vld [tilespmem:$0x1C980];
	[tilespmem:$0x1CA80] =	vst v11  }
0x6b9: {  	s2 =	sadd.s32 $0x10, s2;
	v11 =	vld [tilespmem:s1+$0x0]  }
0x6ba: {  	_ =	sdelay $0x3  }
0x6bb: {  	v12 =	vadd.f32 v12, v11;
	_ =	sdelay $0x1  }
0x6bc: {  	[tilespmem:$0x1C980] =	vst v12  }
0x6bd: {  	v12 =	vld [tilespmem:$0x1C980];
	_ =	sdelay $0x4  }
0x6be: {  	(xrf2) =	vadd.scan.msk.f32 $0xffff, v12;
	_ =	sdelay $0x4  }
0x6bf: {  	v61 =	vld [tilespmem:$0x1CA00];
	_ =	sdelay $0x2  }
0x6c0: {  	vm0 =	vgt.f32 v11, v10  }
0x6c1: {  	v13 =	vsel vm0, $0x1, v7  }
0x6c2: {  	v12 =	vadd.s32 v13, v61;
	v62, _, _ =	vpop (xrf2)  }
0x6c3: {  	v14 =	vld [tilespmem:$0x1CA80];
	[tilespmem:$0x1CA00] =	vst v12;
	(v2sf) =	vpush v62, $0xF  }
0x6c4: {  	v12 =	vld [tilespmem:$0x1CA00]  }
0x6c5: {  	v63 =	vor.u32 s0, v8  }
0x6c6: {  	vm15 =	vlt.s32 v63, v9;
	vm1 =	veq.f32 v11, v10  }
0x6c7: {  	vm0 =	vmand vm15, vm1  }
0x6c8: {  	v9 =	vsel vm0, $0x1, v7  }
0x6c9: {  	v9 =	vadd.s32 v9, v14;
	(xrf0) =	vadd.scan.msk.s32 $0xffff, v12  }
0x6ca: {  	(xrf0) =	vadd.scan.msk.s32 $0xffff, v9;
	_ =	sdelay $0x4  }
0x6cb: {  	v11, _, _ =	vpop (xrf0)  }
0x6cc: {  	(v2sf) =	vpush v11, $0xF;
	v11, _, _ =	vpop (xrf0)  }
0x6cd: {  	(v2sf) =	vpush v11, $0xF  }
0x6ce: {  	s30 =	spop (v2sf)  }
0x6cf: {  	s0 =	smax.f32 s30, $9.999999680e-21  }
0x6d0: {  	v11 =	vmov s0  }
0x6d1: {  	(erf) = vrcp.f32 v11;
	_ =	sdelay $0x8  }
0x6d2: {  	v11 =	vpop (erf)  }
0x6d3: {  	s31 =	spop (v2sf);
	v10 =	vmul.f32 v11, v10  }
0x6d4: {  	s1 =	spop (v2sf)  }
0x6d5: {  	[tilespmem:$0x1CA80] =	vst v9;
	s0 =	sadd.s32 s31, s1;
	v9 =	vmax.f32 v10, $9.999999680e-21  }
0x6d6: {  	[tilespmem:$0x1C880] =	vst v9;
	v9 =	vmov s0  }
0x6d7: {  	[tilespmem:$0x1C900] =	vst v9  }
0x6d8: {  	[hbm4b:s11+s3] =	stream.linear.scatter [tilespmem:s25], [sflag:$0x3], $0x10, $0x38;
	[tilespmem:$0x1CB00] =	vst v63  }
0x6d9: {  	s28 =	sadd.s32 $0x1, s28;
	_ =	swait.ge [sflag:s15], $0x10  }
0x6da: {  	p0 =	sne.s32 s28, s13;
	[sflag:s15] =	ssyncset.done $0x0  }
.Ltmp60:
0x6db: {  	[sflag:s15] =	ssyncadd.s32 $0xFFFFFFF0;
	(pc) =	sbr.rel @p0 .LBB2_1-.Ltmp60, $4  }
0x6dc: {  	[hbm4b:s12+s3] =	stream.linear.scatter [tilespmem:s26], [sflag:$0x3], $0x10, $0x38;
	[tilespmem:$0x1CB00] =	vst v63  }
0x6dd: {  	_ =	swait.ge [sflag:s15], $0x10  }
0x6de: {  	[sflag:s15] =	ssyncset.done $0x0  }
0x6df: {  	[sflag:s15] =	ssyncadd.s32 $0xFFFFFFF0  }
0x6e0: {  	_ =	sfence.sel $0x180000  }
0x6e1: {  	[bflag:$0x0] =	sbarrier.arrive $0xFFFF  }
0x6e2: {  	_ =	strace $0x9000004A  }
0x6e3: {  	s0 =	stileid.u32;
	[bflag:$0x2] =	sbarrier.arrive $0xFFFF  }
0x6e4: {  	p0 =	sne.s32 s0, $0x0;
	s0 =	rddreg [dreg:$0x3]  }
0x6e5: {  	s0 =	sadd.s32 @!p0 $0x100000, s0  }
0x6e6: {  	[sflag:s0] =	ssyncadd.tile.s32 @!p0 $0x1;
	_ =	shalt  }
.Lfunc_end2:
_tile_overlayer_lowered:
.L_overlay_start_2:
0x6e7: {  	(tag) =	ssettag $0x2  }
0x6e8: {  	s0 =	rddreg [dreg:$0x0];
	s2 =	stileid.u32  }
0x6e9: {  	s1 =	rddreg [dreg:$0x1];
	p0 =	sne.s32 s2, $0x0  }
0x6ea: {  	s3 =	rddreg [dreg:$0x2];
	[bflag:$0x3] =	sbarrier.arrive $0xFFFF;
	s2 =	simm.s32 @!p0 $0x1C03  }
0x6eb: {  	[timem:s3], [sflag:s2] =	dma.local @!p0 [hbm:s0], s1  }
0x6ec: {  	s0 =	simm.s32 @!p0 $0x3  }
0x6ed: {  	_ =	swait.ge @!p0 [sflag:s0], s1  }
0x6ee: {  	s1 =	ssub.s32 @!p0 $0x0, s1;
	[sflag:s0] =	ssyncset.done @!p0 $0x0  }
0x6ef: {  	[sflag:s0] =	ssyncadd.s32 @!p0 s1  }
0x6f0: {  	[bflag:$0x3] =	sbarrier.arrive $0xFFFF  }
0x6f1: {  	_ =	shalt  }

</sc_bundles>
